<compile_context>
chip_gen: v7x
topology: tpu7x:2x2x1
jax: 0.10.2.dev20260603
libtpu: 0.0.44.dev20260713+nightly
codegen_flags: <defaults>
</compile_context>

<pallas_src>
import functools

import jax
import jax.numpy as jnp
import numpy as np
from jax import lax
from jax.experimental import pallas as pl
from jax.experimental.pallas import tpu as pltpu
from jax.experimental.pallas import tpu_sc as plsc

N = 10000
E = 320000
EH = E // 2
D = 128
H = 8
DK = 16

NC = 2
NS = 16
NW = NC * NS
CH = 128

_mesh = plsc.VectorSubcoreMesh(core_axis_name="c", subcore_axis_name="s")


def _head_selector():
    d = lax.broadcasted_iota(jnp.int32, (D, H), 0)
    h = lax.broadcasted_iota(jnp.int32, (D, H), 1)
    return (d // DK == h).astype(jnp.float32)



def _proj_body(x_ref, wa_ref, ba_ref, wc_ref, bc_ref,
               h_ref, q_ref, k_ref, v_ref):
    u = (jnp.dot(x_ref[...], wa_ref[...], preferred_element_type=jnp.float32)
         + ba_ref[...])
    h = 0.5 * u * (1.0 + lax.erf(u * np.float32(1.0 / np.sqrt(2.0))))
    h_ref[...] = h
    cat = jnp.dot(h, wc_ref[...], preferred_element_type=jnp.float32) + bc_ref[...]
    q_ref[...] = cat[:, 0:D]
    k_ref[...] = cat[:, D:2 * D]
    v_ref[...] = cat[:, 2 * D:3 * D]


def _phase_a(x, W_adapt, b_adapt, Wcat, bcat):
    BN = 1000
    grid = (N // BN,)
    return pl.pallas_call(
        _proj_body,
        grid=grid,
        in_specs=[
            pl.BlockSpec((BN, D), lambda i: (i, 0)),
            pl.BlockSpec((D, D), lambda i: (0, 0)),
            pl.BlockSpec((1, D), lambda i: (0, 0)),
            pl.BlockSpec((D, 3 * D), lambda i: (0, 0)),
            pl.BlockSpec((1, 3 * D), lambda i: (0, 0)),
        ],
        out_specs=[pl.BlockSpec((BN, D), lambda i: (i, 0))] * 4,
        out_shape=[jax.ShapeDtypeStruct((N, D), jnp.float32)] * 4,
    )(x, W_adapt, b_adapt, Wcat, bcat)



def _make_gather(ne):
    epw = ne // NW
    nch = epw // CH
    cht = epw - nch * CH
    npair = nch // 2
    odd = nch - npair * 2

    @functools.partial(
        pl.kernel,
        out_type=[jax.ShapeDtypeStruct((ne, D), jnp.float32)] * 3,
        mesh=_mesh,
        scratch_types=[
            pltpu.VMEM((2, CH), jnp.int32),
            pltpu.VMEM((2, CH), jnp.int32),
            pltpu.VMEM((2, CH, D), jnp.float32),
            pltpu.VMEM((2, CH, D), jnp.float32),
            pltpu.VMEM((2, CH, D), jnp.float32),
            pltpu.VMEM((cht,), jnp.int32),
            pltpu.VMEM((cht,), jnp.int32),
            pltpu.VMEM((cht, D), jnp.float32),
            pltpu.VMEM((cht, D), jnp.float32),
            pltpu.VMEM((cht, D), jnp.float32),
            pltpu.SemaphoreType.DMA,
            pltpu.SemaphoreType.DMA,
            pltpu.SemaphoreType.DMA,
            pltpu.SemaphoreType.DMA,
        ],
    )
    def gather(q_hbm, k_hbm, v_hbm, dst_hbm, src_hbm,
               qd_out, ks_out, vs_out,
               di, si, qb, kb, vb, dit, sit, qbt, kbt, vbt,
               gsem0, gsem1, wsem0, wsem1):
        wid = lax.axis_index("s") * NC + lax.axis_index("c")
        base0 = wid * epw
        wsems = (wsem0, wsem1)
        gsems = (gsem0, gsem1)

        def fire_gathers(base, n, div, siv, qbv, kbv, vbv, gsem):
            pltpu.sync_copy(dst_hbm.at[pl.ds(base, n)], div)
            pltpu.sync_copy(src_hbm.at[pl.ds(base, n)], siv)
            pltpu.async_copy(q_hbm.at[div], qbv, gsem)
            pltpu.async_copy(k_hbm.at[siv], kbv, gsem)
            pltpu.async_copy(v_hbm.at[siv], vbv, gsem)

        def drain_gathers(b):
            pltpu.make_async_copy(q_hbm.at[pl.ds(0, CH)], qb.at[b], gsems[b]).wait()
            pltpu.make_async_copy(q_hbm.at[pl.ds(0, CH)], kb.at[b], gsems[b]).wait()
            pltpu.make_async_copy(q_hbm.at[pl.ds(0, CH)], vb.at[b], gsems[b]).wait()

        def fire_writes(base, b):
            pltpu.async_copy(qb.at[b], qd_out.at[pl.ds(base, CH)], wsems[b])
            pltpu.async_copy(kb.at[b], ks_out.at[pl.ds(base, CH)], wsems[b])
            pltpu.async_copy(vb.at[b], vs_out.at[pl.ds(base, CH)], wsems[b])

        def drain_writes(b, base, n, wsem):
            pltpu.make_async_copy(qb.at[b].at[pl.ds(0, n)],
                                  qd_out.at[pl.ds(base, n)], wsem).wait()
            pltpu.make_async_copy(kb.at[b].at[pl.ds(0, n)],
                                  ks_out.at[pl.ds(base, n)], wsem).wait()
            pltpu.make_async_copy(vb.at[b].at[pl.ds(0, n)],
                                  vs_out.at[pl.ds(base, n)], wsem).wait()

        fire_gathers(base0, CH, di.at[0], si.at[0],
                     qb.at[0], kb.at[0], vb.at[0], gsems[0])

        def outer(j, carry):
            for b in range(2):
                i = j * 2 + b
                nb = 1 - b
                base = base0 + i * CH
                drain_gathers(b)
                fire_writes(base, b)

                @pl.when(i + 1 < nch)
                def _():
                    @pl.when(i > 0)
                    def _():
                        drain_writes(nb, base0, CH, wsems[nb])
                    fire_gathers(base + CH, CH, di.at[nb], si.at[nb],
                                 qb.at[nb], kb.at[nb], vb.at[nb], gsems[nb])
            return carry

        lax.fori_loop(0, npair, outer, 0)
        last = base0 + (nch - 1) * CH
        drain_gathers(0)
        fire_writes(last, 0)
        drain_writes(1, base0, CH, wsems[1])
        if cht:
            tbase = base0 + nch * CH
            fire_gathers(tbase, cht, dit, sit, qbt, kbt, vbt, gsems[1])
            pltpu.make_async_copy(q_hbm.at[pl.ds(0, cht)], qbt, gsems[1]).wait()
            pltpu.make_async_copy(q_hbm.at[pl.ds(0, cht)], kbt, gsems[1]).wait()
            pltpu.make_async_copy(q_hbm.at[pl.ds(0, cht)], vbt, gsems[1]).wait()
            pltpu.async_copy(qbt, qd_out.at[pl.ds(tbase, cht)], wsems[1])
            pltpu.async_copy(kbt, ks_out.at[pl.ds(tbase, cht)], wsems[1])
            pltpu.async_copy(vbt, vs_out.at[pl.ds(tbase, cht)], wsems[1])
            pltpu.make_async_copy(qbt, qd_out.at[pl.ds(tbase, cht)], wsems[1]).wait()
            pltpu.make_async_copy(kbt, ks_out.at[pl.ds(tbase, cht)], wsems[1]).wait()
            pltpu.make_async_copy(vbt, vs_out.at[pl.ds(tbase, cht)], wsems[1]).wait()
        drain_writes(0, base0, CH, wsems[0])

    return gather



def _edge_body(qd_ref, ks_ref, vs_ref, msg_ref, exr_ref):
    S = _head_selector()
    p = qd_ref[...] * ks_ref[...]
    t = jnp.dot(p, S, preferred_element_type=jnp.float32)
    ex = jnp.exp(t)
    exr = jnp.dot(ex, S.T, preferred_element_type=jnp.float32)
    msg_ref[...] = vs_ref[...] * exr
    exr_ref[...] = exr


def _phase_c(qd, ks, vs):
    BE = 2000
    ne = qd.shape[0]
    grid = (ne // BE,)
    return pl.pallas_call(
        _edge_body,
        grid=grid,
        in_specs=[pl.BlockSpec((BE, D), lambda i: (i, 0))] * 3,
        out_specs=[pl.BlockSpec((BE, D), lambda i: (i, 0))] * 2,
        out_shape=[jax.ShapeDtypeStruct((ne, D), jnp.float32)] * 2,
    )(qd, ks, vs)



def _make_scatter(ne):
    ept = ne // NS
    nch = ept // CH
    cht = ept - nch * CH
    npair = nch // 2
    assert nch == npair * 2

    @functools.partial(
        pl.kernel,
        out_type=jax.ShapeDtypeStruct((NC, N, D), jnp.float32),
        mesh=_mesh,
        scratch_types=[
            pltpu.VMEM((2, CH), jnp.int32),
            pltpu.VMEM((2, CH, D), jnp.float32),
            pltpu.VMEM((cht,), jnp.int32),
            pltpu.VMEM((cht, D), jnp.float32),
            pltpu.VMEM_SHARED((N, D), jnp.float32),
            pltpu.SemaphoreType.DMA,
        ],
    )
    def scatter(msg_hbm, exr_hbm, dst_hbm, zeros_hbm, out_hbm,
                di, mb, dit, mbt, table, lsem):
        cid = lax.axis_index("c")
        sid = lax.axis_index("s")
        base0 = sid * ept

        @pl.when(sid == 0)
        def _init():
            pltpu.sync_copy(zeros_hbm, table)

        plsc.subcore_barrier()

        def run(rows_hbm):
            pltpu.sync_copy(dst_hbm.at[pl.ds(base0, CH)], di.at[0])
            pltpu.async_copy(rows_hbm.at[pl.ds(base0, CH)], mb.at[0], lsem)

            def outer(j, carry):
                for b in range(2):
                    i = j * 2 + b
                    base = base0 + i * CH
                    pltpu.make_async_copy(rows_hbm.at[pl.ds(base, CH)],
                                          mb.at[b], lsem).wait()
                    nb = 1 - b
                    nxt = base + CH

                    @pl.when(i + 1 < nch)
                    def _():
                        pltpu.sync_copy(dst_hbm.at[pl.ds(nxt, CH)], di.at[nb])
                        pltpu.async_copy(rows_hbm.at[pl.ds(nxt, CH)], mb.at[nb], lsem)

                    pltpu.sync_copy(mb.at[b], table.at[di.at[b]], add=True)
                return carry

            lax.fori_loop(0, npair, outer, 0)
            if cht:
                tbase = base0 + nch * CH
                pltpu.sync_copy(dst_hbm.at[pl.ds(tbase, cht)], dit)
                pltpu.sync_copy(rows_hbm.at[pl.ds(tbase, cht)], mbt)
                pltpu.sync_copy(mbt, table.at[dit], add=True)

        @pl.when(cid == 0)
        def _run_msg():
            run(msg_hbm)

        @pl.when(cid == 1)
        def _run_den():
            run(exr_hbm)

        plsc.subcore_barrier()

        @pl.when(sid == 0)
        def _dump():
            pltpu.sync_copy(table, out_hbm.at[cid])

    return scatter


_gather_half = _make_gather(EH)
_scatter_half = _make_scatter(EH)



def _epi_body(s1_ref, s2_ref, h_ref, wa_ref, ba_ref, al_ref, g_ref, b_ref,
              wo_ref, bo_ref, o_ref):
    num = s1_ref[0] + s2_ref[0]
    den = s1_ref[1] + s2_ref[1]
    agg = num / (den + 1e-16)
    out = jnp.dot(agg, wa_ref[...], preferred_element_type=jnp.float32) + ba_ref[...]
    alpha = al_ref[0, 0]
    out = out * alpha + h_ref[...] * (1.0 - alpha)
    mu = jnp.mean(out, axis=1, keepdims=True)
    var = jnp.mean((out - mu) ** 2, axis=1, keepdims=True)
    out = (out - mu) / jnp.sqrt(var + 1e-5) * g_ref[...] + b_ref[...]
    o_ref[...] = jnp.dot(out, wo_ref[...], preferred_element_type=jnp.float32) + bo_ref[...]


def _phase_e(s1, s2, h, Wa, ba, alpha, ln_g, ln_b, W_out, b_out):
    BN = 1000
    grid = (N // BN,)
    return pl.pallas_call(
        _epi_body,
        grid=grid,
        in_specs=[
            pl.BlockSpec((NC, BN, D), lambda i: (0, i, 0)),
            pl.BlockSpec((NC, BN, D), lambda i: (0, i, 0)),
            pl.BlockSpec((BN, D), lambda i: (i, 0)),
            pl.BlockSpec((D, D), lambda i: (0, 0)),
            pl.BlockSpec((1, D), lambda i: (0, 0)),
            pl.BlockSpec((1, 1), lambda i: (0, 0)),
            pl.BlockSpec((1, D), lambda i: (0, 0)),
            pl.BlockSpec((1, D), lambda i: (0, 0)),
            pl.BlockSpec((D, D), lambda i: (0, 0)),
            pl.BlockSpec((1, D), lambda i: (0, 0)),
        ],
        out_specs=pl.BlockSpec((BN, D), lambda i: (i, 0)),
        out_shape=jax.ShapeDtypeStruct((N, D), jnp.float32),
    )(s1, s2, h, Wa, ba, alpha, ln_g, ln_b, W_out, b_out)



def kernel(x, edge_index, W_adapt, b_adapt, Wk, bk, Wv, bv, Wq, bq,
           Wa, ba, rel_pri, rel_att, rel_msg, skip, ln_g, ln_b,
           W_out, b_out):
    f32 = jnp.float32
    scale = jnp.repeat(rel_pri[0] / np.sqrt(DK), DK)
    Wq_eff = Wq * scale[None, :]
    bq_eff = bq * scale
    Wk_eff = jnp.einsum('dhi,hij->dhj', Wk.reshape(D, H, DK), rel_att[0]).reshape(D, D)
    bk_eff = jnp.einsum('hi,hij->hj', bk.reshape(H, DK), rel_att[0]).reshape(D)
    Wv_eff = jnp.einsum('dhi,hij->dhj', Wv.reshape(D, H, DK), rel_msg[0]).reshape(D, D)
    bv_eff = jnp.einsum('hi,hij->hj', bv.reshape(H, DK), rel_msg[0]).reshape(D)
    Wcat = jnp.concatenate([Wq_eff, Wk_eff, Wv_eff], axis=1)
    bcat = jnp.concatenate([bq_eff, bk_eff, bv_eff])[None, :]

    h, q, k, v = _phase_a(x.astype(f32), W_adapt, b_adapt[None, :], Wcat, bcat)

    src = edge_index[0].astype(jnp.int32)
    dst = edge_index[1].astype(jnp.int32)
    zeros = jnp.zeros((N, D), f32)

    d1, s1i = dst[0:EH], src[0:EH]
    d2, s2i = dst[EH:E], src[EH:E]
    qd1, ks1, vs1 = _gather_half(q, k, v, d1, s1i)
    qd2, ks2, vs2 = _gather_half(q, k, v, d2, s2i)
    msg1, exr1 = _phase_c(qd1, ks1, vs1)
    slab1 = _scatter_half(msg1, exr1, d1, zeros)
    msg2, exr2 = _phase_c(qd2, ks2, vs2)
    slab2 = _scatter_half(msg2, exr2, d2, zeros)

    alpha = jax.nn.sigmoid(skip[0]).reshape(1, 1)
    return _phase_e(slab1, slab2, h, Wa, ba[None, :], alpha,
                    ln_g[None, :], ln_b[None, :], W_out, b_out[None, :])

# --- scband reference (transcript-rebuilt; emitter-appended) ---
"""Pipeline reference for scband-hgt-17592186044973 (READ-ONLY COPY).

The authoritative reference and input builder live on the scoring server;
editing this copy changes nothing except your own understanding.
"""

import jax, jax.numpy as jnp
import numpy as np

N = 10000
E = 320000
D = 128   # d_feat = n_hid = n_out
H = 8     # n_heads
DK = D // H


def _lin(k, din, dout):
    k1, k2 = jax.random.split(k)
    s = 1.0 / np.sqrt(din)
    W = jax.random.uniform(k1, (din, dout), jnp.float32, -s, s)
    b = jax.random.uniform(k2, (dout,), jnp.float32, -s, s)
    return W, b


def setup_inputs(seed: int = 0) -> dict:
    key = jax.random.key(seed)
    ks = jax.random.split(key, 12)
    x = jax.random.normal(ks[0], (N, D), jnp.float32)
    edge_index = jax.random.randint(ks[1], (2, E), 0, N, dtype=jnp.int64)
    W_adapt, b_adapt = _lin(ks[2], D, D)
    Wk, bk = _lin(ks[3], D, D)
    Wv, bv = _lin(ks[4], D, D)
    Wq, bq = _lin(ks[5], D, D)
    Wa, ba = _lin(ks[6], D, D)
    # xavier uniform over last two dims (d_k, d_k)
    bound = np.sqrt(6.0 / (DK + DK))
    rel_att = jax.random.uniform(ks[7], (1, H, DK, DK), jnp.float32, -bound, bound)
    rel_msg = jax.random.uniform(ks[8], (1, H, DK, DK), jnp.float32, -bound, bound)
    rel_pri = jnp.ones((1, H), jnp.float32)
    skip = jnp.ones((1,), jnp.float32)
    ln_g = jnp.ones((D,), jnp.float32)
    ln_b = jnp.zeros((D,), jnp.float32)
    W_out, b_out = _lin(ks[9], D, D)
    return {
        'x': x, 'edge_index': edge_index,
        'W_adapt': W_adapt, 'b_adapt': b_adapt,
        'Wk': Wk, 'bk': bk, 'Wv': Wv, 'bv': bv, 'Wq': Wq, 'bq': bq,
        'Wa': Wa, 'ba': ba,
        'rel_pri': rel_pri, 'rel_att': rel_att, 'rel_msg': rel_msg,
        'skip': skip, 'ln_g': ln_g, 'ln_b': ln_b,
        'W_out': W_out, 'b_out': b_out,
    }


def reference(x, edge_index, W_adapt, b_adapt, Wk, bk, Wv, bv, Wq, bq,
              Wa, ba, rel_pri, rel_att, rel_msg, skip, ln_g, ln_b,
              W_out, b_out):
    # adapt_ws + gelu (torch F.gelu default = exact erf)
    h = jax.nn.gelu(x @ W_adapt + b_adapt, approximate=False)

    # HGTLayer (single node type / single edge type, dropout in eval mode)
    k = (h @ Wk + bk).reshape(N, H, DK)
    v = (h @ Wv + bv).reshape(N, H, DK)
    q = (h @ Wq + bq).reshape(N, H, DK)
    k = jnp.einsum('bij,ijk->bik', k, rel_att[0])
    v = jnp.einsum('bij,ijk->bik', v, rel_msg[0])

    src = edge_index[0]
    dst = edge_index[1]
    # per-edge attention logits
    t = jnp.sum(q[dst] * k[src], axis=-1)            # [E, H]
    attn = t * rel_pri[0] / np.sqrt(DK)
    # edge_softmax normalized by dst
    m = jax.ops.segment_max(attn, dst, num_segments=N)
    m = jnp.where(jnp.isfinite(m), m, 0.0)
    ex = jnp.exp(attn - m[dst])
    denom = jax.ops.segment_sum(ex, dst, num_segments=N)
    a = ex / (denom[dst] + 1e-16)                     # [E, H]

    # message = v[src] * attn ; sum aggregate per dst
    msg = v[src] * a[:, :, None]                      # [E, H, DK]
    agg = jax.ops.segment_sum(msg, dst, num_segments=N)
    tt = agg.reshape(N, D)

    alpha = jax.nn.sigmoid(skip[0])
    out = tt @ Wa + ba
    out = out * alpha + h * (1.0 - alpha)

    # LayerNorm (use_norm=True)
    mu = out.mean(axis=-1, keepdims=True)
    var = ((out - mu) ** 2).mean(axis=-1, keepdims=True)
    out = (out - mu) / jnp.sqrt(var + 1e-5) * ln_g + ln_b

    # output projection
    return out @ W_out + b_out

if __name__ == "__main__":
    import jax
    _d = setup_inputs()
    print(jax.jit(kernel)(*tuple(_d.values())))

</pallas_src>

<mosaic_0001>
#map = affine_map<(d0, d1) -> (0, 0)>
#map1 = affine_map<(d0, d1) -> (0)>
#map2 = affine_map<(d0, d1) -> (0, 0, 0)>
module attributes {stable_mosaic.version = 14 : i64} {
  func.func @scatter(%arg0: i32, %arg1: i32, %arg2: memref<160000x128xf32, #tpu.memory_space<hbm>>, %arg3: memref<160000x128xf32, #tpu.memory_space<hbm>>, %arg4: memref<160000xi32, #tpu.memory_space<hbm>>, %arg5: memref<10000x128xf32, #tpu.memory_space<hbm>>, %arg6: memref<2x10000x128xf32, #tpu.memory_space<hbm>>, %arg7: memref<2x128xi32, #tpu.memory_space<vmem>>, %arg8: memref<2x128x128xf32, #tpu.memory_space<vmem>>, %arg9: memref<16xi32, #tpu.memory_space<vmem>>, %arg10: memref<16x128xf32, #tpu.memory_space<vmem>>, %arg11: memref<10000x128xf32, #tpu.memory_space<vmem_shared>>, %arg12: memref<!tpu.dma_semaphore, #tpu.memory_space<semaphore_mem>>) attributes {dimension_semantics = [#tpu.dimension_semantics<core_parallel>, #tpu.dimension_semantics<subcore_parallel>], iteration_bounds = array<i64: 2, 16>, scalar_prefetch = 0 : i64, scratch_operands = 6 : i64, tpu.core_type = #tpu.core_type<sc_vector_subcore>, window_params = [{transform_indices = #map}, {transform_indices = #map}, {transform_indices = #map1}, {transform_indices = #map}, {transform_indices = #map2}]} {
    %mul3A = arith.constant 10000 : i32
    %mul3A_0 = arith.muli %arg1, %mul3A : i32
    %eq3A = arith.constant 0 : i32
    %eq3A_1 = arith.cmpi eq, %arg1, %eq3A : i32
    %convert_element_type3A = arith.extui %eq3A_1 : i1 to i32
    %cond3A = arith.constant 0 : i32
    %cond3A_2 = arith.cmpi ne, %convert_element_type3A, %cond3A : i32
    scf.if %cond3A_2 {
      "tpu.region"() ({
        %run_scoped3A = tpu.sem_alloc : memref<!tpu.dma_semaphore, #tpu.memory_space<semaphore_mem>>
        tpu.enqueue_dma source(%arg5 : memref<10000x128xf32, #tpu.memory_space<hbm>>) target(%arg11 : memref<10000x128xf32, #tpu.memory_space<vmem_shared>>) target_semaphore(%run_scoped3A : memref<!tpu.dma_semaphore, #tpu.memory_space<semaphore_mem>>)
        tpu.wait_dma2 semaphore(%run_scoped3A : memref<!tpu.dma_semaphore, #tpu.memory_space<semaphore_mem>>) src(%arg5 : memref<10000x128xf32, #tpu.memory_space<hbm>>) dst(%arg11 : memref<10000x128xf32, #tpu.memory_space<vmem_shared>>)
        tpu.yield
      }) : () -> ()
    } else {
    }
    %barrier3A = arith.constant 0 : index
    tpu.barrier barrier_id(%barrier3A)
    %eq3A_3 = arith.constant 0 : i32
    %eq3A_4 = arith.cmpi eq, %arg0, %eq3A_3 : i32
    %convert_element_type3A_5 = arith.extui %eq3A_4 : i1 to i32
    %cond3A_6 = arith.constant 0 : i32
    %cond3A_7 = arith.cmpi ne, %convert_element_type3A_5, %cond3A_6 : i32
    scf.if %cond3A_7 {
      %run_scoped3A = arith.constant 0 : i32
      "tpu.region"() ({
        %run_scoped3A_37 = tpu.sem_alloc : memref<!tpu.dma_semaphore, #tpu.memory_space<semaphore_mem>>
        %dma_start3A_38 = arith.constant 0 : i32
        %dma_start3A_39 = tpu.memref_slice %arg7[%run_scoped3A, %dma_start3A_38] : memref<2x128xi32, #tpu.memory_space<vmem>> -> memref<1x128xi32, #tpu.memory_space<vmem>>
        %dma_start3A_40 = tpu.memref_squeeze %dma_start3A_39 : memref<1x128xi32, #tpu.memory_space<vmem>> -> memref<128xi32, #tpu.memory_space<vmem>>
        %dma_start3A_41 = tpu.memref_slice %arg4[%mul3A_0] : memref<160000xi32, #tpu.memory_space<hbm>> -> memref<128xi32, #tpu.memory_space<hbm>>
        %dma_start3A_42 = arith.constant 0 : i32
        %dma_start3A_43 = tpu.memref_slice %arg7[%run_scoped3A, %dma_start3A_42] : memref<2x128xi32, #tpu.memory_space<vmem>> -> memref<1x128xi32, #tpu.memory_space<vmem>>
        %dma_start3A_44 = tpu.memref_squeeze %dma_start3A_43 : memref<1x128xi32, #tpu.memory_space<vmem>> -> memref<128xi32, #tpu.memory_space<vmem>>
        %dma_start3A_45 = tpu.memref_slice %arg4[%mul3A_0] : memref<160000xi32, #tpu.memory_space<hbm>> -> memref<128xi32, #tpu.memory_space<hbm>>
        tpu.enqueue_dma source(%dma_start3A_45 : memref<128xi32, #tpu.memory_space<hbm>>) target(%dma_start3A_44 : memref<128xi32, #tpu.memory_space<vmem>>) target_semaphore(%run_scoped3A_37 : memref<!tpu.dma_semaphore, #tpu.memory_space<semaphore_mem>>)
        %dma_wait3A = arith.constant 0 : i32
        %dma_wait3A_46 = tpu.memref_slice %arg7[%run_scoped3A, %dma_wait3A] : memref<2x128xi32, #tpu.memory_space<vmem>> -> memref<1x128xi32, #tpu.memory_space<vmem>>
        %dma_wait3A_47 = tpu.memref_squeeze %dma_wait3A_46 : memref<1x128xi32, #tpu.memory_space<vmem>> -> memref<128xi32, #tpu.memory_space<vmem>>
        %dma_wait3A_48 = tpu.memref_slice %arg4[%mul3A_0] : memref<160000xi32, #tpu.memory_space<hbm>> -> memref<128xi32, #tpu.memory_space<hbm>>
        %dma_wait3A_49 = arith.constant 0 : i32
        %dma_wait3A_50 = tpu.memref_slice %arg7[%run_scoped3A, %dma_wait3A_49] : memref<2x128xi32, #tpu.memory_space<vmem>> -> memref<1x128xi32, #tpu.memory_space<vmem>>
        %dma_wait3A_51 = tpu.memref_squeeze %dma_wait3A_50 : memref<1x128xi32, #tpu.memory_space<vmem>> -> memref<128xi32, #tpu.memory_space<vmem>>
        %dma_wait3A_52 = tpu.memref_slice %arg4[%mul3A_0] : memref<160000xi32, #tpu.memory_space<hbm>> -> memref<128xi32, #tpu.memory_space<hbm>>
        tpu.wait_dma2 semaphore(%run_scoped3A_37 : memref<!tpu.dma_semaphore, #tpu.memory_space<semaphore_mem>>) src(%dma_wait3A_52 : memref<128xi32, #tpu.memory_space<hbm>>) dst(%dma_wait3A_51 : memref<128xi32, #tpu.memory_space<vmem>>)
        tpu.yield
      }) : () -> ()
      %dma_start3A = arith.constant 0 : i32
      %dma_start3A_19 = arith.constant 0 : i32
      %dma_start3A_20 = arith.constant 0 : i32
      %dma_start3A_21 = tpu.memref_slice %arg8[%dma_start3A, %dma_start3A_19, %dma_start3A_20] : memref<2x128x128xf32, #tpu.memory_space<vmem>> -> memref<1x128x128xf32, #tpu.memory_space<vmem>>
      %dma_start3A_22 = tpu.memref_squeeze %dma_start3A_21 : memref<1x128x128xf32, #tpu.memory_space<vmem>> -> memref<128x128xf32, #tpu.memory_space<vmem>>
      %dma_start3A_23 = arith.constant 0 : i32
      %dma_start3A_24 = tpu.memref_slice %arg2[%mul3A_0, %dma_start3A_23] : memref<160000x128xf32, #tpu.memory_space<hbm>> -> memref<128x128xf32, #tpu.memory_space<hbm>>
      %dma_start3A_25 = arith.constant 0 : i32
      %dma_start3A_26 = arith.constant 0 : i32
      %dma_start3A_27 = tpu.memref_slice %arg8[%dma_start3A, %dma_start3A_25, %dma_start3A_26] : memref<2x128x128xf32, #tpu.memory_space<vmem>> -> memref<1x128x128xf32, #tpu.memory_space<vmem>>
      %dma_start3A_28 = tpu.memref_squeeze %dma_start3A_27 : memref<1x128x128xf32, #tpu.memory_space<vmem>> -> memref<128x128xf32, #tpu.memory_space<vmem>>
      %dma_start3A_29 = arith.constant 0 : i32
      %dma_start3A_30 = tpu.memref_slice %arg2[%mul3A_0, %dma_start3A_29] : memref<160000x128xf32, #tpu.memory_space<hbm>> -> memref<128x128xf32, #tpu.memory_space<hbm>>
      tpu.enqueue_dma source(%dma_start3A_30 : memref<128x128xf32, #tpu.memory_space<hbm>>) target(%dma_start3A_28 : memref<128x128xf32, #tpu.memory_space<vmem>>) target_semaphore(%arg12 : memref<!tpu.dma_semaphore, #tpu.memory_space<semaphore_mem>>)
      %scan3A = arith.constant 0 : i32
      %scan3A_31 = arith.constant 0 : i32
      %scan3A_32 = arith.constant 39 : i32
      %scan3A_33 = arith.addi %scan3A_31, %scan3A_32 : i32
      %scan3A_34 = arith.constant 1 : i32
      scf.for %scan3A_37 = %scan3A_31 to %scan3A_33 step %scan3A_34  : i32 {
        %mul3A_38 = arith.constant 2 : i32
        %mul3A_39 = arith.muli %scan3A_37, %mul3A_38 : i32
        %add3A_40 = arith.constant 0 : i32
        %add3A_41 = arith.addi %mul3A_39, %add3A_40 : i32
        %mul3A_42 = arith.constant 128 : i32
        %mul3A_43 = arith.muli %add3A_41, %mul3A_42 : i32
        %add3A_44 = arith.addi %mul3A_0, %mul3A_43 : i32
        %dma_wait3A = arith.constant 0 : i32
        %dma_wait3A_45 = arith.constant 0 : i32
        %dma_wait3A_46 = arith.constant 0 : i32
        %dma_wait3A_47 = tpu.memref_slice %arg8[%dma_wait3A, %dma_wait3A_45, %dma_wait3A_46] : memref<2x128x128xf32, #tpu.memory_space<vmem>> -> memref<1x128x128xf32, #tpu.memory_space<vmem>>
        %dma_wait3A_48 = tpu.memref_squeeze %dma_wait3A_47 : memref<1x128x128xf32, #tpu.memory_space<vmem>> -> memref<128x128xf32, #tpu.memory_space<vmem>>
        %dma_wait3A_49 = arith.constant 0 : i32
        %dma_wait3A_50 = tpu.memref_slice %arg2[%add3A_44, %dma_wait3A_49] : memref<160000x128xf32, #tpu.memory_space<hbm>> -> memref<128x128xf32, #tpu.memory_space<hbm>>
        %dma_wait3A_51 = arith.constant 0 : i32
        %dma_wait3A_52 = arith.constant 0 : i32
        %dma_wait3A_53 = tpu.memref_slice %arg8[%dma_wait3A, %dma_wait3A_51, %dma_wait3A_52] : memref<2x128x128xf32, #tpu.memory_space<vmem>> -> memref<1x128x128xf32, #tpu.memory_space<vmem>>
        %dma_wait3A_54 = tpu.memref_squeeze %dma_wait3A_53 : memref<1x128x128xf32, #tpu.memory_space<vmem>> -> memref<128x128xf32, #tpu.memory_space<vmem>>
        %dma_wait3A_55 = arith.constant 0 : i32
        %dma_wait3A_56 = tpu.memref_slice %arg2[%add3A_44, %dma_wait3A_55] : memref<160000x128xf32, #tpu.memory_space<hbm>> -> memref<128x128xf32, #tpu.memory_space<hbm>>
        tpu.wait_dma2 semaphore(%arg12 : memref<!tpu.dma_semaphore, #tpu.memory_space<semaphore_mem>>) src(%dma_wait3A_56 : memref<128x128xf32, #tpu.memory_space<hbm>>) dst(%dma_wait3A_54 : memref<128x128xf32, #tpu.memory_space<vmem>>)
        %add3A_57 = arith.constant 128 : i32
        %add3A_58 = arith.addi %add3A_44, %add3A_57 : i32
        %add3A_59 = arith.constant 1 : i32
        %add3A_60 = arith.addi %add3A_41, %add3A_59 : i32
        %lt3A = arith.constant 78 : i32
        %lt3A_61 = arith.cmpi slt, %add3A_60, %lt3A : i32
        %convert_element_type3A_62 = arith.extui %lt3A_61 : i1 to i32
        %cond3A_63 = arith.constant 0 : i32
        %cond3A_64 = arith.cmpi ne, %convert_element_type3A_62, %cond3A_63 : i32
        scf.if %cond3A_64 {
          %run_scoped3A_98 = arith.constant 1 : i32
          "tpu.region"() ({
            %run_scoped3A_112 = tpu.sem_alloc : memref<!tpu.dma_semaphore, #tpu.memory_space<semaphore_mem>>
            %dma_start3A_113 = arith.constant 0 : i32
            %dma_start3A_114 = tpu.memref_slice %arg7[%run_scoped3A_98, %dma_start3A_113] : memref<2x128xi32, #tpu.memory_space<vmem>> -> memref<1x128xi32, #tpu.memory_space<vmem>>
            %dma_start3A_115 = tpu.memref_squeeze %dma_start3A_114 : memref<1x128xi32, #tpu.memory_space<vmem>> -> memref<128xi32, #tpu.memory_space<vmem>>
            %dma_start3A_116 = tpu.memref_slice %arg4[%add3A_58] : memref<160000xi32, #tpu.memory_space<hbm>> -> memref<128xi32, #tpu.memory_space<hbm>>
            %dma_start3A_117 = arith.constant 0 : i32
            %dma_start3A_118 = tpu.memref_slice %arg7[%run_scoped3A_98, %dma_start3A_117] : memref<2x128xi32, #tpu.memory_space<vmem>> -> memref<1x128xi32, #tpu.memory_space<vmem>>
            %dma_start3A_119 = tpu.memref_squeeze %dma_start3A_118 : memref<1x128xi32, #tpu.memory_space<vmem>> -> memref<128xi32, #tpu.memory_space<vmem>>
            %dma_start3A_120 = tpu.memref_slice %arg4[%add3A_58] : memref<160000xi32, #tpu.memory_space<hbm>> -> memref<128xi32, #tpu.memory_space<hbm>>
            tpu.enqueue_dma source(%dma_start3A_120 : memref<128xi32, #tpu.memory_space<hbm>>) target(%dma_start3A_119 : memref<128xi32, #tpu.memory_space<vmem>>) target_semaphore(%run_scoped3A_112 : memref<!tpu.dma_semaphore, #tpu.memory_space<semaphore_mem>>)
            %dma_wait3A_121 = arith.constant 0 : i32
            %dma_wait3A_122 = tpu.memref_slice %arg7[%run_scoped3A_98, %dma_wait3A_121] : memref<2x128xi32, #tpu.memory_space<vmem>> -> memref<1x128xi32, #tpu.memory_space<vmem>>
            %dma_wait3A_123 = tpu.memref_squeeze %dma_wait3A_122 : memref<1x128xi32, #tpu.memory_space<vmem>> -> memref<128xi32, #tpu.memory_space<vmem>>
            %dma_wait3A_124 = tpu.memref_slice %arg4[%add3A_58] : memref<160000xi32, #tpu.memory_space<hbm>> -> memref<128xi32, #tpu.memory_space<hbm>>
            %dma_wait3A_125 = arith.constant 0 : i32
            %dma_wait3A_126 = tpu.memref_slice %arg7[%run_scoped3A_98, %dma_wait3A_125] : memref<2x128xi32, #tpu.memory_space<vmem>> -> memref<1x128xi32, #tpu.memory_space<vmem>>
            %dma_wait3A_127 = tpu.memref_squeeze %dma_wait3A_126 : memref<1x128xi32, #tpu.memory_space<vmem>> -> memref<128xi32, #tpu.memory_space<vmem>>
            %dma_wait3A_128 = tpu.memref_slice %arg4[%add3A_58] : memref<160000xi32, #tpu.memory_space<hbm>> -> memref<128xi32, #tpu.memory_space<hbm>>
            tpu.wait_dma2 semaphore(%run_scoped3A_112 : memref<!tpu.dma_semaphore, #tpu.memory_space<semaphore_mem>>) src(%dma_wait3A_128 : memref<128xi32, #tpu.memory_space<hbm>>) dst(%dma_wait3A_127 : memref<128xi32, #tpu.memory_space<vmem>>)
            tpu.yield
          }) : () -> ()
          %dma_start3A_99 = arith.constant 1 : i32
          %dma_start3A_100 = arith.constant 0 : i32
          %dma_start3A_101 = arith.constant 0 : i32
          %dma_start3A_102 = tpu.memref_slice %arg8[%dma_start3A_99, %dma_start3A_100, %dma_start3A_101] : memref<2x128x128xf32, #tpu.memory_space<vmem>> -> memref<1x128x128xf32, #tpu.memory_space<vmem>>
          %dma_start3A_103 = tpu.memref_squeeze %dma_start3A_102 : memref<1x128x128xf32, #tpu.memory_space<vmem>> -> memref<128x128xf32, #tpu.memory_space<vmem>>
          %dma_start3A_104 = arith.constant 0 : i32
          %dma_start3A_105 = tpu.memref_slice %arg2[%add3A_58, %dma_start3A_104] : memref<160000x128xf32, #tpu.memory_space<hbm>> -> memref<128x128xf32, #tpu.memory_space<hbm>>
          %dma_start3A_106 = arith.constant 0 : i32
          %dma_start3A_107 = arith.constant 0 : i32
          %dma_start3A_108 = tpu.memref_slice %arg8[%dma_start3A_99, %dma_start3A_106, %dma_start3A_107] : memref<2x128x128xf32, #tpu.memory_space<vmem>> -> memref<1x128x128xf32, #tpu.memory_space<vmem>>
          %dma_start3A_109 = tpu.memref_squeeze %dma_start3A_108 : memref<1x128x128xf32, #tpu.memory_space<vmem>> -> memref<128x128xf32, #tpu.memory_space<vmem>>
          %dma_start3A_110 = arith.constant 0 : i32
          %dma_start3A_111 = tpu.memref_slice %arg2[%add3A_58, %dma_start3A_110] : memref<160000x128xf32, #tpu.memory_space<hbm>> -> memref<128x128xf32, #tpu.memory_space<hbm>>
          tpu.enqueue_dma source(%dma_start3A_111 : memref<128x128xf32, #tpu.memory_space<hbm>>) target(%dma_start3A_109 : memref<128x128xf32, #tpu.memory_space<vmem>>) target_semaphore(%arg12 : memref<!tpu.dma_semaphore, #tpu.memory_space<semaphore_mem>>)
        } else {
        }
        %run_scoped3A_65 = arith.constant 0 : i32
        %run_scoped3A_66 = arith.constant 0 : i32
        "tpu.region"() ({
          %run_scoped3A_98 = tpu.sem_alloc : memref<!tpu.dma_semaphore, #tpu.memory_space<semaphore_mem>>
          %dma_start3A_99 = arith.constant 0 : i32
          %dma_start3A_100 = arith.constant 0 : i32
          %dma_start3A_101 = tpu.memref_slice %arg8[%run_scoped3A_65, %dma_start3A_99, %dma_start3A_100] : memref<2x128x128xf32, #tpu.memory_space<vmem>> -> memref<1x128x128xf32, #tpu.memory_space<vmem>>
          %dma_start3A_102 = tpu.memref_squeeze %dma_start3A_101 : memref<1x128x128xf32, #tpu.memory_space<vmem>> -> memref<128x128xf32, #tpu.memory_space<vmem>>
          %dma_start3A_103 = arith.constant 0 : i32
          %dma_start3A_104 = tpu.memref_slice %arg7[%run_scoped3A_66, %dma_start3A_103] : memref<2x128xi32, #tpu.memory_space<vmem>> -> memref<1x128xi32, #tpu.memory_space<vmem>>
          %dma_start3A_105 = tpu.memref_squeeze %dma_start3A_104 : memref<1x128xi32, #tpu.memory_space<vmem>> -> memref<128xi32, #tpu.memory_space<vmem>>
          %dma_start3A_106 = arith.constant 0 : i32
          %dma_start3A_107 = arith.constant 0 : i32
          %dma_start3A_108 = tpu.memref_slice %arg11[%dma_start3A_106, %dma_start3A_107] : memref<10000x128xf32, #tpu.memory_space<vmem_shared>> -> memref<10000x128xf32, #tpu.memory_space<vmem_shared>>
          tpu.enqueue_indirect_dma source(%dma_start3A_102 : memref<128x128xf32, #tpu.memory_space<vmem>>) target(%dma_start3A_108 : memref<10000x128xf32, #tpu.memory_space<vmem_shared>>) offsets(%dma_start3A_105 : memref<128xi32, #tpu.memory_space<vmem>>) semaphore(%run_scoped3A_98 : memref<!tpu.dma_semaphore, #tpu.memory_space<semaphore_mem>>) {add = true}
          %dma_wait3A_109 = arith.constant 0 : i32
          %dma_wait3A_110 = arith.constant 0 : i32
          %dma_wait3A_111 = tpu.memref_slice %arg8[%run_scoped3A_65, %dma_wait3A_109, %dma_wait3A_110] : memref<2x128x128xf32, #tpu.memory_space<vmem>> -> memref<1x128x128xf32, #tpu.memory_space<vmem>>
          %dma_wait3A_112 = tpu.memref_squeeze %dma_wait3A_111 : memref<1x128x128xf32, #tpu.memory_space<vmem>> -> memref<128x128xf32, #tpu.memory_space<vmem>>
          %dma_wait3A_113 = arith.constant 0 : i32
          %dma_wait3A_114 = tpu.memref_slice %arg7[%run_scoped3A_66, %dma_wait3A_113] : memref<2x128xi32, #tpu.memory_space<vmem>> -> memref<1x128xi32, #tpu.memory_space<vmem>>
          %dma_wait3A_115 = tpu.memref_squeeze %dma_wait3A_114 : memref<1x128xi32, #tpu.memory_space<vmem>> -> memref<128xi32, #tpu.memory_space<vmem>>
          %dma_wait3A_116 = arith.constant 0 : i32
          %dma_wait3A_117 = arith.constant 0 : i32
          %dma_wait3A_118 = tpu.memref_slice %arg11[%dma_wait3A_116, %dma_wait3A_117] : memref<10000x128xf32, #tpu.memory_space<vmem_shared>> -> memref<10000x128xf32, #tpu.memory_space<vmem_shared>>
          tpu.wait_indirect_dma semaphore(%run_scoped3A_98 : memref<!tpu.dma_semaphore, #tpu.memory_space<semaphore_mem>>) src(%dma_wait3A_112 : memref<128x128xf32, #tpu.memory_space<vmem>>) dst(%dma_wait3A_118 : memref<10000x128xf32, #tpu.memory_space<vmem_shared>>)
          tpu.yield
        }) : () -> ()
        %mul3A_67 = arith.constant 2 : i32
        %mul3A_68 = arith.muli %scan3A_37, %mul3A_67 : i32
        %add3A_69 = arith.constant 1 : i32
        %add3A_70 = arith.addi %mul3A_68, %add3A_69 : i32
        %mul3A_71 = arith.constant 128 : i32
        %mul3A_72 = arith.muli %add3A_70, %mul3A_71 : i32
        %add3A_73 = arith.addi %mul3A_0, %mul3A_72 : i32
        %dma_wait3A_74 = arith.constant 1 : i32
        %dma_wait3A_75 = arith.constant 0 : i32
        %dma_wait3A_76 = arith.constant 0 : i32
        %dma_wait3A_77 = tpu.memref_slice %arg8[%dma_wait3A_74, %dma_wait3A_75, %dma_wait3A_76] : memref<2x128x128xf32, #tpu.memory_space<vmem>> -> memref<1x128x128xf32, #tpu.memory_space<vmem>>
        %dma_wait3A_78 = tpu.memref_squeeze %dma_wait3A_77 : memref<1x128x128xf32, #tpu.memory_space<vmem>> -> memref<128x128xf32, #tpu.memory_space<vmem>>
        %dma_wait3A_79 = arith.constant 0 : i32
        %dma_wait3A_80 = tpu.memref_slice %arg2[%add3A_73, %dma_wait3A_79] : memref<160000x128xf32, #tpu.memory_space<hbm>> -> memref<128x128xf32, #tpu.memory_space<hbm>>
        %dma_wait3A_81 = arith.constant 0 : i32
        %dma_wait3A_82 = arith.constant 0 : i32
        %dma_wait3A_83 = tpu.memref_slice %arg8[%dma_wait3A_74, %dma_wait3A_81, %dma_wait3A_82] : memref<2x128x128xf32, #tpu.memory_space<vmem>> -> memref<1x128x128xf32, #tpu.memory_space<vmem>>
        %dma_wait3A_84 = tpu.memref_squeeze %dma_wait3A_83 : memref<1x128x128xf32, #tpu.memory_space<vmem>> -> memref<128x128xf32, #tpu.memory_space<vmem>>
        %dma_wait3A_85 = arith.constant 0 : i32
        %dma_wait3A_86 = tpu.memref_slice %arg2[%add3A_73, %dma_wait3A_85] : memref<160000x128xf32, #tpu.memory_space<hbm>> -> memref<128x128xf32, #tpu.memory_space<hbm>>
        tpu.wait_dma2 semaphore(%arg12 : memref<!tpu.dma_semaphore, #tpu.memory_space<semaphore_mem>>) src(%dma_wait3A_86 : memref<128x128xf32, #tpu.memory_space<hbm>>) dst(%dma_wait3A_84 : memref<128x128xf32, #tpu.memory_space<vmem>>)
        %add3A_87 = arith.constant 128 : i32
        %add3A_88 = arith.addi %add3A_73, %add3A_87 : i32
        %add3A_89 = arith.constant 1 : i32
        %add3A_90 = arith.addi %add3A_70, %add3A_89 : i32
        %lt3A_91 = arith.constant 78 : i32
        %lt3A_92 = arith.cmpi slt, %add3A_90, %lt3A_91 : i32
        %convert_element_type3A_93 = arith.extui %lt3A_92 : i1 to i32
        %cond3A_94 = arith.constant 0 : i32
        %cond3A_95 = arith.cmpi ne, %convert_element_type3A_93, %cond3A_94 : i32
        scf.if %cond3A_95 {
          %run_scoped3A_98 = arith.constant 0 : i32
          "tpu.region"() ({
            %run_scoped3A_112 = tpu.sem_alloc : memref<!tpu.dma_semaphore, #tpu.memory_space<semaphore_mem>>
            %dma_start3A_113 = arith.constant 0 : i32
            %dma_start3A_114 = tpu.memref_slice %arg7[%run_scoped3A_98, %dma_start3A_113] : memref<2x128xi32, #tpu.memory_space<vmem>> -> memref<1x128xi32, #tpu.memory_space<vmem>>
            %dma_start3A_115 = tpu.memref_squeeze %dma_start3A_114 : memref<1x128xi32, #tpu.memory_space<vmem>> -> memref<128xi32, #tpu.memory_space<vmem>>
            %dma_start3A_116 = tpu.memref_slice %arg4[%add3A_88] : memref<160000xi32, #tpu.memory_space<hbm>> -> memref<128xi32, #tpu.memory_space<hbm>>
            %dma_start3A_117 = arith.constant 0 : i32
            %dma_start3A_118 = tpu.memref_slice %arg7[%run_scoped3A_98, %dma_start3A_117] : memref<2x128xi32, #tpu.memory_space<vmem>> -> memref<1x128xi32, #tpu.memory_space<vmem>>
            %dma_start3A_119 = tpu.memref_squeeze %dma_start3A_118 : memref<1x128xi32, #tpu.memory_space<vmem>> -> memref<128xi32, #tpu.memory_space<vmem>>
            %dma_start3A_120 = tpu.memref_slice %arg4[%add3A_88] : memref<160000xi32, #tpu.memory_space<hbm>> -> memref<128xi32, #tpu.memory_space<hbm>>
            tpu.enqueue_dma source(%dma_start3A_120 : memref<128xi32, #tpu.memory_space<hbm>>) target(%dma_start3A_119 : memref<128xi32, #tpu.memory_space<vmem>>) target_semaphore(%run_scoped3A_112 : memref<!tpu.dma_semaphore, #tpu.memory_space<semaphore_mem>>)
            %dma_wait3A_121 = arith.constant 0 : i32
            %dma_wait3A_122 = tpu.memref_slice %arg7[%run_scoped3A_98, %dma_wait3A_121] : memref<2x128xi32, #tpu.memory_space<vmem>> -> memref<1x128xi32, #tpu.memory_space<vmem>>
            %dma_wait3A_123 = tpu.memref_squeeze %dma_wait3A_122 : memref<1x128xi32, #tpu.memory_space<vmem>> -> memref<128xi32, #tpu.memory_space<vmem>>
            %dma_wait3A_124 = tpu.memref_slice %arg4[%add3A_88] : memref<160000xi32, #tpu.memory_space<hbm>> -> memref<128xi32, #tpu.memory_space<hbm>>
            %dma_wait3A_125 = arith.constant 0 : i32
            %dma_wait3A_126 = tpu.memref_slice %arg7[%run_scoped3A_98, %dma_wait3A_125] : memref<2x128xi32, #tpu.memory_space<vmem>> -> memref<1x128xi32, #tpu.memory_space<vmem>>
            %dma_wait3A_127 = tpu.memref_squeeze %dma_wait3A_126 : memref<1x128xi32, #tpu.memory_space<vmem>> -> memref<128xi32, #tpu.memory_space<vmem>>
            %dma_wait3A_128 = tpu.memref_slice %arg4[%add3A_88] : memref<160000xi32, #tpu.memory_space<hbm>> -> memref<128xi32, #tpu.memory_space<hbm>>
            tpu.wait_dma2 semaphore(%run_scoped3A_112 : memref<!tpu.dma_semaphore, #tpu.memory_space<semaphore_mem>>) src(%dma_wait3A_128 : memref<128xi32, #tpu.memory_space<hbm>>) dst(%dma_wait3A_127 : memref<128xi32, #tpu.memory_space<vmem>>)
            tpu.yield
          }) : () -> ()
          %dma_start3A_99 = arith.constant 0 : i32
          %dma_start3A_100 = arith.constant 0 : i32
          %dma_start3A_101 = arith.constant 0 : i32
          %dma_start3A_102 = tpu.memref_slice %arg8[%dma_start3A_99, %dma_start3A_100, %dma_start3A_101] : memref<2x128x128xf32, #tpu.memory_space<vmem>> -> memref<1x128x128xf32, #tpu.memory_space<vmem>>
          %dma_start3A_103 = tpu.memref_squeeze %dma_start3A_102 : memref<1x128x128xf32, #tpu.memory_space<vmem>> -> memref<128x128xf32, #tpu.memory_space<vmem>>
          %dma_start3A_104 = arith.constant 0 : i32
          %dma_start3A_105 = tpu.memref_slice %arg2[%add3A_88, %dma_start3A_104] : memref<160000x128xf32, #tpu.memory_space<hbm>> -> memref<128x128xf32, #tpu.memory_space<hbm>>
          %dma_start3A_106 = arith.constant 0 : i32
          %dma_start3A_107 = arith.constant 0 : i32
          %dma_start3A_108 = tpu.memref_slice %arg8[%dma_start3A_99, %dma_start3A_106, %dma_start3A_107] : memref<2x128x128xf32, #tpu.memory_space<vmem>> -> memref<1x128x128xf32, #tpu.memory_space<vmem>>
          %dma_start3A_109 = tpu.memref_squeeze %dma_start3A_108 : memref<1x128x128xf32, #tpu.memory_space<vmem>> -> memref<128x128xf32, #tpu.memory_space<vmem>>
          %dma_start3A_110 = arith.constant 0 : i32
          %dma_start3A_111 = tpu.memref_slice %arg2[%add3A_88, %dma_start3A_110] : memref<160000x128xf32, #tpu.memory_space<hbm>> -> memref<128x128xf32, #tpu.memory_space<hbm>>
          tpu.enqueue_dma source(%dma_start3A_111 : memref<128x128xf32, #tpu.memory_space<hbm>>) target(%dma_start3A_109 : memref<128x128xf32, #tpu.memory_space<vmem>>) target_semaphore(%arg12 : memref<!tpu.dma_semaphore, #tpu.memory_space<semaphore_mem>>)
        } else {
        }
        %run_scoped3A_96 = arith.constant 1 : i32
        %run_scoped3A_97 = arith.constant 1 : i32
        "tpu.region"() ({
          %run_scoped3A_98 = tpu.sem_alloc : memref<!tpu.dma_semaphore, #tpu.memory_space<semaphore_mem>>
          %dma_start3A_99 = arith.constant 0 : i32
          %dma_start3A_100 = arith.constant 0 : i32
          %dma_start3A_101 = tpu.memref_slice %arg8[%run_scoped3A_96, %dma_start3A_99, %dma_start3A_100] : memref<2x128x128xf32, #tpu.memory_space<vmem>> -> memref<1x128x128xf32, #tpu.memory_space<vmem>>
          %dma_start3A_102 = tpu.memref_squeeze %dma_start3A_101 : memref<1x128x128xf32, #tpu.memory_space<vmem>> -> memref<128x128xf32, #tpu.memory_space<vmem>>
          %dma_start3A_103 = arith.constant 0 : i32
          %dma_start3A_104 = tpu.memref_slice %arg7[%run_scoped3A_97, %dma_start3A_103] : memref<2x128xi32, #tpu.memory_space<vmem>> -> memref<1x128xi32, #tpu.memory_space<vmem>>
          %dma_start3A_105 = tpu.memref_squeeze %dma_start3A_104 : memref<1x128xi32, #tpu.memory_space<vmem>> -> memref<128xi32, #tpu.memory_space<vmem>>
          %dma_start3A_106 = arith.constant 0 : i32
          %dma_start3A_107 = arith.constant 0 : i32
          %dma_start3A_108 = tpu.memref_slice %arg11[%dma_start3A_106, %dma_start3A_107] : memref<10000x128xf32, #tpu.memory_space<vmem_shared>> -> memref<10000x128xf32, #tpu.memory_space<vmem_shared>>
          tpu.enqueue_indirect_dma source(%dma_start3A_102 : memref<128x128xf32, #tpu.memory_space<vmem>>) target(%dma_start3A_108 : memref<10000x128xf32, #tpu.memory_space<vmem_shared>>) offsets(%dma_start3A_105 : memref<128xi32, #tpu.memory_space<vmem>>) semaphore(%run_scoped3A_98 : memref<!tpu.dma_semaphore, #tpu.memory_space<semaphore_mem>>) {add = true}
          %dma_wait3A_109 = arith.constant 0 : i32
          %dma_wait3A_110 = arith.constant 0 : i32
          %dma_wait3A_111 = tpu.memref_slice %arg8[%run_scoped3A_96, %dma_wait3A_109, %dma_wait3A_110] : memref<2x128x128xf32, #tpu.memory_space<vmem>> -> memref<1x128x128xf32, #tpu.memory_space<vmem>>
          %dma_wait3A_112 = tpu.memref_squeeze %dma_wait3A_111 : memref<1x128x128xf32, #tpu.memory_space<vmem>> -> memref<128x128xf32, #tpu.memory_space<vmem>>
          %dma_wait3A_113 = arith.constant 0 : i32
          %dma_wait3A_114 = tpu.memref_slice %arg7[%run_scoped3A_97, %dma_wait3A_113] : memref<2x128xi32, #tpu.memory_space<vmem>> -> memref<1x128xi32, #tpu.memory_space<vmem>>
          %dma_wait3A_115 = tpu.memref_squeeze %dma_wait3A_114 : memref<1x128xi32, #tpu.memory_space<vmem>> -> memref<128xi32, #tpu.memory_space<vmem>>
          %dma_wait3A_116 = arith.constant 0 : i32
          %dma_wait3A_117 = arith.constant 0 : i32
          %dma_wait3A_118 = tpu.memref_slice %arg11[%dma_wait3A_116, %dma_wait3A_117] : memref<10000x128xf32, #tpu.memory_space<vmem_shared>> -> memref<10000x128xf32, #tpu.memory_space<vmem_shared>>
          tpu.wait_indirect_dma semaphore(%run_scoped3A_98 : memref<!tpu.dma_semaphore, #tpu.memory_space<semaphore_mem>>) src(%dma_wait3A_112 : memref<128x128xf32, #tpu.memory_space<vmem>>) dst(%dma_wait3A_118 : memref<10000x128xf32, #tpu.memory_space<vmem_shared>>)
          tpu.yield
        }) : () -> ()
      }
      %scan3A_35 = arith.constant 39 : i32
      %add3A = arith.constant 9984 : i32
      %add3A_36 = arith.addi %mul3A_0, %add3A : i32
      "tpu.region"() ({
        %run_scoped3A_37 = tpu.sem_alloc : memref<!tpu.dma_semaphore, #tpu.memory_space<semaphore_mem>>
        %dma_start3A_38 = tpu.memref_slice %arg4[%add3A_36] : memref<160000xi32, #tpu.memory_space<hbm>> -> memref<16xi32, #tpu.memory_space<hbm>>
        %dma_start3A_39 = tpu.memref_slice %arg4[%add3A_36] : memref<160000xi32, #tpu.memory_space<hbm>> -> memref<16xi32, #tpu.memory_space<hbm>>
        tpu.enqueue_dma source(%dma_start3A_39 : memref<16xi32, #tpu.memory_space<hbm>>) target(%arg9 : memref<16xi32, #tpu.memory_space<vmem>>) target_semaphore(%run_scoped3A_37 : memref<!tpu.dma_semaphore, #tpu.memory_space<semaphore_mem>>)
        %dma_wait3A = tpu.memref_slice %arg4[%add3A_36] : memref<160000xi32, #tpu.memory_space<hbm>> -> memref<16xi32, #tpu.memory_space<hbm>>
        %dma_wait3A_40 = tpu.memref_slice %arg4[%add3A_36] : memref<160000xi32, #tpu.memory_space<hbm>> -> memref<16xi32, #tpu.memory_space<hbm>>
        tpu.wait_dma2 semaphore(%run_scoped3A_37 : memref<!tpu.dma_semaphore, #tpu.memory_space<semaphore_mem>>) src(%dma_wait3A_40 : memref<16xi32, #tpu.memory_space<hbm>>) dst(%arg9 : memref<16xi32, #tpu.memory_space<vmem>>)
        tpu.yield
      }) : () -> ()
      "tpu.region"() ({
        %run_scoped3A_37 = tpu.sem_alloc : memref<!tpu.dma_semaphore, #tpu.memory_space<semaphore_mem>>
        %dma_start3A_38 = arith.constant 0 : i32
        %dma_start3A_39 = tpu.memref_slice %arg2[%add3A_36, %dma_start3A_38] : memref<160000x128xf32, #tpu.memory_space<hbm>> -> memref<16x128xf32, #tpu.memory_space<hbm>>
        %dma_start3A_40 = arith.constant 0 : i32
        %dma_start3A_41 = tpu.memref_slice %arg2[%add3A_36, %dma_start3A_40] : memref<160000x128xf32, #tpu.memory_space<hbm>> -> memref<16x128xf32, #tpu.memory_space<hbm>>
        tpu.enqueue_dma source(%dma_start3A_41 : memref<16x128xf32, #tpu.memory_space<hbm>>) target(%arg10 : memref<16x128xf32, #tpu.memory_space<vmem>>) target_semaphore(%run_scoped3A_37 : memref<!tpu.dma_semaphore, #tpu.memory_space<semaphore_mem>>)
        %dma_wait3A = arith.constant 0 : i32
        %dma_wait3A_42 = tpu.memref_slice %arg2[%add3A_36, %dma_wait3A] : memref<160000x128xf32, #tpu.memory_space<hbm>> -> memref<16x128xf32, #tpu.memory_space<hbm>>
        %dma_wait3A_43 = arith.constant 0 : i32
        %dma_wait3A_44 = tpu.memref_slice %arg2[%add3A_36, %dma_wait3A_43] : memref<160000x128xf32, #tpu.memory_space<hbm>> -> memref<16x128xf32, #tpu.memory_space<hbm>>
        tpu.wait_dma2 semaphore(%run_scoped3A_37 : memref<!tpu.dma_semaphore, #tpu.memory_space<semaphore_mem>>) src(%dma_wait3A_44 : memref<16x128xf32, #tpu.memory_space<hbm>>) dst(%arg10 : memref<16x128xf32, #tpu.memory_space<vmem>>)
        tpu.yield
      }) : () -> ()
      "tpu.region"() ({
        %run_scoped3A_37 = tpu.sem_alloc : memref<!tpu.dma_semaphore, #tpu.memory_space<semaphore_mem>>
        %dma_start3A_38 = arith.constant 0 : i32
        %dma_start3A_39 = arith.constant 0 : i32
        %dma_start3A_40 = tpu.memref_slice %arg11[%dma_start3A_38, %dma_start3A_39] : memref<10000x128xf32, #tpu.memory_space<vmem_shared>> -> memref<10000x128xf32, #tpu.memory_space<vmem_shared>>
        tpu.enqueue_indirect_dma source(%arg10 : memref<16x128xf32, #tpu.memory_space<vmem>>) target(%dma_start3A_40 : memref<10000x128xf32, #tpu.memory_space<vmem_shared>>) offsets(%arg9 : memref<16xi32, #tpu.memory_space<vmem>>) semaphore(%run_scoped3A_37 : memref<!tpu.dma_semaphore, #tpu.memory_space<semaphore_mem>>) {add = true}
        %dma_wait3A = arith.constant 0 : i32
        %dma_wait3A_41 = arith.constant 0 : i32
        %dma_wait3A_42 = tpu.memref_slice %arg11[%dma_wait3A, %dma_wait3A_41] : memref<10000x128xf32, #tpu.memory_space<vmem_shared>> -> memref<10000x128xf32, #tpu.memory_space<vmem_shared>>
        tpu.wait_indirect_dma semaphore(%run_scoped3A_37 : memref<!tpu.dma_semaphore, #tpu.memory_space<semaphore_mem>>) src(%arg10 : memref<16x128xf32, #tpu.memory_space<vmem>>) dst(%dma_wait3A_42 : memref<10000x128xf32, #tpu.memory_space<vmem_shared>>)
        tpu.yield
      }) : () -> ()
    } else {
    }
    %eq3A_8 = arith.constant 1 : i32
    %eq3A_9 = arith.cmpi eq, %arg0, %eq3A_8 : i32
    %convert_element_type3A_10 = arith.extui %eq3A_9 : i1 to i32
    %cond3A_11 = arith.constant 0 : i32
    %cond3A_12 = arith.cmpi ne, %convert_element_type3A_10, %cond3A_11 : i32
    scf.if %cond3A_12 {
      %run_scoped3A = arith.constant 0 : i32
      "tpu.region"() ({
        %run_scoped3A_37 = tpu.sem_alloc : memref<!tpu.dma_semaphore, #tpu.memory_space<semaphore_mem>>
        %dma_start3A_38 = arith.constant 0 : i32
        %dma_start3A_39 = tpu.memref_slice %arg7[%run_scoped3A, %dma_start3A_38] : memref<2x128xi32, #tpu.memory_space<vmem>> -> memref<1x128xi32, #tpu.memory_space<vmem>>
        %dma_start3A_40 = tpu.memref_squeeze %dma_start3A_39 : memref<1x128xi32, #tpu.memory_space<vmem>> -> memref<128xi32, #tpu.memory_space<vmem>>
        %dma_start3A_41 = tpu.memref_slice %arg4[%mul3A_0] : memref<160000xi32, #tpu.memory_space<hbm>> -> memref<128xi32, #tpu.memory_space<hbm>>
        %dma_start3A_42 = arith.constant 0 : i32
        %dma_start3A_43 = tpu.memref_slice %arg7[%run_scoped3A, %dma_start3A_42] : memref<2x128xi32, #tpu.memory_space<vmem>> -> memref<1x128xi32, #tpu.memory_space<vmem>>
        %dma_start3A_44 = tpu.memref_squeeze %dma_start3A_43 : memref<1x128xi32, #tpu.memory_space<vmem>> -> memref<128xi32, #tpu.memory_space<vmem>>
        %dma_start3A_45 = tpu.memref_slice %arg4[%mul3A_0] : memref<160000xi32, #tpu.memory_space<hbm>> -> memref<128xi32, #tpu.memory_space<hbm>>
        tpu.enqueue_dma source(%dma_start3A_45 : memref<128xi32, #tpu.memory_space<hbm>>) target(%dma_start3A_44 : memref<128xi32, #tpu.memory_space<vmem>>) target_semaphore(%run_scoped3A_37 : memref<!tpu.dma_semaphore, #tpu.memory_space<semaphore_mem>>)
        %dma_wait3A = arith.constant 0 : i32
        %dma_wait3A_46 = tpu.memref_slice %arg7[%run_scoped3A, %dma_wait3A] : memref<2x128xi32, #tpu.memory_space<vmem>> -> memref<1x128xi32, #tpu.memory_space<vmem>>
        %dma_wait3A_47 = tpu.memref_squeeze %dma_wait3A_46 : memref<1x128xi32, #tpu.memory_space<vmem>> -> memref<128xi32, #tpu.memory_space<vmem>>
        %dma_wait3A_48 = tpu.memref_slice %arg4[%mul3A_0] : memref<160000xi32, #tpu.memory_space<hbm>> -> memref<128xi32, #tpu.memory_space<hbm>>
        %dma_wait3A_49 = arith.constant 0 : i32
        %dma_wait3A_50 = tpu.memref_slice %arg7[%run_scoped3A, %dma_wait3A_49] : memref<2x128xi32, #tpu.memory_space<vmem>> -> memref<1x128xi32, #tpu.memory_space<vmem>>
        %dma_wait3A_51 = tpu.memref_squeeze %dma_wait3A_50 : memref<1x128xi32, #tpu.memory_space<vmem>> -> memref<128xi32, #tpu.memory_space<vmem>>
        %dma_wait3A_52 = tpu.memref_slice %arg4[%mul3A_0] : memref<160000xi32, #tpu.memory_space<hbm>> -> memref<128xi32, #tpu.memory_space<hbm>>
        tpu.wait_dma2 semaphore(%run_scoped3A_37 : memref<!tpu.dma_semaphore, #tpu.memory_space<semaphore_mem>>) src(%dma_wait3A_52 : memref<128xi32, #tpu.memory_space<hbm>>) dst(%dma_wait3A_51 : memref<128xi32, #tpu.memory_space<vmem>>)
        tpu.yield
      }) : () -> ()
      %dma_start3A = arith.constant 0 : i32
      %dma_start3A_19 = arith.constant 0 : i32
      %dma_start3A_20 = arith.constant 0 : i32
      %dma_start3A_21 = tpu.memref_slice %arg8[%dma_start3A, %dma_start3A_19, %dma_start3A_20] : memref<2x128x128xf32, #tpu.memory_space<vmem>> -> memref<1x128x128xf32, #tpu.memory_space<vmem>>
      %dma_start3A_22 = tpu.memref_squeeze %dma_start3A_21 : memref<1x128x128xf32, #tpu.memory_space<vmem>> -> memref<128x128xf32, #tpu.memory_space<vmem>>
      %dma_start3A_23 = arith.constant 0 : i32
      %dma_start3A_24 = tpu.memref_slice %arg3[%mul3A_0, %dma_start3A_23] : memref<160000x128xf32, #tpu.memory_space<hbm>> -> memref<128x128xf32, #tpu.memory_space<hbm>>
      %dma_start3A_25 = arith.constant 0 : i32
      %dma_start3A_26 = arith.constant 0 : i32
      %dma_start3A_27 = tpu.memref_slice %arg8[%dma_start3A, %dma_start3A_25, %dma_start3A_26] : memref<2x128x128xf32, #tpu.memory_space<vmem>> -> memref<1x128x128xf32, #tpu.memory_space<vmem>>
      %dma_start3A_28 = tpu.memref_squeeze %dma_start3A_27 : memref<1x128x128xf32, #tpu.memory_space<vmem>> -> memref<128x128xf32, #tpu.memory_space<vmem>>
      %dma_start3A_29 = arith.constant 0 : i32
      %dma_start3A_30 = tpu.memref_slice %arg3[%mul3A_0, %dma_start3A_29] : memref<160000x128xf32, #tpu.memory_space<hbm>> -> memref<128x128xf32, #tpu.memory_space<hbm>>
      tpu.enqueue_dma source(%dma_start3A_30 : memref<128x128xf32, #tpu.memory_space<hbm>>) target(%dma_start3A_28 : memref<128x128xf32, #tpu.memory_space<vmem>>) target_semaphore(%arg12 : memref<!tpu.dma_semaphore, #tpu.memory_space<semaphore_mem>>)
      %scan3A = arith.constant 0 : i32
      %scan3A_31 = arith.constant 0 : i32
      %scan3A_32 = arith.constant 39 : i32
      %scan3A_33 = arith.addi %scan3A_31, %scan3A_32 : i32
      %scan3A_34 = arith.constant 1 : i32
      scf.for %scan3A_37 = %scan3A_31 to %scan3A_33 step %scan3A_34  : i32 {
        %mul3A_38 = arith.constant 2 : i32
        %mul3A_39 = arith.muli %scan3A_37, %mul3A_38 : i32
        %add3A_40 = arith.constant 0 : i32
        %add3A_41 = arith.addi %mul3A_39, %add3A_40 : i32
        %mul3A_42 = arith.constant 128 : i32
        %mul3A_43 = arith.muli %add3A_41, %mul3A_42 : i32
        %add3A_44 = arith.addi %mul3A_0, %mul3A_43 : i32
        %dma_wait3A = arith.constant 0 : i32
        %dma_wait3A_45 = arith.constant 0 : i32
        %dma_wait3A_46 = arith.constant 0 : i32
        %dma_wait3A_47 = tpu.memref_slice %arg8[%dma_wait3A, %dma_wait3A_45, %dma_wait3A_46] : memref<2x128x128xf32, #tpu.memory_space<vmem>> -> memref<1x128x128xf32, #tpu.memory_space<vmem>>
        %dma_wait3A_48 = tpu.memref_squeeze %dma_wait3A_47 : memref<1x128x128xf32, #tpu.memory_space<vmem>> -> memref<128x128xf32, #tpu.memory_space<vmem>>
        %dma_wait3A_49 = arith.constant 0 : i32
        %dma_wait3A_50 = tpu.memref_slice %arg3[%add3A_44, %dma_wait3A_49] : memref<160000x128xf32, #tpu.memory_space<hbm>> -> memref<128x128xf32, #tpu.memory_space<hbm>>
        %dma_wait3A_51 = arith.constant 0 : i32
        %dma_wait3A_52 = arith.constant 0 : i32
        %dma_wait3A_53 = tpu.memref_slice %arg8[%dma_wait3A, %dma_wait3A_51, %dma_wait3A_52] : memref<2x128x128xf32, #tpu.memory_space<vmem>> -> memref<1x128x128xf32, #tpu.memory_space<vmem>>
        %dma_wait3A_54 = tpu.memref_squeeze %dma_wait3A_53 : memref<1x128x128xf32, #tpu.memory_space<vmem>> -> memref<128x128xf32, #tpu.memory_space<vmem>>
        %dma_wait3A_55 = arith.constant 0 : i32
        %dma_wait3A_56 = tpu.memref_slice %arg3[%add3A_44, %dma_wait3A_55] : memref<160000x128xf32, #tpu.memory_space<hbm>> -> memref<128x128xf32, #tpu.memory_space<hbm>>
        tpu.wait_dma2 semaphore(%arg12 : memref<!tpu.dma_semaphore, #tpu.memory_space<semaphore_mem>>) src(%dma_wait3A_56 : memref<128x128xf32, #tpu.memory_space<hbm>>) dst(%dma_wait3A_54 : memref<128x128xf32, #tpu.memory_space<vmem>>)
        %add3A_57 = arith.constant 128 : i32
        %add3A_58 = arith.addi %add3A_44, %add3A_57 : i32
        %add3A_59 = arith.constant 1 : i32
        %add3A_60 = arith.addi %add3A_41, %add3A_59 : i32
        %lt3A = arith.constant 78 : i32
        %lt3A_61 = arith.cmpi slt, %add3A_60, %lt3A : i32
        %convert_element_type3A_62 = arith.extui %lt3A_61 : i1 to i32
        %cond3A_63 = arith.constant 0 : i32
        %cond3A_64 = arith.cmpi ne, %convert_element_type3A_62, %cond3A_63 : i32
        scf.if %cond3A_64 {
          %run_scoped3A_98 = arith.constant 1 : i32
          "tpu.region"() ({
            %run_scoped3A_112 = tpu.sem_alloc : memref<!tpu.dma_semaphore, #tpu.memory_space<semaphore_mem>>
            %dma_start3A_113 = arith.constant 0 : i32
            %dma_start3A_114 = tpu.memref_slice %arg7[%run_scoped3A_98, %dma_start3A_113] : memref<2x128xi32, #tpu.memory_space<vmem>> -> memref<1x128xi32, #tpu.memory_space<vmem>>
            %dma_start3A_115 = tpu.memref_squeeze %dma_start3A_114 : memref<1x128xi32, #tpu.memory_space<vmem>> -> memref<128xi32, #tpu.memory_space<vmem>>
            %dma_start3A_116 = tpu.memref_slice %arg4[%add3A_58] : memref<160000xi32, #tpu.memory_space<hbm>> -> memref<128xi32, #tpu.memory_space<hbm>>
            %dma_start3A_117 = arith.constant 0 : i32
            %dma_start3A_118 = tpu.memref_slice %arg7[%run_scoped3A_98, %dma_start3A_117] : memref<2x128xi32, #tpu.memory_space<vmem>> -> memref<1x128xi32, #tpu.memory_space<vmem>>
            %dma_start3A_119 = tpu.memref_squeeze %dma_start3A_118 : memref<1x128xi32, #tpu.memory_space<vmem>> -> memref<128xi32, #tpu.memory_space<vmem>>
            %dma_start3A_120 = tpu.memref_slice %arg4[%add3A_58] : memref<160000xi32, #tpu.memory_space<hbm>> -> memref<128xi32, #tpu.memory_space<hbm>>
            tpu.enqueue_dma source(%dma_start3A_120 : memref<128xi32, #tpu.memory_space<hbm>>) target(%dma_start3A_119 : memref<128xi32, #tpu.memory_space<vmem>>) target_semaphore(%run_scoped3A_112 : memref<!tpu.dma_semaphore, #tpu.memory_space<semaphore_mem>>)
            %dma_wait3A_121 = arith.constant 0 : i32
            %dma_wait3A_122 = tpu.memref_slice %arg7[%run_scoped3A_98, %dma_wait3A_121] : memref<2x128xi32, #tpu.memory_space<vmem>> -> memref<1x128xi32, #tpu.memory_space<vmem>>
            %dma_wait3A_123 = tpu.memref_squeeze %dma_wait3A_122 : memref<1x128xi32, #tpu.memory_space<vmem>> -> memref<128xi32, #tpu.memory_space<vmem>>
            %dma_wait3A_124 = tpu.memref_slice %arg4[%add3A_58] : memref<160000xi32, #tpu.memory_space<hbm>> -> memref<128xi32, #tpu.memory_space<hbm>>
            %dma_wait3A_125 = arith.constant 0 : i32
            %dma_wait3A_126 = tpu.memref_slice %arg7[%run_scoped3A_98, %dma_wait3A_125] : memref<2x128xi32, #tpu.memory_space<vmem>> -> memref<1x128xi32, #tpu.memory_space<vmem>>
            %dma_wait3A_127 = tpu.memref_squeeze %dma_wait3A_126 : memref<1x128xi32, #tpu.memory_space<vmem>> -> memref<128xi32, #tpu.memory_space<vmem>>
            %dma_wait3A_128 = tpu.memref_slice %arg4[%add3A_58] : memref<160000xi32, #tpu.memory_space<hbm>> -> memref<128xi32, #tpu.memory_space<hbm>>
            tpu.wait_dma2 semaphore(%run_scoped3A_112 : memref<!tpu.dma_semaphore, #tpu.memory_space<semaphore_mem>>) src(%dma_wait3A_128 : memref<128xi32, #tpu.memory_space<hbm>>) dst(%dma_wait3A_127 : memref<128xi32, #tpu.memory_space<vmem>>)
            tpu.yield
          }) : () -> ()
          %dma_start3A_99 = arith.constant 1 : i32
          %dma_start3A_100 = arith.constant 0 : i32
          %dma_start3A_101 = arith.constant 0 : i32
          %dma_start3A_102 = tpu.memref_slice %arg8[%dma_start3A_99, %dma_start3A_100, %dma_start3A_101] : memref<2x128x128xf32, #tpu.memory_space<vmem>> -> memref<1x128x128xf32, #tpu.memory_space<vmem>>
          %dma_start3A_103 = tpu.memref_squeeze %dma_start3A_102 : memref<1x128x128xf32, #tpu.memory_space<vmem>> -> memref<128x128xf32, #tpu.memory_space<vmem>>
          %dma_start3A_104 = arith.constant 0 : i32
          %dma_start3A_105 = tpu.memref_slice %arg3[%add3A_58, %dma_start3A_104] : memref<160000x128xf32, #tpu.memory_space<hbm>> -> memref<128x128xf32, #tpu.memory_space<hbm>>
          %dma_start3A_106 = arith.constant 0 : i32
          %dma_start3A_107 = arith.constant 0 : i32
          %dma_start3A_108 = tpu.memref_slice %arg8[%dma_start3A_99, %dma_start3A_106, %dma_start3A_107] : memref<2x128x128xf32, #tpu.memory_space<vmem>> -> memref<1x128x128xf32, #tpu.memory_space<vmem>>
          %dma_start3A_109 = tpu.memref_squeeze %dma_start3A_108 : memref<1x128x128xf32, #tpu.memory_space<vmem>> -> memref<128x128xf32, #tpu.memory_space<vmem>>
          %dma_start3A_110 = arith.constant 0 : i32
          %dma_start3A_111 = tpu.memref_slice %arg3[%add3A_58, %dma_start3A_110] : memref<160000x128xf32, #tpu.memory_space<hbm>> -> memref<128x128xf32, #tpu.memory_space<hbm>>
          tpu.enqueue_dma source(%dma_start3A_111 : memref<128x128xf32, #tpu.memory_space<hbm>>) target(%dma_start3A_109 : memref<128x128xf32, #tpu.memory_space<vmem>>) target_semaphore(%arg12 : memref<!tpu.dma_semaphore, #tpu.memory_space<semaphore_mem>>)
        } else {
        }
        %run_scoped3A_65 = arith.constant 0 : i32
        %run_scoped3A_66 = arith.constant 0 : i32
        "tpu.region"() ({
          %run_scoped3A_98 = tpu.sem_alloc : memref<!tpu.dma_semaphore, #tpu.memory_space<semaphore_mem>>
          %dma_start3A_99 = arith.constant 0 : i32
          %dma_start3A_100 = arith.constant 0 : i32
          %dma_start3A_101 = tpu.memref_slice %arg8[%run_scoped3A_65, %dma_start3A_99, %dma_start3A_100] : memref<2x128x128xf32, #tpu.memory_space<vmem>> -> memref<1x128x128xf32, #tpu.memory_space<vmem>>
          %dma_start3A_102 = tpu.memref_squeeze %dma_start3A_101 : memref<1x128x128xf32, #tpu.memory_space<vmem>> -> memref<128x128xf32, #tpu.memory_space<vmem>>
          %dma_start3A_103 = arith.constant 0 : i32
          %dma_start3A_104 = tpu.memref_slice %arg7[%run_scoped3A_66, %dma_start3A_103] : memref<2x128xi32, #tpu.memory_space<vmem>> -> memref<1x128xi32, #tpu.memory_space<vmem>>
          %dma_start3A_105 = tpu.memref_squeeze %dma_start3A_104 : memref<1x128xi32, #tpu.memory_space<vmem>> -> memref<128xi32, #tpu.memory_space<vmem>>
          %dma_start3A_106 = arith.constant 0 : i32
          %dma_start3A_107 = arith.constant 0 : i32
          %dma_start3A_108 = tpu.memref_slice %arg11[%dma_start3A_106, %dma_start3A_107] : memref<10000x128xf32, #tpu.memory_space<vmem_shared>> -> memref<10000x128xf32, #tpu.memory_space<vmem_shared>>
          tpu.enqueue_indirect_dma source(%dma_start3A_102 : memref<128x128xf32, #tpu.memory_space<vmem>>) target(%dma_start3A_108 : memref<10000x128xf32, #tpu.memory_space<vmem_shared>>) offsets(%dma_start3A_105 : memref<128xi32, #tpu.memory_space<vmem>>) semaphore(%run_scoped3A_98 : memref<!tpu.dma_semaphore, #tpu.memory_space<semaphore_mem>>) {add = true}
          %dma_wait3A_109 = arith.constant 0 : i32
          %dma_wait3A_110 = arith.constant 0 : i32
          %dma_wait3A_111 = tpu.memref_slice %arg8[%run_scoped3A_65, %dma_wait3A_109, %dma_wait3A_110] : memref<2x128x128xf32, #tpu.memory_space<vmem>> -> memref<1x128x128xf32, #tpu.memory_space<vmem>>
          %dma_wait3A_112 = tpu.memref_squeeze %dma_wait3A_111 : memref<1x128x128xf32, #tpu.memory_space<vmem>> -> memref<128x128xf32, #tpu.memory_space<vmem>>
          %dma_wait3A_113 = arith.constant 0 : i32
          %dma_wait3A_114 = tpu.memref_slice %arg7[%run_scoped3A_66, %dma_wait3A_113] : memref<2x128xi32, #tpu.memory_space<vmem>> -> memref<1x128xi32, #tpu.memory_space<vmem>>
          %dma_wait3A_115 = tpu.memref_squeeze %dma_wait3A_114 : memref<1x128xi32, #tpu.memory_space<vmem>> -> memref<128xi32, #tpu.memory_space<vmem>>
          %dma_wait3A_116 = arith.constant 0 : i32
          %dma_wait3A_117 = arith.constant 0 : i32
          %dma_wait3A_118 = tpu.memref_slice %arg11[%dma_wait3A_116, %dma_wait3A_117] : memref<10000x128xf32, #tpu.memory_space<vmem_shared>> -> memref<10000x128xf32, #tpu.memory_space<vmem_shared>>
          tpu.wait_indirect_dma semaphore(%run_scoped3A_98 : memref<!tpu.dma_semaphore, #tpu.memory_space<semaphore_mem>>) src(%dma_wait3A_112 : memref<128x128xf32, #tpu.memory_space<vmem>>) dst(%dma_wait3A_118 : memref<10000x128xf32, #tpu.memory_space<vmem_shared>>)
          tpu.yield
        }) : () -> ()
        %mul3A_67 = arith.constant 2 : i32
        %mul3A_68 = arith.muli %scan3A_37, %mul3A_67 : i32
        %add3A_69 = arith.constant 1 : i32
        %add3A_70 = arith.addi %mul3A_68, %add3A_69 : i32
        %mul3A_71 = arith.constant 128 : i32
        %mul3A_72 = arith.muli %add3A_70, %mul3A_71 : i32
        %add3A_73 = arith.addi %mul3A_0, %mul3A_72 : i32
        %dma_wait3A_74 = arith.constant 1 : i32
        %dma_wait3A_75 = arith.constant 0 : i32
        %dma_wait3A_76 = arith.constant 0 : i32
        %dma_wait3A_77 = tpu.memref_slice %arg8[%dma_wait3A_74, %dma_wait3A_75, %dma_wait3A_76] : memref<2x128x128xf32, #tpu.memory_space<vmem>> -> memref<1x128x128xf32, #tpu.memory_space<vmem>>
        %dma_wait3A_78 = tpu.memref_squeeze %dma_wait3A_77 : memref<1x128x128xf32, #tpu.memory_space<vmem>> -> memref<128x128xf32, #tpu.memory_space<vmem>>
        %dma_wait3A_79 = arith.constant 0 : i32
        %dma_wait3A_80 = tpu.memref_slice %arg3[%add3A_73, %dma_wait3A_79] : memref<160000x128xf32, #tpu.memory_space<hbm>> -> memref<128x128xf32, #tpu.memory_space<hbm>>
        %dma_wait3A_81 = arith.constant 0 : i32
        %dma_wait3A_82 = arith.constant 0 : i32
        %dma_wait3A_83 = tpu.memref_slice %arg8[%dma_wait3A_74, %dma_wait3A_81, %dma_wait3A_82] : memref<2x128x128xf32, #tpu.memory_space<vmem>> -> memref<1x128x128xf32, #tpu.memory_space<vmem>>
        %dma_wait3A_84 = tpu.memref_squeeze %dma_wait3A_83 : memref<1x128x128xf32, #tpu.memory_space<vmem>> -> memref<128x128xf32, #tpu.memory_space<vmem>>
        %dma_wait3A_85 = arith.constant 0 : i32
        %dma_wait3A_86 = tpu.memref_slice %arg3[%add3A_73, %dma_wait3A_85] : memref<160000x128xf32, #tpu.memory_space<hbm>> -> memref<128x128xf32, #tpu.memory_space<hbm>>
        tpu.wait_dma2 semaphore(%arg12 : memref<!tpu.dma_semaphore, #tpu.memory_space<semaphore_mem>>) src(%dma_wait3A_86 : memref<128x128xf32, #tpu.memory_space<hbm>>) dst(%dma_wait3A_84 : memref<128x128xf32, #tpu.memory_space<vmem>>)
        %add3A_87 = arith.constant 128 : i32
        %add3A_88 = arith.addi %add3A_73, %add3A_87 : i32
        %add3A_89 = arith.constant 1 : i32
        %add3A_90 = arith.addi %add3A_70, %add3A_89 : i32
        %lt3A_91 = arith.constant 78 : i32
        %lt3A_92 = arith.cmpi slt, %add3A_90, %lt3A_91 : i32
        %convert_element_type3A_93 = arith.extui %lt3A_92 : i1 to i32
        %cond3A_94 = arith.constant 0 : i32
        %cond3A_95 = arith.cmpi ne, %convert_element_type3A_93, %cond3A_94 : i32
        scf.if %cond3A_95 {
          %run_scoped3A_98 = arith.constant 0 : i32
          "tpu.region"() ({
            %run_scoped3A_112 = tpu.sem_alloc : memref<!tpu.dma_semaphore, #tpu.memory_space<semaphore_mem>>
            %dma_start3A_113 = arith.constant 0 : i32
            %dma_start3A_114 = tpu.memref_slice %arg7[%run_scoped3A_98, %dma_start3A_113] : memref<2x128xi32, #tpu.memory_space<vmem>> -> memref<1x128xi32, #tpu.memory_space<vmem>>
            %dma_start3A_115 = tpu.memref_squeeze %dma_start3A_114 : memref<1x128xi32, #tpu.memory_space<vmem>> -> memref<128xi32, #tpu.memory_space<vmem>>
            %dma_start3A_116 = tpu.memref_slice %arg4[%add3A_88] : memref<160000xi32, #tpu.memory_space<hbm>> -> memref<128xi32, #tpu.memory_space<hbm>>
            %dma_start3A_117 = arith.constant 0 : i32
            %dma_start3A_118 = tpu.memref_slice %arg7[%run_scoped3A_98, %dma_start3A_117] : memref<2x128xi32, #tpu.memory_space<vmem>> -> memref<1x128xi32, #tpu.memory_space<vmem>>
            %dma_start3A_119 = tpu.memref_squeeze %dma_start3A_118 : memref<1x128xi32, #tpu.memory_space<vmem>> -> memref<128xi32, #tpu.memory_space<vmem>>
            %dma_start3A_120 = tpu.memref_slice %arg4[%add3A_88] : memref<160000xi32, #tpu.memory_space<hbm>> -> memref<128xi32, #tpu.memory_space<hbm>>
            tpu.enqueue_dma source(%dma_start3A_120 : memref<128xi32, #tpu.memory_space<hbm>>) target(%dma_start3A_119 : memref<128xi32, #tpu.memory_space<vmem>>) target_semaphore(%run_scoped3A_112 : memref<!tpu.dma_semaphore, #tpu.memory_space<semaphore_mem>>)
            %dma_wait3A_121 = arith.constant 0 : i32
            %dma_wait3A_122 = tpu.memref_slice %arg7[%run_scoped3A_98, %dma_wait3A_121] : memref<2x128xi32, #tpu.memory_space<vmem>> -> memref<1x128xi32, #tpu.memory_space<vmem>>
            %dma_wait3A_123 = tpu.memref_squeeze %dma_wait3A_122 : memref<1x128xi32, #tpu.memory_space<vmem>> -> memref<128xi32, #tpu.memory_space<vmem>>
            %dma_wait3A_124 = tpu.memref_slice %arg4[%add3A_88] : memref<160000xi32, #tpu.memory_space<hbm>> -> memref<128xi32, #tpu.memory_space<hbm>>
            %dma_wait3A_125 = arith.constant 0 : i32
            %dma_wait3A_126 = tpu.memref_slice %arg7[%run_scoped3A_98, %dma_wait3A_125] : memref<2x128xi32, #tpu.memory_space<vmem>> -> memref<1x128xi32, #tpu.memory_space<vmem>>
            %dma_wait3A_127 = tpu.memref_squeeze %dma_wait3A_126 : memref<1x128xi32, #tpu.memory_space<vmem>> -> memref<128xi32, #tpu.memory_space<vmem>>
            %dma_wait3A_128 = tpu.memref_slice %arg4[%add3A_88] : memref<160000xi32, #tpu.memory_space<hbm>> -> memref<128xi32, #tpu.memory_space<hbm>>
            tpu.wait_dma2 semaphore(%run_scoped3A_112 : memref<!tpu.dma_semaphore, #tpu.memory_space<semaphore_mem>>) src(%dma_wait3A_128 : memref<128xi32, #tpu.memory_space<hbm>>) dst(%dma_wait3A_127 : memref<128xi32, #tpu.memory_space<vmem>>)
            tpu.yield
          }) : () -> ()
          %dma_start3A_99 = arith.constant 0 : i32
          %dma_start3A_100 = arith.constant 0 : i32
          %dma_start3A_101 = arith.constant 0 : i32
          %dma_start3A_102 = tpu.memref_slice %arg8[%dma_start3A_99, %dma_start3A_100, %dma_start3A_101] : memref<2x128x128xf32, #tpu.memory_space<vmem>> -> memref<1x128x128xf32, #tpu.memory_space<vmem>>
          %dma_start3A_103 = tpu.memref_squeeze %dma_start3A_102 : memref<1x128x128xf32, #tpu.memory_space<vmem>> -> memref<128x128xf32, #tpu.memory_space<vmem>>
          %dma_start3A_104 = arith.constant 0 : i32
          %dma_start3A_105 = tpu.memref_slice %arg3[%add3A_88, %dma_start3A_104] : memref<160000x128xf32, #tpu.memory_space<hbm>> -> memref<128x128xf32, #tpu.memory_space<hbm>>
          %dma_start3A_106 = arith.constant 0 : i32
          %dma_start3A_107 = arith.constant 0 : i32
          %dma_start3A_108 = tpu.memref_slice %arg8[%dma_start3A_99, %dma_start3A_106, %dma_start3A_107] : memref<2x128x128xf32, #tpu.memory_space<vmem>> -> memref<1x128x128xf32, #tpu.memory_space<vmem>>
          %dma_start3A_109 = tpu.memref_squeeze %dma_start3A_108 : memref<1x128x128xf32, #tpu.memory_space<vmem>> -> memref<128x128xf32, #tpu.memory_space<vmem>>
          %dma_start3A_110 = arith.constant 0 : i32
          %dma_start3A_111 = tpu.memref_slice %arg3[%add3A_88, %dma_start3A_110] : memref<160000x128xf32, #tpu.memory_space<hbm>> -> memref<128x128xf32, #tpu.memory_space<hbm>>
          tpu.enqueue_dma source(%dma_start3A_111 : memref<128x128xf32, #tpu.memory_space<hbm>>) target(%dma_start3A_109 : memref<128x128xf32, #tpu.memory_space<vmem>>) target_semaphore(%arg12 : memref<!tpu.dma_semaphore, #tpu.memory_space<semaphore_mem>>)
        } else {
        }
        %run_scoped3A_96 = arith.constant 1 : i32
        %run_scoped3A_97 = arith.constant 1 : i32
        "tpu.region"() ({
          %run_scoped3A_98 = tpu.sem_alloc : memref<!tpu.dma_semaphore, #tpu.memory_space<semaphore_mem>>
          %dma_start3A_99 = arith.constant 0 : i32
          %dma_start3A_100 = arith.constant 0 : i32
          %dma_start3A_101 = tpu.memref_slice %arg8[%run_scoped3A_96, %dma_start3A_99, %dma_start3A_100] : memref<2x128x128xf32, #tpu.memory_space<vmem>> -> memref<1x128x128xf32, #tpu.memory_space<vmem>>
          %dma_start3A_102 = tpu.memref_squeeze %dma_start3A_101 : memref<1x128x128xf32, #tpu.memory_space<vmem>> -> memref<128x128xf32, #tpu.memory_space<vmem>>
          %dma_start3A_103 = arith.constant 0 : i32
          %dma_start3A_104 = tpu.memref_slice %arg7[%run_scoped3A_97, %dma_start3A_103] : memref<2x128xi32, #tpu.memory_space<vmem>> -> memref<1x128xi32, #tpu.memory_space<vmem>>
          %dma_start3A_105 = tpu.memref_squeeze %dma_start3A_104 : memref<1x128xi32, #tpu.memory_space<vmem>> -> memref<128xi32, #tpu.memory_space<vmem>>
          %dma_start3A_106 = arith.constant 0 : i32
          %dma_start3A_107 = arith.constant 0 : i32
          %dma_start3A_108 = tpu.memref_slice %arg11[%dma_start3A_106, %dma_start3A_107] : memref<10000x128xf32, #tpu.memory_space<vmem_shared>> -> memref<10000x128xf32, #tpu.memory_space<vmem_shared>>
          tpu.enqueue_indirect_dma source(%dma_start3A_102 : memref<128x128xf32, #tpu.memory_space<vmem>>) target(%dma_start3A_108 : memref<10000x128xf32, #tpu.memory_space<vmem_shared>>) offsets(%dma_start3A_105 : memref<128xi32, #tpu.memory_space<vmem>>) semaphore(%run_scoped3A_98 : memref<!tpu.dma_semaphore, #tpu.memory_space<semaphore_mem>>) {add = true}
          %dma_wait3A_109 = arith.constant 0 : i32
          %dma_wait3A_110 = arith.constant 0 : i32
          %dma_wait3A_111 = tpu.memref_slice %arg8[%run_scoped3A_96, %dma_wait3A_109, %dma_wait3A_110] : memref<2x128x128xf32, #tpu.memory_space<vmem>> -> memref<1x128x128xf32, #tpu.memory_space<vmem>>
          %dma_wait3A_112 = tpu.memref_squeeze %dma_wait3A_111 : memref<1x128x128xf32, #tpu.memory_space<vmem>> -> memref<128x128xf32, #tpu.memory_space<vmem>>
          %dma_wait3A_113 = arith.constant 0 : i32
          %dma_wait3A_114 = tpu.memref_slice %arg7[%run_scoped3A_97, %dma_wait3A_113] : memref<2x128xi32, #tpu.memory_space<vmem>> -> memref<1x128xi32, #tpu.memory_space<vmem>>
          %dma_wait3A_115 = tpu.memref_squeeze %dma_wait3A_114 : memref<1x128xi32, #tpu.memory_space<vmem>> -> memref<128xi32, #tpu.memory_space<vmem>>
          %dma_wait3A_116 = arith.constant 0 : i32
          %dma_wait3A_117 = arith.constant 0 : i32
          %dma_wait3A_118 = tpu.memref_slice %arg11[%dma_wait3A_116, %dma_wait3A_117] : memref<10000x128xf32, #tpu.memory_space<vmem_shared>> -> memref<10000x128xf32, #tpu.memory_space<vmem_shared>>
          tpu.wait_indirect_dma semaphore(%run_scoped3A_98 : memref<!tpu.dma_semaphore, #tpu.memory_space<semaphore_mem>>) src(%dma_wait3A_112 : memref<128x128xf32, #tpu.memory_space<vmem>>) dst(%dma_wait3A_118 : memref<10000x128xf32, #tpu.memory_space<vmem_shared>>)
          tpu.yield
        }) : () -> ()
      }
      %scan3A_35 = arith.constant 39 : i32
      %add3A = arith.constant 9984 : i32
      %add3A_36 = arith.addi %mul3A_0, %add3A : i32
      "tpu.region"() ({
        %run_scoped3A_37 = tpu.sem_alloc : memref<!tpu.dma_semaphore, #tpu.memory_space<semaphore_mem>>
        %dma_start3A_38 = tpu.memref_slice %arg4[%add3A_36] : memref<160000xi32, #tpu.memory_space<hbm>> -> memref<16xi32, #tpu.memory_space<hbm>>
        %dma_start3A_39 = tpu.memref_slice %arg4[%add3A_36] : memref<160000xi32, #tpu.memory_space<hbm>> -> memref<16xi32, #tpu.memory_space<hbm>>
        tpu.enqueue_dma source(%dma_start3A_39 : memref<16xi32, #tpu.memory_space<hbm>>) target(%arg9 : memref<16xi32, #tpu.memory_space<vmem>>) target_semaphore(%run_scoped3A_37 : memref<!tpu.dma_semaphore, #tpu.memory_space<semaphore_mem>>)
        %dma_wait3A = tpu.memref_slice %arg4[%add3A_36] : memref<160000xi32, #tpu.memory_space<hbm>> -> memref<16xi32, #tpu.memory_space<hbm>>
        %dma_wait3A_40 = tpu.memref_slice %arg4[%add3A_36] : memref<160000xi32, #tpu.memory_space<hbm>> -> memref<16xi32, #tpu.memory_space<hbm>>
        tpu.wait_dma2 semaphore(%run_scoped3A_37 : memref<!tpu.dma_semaphore, #tpu.memory_space<semaphore_mem>>) src(%dma_wait3A_40 : memref<16xi32, #tpu.memory_space<hbm>>) dst(%arg9 : memref<16xi32, #tpu.memory_space<vmem>>)
        tpu.yield
      }) : () -> ()
      "tpu.region"() ({
        %run_scoped3A_37 = tpu.sem_alloc : memref<!tpu.dma_semaphore, #tpu.memory_space<semaphore_mem>>
        %dma_start3A_38 = arith.constant 0 : i32
        %dma_start3A_39 = tpu.memref_slice %arg3[%add3A_36, %dma_start3A_38] : memref<160000x128xf32, #tpu.memory_space<hbm>> -> memref<16x128xf32, #tpu.memory_space<hbm>>
        %dma_start3A_40 = arith.constant 0 : i32
        %dma_start3A_41 = tpu.memref_slice %arg3[%add3A_36, %dma_start3A_40] : memref<160000x128xf32, #tpu.memory_space<hbm>> -> memref<16x128xf32, #tpu.memory_space<hbm>>
        tpu.enqueue_dma source(%dma_start3A_41 : memref<16x128xf32, #tpu.memory_space<hbm>>) target(%arg10 : memref<16x128xf32, #tpu.memory_space<vmem>>) target_semaphore(%run_scoped3A_37 : memref<!tpu.dma_semaphore, #tpu.memory_space<semaphore_mem>>)
        %dma_wait3A = arith.constant 0 : i32
        %dma_wait3A_42 = tpu.memref_slice %arg3[%add3A_36, %dma_wait3A] : memref<160000x128xf32, #tpu.memory_space<hbm>> -> memref<16x128xf32, #tpu.memory_space<hbm>>
        %dma_wait3A_43 = arith.constant 0 : i32
        %dma_wait3A_44 = tpu.memref_slice %arg3[%add3A_36, %dma_wait3A_43] : memref<160000x128xf32, #tpu.memory_space<hbm>> -> memref<16x128xf32, #tpu.memory_space<hbm>>
        tpu.wait_dma2 semaphore(%run_scoped3A_37 : memref<!tpu.dma_semaphore, #tpu.memory_space<semaphore_mem>>) src(%dma_wait3A_44 : memref<16x128xf32, #tpu.memory_space<hbm>>) dst(%arg10 : memref<16x128xf32, #tpu.memory_space<vmem>>)
        tpu.yield
      }) : () -> ()
      "tpu.region"() ({
        %run_scoped3A_37 = tpu.sem_alloc : memref<!tpu.dma_semaphore, #tpu.memory_space<semaphore_mem>>
        %dma_start3A_38 = arith.constant 0 : i32
        %dma_start3A_39 = arith.constant 0 : i32
        %dma_start3A_40 = tpu.memref_slice %arg11[%dma_start3A_38, %dma_start3A_39] : memref<10000x128xf32, #tpu.memory_space<vmem_shared>> -> memref<10000x128xf32, #tpu.memory_space<vmem_shared>>
        tpu.enqueue_indirect_dma source(%arg10 : memref<16x128xf32, #tpu.memory_space<vmem>>) target(%dma_start3A_40 : memref<10000x128xf32, #tpu.memory_space<vmem_shared>>) offsets(%arg9 : memref<16xi32, #tpu.memory_space<vmem>>) semaphore(%run_scoped3A_37 : memref<!tpu.dma_semaphore, #tpu.memory_space<semaphore_mem>>) {add = true}
        %dma_wait3A = arith.constant 0 : i32
        %dma_wait3A_41 = arith.constant 0 : i32
        %dma_wait3A_42 = tpu.memref_slice %arg11[%dma_wait3A, %dma_wait3A_41] : memref<10000x128xf32, #tpu.memory_space<vmem_shared>> -> memref<10000x128xf32, #tpu.memory_space<vmem_shared>>
        tpu.wait_indirect_dma semaphore(%run_scoped3A_37 : memref<!tpu.dma_semaphore, #tpu.memory_space<semaphore_mem>>) src(%arg10 : memref<16x128xf32, #tpu.memory_space<vmem>>) dst(%dma_wait3A_42 : memref<10000x128xf32, #tpu.memory_space<vmem_shared>>)
        tpu.yield
      }) : () -> ()
    } else {
    }
    %barrier3A_13 = arith.constant 0 : index
    tpu.barrier barrier_id(%barrier3A_13)
    %eq3A_14 = arith.constant 0 : i32
    %eq3A_15 = arith.cmpi eq, %arg1, %eq3A_14 : i32
    %convert_element_type3A_16 = arith.extui %eq3A_15 : i1 to i32
    %cond3A_17 = arith.constant 0 : i32
    %cond3A_18 = arith.cmpi ne, %convert_element_type3A_16, %cond3A_17 : i32
    scf.if %cond3A_18 {
      "tpu.region"() ({
        %run_scoped3A = tpu.sem_alloc : memref<!tpu.dma_semaphore, #tpu.memory_space<semaphore_mem>>
        %dma_start3A = arith.constant 0 : i32
        %dma_start3A_19 = arith.constant 0 : i32
        %dma_start3A_20 = tpu.memref_slice %arg6[%arg0, %dma_start3A, %dma_start3A_19] : memref<2x10000x128xf32, #tpu.memory_space<hbm>> -> memref<1x10000x128xf32, #tpu.memory_space<hbm>>
        %dma_start3A_21 = tpu.memref_squeeze %dma_start3A_20 : memref<1x10000x128xf32, #tpu.memory_space<hbm>> -> memref<10000x128xf32, #tpu.memory_space<hbm>>
        tpu.enqueue_dma source(%arg11 : memref<10000x128xf32, #tpu.memory_space<vmem_shared>>) target(%dma_start3A_21 : memref<10000x128xf32, #tpu.memory_space<hbm>>) target_semaphore(%run_scoped3A : memref<!tpu.dma_semaphore, #tpu.memory_space<semaphore_mem>>)
        %dma_wait3A = arith.constant 0 : i32
        %dma_wait3A_22 = arith.constant 0 : i32
        %dma_wait3A_23 = tpu.memref_slice %arg6[%arg0, %dma_wait3A, %dma_wait3A_22] : memref<2x10000x128xf32, #tpu.memory_space<hbm>> -> memref<1x10000x128xf32, #tpu.memory_space<hbm>>
        %dma_wait3A_24 = tpu.memref_squeeze %dma_wait3A_23 : memref<1x10000x128xf32, #tpu.memory_space<hbm>> -> memref<10000x128xf32, #tpu.memory_space<hbm>>
        tpu.wait_dma2 semaphore(%run_scoped3A : memref<!tpu.dma_semaphore, #tpu.memory_space<semaphore_mem>>) src(%arg11 : memref<10000x128xf32, #tpu.memory_space<vmem_shared>>) dst(%dma_wait3A_24 : memref<10000x128xf32, #tpu.memory_space<hbm>>)
        tpu.yield
      }) : () -> ()
    } else {
    }
    return
  }
}

#map = affine_map<(d0, d1) -> (0, 0)>
#map1 = affine_map<(d0, d1) -> (0)>
module attributes {stable_mosaic.version = 14 : i64} {
  func.func @gather(%arg0: i32, %arg1: i32, %arg2: memref<10000x128xf32, #tpu.memory_space<hbm>>, %arg3: memref<10000x128xf32, #tpu.memory_space<hbm>>, %arg4: memref<10000x128xf32, #tpu.memory_space<hbm>>, %arg5: memref<160000xi32, #tpu.memory_space<hbm>>, %arg6: memref<160000xi32, #tpu.memory_space<hbm>>, %arg7: memref<160000x128xf32, #tpu.memory_space<hbm>>, %arg8: memref<160000x128xf32, #tpu.memory_space<hbm>>, %arg9: memref<160000x128xf32, #tpu.memory_space<hbm>>, %arg10: memref<2x128xi32, #tpu.memory_space<vmem>>, %arg11: memref<2x128xi32, #tpu.memory_space<vmem>>, %arg12: memref<2x128x128xf32, #tpu.memory_space<vmem>>, %arg13: memref<2x128x128xf32, #tpu.memory_space<vmem>>, %arg14: memref<2x128x128xf32, #tpu.memory_space<vmem>>, %arg15: memref<8xi32, #tpu.memory_space<vmem>>, %arg16: memref<8xi32, #tpu.memory_space<vmem>>, %arg17: memref<8x128xf32, #tpu.memory_space<vmem>>, %arg18: memref<8x128xf32, #tpu.memory_space<vmem>>, %arg19: memref<8x128xf32, #tpu.memory_space<vmem>>, %arg20: memref<!tpu.dma_semaphore, #tpu.memory_space<semaphore_mem>>, %arg21: memref<!tpu.dma_semaphore, #tpu.memory_space<semaphore_mem>>, %arg22: memref<!tpu.dma_semaphore, #tpu.memory_space<semaphore_mem>>, %arg23: memref<!tpu.dma_semaphore, #tpu.memory_space<semaphore_mem>>) attributes {dimension_semantics = [#tpu.dimension_semantics<core_parallel>, #tpu.dimension_semantics<subcore_parallel>], iteration_bounds = array<i64: 2, 16>, scalar_prefetch = 0 : i64, scratch_operands = 14 : i64, tpu.core_type = #tpu.core_type<sc_vector_subcore>, window_params = [{transform_indices = #map}, {transform_indices = #map}, {transform_indices = #map}, {transform_indices = #map1}, {transform_indices = #map1}, {transform_indices = #map}, {transform_indices = #map}, {transform_indices = #map}]} {
    %mul3A = arith.constant 2 : i32
    %mul3A_0 = arith.muli %arg1, %mul3A : i32
    %add3A = arith.addi %mul3A_0, %arg0 : i32
    %mul3A_1 = arith.constant 5000 : i32
    %mul3A_2 = arith.muli %add3A, %mul3A_1 : i32
    %run_scoped3A = arith.constant 0 : i32
    "tpu.region"() ({
      %run_scoped3A_296 = tpu.sem_alloc : memref<!tpu.dma_semaphore, #tpu.memory_space<semaphore_mem>>
      %dma_start3A_297 = arith.constant 0 : i32
      %dma_start3A_298 = tpu.memref_slice %arg10[%run_scoped3A, %dma_start3A_297] : memref<2x128xi32, #tpu.memory_space<vmem>> -> memref<1x128xi32, #tpu.memory_space<vmem>>
      %dma_start3A_299 = tpu.memref_squeeze %dma_start3A_298 : memref<1x128xi32, #tpu.memory_space<vmem>> -> memref<128xi32, #tpu.memory_space<vmem>>
      %dma_start3A_300 = tpu.memref_slice %arg5[%mul3A_2] : memref<160000xi32, #tpu.memory_space<hbm>> -> memref<128xi32, #tpu.memory_space<hbm>>
      %dma_start3A_301 = arith.constant 0 : i32
      %dma_start3A_302 = tpu.memref_slice %arg10[%run_scoped3A, %dma_start3A_301] : memref<2x128xi32, #tpu.memory_space<vmem>> -> memref<1x128xi32, #tpu.memory_space<vmem>>
      %dma_start3A_303 = tpu.memref_squeeze %dma_start3A_302 : memref<1x128xi32, #tpu.memory_space<vmem>> -> memref<128xi32, #tpu.memory_space<vmem>>
      %dma_start3A_304 = tpu.memref_slice %arg5[%mul3A_2] : memref<160000xi32, #tpu.memory_space<hbm>> -> memref<128xi32, #tpu.memory_space<hbm>>
      tpu.enqueue_dma source(%dma_start3A_304 : memref<128xi32, #tpu.memory_space<hbm>>) target(%dma_start3A_303 : memref<128xi32, #tpu.memory_space<vmem>>) target_semaphore(%run_scoped3A_296 : memref<!tpu.dma_semaphore, #tpu.memory_space<semaphore_mem>>)
      %dma_wait3A_305 = arith.constant 0 : i32
      %dma_wait3A_306 = tpu.memref_slice %arg10[%run_scoped3A, %dma_wait3A_305] : memref<2x128xi32, #tpu.memory_space<vmem>> -> memref<1x128xi32, #tpu.memory_space<vmem>>
      %dma_wait3A_307 = tpu.memref_squeeze %dma_wait3A_306 : memref<1x128xi32, #tpu.memory_space<vmem>> -> memref<128xi32, #tpu.memory_space<vmem>>
      %dma_wait3A_308 = tpu.memref_slice %arg5[%mul3A_2] : memref<160000xi32, #tpu.memory_space<hbm>> -> memref<128xi32, #tpu.memory_space<hbm>>
      %dma_wait3A_309 = arith.constant 0 : i32
      %dma_wait3A_310 = tpu.memref_slice %arg10[%run_scoped3A, %dma_wait3A_309] : memref<2x128xi32, #tpu.memory_space<vmem>> -> memref<1x128xi32, #tpu.memory_space<vmem>>
      %dma_wait3A_311 = tpu.memref_squeeze %dma_wait3A_310 : memref<1x128xi32, #tpu.memory_space<vmem>> -> memref<128xi32, #tpu.memory_space<vmem>>
      %dma_wait3A_312 = tpu.memref_slice %arg5[%mul3A_2] : memref<160000xi32, #tpu.memory_space<hbm>> -> memref<128xi32, #tpu.memory_space<hbm>>
      tpu.wait_dma2 semaphore(%run_scoped3A_296 : memref<!tpu.dma_semaphore, #tpu.memory_space<semaphore_mem>>) src(%dma_wait3A_312 : memref<128xi32, #tpu.memory_space<hbm>>) dst(%dma_wait3A_311 : memref<128xi32, #tpu.memory_space<vmem>>)
      tpu.yield
    }) : () -> ()
    %run_scoped3A_3 = arith.constant 0 : i32
    "tpu.region"() ({
      %run_scoped3A_296 = tpu.sem_alloc : memref<!tpu.dma_semaphore, #tpu.memory_space<semaphore_mem>>
      %dma_start3A_297 = arith.constant 0 : i32
      %dma_start3A_298 = tpu.memref_slice %arg11[%run_scoped3A_3, %dma_start3A_297] : memref<2x128xi32, #tpu.memory_space<vmem>> -> memref<1x128xi32, #tpu.memory_space<vmem>>
      %dma_start3A_299 = tpu.memref_squeeze %dma_start3A_298 : memref<1x128xi32, #tpu.memory_space<vmem>> -> memref<128xi32, #tpu.memory_space<vmem>>
      %dma_start3A_300 = tpu.memref_slice %arg6[%mul3A_2] : memref<160000xi32, #tpu.memory_space<hbm>> -> memref<128xi32, #tpu.memory_space<hbm>>
      %dma_start3A_301 = arith.constant 0 : i32
      %dma_start3A_302 = tpu.memref_slice %arg11[%run_scoped3A_3, %dma_start3A_301] : memref<2x128xi32, #tpu.memory_space<vmem>> -> memref<1x128xi32, #tpu.memory_space<vmem>>
      %dma_start3A_303 = tpu.memref_squeeze %dma_start3A_302 : memref<1x128xi32, #tpu.memory_space<vmem>> -> memref<128xi32, #tpu.memory_space<vmem>>
      %dma_start3A_304 = tpu.memref_slice %arg6[%mul3A_2] : memref<160000xi32, #tpu.memory_space<hbm>> -> memref<128xi32, #tpu.memory_space<hbm>>
      tpu.enqueue_dma source(%dma_start3A_304 : memref<128xi32, #tpu.memory_space<hbm>>) target(%dma_start3A_303 : memref<128xi32, #tpu.memory_space<vmem>>) target_semaphore(%run_scoped3A_296 : memref<!tpu.dma_semaphore, #tpu.memory_space<semaphore_mem>>)
      %dma_wait3A_305 = arith.constant 0 : i32
      %dma_wait3A_306 = tpu.memref_slice %arg11[%run_scoped3A_3, %dma_wait3A_305] : memref<2x128xi32, #tpu.memory_space<vmem>> -> memref<1x128xi32, #tpu.memory_space<vmem>>
      %dma_wait3A_307 = tpu.memref_squeeze %dma_wait3A_306 : memref<1x128xi32, #tpu.memory_space<vmem>> -> memref<128xi32, #tpu.memory_space<vmem>>
      %dma_wait3A_308 = tpu.memref_slice %arg6[%mul3A_2] : memref<160000xi32, #tpu.memory_space<hbm>> -> memref<128xi32, #tpu.memory_space<hbm>>
      %dma_wait3A_309 = arith.constant 0 : i32
      %dma_wait3A_310 = tpu.memref_slice %arg11[%run_scoped3A_3, %dma_wait3A_309] : memref<2x128xi32, #tpu.memory_space<vmem>> -> memref<1x128xi32, #tpu.memory_space<vmem>>
      %dma_wait3A_311 = tpu.memref_squeeze %dma_wait3A_310 : memref<1x128xi32, #tpu.memory_space<vmem>> -> memref<128xi32, #tpu.memory_space<vmem>>
      %dma_wait3A_312 = tpu.memref_slice %arg6[%mul3A_2] : memref<160000xi32, #tpu.memory_space<hbm>> -> memref<128xi32, #tpu.memory_space<hbm>>
      tpu.wait_dma2 semaphore(%run_scoped3A_296 : memref<!tpu.dma_semaphore, #tpu.memory_space<semaphore_mem>>) src(%dma_wait3A_312 : memref<128xi32, #tpu.memory_space<hbm>>) dst(%dma_wait3A_311 : memref<128xi32, #tpu.memory_space<vmem>>)
      tpu.yield
    }) : () -> ()
    %dma_start3A = arith.constant 0 : i32
    %dma_start3A_4 = arith.constant 0 : i32
    %dma_start3A_5 = arith.constant 0 : i32
    %dma_start3A_6 = arith.constant 0 : i32
    %dma_start3A_7 = tpu.memref_slice %arg12[%dma_start3A_4, %dma_start3A_5, %dma_start3A_6] : memref<2x128x128xf32, #tpu.memory_space<vmem>> -> memref<1x128x128xf32, #tpu.memory_space<vmem>>
    %dma_start3A_8 = tpu.memref_squeeze %dma_start3A_7 : memref<1x128x128xf32, #tpu.memory_space<vmem>> -> memref<128x128xf32, #tpu.memory_space<vmem>>
    %dma_start3A_9 = arith.constant 0 : i32
    %dma_start3A_10 = tpu.memref_slice %arg10[%dma_start3A, %dma_start3A_9] : memref<2x128xi32, #tpu.memory_space<vmem>> -> memref<1x128xi32, #tpu.memory_space<vmem>>
    %dma_start3A_11 = tpu.memref_squeeze %dma_start3A_10 : memref<1x128xi32, #tpu.memory_space<vmem>> -> memref<128xi32, #tpu.memory_space<vmem>>
    %dma_start3A_12 = arith.constant 0 : i32
    %dma_start3A_13 = arith.constant 0 : i32
    %dma_start3A_14 = tpu.memref_slice %arg2[%dma_start3A_12, %dma_start3A_13] : memref<10000x128xf32, #tpu.memory_space<hbm>> -> memref<10000x128xf32, #tpu.memory_space<hbm>>
    tpu.enqueue_indirect_dma source(%dma_start3A_14 : memref<10000x128xf32, #tpu.memory_space<hbm>>) target(%dma_start3A_8 : memref<128x128xf32, #tpu.memory_space<vmem>>) offsets(%dma_start3A_11 : memref<128xi32, #tpu.memory_space<vmem>>) semaphore(%arg20 : memref<!tpu.dma_semaphore, #tpu.memory_space<semaphore_mem>>)
    %dma_start3A_15 = arith.constant 0 : i32
    %dma_start3A_16 = arith.constant 0 : i32
    %dma_start3A_17 = arith.constant 0 : i32
    %dma_start3A_18 = arith.constant 0 : i32
    %dma_start3A_19 = tpu.memref_slice %arg13[%dma_start3A_16, %dma_start3A_17, %dma_start3A_18] : memref<2x128x128xf32, #tpu.memory_space<vmem>> -> memref<1x128x128xf32, #tpu.memory_space<vmem>>
    %dma_start3A_20 = tpu.memref_squeeze %dma_start3A_19 : memref<1x128x128xf32, #tpu.memory_space<vmem>> -> memref<128x128xf32, #tpu.memory_space<vmem>>
    %dma_start3A_21 = arith.constant 0 : i32
    %dma_start3A_22 = tpu.memref_slice %arg11[%dma_start3A_15, %dma_start3A_21] : memref<2x128xi32, #tpu.memory_space<vmem>> -> memref<1x128xi32, #tpu.memory_space<vmem>>
    %dma_start3A_23 = tpu.memref_squeeze %dma_start3A_22 : memref<1x128xi32, #tpu.memory_space<vmem>> -> memref<128xi32, #tpu.memory_space<vmem>>
    %dma_start3A_24 = arith.constant 0 : i32
    %dma_start3A_25 = arith.constant 0 : i32
    %dma_start3A_26 = tpu.memref_slice %arg3[%dma_start3A_24, %dma_start3A_25] : memref<10000x128xf32, #tpu.memory_space<hbm>> -> memref<10000x128xf32, #tpu.memory_space<hbm>>
    tpu.enqueue_indirect_dma source(%dma_start3A_26 : memref<10000x128xf32, #tpu.memory_space<hbm>>) target(%dma_start3A_20 : memref<128x128xf32, #tpu.memory_space<vmem>>) offsets(%dma_start3A_23 : memref<128xi32, #tpu.memory_space<vmem>>) semaphore(%arg20 : memref<!tpu.dma_semaphore, #tpu.memory_space<semaphore_mem>>)
    %dma_start3A_27 = arith.constant 0 : i32
    %dma_start3A_28 = arith.constant 0 : i32
    %dma_start3A_29 = arith.constant 0 : i32
    %dma_start3A_30 = arith.constant 0 : i32
    %dma_start3A_31 = tpu.memref_slice %arg14[%dma_start3A_28, %dma_start3A_29, %dma_start3A_30] : memref<2x128x128xf32, #tpu.memory_space<vmem>> -> memref<1x128x128xf32, #tpu.memory_space<vmem>>
    %dma_start3A_32 = tpu.memref_squeeze %dma_start3A_31 : memref<1x128x128xf32, #tpu.memory_space<vmem>> -> memref<128x128xf32, #tpu.memory_space<vmem>>
    %dma_start3A_33 = arith.constant 0 : i32
    %dma_start3A_34 = tpu.memref_slice %arg11[%dma_start3A_27, %dma_start3A_33] : memref<2x128xi32, #tpu.memory_space<vmem>> -> memref<1x128xi32, #tpu.memory_space<vmem>>
    %dma_start3A_35 = tpu.memref_squeeze %dma_start3A_34 : memref<1x128xi32, #tpu.memory_space<vmem>> -> memref<128xi32, #tpu.memory_space<vmem>>
    %dma_start3A_36 = arith.constant 0 : i32
    %dma_start3A_37 = arith.constant 0 : i32
    %dma_start3A_38 = tpu.memref_slice %arg4[%dma_start3A_36, %dma_start3A_37] : memref<10000x128xf32, #tpu.memory_space<hbm>> -> memref<10000x128xf32, #tpu.memory_space<hbm>>
    tpu.enqueue_indirect_dma source(%dma_start3A_38 : memref<10000x128xf32, #tpu.memory_space<hbm>>) target(%dma_start3A_32 : memref<128x128xf32, #tpu.memory_space<vmem>>) offsets(%dma_start3A_35 : memref<128xi32, #tpu.memory_space<vmem>>) semaphore(%arg20 : memref<!tpu.dma_semaphore, #tpu.memory_space<semaphore_mem>>)
    %scan3A = arith.constant 0 : i32
    %scan3A_39 = arith.constant 0 : i32
    %scan3A_40 = arith.constant 19 : i32
    %scan3A_41 = arith.addi %scan3A_39, %scan3A_40 : i32
    %scan3A_42 = arith.constant 1 : i32
    scf.for %scan3A_296 = %scan3A_39 to %scan3A_41 step %scan3A_42  : i32 {
      %mul3A_297 = arith.constant 2 : i32
      %mul3A_298 = arith.muli %scan3A_296, %mul3A_297 : i32
      %add3A_299 = arith.constant 0 : i32
      %add3A_300 = arith.addi %mul3A_298, %add3A_299 : i32
      %mul3A_301 = arith.constant 128 : i32
      %mul3A_302 = arith.muli %add3A_300, %mul3A_301 : i32
      %add3A_303 = arith.addi %mul3A_2, %mul3A_302 : i32
      %dma_wait3A_304 = arith.constant 0 : i32
      %dma_wait3A_305 = arith.constant 0 : i32
      %dma_wait3A_306 = arith.constant 0 : i32
      %dma_wait3A_307 = tpu.memref_slice %arg12[%dma_wait3A_304, %dma_wait3A_305, %dma_wait3A_306] : memref<2x128x128xf32, #tpu.memory_space<vmem>> -> memref<1x128x128xf32, #tpu.memory_space<vmem>>
      %dma_wait3A_308 = tpu.memref_squeeze %dma_wait3A_307 : memref<1x128x128xf32, #tpu.memory_space<vmem>> -> memref<128x128xf32, #tpu.memory_space<vmem>>
      %dma_wait3A_309 = arith.constant 0 : i32
      %dma_wait3A_310 = arith.constant 0 : i32
      %dma_wait3A_311 = tpu.memref_slice %arg2[%dma_wait3A_309, %dma_wait3A_310] : memref<10000x128xf32, #tpu.memory_space<hbm>> -> memref<128x128xf32, #tpu.memory_space<hbm>>
      %dma_wait3A_312 = arith.constant 0 : i32
      %dma_wait3A_313 = arith.constant 0 : i32
      %dma_wait3A_314 = tpu.memref_slice %arg12[%dma_wait3A_304, %dma_wait3A_312, %dma_wait3A_313] : memref<2x128x128xf32, #tpu.memory_space<vmem>> -> memref<1x128x128xf32, #tpu.memory_space<vmem>>
      %dma_wait3A_315 = tpu.memref_squeeze %dma_wait3A_314 : memref<1x128x128xf32, #tpu.memory_space<vmem>> -> memref<128x128xf32, #tpu.memory_space<vmem>>
      %dma_wait3A_316 = arith.constant 0 : i32
      %dma_wait3A_317 = arith.constant 0 : i32
      %dma_wait3A_318 = tpu.memref_slice %arg2[%dma_wait3A_316, %dma_wait3A_317] : memref<10000x128xf32, #tpu.memory_space<hbm>> -> memref<128x128xf32, #tpu.memory_space<hbm>>
      tpu.wait_dma2 semaphore(%arg20 : memref<!tpu.dma_semaphore, #tpu.memory_space<semaphore_mem>>) src(%dma_wait3A_318 : memref<128x128xf32, #tpu.memory_space<hbm>>) dst(%dma_wait3A_315 : memref<128x128xf32, #tpu.memory_space<vmem>>)
      %dma_wait3A_319 = arith.constant 0 : i32
      %dma_wait3A_320 = arith.constant 0 : i32
      %dma_wait3A_321 = arith.constant 0 : i32
      %dma_wait3A_322 = tpu.memref_slice %arg13[%dma_wait3A_319, %dma_wait3A_320, %dma_wait3A_321] : memref<2x128x128xf32, #tpu.memory_space<vmem>> -> memref<1x128x128xf32, #tpu.memory_space<vmem>>
      %dma_wait3A_323 = tpu.memref_squeeze %dma_wait3A_322 : memref<1x128x128xf32, #tpu.memory_space<vmem>> -> memref<128x128xf32, #tpu.memory_space<vmem>>
      %dma_wait3A_324 = arith.constant 0 : i32
      %dma_wait3A_325 = arith.constant 0 : i32
      %dma_wait3A_326 = tpu.memref_slice %arg2[%dma_wait3A_324, %dma_wait3A_325] : memref<10000x128xf32, #tpu.memory_space<hbm>> -> memref<128x128xf32, #tpu.memory_space<hbm>>
      %dma_wait3A_327 = arith.constant 0 : i32
      %dma_wait3A_328 = arith.constant 0 : i32
      %dma_wait3A_329 = tpu.memref_slice %arg13[%dma_wait3A_319, %dma_wait3A_327, %dma_wait3A_328] : memref<2x128x128xf32, #tpu.memory_space<vmem>> -> memref<1x128x128xf32, #tpu.memory_space<vmem>>
      %dma_wait3A_330 = tpu.memref_squeeze %dma_wait3A_329 : memref<1x128x128xf32, #tpu.memory_space<vmem>> -> memref<128x128xf32, #tpu.memory_space<vmem>>
      %dma_wait3A_331 = arith.constant 0 : i32
      %dma_wait3A_332 = arith.constant 0 : i32
      %dma_wait3A_333 = tpu.memref_slice %arg2[%dma_wait3A_331, %dma_wait3A_332] : memref<10000x128xf32, #tpu.memory_space<hbm>> -> memref<128x128xf32, #tpu.memory_space<hbm>>
      tpu.wait_dma2 semaphore(%arg20 : memref<!tpu.dma_semaphore, #tpu.memory_space<semaphore_mem>>) src(%dma_wait3A_333 : memref<128x128xf32, #tpu.memory_space<hbm>>) dst(%dma_wait3A_330 : memref<128x128xf32, #tpu.memory_space<vmem>>)
      %dma_wait3A_334 = arith.constant 0 : i32
      %dma_wait3A_335 = arith.constant 0 : i32
      %dma_wait3A_336 = arith.constant 0 : i32
      %dma_wait3A_337 = tpu.memref_slice %arg14[%dma_wait3A_334, %dma_wait3A_335, %dma_wait3A_336] : memref<2x128x128xf32, #tpu.memory_space<vmem>> -> memref<1x128x128xf32, #tpu.memory_space<vmem>>
      %dma_wait3A_338 = tpu.memref_squeeze %dma_wait3A_337 : memref<1x128x128xf32, #tpu.memory_space<vmem>> -> memref<128x128xf32, #tpu.memory_space<vmem>>
      %dma_wait3A_339 = arith.constant 0 : i32
      %dma_wait3A_340 = arith.constant 0 : i32
      %dma_wait3A_341 = tpu.memref_slice %arg2[%dma_wait3A_339, %dma_wait3A_340] : memref<10000x128xf32, #tpu.memory_space<hbm>> -> memref<128x128xf32, #tpu.memory_space<hbm>>
      %dma_wait3A_342 = arith.constant 0 : i32
      %dma_wait3A_343 = arith.constant 0 : i32
      %dma_wait3A_344 = tpu.memref_slice %arg14[%dma_wait3A_334, %dma_wait3A_342, %dma_wait3A_343] : memref<2x128x128xf32, #tpu.memory_space<vmem>> -> memref<1x128x128xf32, #tpu.memory_space<vmem>>
      %dma_wait3A_345 = tpu.memref_squeeze %dma_wait3A_344 : memref<1x128x128xf32, #tpu.memory_space<vmem>> -> memref<128x128xf32, #tpu.memory_space<vmem>>
      %dma_wait3A_346 = arith.constant 0 : i32
      %dma_wait3A_347 = arith.constant 0 : i32
      %dma_wait3A_348 = tpu.memref_slice %arg2[%dma_wait3A_346, %dma_wait3A_347] : memref<10000x128xf32, #tpu.memory_space<hbm>> -> memref<128x128xf32, #tpu.memory_space<hbm>>
      tpu.wait_dma2 semaphore(%arg20 : memref<!tpu.dma_semaphore, #tpu.memory_space<semaphore_mem>>) src(%dma_wait3A_348 : memref<128x128xf32, #tpu.memory_space<hbm>>) dst(%dma_wait3A_345 : memref<128x128xf32, #tpu.memory_space<vmem>>)
      %dma_start3A_349 = arith.constant 0 : i32
      %dma_start3A_350 = arith.constant 0 : i32
      %dma_start3A_351 = arith.constant 0 : i32
      %dma_start3A_352 = tpu.memref_slice %arg12[%dma_start3A_349, %dma_start3A_350, %dma_start3A_351] : memref<2x128x128xf32, #tpu.memory_space<vmem>> -> memref<1x128x128xf32, #tpu.memory_space<vmem>>
      %dma_start3A_353 = tpu.memref_squeeze %dma_start3A_352 : memref<1x128x128xf32, #tpu.memory_space<vmem>> -> memref<128x128xf32, #tpu.memory_space<vmem>>
      %dma_start3A_354 = arith.constant 0 : i32
      %dma_start3A_355 = tpu.memref_slice %arg7[%add3A_303, %dma_start3A_354] : memref<160000x128xf32, #tpu.memory_space<hbm>> -> memref<128x128xf32, #tpu.memory_space<hbm>>
      %dma_start3A_356 = arith.constant 0 : i32
      %dma_start3A_357 = tpu.memref_slice %arg7[%add3A_303, %dma_start3A_356] : memref<160000x128xf32, #tpu.memory_space<hbm>> -> memref<128x128xf32, #tpu.memory_space<hbm>>
      %dma_start3A_358 = arith.constant 0 : i32
      %dma_start3A_359 = arith.constant 0 : i32
      %dma_start3A_360 = tpu.memref_slice %arg12[%dma_start3A_349, %dma_start3A_358, %dma_start3A_359] : memref<2x128x128xf32, #tpu.memory_space<vmem>> -> memref<1x128x128xf32, #tpu.memory_space<vmem>>
      %dma_start3A_361 = tpu.memref_squeeze %dma_start3A_360 : memref<1x128x128xf32, #tpu.memory_space<vmem>> -> memref<128x128xf32, #tpu.memory_space<vmem>>
      tpu.enqueue_dma source(%dma_start3A_361 : memref<128x128xf32, #tpu.memory_space<vmem>>) target(%dma_start3A_357 : memref<128x128xf32, #tpu.memory_space<hbm>>) target_semaphore(%arg22 : memref<!tpu.dma_semaphore, #tpu.memory_space<semaphore_mem>>)
      %dma_start3A_362 = arith.constant 0 : i32
      %dma_start3A_363 = arith.constant 0 : i32
      %dma_start3A_364 = arith.constant 0 : i32
      %dma_start3A_365 = tpu.memref_slice %arg13[%dma_start3A_362, %dma_start3A_363, %dma_start3A_364] : memref<2x128x128xf32, #tpu.memory_space<vmem>> -> memref<1x128x128xf32, #tpu.memory_space<vmem>>
      %dma_start3A_366 = tpu.memref_squeeze %dma_start3A_365 : memref<1x128x128xf32, #tpu.memory_space<vmem>> -> memref<128x128xf32, #tpu.memory_space<vmem>>
      %dma_start3A_367 = arith.constant 0 : i32
      %dma_start3A_368 = tpu.memref_slice %arg8[%add3A_303, %dma_start3A_367] : memref<160000x128xf32, #tpu.memory_space<hbm>> -> memref<128x128xf32, #tpu.memory_space<hbm>>
      %dma_start3A_369 = arith.constant 0 : i32
      %dma_start3A_370 = tpu.memref_slice %arg8[%add3A_303, %dma_start3A_369] : memref<160000x128xf32, #tpu.memory_space<hbm>> -> memref<128x128xf32, #tpu.memory_space<hbm>>
      %dma_start3A_371 = arith.constant 0 : i32
      %dma_start3A_372 = arith.constant 0 : i32
      %dma_start3A_373 = tpu.memref_slice %arg13[%dma_start3A_362, %dma_start3A_371, %dma_start3A_372] : memref<2x128x128xf32, #tpu.memory_space<vmem>> -> memref<1x128x128xf32, #tpu.memory_space<vmem>>
      %dma_start3A_374 = tpu.memref_squeeze %dma_start3A_373 : memref<1x128x128xf32, #tpu.memory_space<vmem>> -> memref<128x128xf32, #tpu.memory_space<vmem>>
      tpu.enqueue_dma source(%dma_start3A_374 : memref<128x128xf32, #tpu.memory_space<vmem>>) target(%dma_start3A_370 : memref<128x128xf32, #tpu.memory_space<hbm>>) target_semaphore(%arg22 : memref<!tpu.dma_semaphore, #tpu.memory_space<semaphore_mem>>)
      %dma_start3A_375 = arith.constant 0 : i32
      %dma_start3A_376 = arith.constant 0 : i32
      %dma_start3A_377 = arith.constant 0 : i32
      %dma_start3A_378 = tpu.memref_slice %arg14[%dma_start3A_375, %dma_start3A_376, %dma_start3A_377] : memref<2x128x128xf32, #tpu.memory_space<vmem>> -> memref<1x128x128xf32, #tpu.memory_space<vmem>>
      %dma_start3A_379 = tpu.memref_squeeze %dma_start3A_378 : memref<1x128x128xf32, #tpu.memory_space<vmem>> -> memref<128x128xf32, #tpu.memory_space<vmem>>
      %dma_start3A_380 = arith.constant 0 : i32
      %dma_start3A_381 = tpu.memref_slice %arg9[%add3A_303, %dma_start3A_380] : memref<160000x128xf32, #tpu.memory_space<hbm>> -> memref<128x128xf32, #tpu.memory_space<hbm>>
      %dma_start3A_382 = arith.constant 0 : i32
      %dma_start3A_383 = tpu.memref_slice %arg9[%add3A_303, %dma_start3A_382] : memref<160000x128xf32, #tpu.memory_space<hbm>> -> memref<128x128xf32, #tpu.memory_space<hbm>>
      %dma_start3A_384 = arith.constant 0 : i32
      %dma_start3A_385 = arith.constant 0 : i32
      %dma_start3A_386 = tpu.memref_slice %arg14[%dma_start3A_375, %dma_start3A_384, %dma_start3A_385] : memref<2x128x128xf32, #tpu.memory_space<vmem>> -> memref<1x128x128xf32, #tpu.memory_space<vmem>>
      %dma_start3A_387 = tpu.memref_squeeze %dma_start3A_386 : memref<1x128x128xf32, #tpu.memory_space<vmem>> -> memref<128x128xf32, #tpu.memory_space<vmem>>
      tpu.enqueue_dma source(%dma_start3A_387 : memref<128x128xf32, #tpu.memory_space<vmem>>) target(%dma_start3A_383 : memref<128x128xf32, #tpu.memory_space<hbm>>) target_semaphore(%arg22 : memref<!tpu.dma_semaphore, #tpu.memory_space<semaphore_mem>>)
      %add3A_388 = arith.constant 1 : i32
      %add3A_389 = arith.addi %add3A_300, %add3A_388 : i32
      %lt3A = arith.constant 39 : i32
      %lt3A_390 = arith.cmpi slt, %add3A_389, %lt3A : i32
      %convert_element_type3A = arith.extui %lt3A_390 : i1 to i32
      %cond3A = arith.constant 0 : i32
      %cond3A_391 = arith.cmpi ne, %convert_element_type3A, %cond3A : i32
      scf.if %cond3A_391 {
        %gt3A = arith.constant 0 : i32
        %gt3A_490 = arith.cmpi sgt, %add3A_300, %gt3A : i32
        %convert_element_type3A_491 = arith.extui %gt3A_490 : i1 to i32
        %cond3A_492 = arith.constant 0 : i32
        %cond3A_493 = arith.cmpi ne, %convert_element_type3A_491, %cond3A_492 : i32
        scf.if %cond3A_493 {
          %dma_wait3A_534 = arith.constant 1 : i32
          %dma_wait3A_535 = arith.constant 0 : i32
          %dma_wait3A_536 = arith.constant 0 : i32
          %dma_wait3A_537 = tpu.memref_slice %arg12[%dma_wait3A_534, %dma_wait3A_535, %dma_wait3A_536] : memref<2x128x128xf32, #tpu.memory_space<vmem>> -> memref<1x128x128xf32, #tpu.memory_space<vmem>>
          %dma_wait3A_538 = tpu.memref_squeeze %dma_wait3A_537 : memref<1x128x128xf32, #tpu.memory_space<vmem>> -> memref<128x128xf32, #tpu.memory_space<vmem>>
          %dma_wait3A_539 = arith.constant 0 : i32
          %dma_wait3A_540 = arith.constant 0 : i32
          %dma_wait3A_541 = tpu.memref_slice %dma_wait3A_538[%dma_wait3A_539, %dma_wait3A_540] : memref<128x128xf32, #tpu.memory_space<vmem>> -> memref<128x128xf32, #tpu.memory_space<vmem>>
          %dma_wait3A_542 = arith.constant 0 : i32
          %dma_wait3A_543 = tpu.memref_slice %arg7[%mul3A_2, %dma_wait3A_542] : memref<160000x128xf32, #tpu.memory_space<hbm>> -> memref<128x128xf32, #tpu.memory_space<hbm>>
          %dma_wait3A_544 = arith.constant 0 : i32
          %dma_wait3A_545 = tpu.memref_slice %arg7[%mul3A_2, %dma_wait3A_544] : memref<160000x128xf32, #tpu.memory_space<hbm>> -> memref<128x128xf32, #tpu.memory_space<hbm>>
          %dma_wait3A_546 = arith.constant 0 : i32
          %dma_wait3A_547 = arith.constant 0 : i32
          %dma_wait3A_548 = tpu.memref_slice %arg12[%dma_wait3A_534, %dma_wait3A_546, %dma_wait3A_547] : memref<2x128x128xf32, #tpu.memory_space<vmem>> -> memref<1x128x128xf32, #tpu.memory_space<vmem>>
          %dma_wait3A_549 = tpu.memref_squeeze %dma_wait3A_548 : memref<1x128x128xf32, #tpu.memory_space<vmem>> -> memref<128x128xf32, #tpu.memory_space<vmem>>
          %dma_wait3A_550 = arith.constant 0 : i32
          %dma_wait3A_551 = arith.constant 0 : i32
          %dma_wait3A_552 = tpu.memref_slice %dma_wait3A_549[%dma_wait3A_550, %dma_wait3A_551] : memref<128x128xf32, #tpu.memory_space<vmem>> -> memref<128x128xf32, #tpu.memory_space<vmem>>
          tpu.wait_dma2 semaphore(%arg23 : memref<!tpu.dma_semaphore, #tpu.memory_space<semaphore_mem>>) src(%dma_wait3A_552 : memref<128x128xf32, #tpu.memory_space<vmem>>) dst(%dma_wait3A_545 : memref<128x128xf32, #tpu.memory_space<hbm>>)
          %dma_wait3A_553 = arith.constant 1 : i32
          %dma_wait3A_554 = arith.constant 0 : i32
          %dma_wait3A_555 = arith.constant 0 : i32
          %dma_wait3A_556 = tpu.memref_slice %arg13[%dma_wait3A_553, %dma_wait3A_554, %dma_wait3A_555] : memref<2x128x128xf32, #tpu.memory_space<vmem>> -> memref<1x128x128xf32, #tpu.memory_space<vmem>>
          %dma_wait3A_557 = tpu.memref_squeeze %dma_wait3A_556 : memref<1x128x128xf32, #tpu.memory_space<vmem>> -> memref<128x128xf32, #tpu.memory_space<vmem>>
          %dma_wait3A_558 = arith.constant 0 : i32
          %dma_wait3A_559 = arith.constant 0 : i32
          %dma_wait3A_560 = tpu.memref_slice %dma_wait3A_557[%dma_wait3A_558, %dma_wait3A_559] : memref<128x128xf32, #tpu.memory_space<vmem>> -> memref<128x128xf32, #tpu.memory_space<vmem>>
          %dma_wait3A_561 = arith.constant 0 : i32
          %dma_wait3A_562 = tpu.memref_slice %arg8[%mul3A_2, %dma_wait3A_561] : memref<160000x128xf32, #tpu.memory_space<hbm>> -> memref<128x128xf32, #tpu.memory_space<hbm>>
          %dma_wait3A_563 = arith.constant 0 : i32
          %dma_wait3A_564 = tpu.memref_slice %arg8[%mul3A_2, %dma_wait3A_563] : memref<160000x128xf32, #tpu.memory_space<hbm>> -> memref<128x128xf32, #tpu.memory_space<hbm>>
          %dma_wait3A_565 = arith.constant 0 : i32
          %dma_wait3A_566 = arith.constant 0 : i32
          %dma_wait3A_567 = tpu.memref_slice %arg13[%dma_wait3A_553, %dma_wait3A_565, %dma_wait3A_566] : memref<2x128x128xf32, #tpu.memory_space<vmem>> -> memref<1x128x128xf32, #tpu.memory_space<vmem>>
          %dma_wait3A_568 = tpu.memref_squeeze %dma_wait3A_567 : memref<1x128x128xf32, #tpu.memory_space<vmem>> -> memref<128x128xf32, #tpu.memory_space<vmem>>
          %dma_wait3A_569 = arith.constant 0 : i32
          %dma_wait3A_570 = arith.constant 0 : i32
          %dma_wait3A_571 = tpu.memref_slice %dma_wait3A_568[%dma_wait3A_569, %dma_wait3A_570] : memref<128x128xf32, #tpu.memory_space<vmem>> -> memref<128x128xf32, #tpu.memory_space<vmem>>
          tpu.wait_dma2 semaphore(%arg23 : memref<!tpu.dma_semaphore, #tpu.memory_space<semaphore_mem>>) src(%dma_wait3A_571 : memref<128x128xf32, #tpu.memory_space<vmem>>) dst(%dma_wait3A_564 : memref<128x128xf32, #tpu.memory_space<hbm>>)
          %dma_wait3A_572 = arith.constant 1 : i32
          %dma_wait3A_573 = arith.constant 0 : i32
          %dma_wait3A_574 = arith.constant 0 : i32
          %dma_wait3A_575 = tpu.memref_slice %arg14[%dma_wait3A_572, %dma_wait3A_573, %dma_wait3A_574] : memref<2x128x128xf32, #tpu.memory_space<vmem>> -> memref<1x128x128xf32, #tpu.memory_space<vmem>>
          %dma_wait3A_576 = tpu.memref_squeeze %dma_wait3A_575 : memref<1x128x128xf32, #tpu.memory_space<vmem>> -> memref<128x128xf32, #tpu.memory_space<vmem>>
          %dma_wait3A_577 = arith.constant 0 : i32
          %dma_wait3A_578 = arith.constant 0 : i32
          %dma_wait3A_579 = tpu.memref_slice %dma_wait3A_576[%dma_wait3A_577, %dma_wait3A_578] : memref<128x128xf32, #tpu.memory_space<vmem>> -> memref<128x128xf32, #tpu.memory_space<vmem>>
          %dma_wait3A_580 = arith.constant 0 : i32
          %dma_wait3A_581 = tpu.memref_slice %arg9[%mul3A_2, %dma_wait3A_580] : memref<160000x128xf32, #tpu.memory_space<hbm>> -> memref<128x128xf32, #tpu.memory_space<hbm>>
          %dma_wait3A_582 = arith.constant 0 : i32
          %dma_wait3A_583 = tpu.memref_slice %arg9[%mul3A_2, %dma_wait3A_582] : memref<160000x128xf32, #tpu.memory_space<hbm>> -> memref<128x128xf32, #tpu.memory_space<hbm>>
          %dma_wait3A_584 = arith.constant 0 : i32
          %dma_wait3A_585 = arith.constant 0 : i32
          %dma_wait3A_586 = tpu.memref_slice %arg14[%dma_wait3A_572, %dma_wait3A_584, %dma_wait3A_585] : memref<2x128x128xf32, #tpu.memory_space<vmem>> -> memref<1x128x128xf32, #tpu.memory_space<vmem>>
          %dma_wait3A_587 = tpu.memref_squeeze %dma_wait3A_586 : memref<1x128x128xf32, #tpu.memory_space<vmem>> -> memref<128x128xf32, #tpu.memory_space<vmem>>
          %dma_wait3A_588 = arith.constant 0 : i32
          %dma_wait3A_589 = arith.constant 0 : i32
          %dma_wait3A_590 = tpu.memref_slice %dma_wait3A_587[%dma_wait3A_588, %dma_wait3A_589] : memref<128x128xf32, #tpu.memory_space<vmem>> -> memref<128x128xf32, #tpu.memory_space<vmem>>
          tpu.wait_dma2 semaphore(%arg23 : memref<!tpu.dma_semaphore, #tpu.memory_space<semaphore_mem>>) src(%dma_wait3A_590 : memref<128x128xf32, #tpu.memory_space<vmem>>) dst(%dma_wait3A_583 : memref<128x128xf32, #tpu.memory_space<hbm>>)
        } else {
        }
        %add3A_494 = arith.constant 128 : i32
        %add3A_495 = arith.addi %add3A_303, %add3A_494 : i32
        %run_scoped3A_496 = arith.constant 1 : i32
        "tpu.region"() ({
          %run_scoped3A_534 = tpu.sem_alloc : memref<!tpu.dma_semaphore, #tpu.memory_space<semaphore_mem>>
          %dma_start3A_535 = arith.constant 0 : i32
          %dma_start3A_536 = tpu.memref_slice %arg10[%run_scoped3A_496, %dma_start3A_535] : memref<2x128xi32, #tpu.memory_space<vmem>> -> memref<1x128xi32, #tpu.memory_space<vmem>>
          %dma_start3A_537 = tpu.memref_squeeze %dma_start3A_536 : memref<1x128xi32, #tpu.memory_space<vmem>> -> memref<128xi32, #tpu.memory_space<vmem>>
          %dma_start3A_538 = tpu.memref_slice %arg5[%add3A_495] : memref<160000xi32, #tpu.memory_space<hbm>> -> memref<128xi32, #tpu.memory_space<hbm>>
          %dma_start3A_539 = arith.constant 0 : i32
          %dma_start3A_540 = tpu.memref_slice %arg10[%run_scoped3A_496, %dma_start3A_539] : memref<2x128xi32, #tpu.memory_space<vmem>> -> memref<1x128xi32, #tpu.memory_space<vmem>>
          %dma_start3A_541 = tpu.memref_squeeze %dma_start3A_540 : memref<1x128xi32, #tpu.memory_space<vmem>> -> memref<128xi32, #tpu.memory_space<vmem>>
          %dma_start3A_542 = tpu.memref_slice %arg5[%add3A_495] : memref<160000xi32, #tpu.memory_space<hbm>> -> memref<128xi32, #tpu.memory_space<hbm>>
          tpu.enqueue_dma source(%dma_start3A_542 : memref<128xi32, #tpu.memory_space<hbm>>) target(%dma_start3A_541 : memref<128xi32, #tpu.memory_space<vmem>>) target_semaphore(%run_scoped3A_534 : memref<!tpu.dma_semaphore, #tpu.memory_space<semaphore_mem>>)
          %dma_wait3A_543 = arith.constant 0 : i32
          %dma_wait3A_544 = tpu.memref_slice %arg10[%run_scoped3A_496, %dma_wait3A_543] : memref<2x128xi32, #tpu.memory_space<vmem>> -> memref<1x128xi32, #tpu.memory_space<vmem>>
          %dma_wait3A_545 = tpu.memref_squeeze %dma_wait3A_544 : memref<1x128xi32, #tpu.memory_space<vmem>> -> memref<128xi32, #tpu.memory_space<vmem>>
          %dma_wait3A_546 = tpu.memref_slice %arg5[%add3A_495] : memref<160000xi32, #tpu.memory_space<hbm>> -> memref<128xi32, #tpu.memory_space<hbm>>
          %dma_wait3A_547 = arith.constant 0 : i32
          %dma_wait3A_548 = tpu.memref_slice %arg10[%run_scoped3A_496, %dma_wait3A_547] : memref<2x128xi32, #tpu.memory_space<vmem>> -> memref<1x128xi32, #tpu.memory_space<vmem>>
          %dma_wait3A_549 = tpu.memref_squeeze %dma_wait3A_548 : memref<1x128xi32, #tpu.memory_space<vmem>> -> memref<128xi32, #tpu.memory_space<vmem>>
          %dma_wait3A_550 = tpu.memref_slice %arg5[%add3A_495] : memref<160000xi32, #tpu.memory_space<hbm>> -> memref<128xi32, #tpu.memory_space<hbm>>
          tpu.wait_dma2 semaphore(%run_scoped3A_534 : memref<!tpu.dma_semaphore, #tpu.memory_space<semaphore_mem>>) src(%dma_wait3A_550 : memref<128xi32, #tpu.memory_space<hbm>>) dst(%dma_wait3A_549 : memref<128xi32, #tpu.memory_space<vmem>>)
          tpu.yield
        }) : () -> ()
        %run_scoped3A_497 = arith.constant 1 : i32
        "tpu.region"() ({
          %run_scoped3A_534 = tpu.sem_alloc : memref<!tpu.dma_semaphore, #tpu.memory_space<semaphore_mem>>
          %dma_start3A_535 = arith.constant 0 : i32
          %dma_start3A_536 = tpu.memref_slice %arg11[%run_scoped3A_497, %dma_start3A_535] : memref<2x128xi32, #tpu.memory_space<vmem>> -> memref<1x128xi32, #tpu.memory_space<vmem>>
          %dma_start3A_537 = tpu.memref_squeeze %dma_start3A_536 : memref<1x128xi32, #tpu.memory_space<vmem>> -> memref<128xi32, #tpu.memory_space<vmem>>
          %dma_start3A_538 = tpu.memref_slice %arg6[%add3A_495] : memref<160000xi32, #tpu.memory_space<hbm>> -> memref<128xi32, #tpu.memory_space<hbm>>
          %dma_start3A_539 = arith.constant 0 : i32
          %dma_start3A_540 = tpu.memref_slice %arg11[%run_scoped3A_497, %dma_start3A_539] : memref<2x128xi32, #tpu.memory_space<vmem>> -> memref<1x128xi32, #tpu.memory_space<vmem>>
          %dma_start3A_541 = tpu.memref_squeeze %dma_start3A_540 : memref<1x128xi32, #tpu.memory_space<vmem>> -> memref<128xi32, #tpu.memory_space<vmem>>
          %dma_start3A_542 = tpu.memref_slice %arg6[%add3A_495] : memref<160000xi32, #tpu.memory_space<hbm>> -> memref<128xi32, #tpu.memory_space<hbm>>
          tpu.enqueue_dma source(%dma_start3A_542 : memref<128xi32, #tpu.memory_space<hbm>>) target(%dma_start3A_541 : memref<128xi32, #tpu.memory_space<vmem>>) target_semaphore(%run_scoped3A_534 : memref<!tpu.dma_semaphore, #tpu.memory_space<semaphore_mem>>)
          %dma_wait3A_543 = arith.constant 0 : i32
          %dma_wait3A_544 = tpu.memref_slice %arg11[%run_scoped3A_497, %dma_wait3A_543] : memref<2x128xi32, #tpu.memory_space<vmem>> -> memref<1x128xi32, #tpu.memory_space<vmem>>
          %dma_wait3A_545 = tpu.memref_squeeze %dma_wait3A_544 : memref<1x128xi32, #tpu.memory_space<vmem>> -> memref<128xi32, #tpu.memory_space<vmem>>
          %dma_wait3A_546 = tpu.memref_slice %arg6[%add3A_495] : memref<160000xi32, #tpu.memory_space<hbm>> -> memref<128xi32, #tpu.memory_space<hbm>>
          %dma_wait3A_547 = arith.constant 0 : i32
          %dma_wait3A_548 = tpu.memref_slice %arg11[%run_scoped3A_497, %dma_wait3A_547] : memref<2x128xi32, #tpu.memory_space<vmem>> -> memref<1x128xi32, #tpu.memory_space<vmem>>
          %dma_wait3A_549 = tpu.memref_squeeze %dma_wait3A_548 : memref<1x128xi32, #tpu.memory_space<vmem>> -> memref<128xi32, #tpu.memory_space<vmem>>
          %dma_wait3A_550 = tpu.memref_slice %arg6[%add3A_495] : memref<160000xi32, #tpu.memory_space<hbm>> -> memref<128xi32, #tpu.memory_space<hbm>>
          tpu.wait_dma2 semaphore(%run_scoped3A_534 : memref<!tpu.dma_semaphore, #tpu.memory_space<semaphore_mem>>) src(%dma_wait3A_550 : memref<128xi32, #tpu.memory_space<hbm>>) dst(%dma_wait3A_549 : memref<128xi32, #tpu.memory_space<vmem>>)
          tpu.yield
        }) : () -> ()
        %dma_start3A_498 = arith.constant 1 : i32
        %dma_start3A_499 = arith.constant 1 : i32
        %dma_start3A_500 = arith.constant 0 : i32
        %dma_start3A_501 = arith.constant 0 : i32
        %dma_start3A_502 = tpu.memref_slice %arg12[%dma_start3A_499, %dma_start3A_500, %dma_start3A_501] : memref<2x128x128xf32, #tpu.memory_space<vmem>> -> memref<1x128x128xf32, #tpu.memory_space<vmem>>
        %dma_start3A_503 = tpu.memref_squeeze %dma_start3A_502 : memref<1x128x128xf32, #tpu.memory_space<vmem>> -> memref<128x128xf32, #tpu.memory_space<vmem>>
        %dma_start3A_504 = arith.constant 0 : i32
        %dma_start3A_505 = tpu.memref_slice %arg10[%dma_start3A_498, %dma_start3A_504] : memref<2x128xi32, #tpu.memory_space<vmem>> -> memref<1x128xi32, #tpu.memory_space<vmem>>
        %dma_start3A_506 = tpu.memref_squeeze %dma_start3A_505 : memref<1x128xi32, #tpu.memory_space<vmem>> -> memref<128xi32, #tpu.memory_space<vmem>>
        %dma_start3A_507 = arith.constant 0 : i32
        %dma_start3A_508 = arith.constant 0 : i32
        %dma_start3A_509 = tpu.memref_slice %arg2[%dma_start3A_507, %dma_start3A_508] : memref<10000x128xf32, #tpu.memory_space<hbm>> -> memref<10000x128xf32, #tpu.memory_space<hbm>>
        tpu.enqueue_indirect_dma source(%dma_start3A_509 : memref<10000x128xf32, #tpu.memory_space<hbm>>) target(%dma_start3A_503 : memref<128x128xf32, #tpu.memory_space<vmem>>) offsets(%dma_start3A_506 : memref<128xi32, #tpu.memory_space<vmem>>) semaphore(%arg21 : memref<!tpu.dma_semaphore, #tpu.memory_space<semaphore_mem>>)
        %dma_start3A_510 = arith.constant 1 : i32
        %dma_start3A_511 = arith.constant 1 : i32
        %dma_start3A_512 = arith.constant 0 : i32
        %dma_start3A_513 = arith.constant 0 : i32
        %dma_start3A_514 = tpu.memref_slice %arg13[%dma_start3A_511, %dma_start3A_512, %dma_start3A_513] : memref<2x128x128xf32, #tpu.memory_space<vmem>> -> memref<1x128x128xf32, #tpu.memory_space<vmem>>
        %dma_start3A_515 = tpu.memref_squeeze %dma_start3A_514 : memref<1x128x128xf32, #tpu.memory_space<vmem>> -> memref<128x128xf32, #tpu.memory_space<vmem>>
        %dma_start3A_516 = arith.constant 0 : i32
        %dma_start3A_517 = tpu.memref_slice %arg11[%dma_start3A_510, %dma_start3A_516] : memref<2x128xi32, #tpu.memory_space<vmem>> -> memref<1x128xi32, #tpu.memory_space<vmem>>
        %dma_start3A_518 = tpu.memref_squeeze %dma_start3A_517 : memref<1x128xi32, #tpu.memory_space<vmem>> -> memref<128xi32, #tpu.memory_space<vmem>>
        %dma_start3A_519 = arith.constant 0 : i32
        %dma_start3A_520 = arith.constant 0 : i32
        %dma_start3A_521 = tpu.memref_slice %arg3[%dma_start3A_519, %dma_start3A_520] : memref<10000x128xf32, #tpu.memory_space<hbm>> -> memref<10000x128xf32, #tpu.memory_space<hbm>>
        tpu.enqueue_indirect_dma source(%dma_start3A_521 : memref<10000x128xf32, #tpu.memory_space<hbm>>) target(%dma_start3A_515 : memref<128x128xf32, #tpu.memory_space<vmem>>) offsets(%dma_start3A_518 : memref<128xi32, #tpu.memory_space<vmem>>) semaphore(%arg21 : memref<!tpu.dma_semaphore, #tpu.memory_space<semaphore_mem>>)
        %dma_start3A_522 = arith.constant 1 : i32
        %dma_start3A_523 = arith.constant 1 : i32
        %dma_start3A_524 = arith.constant 0 : i32
        %dma_start3A_525 = arith.constant 0 : i32
        %dma_start3A_526 = tpu.memref_slice %arg14[%dma_start3A_523, %dma_start3A_524, %dma_start3A_525] : memref<2x128x128xf32, #tpu.memory_space<vmem>> -> memref<1x128x128xf32, #tpu.memory_space<vmem>>
        %dma_start3A_527 = tpu.memref_squeeze %dma_start3A_526 : memref<1x128x128xf32, #tpu.memory_space<vmem>> -> memref<128x128xf32, #tpu.memory_space<vmem>>
        %dma_start3A_528 = arith.constant 0 : i32
        %dma_start3A_529 = tpu.memref_slice %arg11[%dma_start3A_522, %dma_start3A_528] : memref<2x128xi32, #tpu.memory_space<vmem>> -> memref<1x128xi32, #tpu.memory_space<vmem>>
        %dma_start3A_530 = tpu.memref_squeeze %dma_start3A_529 : memref<1x128xi32, #tpu.memory_space<vmem>> -> memref<128xi32, #tpu.memory_space<vmem>>
        %dma_start3A_531 = arith.constant 0 : i32
        %dma_start3A_532 = arith.constant 0 : i32
        %dma_start3A_533 = tpu.memref_slice %arg4[%dma_start3A_531, %dma_start3A_532] : memref<10000x128xf32, #tpu.memory_space<hbm>> -> memref<10000x128xf32, #tpu.memory_space<hbm>>
        tpu.enqueue_indirect_dma source(%dma_start3A_533 : memref<10000x128xf32, #tpu.memory_space<hbm>>) target(%dma_start3A_527 : memref<128x128xf32, #tpu.memory_space<vmem>>) offsets(%dma_start3A_530 : memref<128xi32, #tpu.memory_space<vmem>>) semaphore(%arg21 : memref<!tpu.dma_semaphore, #tpu.memory_space<semaphore_mem>>)
      } else {
      }
      %mul3A_392 = arith.constant 2 : i32
      %mul3A_393 = arith.muli %scan3A_296, %mul3A_392 : i32
      %add3A_394 = arith.constant 1 : i32
      %add3A_395 = arith.addi %mul3A_393, %add3A_394 : i32
      %mul3A_396 = arith.constant 128 : i32
      %mul3A_397 = arith.muli %add3A_395, %mul3A_396 : i32
      %add3A_398 = arith.addi %mul3A_2, %mul3A_397 : i32
      %dma_wait3A_399 = arith.constant 1 : i32
      %dma_wait3A_400 = arith.constant 0 : i32
      %dma_wait3A_401 = arith.constant 0 : i32
      %dma_wait3A_402 = tpu.memref_slice %arg12[%dma_wait3A_399, %dma_wait3A_400, %dma_wait3A_401] : memref<2x128x128xf32, #tpu.memory_space<vmem>> -> memref<1x128x128xf32, #tpu.memory_space<vmem>>
      %dma_wait3A_403 = tpu.memref_squeeze %dma_wait3A_402 : memref<1x128x128xf32, #tpu.memory_space<vmem>> -> memref<128x128xf32, #tpu.memory_space<vmem>>
      %dma_wait3A_404 = arith.constant 0 : i32
      %dma_wait3A_405 = arith.constant 0 : i32
      %dma_wait3A_406 = tpu.memref_slice %arg2[%dma_wait3A_404, %dma_wait3A_405] : memref<10000x128xf32, #tpu.memory_space<hbm>> -> memref<128x128xf32, #tpu.memory_space<hbm>>
      %dma_wait3A_407 = arith.constant 0 : i32
      %dma_wait3A_408 = arith.constant 0 : i32
      %dma_wait3A_409 = tpu.memref_slice %arg12[%dma_wait3A_399, %dma_wait3A_407, %dma_wait3A_408] : memref<2x128x128xf32, #tpu.memory_space<vmem>> -> memref<1x128x128xf32, #tpu.memory_space<vmem>>
      %dma_wait3A_410 = tpu.memref_squeeze %dma_wait3A_409 : memref<1x128x128xf32, #tpu.memory_space<vmem>> -> memref<128x128xf32, #tpu.memory_space<vmem>>
      %dma_wait3A_411 = arith.constant 0 : i32
      %dma_wait3A_412 = arith.constant 0 : i32
      %dma_wait3A_413 = tpu.memref_slice %arg2[%dma_wait3A_411, %dma_wait3A_412] : memref<10000x128xf32, #tpu.memory_space<hbm>> -> memref<128x128xf32, #tpu.memory_space<hbm>>
      tpu.wait_dma2 semaphore(%arg21 : memref<!tpu.dma_semaphore, #tpu.memory_space<semaphore_mem>>) src(%dma_wait3A_413 : memref<128x128xf32, #tpu.memory_space<hbm>>) dst(%dma_wait3A_410 : memref<128x128xf32, #tpu.memory_space<vmem>>)
      %dma_wait3A_414 = arith.constant 1 : i32
      %dma_wait3A_415 = arith.constant 0 : i32
      %dma_wait3A_416 = arith.constant 0 : i32
      %dma_wait3A_417 = tpu.memref_slice %arg13[%dma_wait3A_414, %dma_wait3A_415, %dma_wait3A_416] : memref<2x128x128xf32, #tpu.memory_space<vmem>> -> memref<1x128x128xf32, #tpu.memory_space<vmem>>
      %dma_wait3A_418 = tpu.memref_squeeze %dma_wait3A_417 : memref<1x128x128xf32, #tpu.memory_space<vmem>> -> memref<128x128xf32, #tpu.memory_space<vmem>>
      %dma_wait3A_419 = arith.constant 0 : i32
      %dma_wait3A_420 = arith.constant 0 : i32
      %dma_wait3A_421 = tpu.memref_slice %arg2[%dma_wait3A_419, %dma_wait3A_420] : memref<10000x128xf32, #tpu.memory_space<hbm>> -> memref<128x128xf32, #tpu.memory_space<hbm>>
      %dma_wait3A_422 = arith.constant 0 : i32
      %dma_wait3A_423 = arith.constant 0 : i32
      %dma_wait3A_424 = tpu.memref_slice %arg13[%dma_wait3A_414, %dma_wait3A_422, %dma_wait3A_423] : memref<2x128x128xf32, #tpu.memory_space<vmem>> -> memref<1x128x128xf32, #tpu.memory_space<vmem>>
      %dma_wait3A_425 = tpu.memref_squeeze %dma_wait3A_424 : memref<1x128x128xf32, #tpu.memory_space<vmem>> -> memref<128x128xf32, #tpu.memory_space<vmem>>
      %dma_wait3A_426 = arith.constant 0 : i32
      %dma_wait3A_427 = arith.constant 0 : i32
      %dma_wait3A_428 = tpu.memref_slice %arg2[%dma_wait3A_426, %dma_wait3A_427] : memref<10000x128xf32, #tpu.memory_space<hbm>> -> memref<128x128xf32, #tpu.memory_space<hbm>>
      tpu.wait_dma2 semaphore(%arg21 : memref<!tpu.dma_semaphore, #tpu.memory_space<semaphore_mem>>) src(%dma_wait3A_428 : memref<128x128xf32, #tpu.memory_space<hbm>>) dst(%dma_wait3A_425 : memref<128x128xf32, #tpu.memory_space<vmem>>)
      %dma_wait3A_429 = arith.constant 1 : i32
      %dma_wait3A_430 = arith.constant 0 : i32
      %dma_wait3A_431 = arith.constant 0 : i32
      %dma_wait3A_432 = tpu.memref_slice %arg14[%dma_wait3A_429, %dma_wait3A_430, %dma_wait3A_431] : memref<2x128x128xf32, #tpu.memory_space<vmem>> -> memref<1x128x128xf32, #tpu.memory_space<vmem>>
      %dma_wait3A_433 = tpu.memref_squeeze %dma_wait3A_432 : memref<1x128x128xf32, #tpu.memory_space<vmem>> -> memref<128x128xf32, #tpu.memory_space<vmem>>
      %dma_wait3A_434 = arith.constant 0 : i32
      %dma_wait3A_435 = arith.constant 0 : i32
      %dma_wait3A_436 = tpu.memref_slice %arg2[%dma_wait3A_434, %dma_wait3A_435] : memref<10000x128xf32, #tpu.memory_space<hbm>> -> memref<128x128xf32, #tpu.memory_space<hbm>>
      %dma_wait3A_437 = arith.constant 0 : i32
      %dma_wait3A_438 = arith.constant 0 : i32
      %dma_wait3A_439 = tpu.memref_slice %arg14[%dma_wait3A_429, %dma_wait3A_437, %dma_wait3A_438] : memref<2x128x128xf32, #tpu.memory_space<vmem>> -> memref<1x128x128xf32, #tpu.memory_space<vmem>>
      %dma_wait3A_440 = tpu.memref_squeeze %dma_wait3A_439 : memref<1x128x128xf32, #tpu.memory_space<vmem>> -> memref<128x128xf32, #tpu.memory_space<vmem>>
      %dma_wait3A_441 = arith.constant 0 : i32
      %dma_wait3A_442 = arith.constant 0 : i32
      %dma_wait3A_443 = tpu.memref_slice %arg2[%dma_wait3A_441, %dma_wait3A_442] : memref<10000x128xf32, #tpu.memory_space<hbm>> -> memref<128x128xf32, #tpu.memory_space<hbm>>
      tpu.wait_dma2 semaphore(%arg21 : memref<!tpu.dma_semaphore, #tpu.memory_space<semaphore_mem>>) src(%dma_wait3A_443 : memref<128x128xf32, #tpu.memory_space<hbm>>) dst(%dma_wait3A_440 : memref<128x128xf32, #tpu.memory_space<vmem>>)
      %dma_start3A_444 = arith.constant 1 : i32
      %dma_start3A_445 = arith.constant 0 : i32
      %dma_start3A_446 = arith.constant 0 : i32
      %dma_start3A_447 = tpu.memref_slice %arg12[%dma_start3A_444, %dma_start3A_445, %dma_start3A_446] : memref<2x128x128xf32, #tpu.memory_space<vmem>> -> memref<1x128x128xf32, #tpu.memory_space<vmem>>
      %dma_start3A_448 = tpu.memref_squeeze %dma_start3A_447 : memref<1x128x128xf32, #tpu.memory_space<vmem>> -> memref<128x128xf32, #tpu.memory_space<vmem>>
      %dma_start3A_449 = arith.constant 0 : i32
      %dma_start3A_450 = tpu.memref_slice %arg7[%add3A_398, %dma_start3A_449] : memref<160000x128xf32, #tpu.memory_space<hbm>> -> memref<128x128xf32, #tpu.memory_space<hbm>>
      %dma_start3A_451 = arith.constant 0 : i32
      %dma_start3A_452 = tpu.memref_slice %arg7[%add3A_398, %dma_start3A_451] : memref<160000x128xf32, #tpu.memory_space<hbm>> -> memref<128x128xf32, #tpu.memory_space<hbm>>
      %dma_start3A_453 = arith.constant 0 : i32
      %dma_start3A_454 = arith.constant 0 : i32
      %dma_start3A_455 = tpu.memref_slice %arg12[%dma_start3A_444, %dma_start3A_453, %dma_start3A_454] : memref<2x128x128xf32, #tpu.memory_space<vmem>> -> memref<1x128x128xf32, #tpu.memory_space<vmem>>
      %dma_start3A_456 = tpu.memref_squeeze %dma_start3A_455 : memref<1x128x128xf32, #tpu.memory_space<vmem>> -> memref<128x128xf32, #tpu.memory_space<vmem>>
      tpu.enqueue_dma source(%dma_start3A_456 : memref<128x128xf32, #tpu.memory_space<vmem>>) target(%dma_start3A_452 : memref<128x128xf32, #tpu.memory_space<hbm>>) target_semaphore(%arg23 : memref<!tpu.dma_semaphore, #tpu.memory_space<semaphore_mem>>)
      %dma_start3A_457 = arith.constant 1 : i32
      %dma_start3A_458 = arith.constant 0 : i32
      %dma_start3A_459 = arith.constant 0 : i32
      %dma_start3A_460 = tpu.memref_slice %arg13[%dma_start3A_457, %dma_start3A_458, %dma_start3A_459] : memref<2x128x128xf32, #tpu.memory_space<vmem>> -> memref<1x128x128xf32, #tpu.memory_space<vmem>>
      %dma_start3A_461 = tpu.memref_squeeze %dma_start3A_460 : memref<1x128x128xf32, #tpu.memory_space<vmem>> -> memref<128x128xf32, #tpu.memory_space<vmem>>
      %dma_start3A_462 = arith.constant 0 : i32
      %dma_start3A_463 = tpu.memref_slice %arg8[%add3A_398, %dma_start3A_462] : memref<160000x128xf32, #tpu.memory_space<hbm>> -> memref<128x128xf32, #tpu.memory_space<hbm>>
      %dma_start3A_464 = arith.constant 0 : i32
      %dma_start3A_465 = tpu.memref_slice %arg8[%add3A_398, %dma_start3A_464] : memref<160000x128xf32, #tpu.memory_space<hbm>> -> memref<128x128xf32, #tpu.memory_space<hbm>>
      %dma_start3A_466 = arith.constant 0 : i32
      %dma_start3A_467 = arith.constant 0 : i32
      %dma_start3A_468 = tpu.memref_slice %arg13[%dma_start3A_457, %dma_start3A_466, %dma_start3A_467] : memref<2x128x128xf32, #tpu.memory_space<vmem>> -> memref<1x128x128xf32, #tpu.memory_space<vmem>>
      %dma_start3A_469 = tpu.memref_squeeze %dma_start3A_468 : memref<1x128x128xf32, #tpu.memory_space<vmem>> -> memref<128x128xf32, #tpu.memory_space<vmem>>
      tpu.enqueue_dma source(%dma_start3A_469 : memref<128x128xf32, #tpu.memory_space<vmem>>) target(%dma_start3A_465 : memref<128x128xf32, #tpu.memory_space<hbm>>) target_semaphore(%arg23 : memref<!tpu.dma_semaphore, #tpu.memory_space<semaphore_mem>>)
      %dma_start3A_470 = arith.constant 1 : i32
      %dma_start3A_471 = arith.constant 0 : i32
      %dma_start3A_472 = arith.constant 0 : i32
      %dma_start3A_473 = tpu.memref_slice %arg14[%dma_start3A_470, %dma_start3A_471, %dma_start3A_472] : memref<2x128x128xf32, #tpu.memory_space<vmem>> -> memref<1x128x128xf32, #tpu.memory_space<vmem>>
      %dma_start3A_474 = tpu.memref_squeeze %dma_start3A_473 : memref<1x128x128xf32, #tpu.memory_space<vmem>> -> memref<128x128xf32, #tpu.memory_space<vmem>>
      %dma_start3A_475 = arith.constant 0 : i32
      %dma_start3A_476 = tpu.memref_slice %arg9[%add3A_398, %dma_start3A_475] : memref<160000x128xf32, #tpu.memory_space<hbm>> -> memref<128x128xf32, #tpu.memory_space<hbm>>
      %dma_start3A_477 = arith.constant 0 : i32
      %dma_start3A_478 = tpu.memref_slice %arg9[%add3A_398, %dma_start3A_477] : memref<160000x128xf32, #tpu.memory_space<hbm>> -> memref<128x128xf32, #tpu.memory_space<hbm>>
      %dma_start3A_479 = arith.constant 0 : i32
      %dma_start3A_480 = arith.constant 0 : i32
      %dma_start3A_481 = tpu.memref_slice %arg14[%dma_start3A_470, %dma_start3A_479, %dma_start3A_480] : memref<2x128x128xf32, #tpu.memory_space<vmem>> -> memref<1x128x128xf32, #tpu.memory_space<vmem>>
      %dma_start3A_482 = tpu.memref_squeeze %dma_start3A_481 : memref<1x128x128xf32, #tpu.memory_space<vmem>> -> memref<128x128xf32, #tpu.memory_space<vmem>>
      tpu.enqueue_dma source(%dma_start3A_482 : memref<128x128xf32, #tpu.memory_space<vmem>>) target(%dma_start3A_478 : memref<128x128xf32, #tpu.memory_space<hbm>>) target_semaphore(%arg23 : memref<!tpu.dma_semaphore, #tpu.memory_space<semaphore_mem>>)
      %add3A_483 = arith.constant 1 : i32
      %add3A_484 = arith.addi %add3A_395, %add3A_483 : i32
      %lt3A_485 = arith.constant 39 : i32
      %lt3A_486 = arith.cmpi slt, %add3A_484, %lt3A_485 : i32
      %convert_element_type3A_487 = arith.extui %lt3A_486 : i1 to i32
      %cond3A_488 = arith.constant 0 : i32
      %cond3A_489 = arith.cmpi ne, %convert_element_type3A_487, %cond3A_488 : i32
      scf.if %cond3A_489 {
        %gt3A = arith.constant 0 : i32
        %gt3A_490 = arith.cmpi sgt, %add3A_395, %gt3A : i32
        %convert_element_type3A_491 = arith.extui %gt3A_490 : i1 to i32
        %cond3A_492 = arith.constant 0 : i32
        %cond3A_493 = arith.cmpi ne, %convert_element_type3A_491, %cond3A_492 : i32
        scf.if %cond3A_493 {
          %dma_wait3A_534 = arith.constant 0 : i32
          %dma_wait3A_535 = arith.constant 0 : i32
          %dma_wait3A_536 = arith.constant 0 : i32
          %dma_wait3A_537 = tpu.memref_slice %arg12[%dma_wait3A_534, %dma_wait3A_535, %dma_wait3A_536] : memref<2x128x128xf32, #tpu.memory_space<vmem>> -> memref<1x128x128xf32, #tpu.memory_space<vmem>>
          %dma_wait3A_538 = tpu.memref_squeeze %dma_wait3A_537 : memref<1x128x128xf32, #tpu.memory_space<vmem>> -> memref<128x128xf32, #tpu.memory_space<vmem>>
          %dma_wait3A_539 = arith.constant 0 : i32
          %dma_wait3A_540 = arith.constant 0 : i32
          %dma_wait3A_541 = tpu.memref_slice %dma_wait3A_538[%dma_wait3A_539, %dma_wait3A_540] : memref<128x128xf32, #tpu.memory_space<vmem>> -> memref<128x128xf32, #tpu.memory_space<vmem>>
          %dma_wait3A_542 = arith.constant 0 : i32
          %dma_wait3A_543 = tpu.memref_slice %arg7[%mul3A_2, %dma_wait3A_542] : memref<160000x128xf32, #tpu.memory_space<hbm>> -> memref<128x128xf32, #tpu.memory_space<hbm>>
          %dma_wait3A_544 = arith.constant 0 : i32
          %dma_wait3A_545 = tpu.memref_slice %arg7[%mul3A_2, %dma_wait3A_544] : memref<160000x128xf32, #tpu.memory_space<hbm>> -> memref<128x128xf32, #tpu.memory_space<hbm>>
          %dma_wait3A_546 = arith.constant 0 : i32
          %dma_wait3A_547 = arith.constant 0 : i32
          %dma_wait3A_548 = tpu.memref_slice %arg12[%dma_wait3A_534, %dma_wait3A_546, %dma_wait3A_547] : memref<2x128x128xf32, #tpu.memory_space<vmem>> -> memref<1x128x128xf32, #tpu.memory_space<vmem>>
          %dma_wait3A_549 = tpu.memref_squeeze %dma_wait3A_548 : memref<1x128x128xf32, #tpu.memory_space<vmem>> -> memref<128x128xf32, #tpu.memory_space<vmem>>
          %dma_wait3A_550 = arith.constant 0 : i32
          %dma_wait3A_551 = arith.constant 0 : i32
          %dma_wait3A_552 = tpu.memref_slice %dma_wait3A_549[%dma_wait3A_550, %dma_wait3A_551] : memref<128x128xf32, #tpu.memory_space<vmem>> -> memref<128x128xf32, #tpu.memory_space<vmem>>
          tpu.wait_dma2 semaphore(%arg22 : memref<!tpu.dma_semaphore, #tpu.memory_space<semaphore_mem>>) src(%dma_wait3A_552 : memref<128x128xf32, #tpu.memory_space<vmem>>) dst(%dma_wait3A_545 : memref<128x128xf32, #tpu.memory_space<hbm>>)
          %dma_wait3A_553 = arith.constant 0 : i32
          %dma_wait3A_554 = arith.constant 0 : i32
          %dma_wait3A_555 = arith.constant 0 : i32
          %dma_wait3A_556 = tpu.memref_slice %arg13[%dma_wait3A_553, %dma_wait3A_554, %dma_wait3A_555] : memref<2x128x128xf32, #tpu.memory_space<vmem>> -> memref<1x128x128xf32, #tpu.memory_space<vmem>>
          %dma_wait3A_557 = tpu.memref_squeeze %dma_wait3A_556 : memref<1x128x128xf32, #tpu.memory_space<vmem>> -> memref<128x128xf32, #tpu.memory_space<vmem>>
          %dma_wait3A_558 = arith.constant 0 : i32
          %dma_wait3A_559 = arith.constant 0 : i32
          %dma_wait3A_560 = tpu.memref_slice %dma_wait3A_557[%dma_wait3A_558, %dma_wait3A_559] : memref<128x128xf32, #tpu.memory_space<vmem>> -> memref<128x128xf32, #tpu.memory_space<vmem>>
          %dma_wait3A_561 = arith.constant 0 : i32
          %dma_wait3A_562 = tpu.memref_slice %arg8[%mul3A_2, %dma_wait3A_561] : memref<160000x128xf32, #tpu.memory_space<hbm>> -> memref<128x128xf32, #tpu.memory_space<hbm>>
          %dma_wait3A_563 = arith.constant 0 : i32
          %dma_wait3A_564 = tpu.memref_slice %arg8[%mul3A_2, %dma_wait3A_563] : memref<160000x128xf32, #tpu.memory_space<hbm>> -> memref<128x128xf32, #tpu.memory_space<hbm>>
          %dma_wait3A_565 = arith.constant 0 : i32
          %dma_wait3A_566 = arith.constant 0 : i32
          %dma_wait3A_567 = tpu.memref_slice %arg13[%dma_wait3A_553, %dma_wait3A_565, %dma_wait3A_566] : memref<2x128x128xf32, #tpu.memory_space<vmem>> -> memref<1x128x128xf32, #tpu.memory_space<vmem>>
          %dma_wait3A_568 = tpu.memref_squeeze %dma_wait3A_567 : memref<1x128x128xf32, #tpu.memory_space<vmem>> -> memref<128x128xf32, #tpu.memory_space<vmem>>
          %dma_wait3A_569 = arith.constant 0 : i32
          %dma_wait3A_570 = arith.constant 0 : i32
          %dma_wait3A_571 = tpu.memref_slice %dma_wait3A_568[%dma_wait3A_569, %dma_wait3A_570] : memref<128x128xf32, #tpu.memory_space<vmem>> -> memref<128x128xf32, #tpu.memory_space<vmem>>
          tpu.wait_dma2 semaphore(%arg22 : memref<!tpu.dma_semaphore, #tpu.memory_space<semaphore_mem>>) src(%dma_wait3A_571 : memref<128x128xf32, #tpu.memory_space<vmem>>) dst(%dma_wait3A_564 : memref<128x128xf32, #tpu.memory_space<hbm>>)
          %dma_wait3A_572 = arith.constant 0 : i32
          %dma_wait3A_573 = arith.constant 0 : i32
          %dma_wait3A_574 = arith.constant 0 : i32
          %dma_wait3A_575 = tpu.memref_slice %arg14[%dma_wait3A_572, %dma_wait3A_573, %dma_wait3A_574] : memref<2x128x128xf32, #tpu.memory_space<vmem>> -> memref<1x128x128xf32, #tpu.memory_space<vmem>>
          %dma_wait3A_576 = tpu.memref_squeeze %dma_wait3A_575 : memref<1x128x128xf32, #tpu.memory_space<vmem>> -> memref<128x128xf32, #tpu.memory_space<vmem>>
          %dma_wait3A_577 = arith.constant 0 : i32
          %dma_wait3A_578 = arith.constant 0 : i32
          %dma_wait3A_579 = tpu.memref_slice %dma_wait3A_576[%dma_wait3A_577, %dma_wait3A_578] : memref<128x128xf32, #tpu.memory_space<vmem>> -> memref<128x128xf32, #tpu.memory_space<vmem>>
          %dma_wait3A_580 = arith.constant 0 : i32
          %dma_wait3A_581 = tpu.memref_slice %arg9[%mul3A_2, %dma_wait3A_580] : memref<160000x128xf32, #tpu.memory_space<hbm>> -> memref<128x128xf32, #tpu.memory_space<hbm>>
          %dma_wait3A_582 = arith.constant 0 : i32
          %dma_wait3A_583 = tpu.memref_slice %arg9[%mul3A_2, %dma_wait3A_582] : memref<160000x128xf32, #tpu.memory_space<hbm>> -> memref<128x128xf32, #tpu.memory_space<hbm>>
          %dma_wait3A_584 = arith.constant 0 : i32
          %dma_wait3A_585 = arith.constant 0 : i32
          %dma_wait3A_586 = tpu.memref_slice %arg14[%dma_wait3A_572, %dma_wait3A_584, %dma_wait3A_585] : memref<2x128x128xf32, #tpu.memory_space<vmem>> -> memref<1x128x128xf32, #tpu.memory_space<vmem>>
          %dma_wait3A_587 = tpu.memref_squeeze %dma_wait3A_586 : memref<1x128x128xf32, #tpu.memory_space<vmem>> -> memref<128x128xf32, #tpu.memory_space<vmem>>
          %dma_wait3A_588 = arith.constant 0 : i32
          %dma_wait3A_589 = arith.constant 0 : i32
          %dma_wait3A_590 = tpu.memref_slice %dma_wait3A_587[%dma_wait3A_588, %dma_wait3A_589] : memref<128x128xf32, #tpu.memory_space<vmem>> -> memref<128x128xf32, #tpu.memory_space<vmem>>
          tpu.wait_dma2 semaphore(%arg22 : memref<!tpu.dma_semaphore, #tpu.memory_space<semaphore_mem>>) src(%dma_wait3A_590 : memref<128x128xf32, #tpu.memory_space<vmem>>) dst(%dma_wait3A_583 : memref<128x128xf32, #tpu.memory_space<hbm>>)
        } else {
        }
        %add3A_494 = arith.constant 128 : i32
        %add3A_495 = arith.addi %add3A_398, %add3A_494 : i32
        %run_scoped3A_496 = arith.constant 0 : i32
        "tpu.region"() ({
          %run_scoped3A_534 = tpu.sem_alloc : memref<!tpu.dma_semaphore, #tpu.memory_space<semaphore_mem>>
          %dma_start3A_535 = arith.constant 0 : i32
          %dma_start3A_536 = tpu.memref_slice %arg10[%run_scoped3A_496, %dma_start3A_535] : memref<2x128xi32, #tpu.memory_space<vmem>> -> memref<1x128xi32, #tpu.memory_space<vmem>>
          %dma_start3A_537 = tpu.memref_squeeze %dma_start3A_536 : memref<1x128xi32, #tpu.memory_space<vmem>> -> memref<128xi32, #tpu.memory_space<vmem>>
          %dma_start3A_538 = tpu.memref_slice %arg5[%add3A_495] : memref<160000xi32, #tpu.memory_space<hbm>> -> memref<128xi32, #tpu.memory_space<hbm>>
          %dma_start3A_539 = arith.constant 0 : i32
          %dma_start3A_540 = tpu.memref_slice %arg10[%run_scoped3A_496, %dma_start3A_539] : memref<2x128xi32, #tpu.memory_space<vmem>> -> memref<1x128xi32, #tpu.memory_space<vmem>>
          %dma_start3A_541 = tpu.memref_squeeze %dma_start3A_540 : memref<1x128xi32, #tpu.memory_space<vmem>> -> memref<128xi32, #tpu.memory_space<vmem>>
          %dma_start3A_542 = tpu.memref_slice %arg5[%add3A_495] : memref<160000xi32, #tpu.memory_space<hbm>> -> memref<128xi32, #tpu.memory_space<hbm>>
          tpu.enqueue_dma source(%dma_start3A_542 : memref<128xi32, #tpu.memory_space<hbm>>) target(%dma_start3A_541 : memref<128xi32, #tpu.memory_space<vmem>>) target_semaphore(%run_scoped3A_534 : memref<!tpu.dma_semaphore, #tpu.memory_space<semaphore_mem>>)
          %dma_wait3A_543 = arith.constant 0 : i32
          %dma_wait3A_544 = tpu.memref_slice %arg10[%run_scoped3A_496, %dma_wait3A_543] : memref<2x128xi32, #tpu.memory_space<vmem>> -> memref<1x128xi32, #tpu.memory_space<vmem>>
          %dma_wait3A_545 = tpu.memref_squeeze %dma_wait3A_544 : memref<1x128xi32, #tpu.memory_space<vmem>> -> memref<128xi32, #tpu.memory_space<vmem>>
          %dma_wait3A_546 = tpu.memref_slice %arg5[%add3A_495] : memref<160000xi32, #tpu.memory_space<hbm>> -> memref<128xi32, #tpu.memory_space<hbm>>
          %dma_wait3A_547 = arith.constant 0 : i32
          %dma_wait3A_548 = tpu.memref_slice %arg10[%run_scoped3A_496, %dma_wait3A_547] : memref<2x128xi32, #tpu.memory_space<vmem>> -> memref<1x128xi32, #tpu.memory_space<vmem>>
          %dma_wait3A_549 = tpu.memref_squeeze %dma_wait3A_548 : memref<1x128xi32, #tpu.memory_space<vmem>> -> memref<128xi32, #tpu.memory_space<vmem>>
          %dma_wait3A_550 = tpu.memref_slice %arg5[%add3A_495] : memref<160000xi32, #tpu.memory_space<hbm>> -> memref<128xi32, #tpu.memory_space<hbm>>
          tpu.wait_dma2 semaphore(%run_scoped3A_534 : memref<!tpu.dma_semaphore, #tpu.memory_space<semaphore_mem>>) src(%dma_wait3A_550 : memref<128xi32, #tpu.memory_space<hbm>>) dst(%dma_wait3A_549 : memref<128xi32, #tpu.memory_space<vmem>>)
          tpu.yield
        }) : () -> ()
        %run_scoped3A_497 = arith.constant 0 : i32
        "tpu.region"() ({
          %run_scoped3A_534 = tpu.sem_alloc : memref<!tpu.dma_semaphore, #tpu.memory_space<semaphore_mem>>
          %dma_start3A_535 = arith.constant 0 : i32
          %dma_start3A_536 = tpu.memref_slice %arg11[%run_scoped3A_497, %dma_start3A_535] : memref<2x128xi32, #tpu.memory_space<vmem>> -> memref<1x128xi32, #tpu.memory_space<vmem>>
          %dma_start3A_537 = tpu.memref_squeeze %dma_start3A_536 : memref<1x128xi32, #tpu.memory_space<vmem>> -> memref<128xi32, #tpu.memory_space<vmem>>
          %dma_start3A_538 = tpu.memref_slice %arg6[%add3A_495] : memref<160000xi32, #tpu.memory_space<hbm>> -> memref<128xi32, #tpu.memory_space<hbm>>
          %dma_start3A_539 = arith.constant 0 : i32
          %dma_start3A_540 = tpu.memref_slice %arg11[%run_scoped3A_497, %dma_start3A_539] : memref<2x128xi32, #tpu.memory_space<vmem>> -> memref<1x128xi32, #tpu.memory_space<vmem>>
          %dma_start3A_541 = tpu.memref_squeeze %dma_start3A_540 : memref<1x128xi32, #tpu.memory_space<vmem>> -> memref<128xi32, #tpu.memory_space<vmem>>
          %dma_start3A_542 = tpu.memref_slice %arg6[%add3A_495] : memref<160000xi32, #tpu.memory_space<hbm>> -> memref<128xi32, #tpu.memory_space<hbm>>
          tpu.enqueue_dma source(%dma_start3A_542 : memref<128xi32, #tpu.memory_space<hbm>>) target(%dma_start3A_541 : memref<128xi32, #tpu.memory_space<vmem>>) target_semaphore(%run_scoped3A_534 : memref<!tpu.dma_semaphore, #tpu.memory_space<semaphore_mem>>)
          %dma_wait3A_543 = arith.constant 0 : i32
          %dma_wait3A_544 = tpu.memref_slice %arg11[%run_scoped3A_497, %dma_wait3A_543] : memref<2x128xi32, #tpu.memory_space<vmem>> -> memref<1x128xi32, #tpu.memory_space<vmem>>
          %dma_wait3A_545 = tpu.memref_squeeze %dma_wait3A_544 : memref<1x128xi32, #tpu.memory_space<vmem>> -> memref<128xi32, #tpu.memory_space<vmem>>
          %dma_wait3A_546 = tpu.memref_slice %arg6[%add3A_495] : memref<160000xi32, #tpu.memory_space<hbm>> -> memref<128xi32, #tpu.memory_space<hbm>>
          %dma_wait3A_547 = arith.constant 0 : i32
          %dma_wait3A_548 = tpu.memref_slice %arg11[%run_scoped3A_497, %dma_wait3A_547] : memref<2x128xi32, #tpu.memory_space<vmem>> -> memref<1x128xi32, #tpu.memory_space<vmem>>
          %dma_wait3A_549 = tpu.memref_squeeze %dma_wait3A_548 : memref<1x128xi32, #tpu.memory_space<vmem>> -> memref<128xi32, #tpu.memory_space<vmem>>
          %dma_wait3A_550 = tpu.memref_slice %arg6[%add3A_495] : memref<160000xi32, #tpu.memory_space<hbm>> -> memref<128xi32, #tpu.memory_space<hbm>>
          tpu.wait_dma2 semaphore(%run_scoped3A_534 : memref<!tpu.dma_semaphore, #tpu.memory_space<semaphore_mem>>) src(%dma_wait3A_550 : memref<128xi32, #tpu.memory_space<hbm>>) dst(%dma_wait3A_549 : memref<128xi32, #tpu.memory_space<vmem>>)
          tpu.yield
        }) : () -> ()
        %dma_start3A_498 = arith.constant 0 : i32
        %dma_start3A_499 = arith.constant 0 : i32
        %dma_start3A_500 = arith.constant 0 : i32
        %dma_start3A_501 = arith.constant 0 : i32
        %dma_start3A_502 = tpu.memref_slice %arg12[%dma_start3A_499, %dma_start3A_500, %dma_start3A_501] : memref<2x128x128xf32, #tpu.memory_space<vmem>> -> memref<1x128x128xf32, #tpu.memory_space<vmem>>
        %dma_start3A_503 = tpu.memref_squeeze %dma_start3A_502 : memref<1x128x128xf32, #tpu.memory_space<vmem>> -> memref<128x128xf32, #tpu.memory_space<vmem>>
        %dma_start3A_504 = arith.constant 0 : i32
        %dma_start3A_505 = tpu.memref_slice %arg10[%dma_start3A_498, %dma_start3A_504] : memref<2x128xi32, #tpu.memory_space<vmem>> -> memref<1x128xi32, #tpu.memory_space<vmem>>
        %dma_start3A_506 = tpu.memref_squeeze %dma_start3A_505 : memref<1x128xi32, #tpu.memory_space<vmem>> -> memref<128xi32, #tpu.memory_space<vmem>>
        %dma_start3A_507 = arith.constant 0 : i32
        %dma_start3A_508 = arith.constant 0 : i32
        %dma_start3A_509 = tpu.memref_slice %arg2[%dma_start3A_507, %dma_start3A_508] : memref<10000x128xf32, #tpu.memory_space<hbm>> -> memref<10000x128xf32, #tpu.memory_space<hbm>>
        tpu.enqueue_indirect_dma source(%dma_start3A_509 : memref<10000x128xf32, #tpu.memory_space<hbm>>) target(%dma_start3A_503 : memref<128x128xf32, #tpu.memory_space<vmem>>) offsets(%dma_start3A_506 : memref<128xi32, #tpu.memory_space<vmem>>) semaphore(%arg20 : memref<!tpu.dma_semaphore, #tpu.memory_space<semaphore_mem>>)
        %dma_start3A_510 = arith.constant 0 : i32
        %dma_start3A_511 = arith.constant 0 : i32
        %dma_start3A_512 = arith.constant 0 : i32
        %dma_start3A_513 = arith.constant 0 : i32
        %dma_start3A_514 = tpu.memref_slice %arg13[%dma_start3A_511, %dma_start3A_512, %dma_start3A_513] : memref<2x128x128xf32, #tpu.memory_space<vmem>> -> memref<1x128x128xf32, #tpu.memory_space<vmem>>
        %dma_start3A_515 = tpu.memref_squeeze %dma_start3A_514 : memref<1x128x128xf32, #tpu.memory_space<vmem>> -> memref<128x128xf32, #tpu.memory_space<vmem>>
        %dma_start3A_516 = arith.constant 0 : i32
        %dma_start3A_517 = tpu.memref_slice %arg11[%dma_start3A_510, %dma_start3A_516] : memref<2x128xi32, #tpu.memory_space<vmem>> -> memref<1x128xi32, #tpu.memory_space<vmem>>
        %dma_start3A_518 = tpu.memref_squeeze %dma_start3A_517 : memref<1x128xi32, #tpu.memory_space<vmem>> -> memref<128xi32, #tpu.memory_space<vmem>>
        %dma_start3A_519 = arith.constant 0 : i32
        %dma_start3A_520 = arith.constant 0 : i32
        %dma_start3A_521 = tpu.memref_slice %arg3[%dma_start3A_519, %dma_start3A_520] : memref<10000x128xf32, #tpu.memory_space<hbm>> -> memref<10000x128xf32, #tpu.memory_space<hbm>>
        tpu.enqueue_indirect_dma source(%dma_start3A_521 : memref<10000x128xf32, #tpu.memory_space<hbm>>) target(%dma_start3A_515 : memref<128x128xf32, #tpu.memory_space<vmem>>) offsets(%dma_start3A_518 : memref<128xi32, #tpu.memory_space<vmem>>) semaphore(%arg20 : memref<!tpu.dma_semaphore, #tpu.memory_space<semaphore_mem>>)
        %dma_start3A_522 = arith.constant 0 : i32
        %dma_start3A_523 = arith.constant 0 : i32
        %dma_start3A_524 = arith.constant 0 : i32
        %dma_start3A_525 = arith.constant 0 : i32
        %dma_start3A_526 = tpu.memref_slice %arg14[%dma_start3A_523, %dma_start3A_524, %dma_start3A_525] : memref<2x128x128xf32, #tpu.memory_space<vmem>> -> memref<1x128x128xf32, #tpu.memory_space<vmem>>
        %dma_start3A_527 = tpu.memref_squeeze %dma_start3A_526 : memref<1x128x128xf32, #tpu.memory_space<vmem>> -> memref<128x128xf32, #tpu.memory_space<vmem>>
        %dma_start3A_528 = arith.constant 0 : i32
        %dma_start3A_529 = tpu.memref_slice %arg11[%dma_start3A_522, %dma_start3A_528] : memref<2x128xi32, #tpu.memory_space<vmem>> -> memref<1x128xi32, #tpu.memory_space<vmem>>
        %dma_start3A_530 = tpu.memref_squeeze %dma_start3A_529 : memref<1x128xi32, #tpu.memory_space<vmem>> -> memref<128xi32, #tpu.memory_space<vmem>>
        %dma_start3A_531 = arith.constant 0 : i32
        %dma_start3A_532 = arith.constant 0 : i32
        %dma_start3A_533 = tpu.memref_slice %arg4[%dma_start3A_531, %dma_start3A_532] : memref<10000x128xf32, #tpu.memory_space<hbm>> -> memref<10000x128xf32, #tpu.memory_space<hbm>>
        tpu.enqueue_indirect_dma source(%dma_start3A_533 : memref<10000x128xf32, #tpu.memory_space<hbm>>) target(%dma_start3A_527 : memref<128x128xf32, #tpu.memory_space<vmem>>) offsets(%dma_start3A_530 : memref<128xi32, #tpu.memory_space<vmem>>) semaphore(%arg20 : memref<!tpu.dma_semaphore, #tpu.memory_space<semaphore_mem>>)
      } else {
      }
    }
    %scan3A_43 = arith.constant 19 : i32
    %add3A_44 = arith.constant 4864 : i32
    %add3A_45 = arith.addi %mul3A_2, %add3A_44 : i32
    %dma_wait3A = arith.constant 0 : i32
    %dma_wait3A_46 = arith.constant 0 : i32
    %dma_wait3A_47 = arith.constant 0 : i32
    %dma_wait3A_48 = tpu.memref_slice %arg12[%dma_wait3A, %dma_wait3A_46, %dma_wait3A_47] : memref<2x128x128xf32, #tpu.memory_space<vmem>> -> memref<1x128x128xf32, #tpu.memory_space<vmem>>
    %dma_wait3A_49 = tpu.memref_squeeze %dma_wait3A_48 : memref<1x128x128xf32, #tpu.memory_space<vmem>> -> memref<128x128xf32, #tpu.memory_space<vmem>>
    %dma_wait3A_50 = arith.constant 0 : i32
    %dma_wait3A_51 = arith.constant 0 : i32
    %dma_wait3A_52 = tpu.memref_slice %arg2[%dma_wait3A_50, %dma_wait3A_51] : memref<10000x128xf32, #tpu.memory_space<hbm>> -> memref<128x128xf32, #tpu.memory_space<hbm>>
    %dma_wait3A_53 = arith.constant 0 : i32
    %dma_wait3A_54 = arith.constant 0 : i32
    %dma_wait3A_55 = tpu.memref_slice %arg12[%dma_wait3A, %dma_wait3A_53, %dma_wait3A_54] : memref<2x128x128xf32, #tpu.memory_space<vmem>> -> memref<1x128x128xf32, #tpu.memory_space<vmem>>
    %dma_wait3A_56 = tpu.memref_squeeze %dma_wait3A_55 : memref<1x128x128xf32, #tpu.memory_space<vmem>> -> memref<128x128xf32, #tpu.memory_space<vmem>>
    %dma_wait3A_57 = arith.constant 0 : i32
    %dma_wait3A_58 = arith.constant 0 : i32
    %dma_wait3A_59 = tpu.memref_slice %arg2[%dma_wait3A_57, %dma_wait3A_58] : memref<10000x128xf32, #tpu.memory_space<hbm>> -> memref<128x128xf32, #tpu.memory_space<hbm>>
    tpu.wait_dma2 semaphore(%arg20 : memref<!tpu.dma_semaphore, #tpu.memory_space<semaphore_mem>>) src(%dma_wait3A_59 : memref<128x128xf32, #tpu.memory_space<hbm>>) dst(%dma_wait3A_56 : memref<128x128xf32, #tpu.memory_space<vmem>>)
    %dma_wait3A_60 = arith.constant 0 : i32
    %dma_wait3A_61 = arith.constant 0 : i32
    %dma_wait3A_62 = arith.constant 0 : i32
    %dma_wait3A_63 = tpu.memref_slice %arg13[%dma_wait3A_60, %dma_wait3A_61, %dma_wait3A_62] : memref<2x128x128xf32, #tpu.memory_space<vmem>> -> memref<1x128x128xf32, #tpu.memory_space<vmem>>
    %dma_wait3A_64 = tpu.memref_squeeze %dma_wait3A_63 : memref<1x128x128xf32, #tpu.memory_space<vmem>> -> memref<128x128xf32, #tpu.memory_space<vmem>>
    %dma_wait3A_65 = arith.constant 0 : i32
    %dma_wait3A_66 = arith.constant 0 : i32
    %dma_wait3A_67 = tpu.memref_slice %arg2[%dma_wait3A_65, %dma_wait3A_66] : memref<10000x128xf32, #tpu.memory_space<hbm>> -> memref<128x128xf32, #tpu.memory_space<hbm>>
    %dma_wait3A_68 = arith.constant 0 : i32
    %dma_wait3A_69 = arith.constant 0 : i32
    %dma_wait3A_70 = tpu.memref_slice %arg13[%dma_wait3A_60, %dma_wait3A_68, %dma_wait3A_69] : memref<2x128x128xf32, #tpu.memory_space<vmem>> -> memref<1x128x128xf32, #tpu.memory_space<vmem>>
    %dma_wait3A_71 = tpu.memref_squeeze %dma_wait3A_70 : memref<1x128x128xf32, #tpu.memory_space<vmem>> -> memref<128x128xf32, #tpu.memory_space<vmem>>
    %dma_wait3A_72 = arith.constant 0 : i32
    %dma_wait3A_73 = arith.constant 0 : i32
    %dma_wait3A_74 = tpu.memref_slice %arg2[%dma_wait3A_72, %dma_wait3A_73] : memref<10000x128xf32, #tpu.memory_space<hbm>> -> memref<128x128xf32, #tpu.memory_space<hbm>>
    tpu.wait_dma2 semaphore(%arg20 : memref<!tpu.dma_semaphore, #tpu.memory_space<semaphore_mem>>) src(%dma_wait3A_74 : memref<128x128xf32, #tpu.memory_space<hbm>>) dst(%dma_wait3A_71 : memref<128x128xf32, #tpu.memory_space<vmem>>)
    %dma_wait3A_75 = arith.constant 0 : i32
    %dma_wait3A_76 = arith.constant 0 : i32
    %dma_wait3A_77 = arith.constant 0 : i32
    %dma_wait3A_78 = tpu.memref_slice %arg14[%dma_wait3A_75, %dma_wait3A_76, %dma_wait3A_77] : memref<2x128x128xf32, #tpu.memory_space<vmem>> -> memref<1x128x128xf32, #tpu.memory_space<vmem>>
    %dma_wait3A_79 = tpu.memref_squeeze %dma_wait3A_78 : memref<1x128x128xf32, #tpu.memory_space<vmem>> -> memref<128x128xf32, #tpu.memory_space<vmem>>
    %dma_wait3A_80 = arith.constant 0 : i32
    %dma_wait3A_81 = arith.constant 0 : i32
    %dma_wait3A_82 = tpu.memref_slice %arg2[%dma_wait3A_80, %dma_wait3A_81] : memref<10000x128xf32, #tpu.memory_space<hbm>> -> memref<128x128xf32, #tpu.memory_space<hbm>>
    %dma_wait3A_83 = arith.constant 0 : i32
    %dma_wait3A_84 = arith.constant 0 : i32
    %dma_wait3A_85 = tpu.memref_slice %arg14[%dma_wait3A_75, %dma_wait3A_83, %dma_wait3A_84] : memref<2x128x128xf32, #tpu.memory_space<vmem>> -> memref<1x128x128xf32, #tpu.memory_space<vmem>>
    %dma_wait3A_86 = tpu.memref_squeeze %dma_wait3A_85 : memref<1x128x128xf32, #tpu.memory_space<vmem>> -> memref<128x128xf32, #tpu.memory_space<vmem>>
    %dma_wait3A_87 = arith.constant 0 : i32
    %dma_wait3A_88 = arith.constant 0 : i32
    %dma_wait3A_89 = tpu.memref_slice %arg2[%dma_wait3A_87, %dma_wait3A_88] : memref<10000x128xf32, #tpu.memory_space<hbm>> -> memref<128x128xf32, #tpu.memory_space<hbm>>
    tpu.wait_dma2 semaphore(%arg20 : memref<!tpu.dma_semaphore, #tpu.memory_space<semaphore_mem>>) src(%dma_wait3A_89 : memref<128x128xf32, #tpu.memory_space<hbm>>) dst(%dma_wait3A_86 : memref<128x128xf32, #tpu.memory_space<vmem>>)
    %dma_start3A_90 = arith.constant 0 : i32
    %dma_start3A_91 = arith.constant 0 : i32
    %dma_start3A_92 = arith.constant 0 : i32
    %dma_start3A_93 = tpu.memref_slice %arg12[%dma_start3A_90, %dma_start3A_91, %dma_start3A_92] : memref<2x128x128xf32, #tpu.memory_space<vmem>> -> memref<1x128x128xf32, #tpu.memory_space<vmem>>
    %dma_start3A_94 = tpu.memref_squeeze %dma_start3A_93 : memref<1x128x128xf32, #tpu.memory_space<vmem>> -> memref<128x128xf32, #tpu.memory_space<vmem>>
    %dma_start3A_95 = arith.constant 0 : i32
    %dma_start3A_96 = tpu.memref_slice %arg7[%add3A_45, %dma_start3A_95] : memref<160000x128xf32, #tpu.memory_space<hbm>> -> memref<128x128xf32, #tpu.memory_space<hbm>>
    %dma_start3A_97 = arith.constant 0 : i32
    %dma_start3A_98 = tpu.memref_slice %arg7[%add3A_45, %dma_start3A_97] : memref<160000x128xf32, #tpu.memory_space<hbm>> -> memref<128x128xf32, #tpu.memory_space<hbm>>
    %dma_start3A_99 = arith.constant 0 : i32
    %dma_start3A_100 = arith.constant 0 : i32
    %dma_start3A_101 = tpu.memref_slice %arg12[%dma_start3A_90, %dma_start3A_99, %dma_start3A_100] : memref<2x128x128xf32, #tpu.memory_space<vmem>> -> memref<1x128x128xf32, #tpu.memory_space<vmem>>
    %dma_start3A_102 = tpu.memref_squeeze %dma_start3A_101 : memref<1x128x128xf32, #tpu.memory_space<vmem>> -> memref<128x128xf32, #tpu.memory_space<vmem>>
    tpu.enqueue_dma source(%dma_start3A_102 : memref<128x128xf32, #tpu.memory_space<vmem>>) target(%dma_start3A_98 : memref<128x128xf32, #tpu.memory_space<hbm>>) target_semaphore(%arg22 : memref<!tpu.dma_semaphore, #tpu.memory_space<semaphore_mem>>)
    %dma_start3A_103 = arith.constant 0 : i32
    %dma_start3A_104 = arith.constant 0 : i32
    %dma_start3A_105 = arith.constant 0 : i32
    %dma_start3A_106 = tpu.memref_slice %arg13[%dma_start3A_103, %dma_start3A_104, %dma_start3A_105] : memref<2x128x128xf32, #tpu.memory_space<vmem>> -> memref<1x128x128xf32, #tpu.memory_space<vmem>>
    %dma_start3A_107 = tpu.memref_squeeze %dma_start3A_106 : memref<1x128x128xf32, #tpu.memory_space<vmem>> -> memref<128x128xf32, #tpu.memory_space<vmem>>
    %dma_start3A_108 = arith.constant 0 : i32
    %dma_start3A_109 = tpu.memref_slice %arg8[%add3A_45, %dma_start3A_108] : memref<160000x128xf32, #tpu.memory_space<hbm>> -> memref<128x128xf32, #tpu.memory_space<hbm>>
    %dma_start3A_110 = arith.constant 0 : i32
    %dma_start3A_111 = tpu.memref_slice %arg8[%add3A_45, %dma_start3A_110] : memref<160000x128xf32, #tpu.memory_space<hbm>> -> memref<128x128xf32, #tpu.memory_space<hbm>>
    %dma_start3A_112 = arith.constant 0 : i32
    %dma_start3A_113 = arith.constant 0 : i32
    %dma_start3A_114 = tpu.memref_slice %arg13[%dma_start3A_103, %dma_start3A_112, %dma_start3A_113] : memref<2x128x128xf32, #tpu.memory_space<vmem>> -> memref<1x128x128xf32, #tpu.memory_space<vmem>>
    %dma_start3A_115 = tpu.memref_squeeze %dma_start3A_114 : memref<1x128x128xf32, #tpu.memory_space<vmem>> -> memref<128x128xf32, #tpu.memory_space<vmem>>
    tpu.enqueue_dma source(%dma_start3A_115 : memref<128x128xf32, #tpu.memory_space<vmem>>) target(%dma_start3A_111 : memref<128x128xf32, #tpu.memory_space<hbm>>) target_semaphore(%arg22 : memref<!tpu.dma_semaphore, #tpu.memory_space<semaphore_mem>>)
    %dma_start3A_116 = arith.constant 0 : i32
    %dma_start3A_117 = arith.constant 0 : i32
    %dma_start3A_118 = arith.constant 0 : i32
    %dma_start3A_119 = tpu.memref_slice %arg14[%dma_start3A_116, %dma_start3A_117, %dma_start3A_118] : memref<2x128x128xf32, #tpu.memory_space<vmem>> -> memref<1x128x128xf32, #tpu.memory_space<vmem>>
    %dma_start3A_120 = tpu.memref_squeeze %dma_start3A_119 : memref<1x128x128xf32, #tpu.memory_space<vmem>> -> memref<128x128xf32, #tpu.memory_space<vmem>>
    %dma_start3A_121 = arith.constant 0 : i32
    %dma_start3A_122 = tpu.memref_slice %arg9[%add3A_45, %dma_start3A_121] : memref<160000x128xf32, #tpu.memory_space<hbm>> -> memref<128x128xf32, #tpu.memory_space<hbm>>
    %dma_start3A_123 = arith.constant 0 : i32
    %dma_start3A_124 = tpu.memref_slice %arg9[%add3A_45, %dma_start3A_123] : memref<160000x128xf32, #tpu.memory_space<hbm>> -> memref<128x128xf32, #tpu.memory_space<hbm>>
    %dma_start3A_125 = arith.constant 0 : i32
    %dma_start3A_126 = arith.constant 0 : i32
    %dma_start3A_127 = tpu.memref_slice %arg14[%dma_start3A_116, %dma_start3A_125, %dma_start3A_126] : memref<2x128x128xf32, #tpu.memory_space<vmem>> -> memref<1x128x128xf32, #tpu.memory_space<vmem>>
    %dma_start3A_128 = tpu.memref_squeeze %dma_start3A_127 : memref<1x128x128xf32, #tpu.memory_space<vmem>> -> memref<128x128xf32, #tpu.memory_space<vmem>>
    tpu.enqueue_dma source(%dma_start3A_128 : memref<128x128xf32, #tpu.memory_space<vmem>>) target(%dma_start3A_124 : memref<128x128xf32, #tpu.memory_space<hbm>>) target_semaphore(%arg22 : memref<!tpu.dma_semaphore, #tpu.memory_space<semaphore_mem>>)
    %dma_wait3A_129 = arith.constant 1 : i32
    %dma_wait3A_130 = arith.constant 0 : i32
    %dma_wait3A_131 = arith.constant 0 : i32
    %dma_wait3A_132 = tpu.memref_slice %arg12[%dma_wait3A_129, %dma_wait3A_130, %dma_wait3A_131] : memref<2x128x128xf32, #tpu.memory_space<vmem>> -> memref<1x128x128xf32, #tpu.memory_space<vmem>>
    %dma_wait3A_133 = tpu.memref_squeeze %dma_wait3A_132 : memref<1x128x128xf32, #tpu.memory_space<vmem>> -> memref<128x128xf32, #tpu.memory_space<vmem>>
    %dma_wait3A_134 = arith.constant 0 : i32
    %dma_wait3A_135 = arith.constant 0 : i32
    %dma_wait3A_136 = tpu.memref_slice %dma_wait3A_133[%dma_wait3A_134, %dma_wait3A_135] : memref<128x128xf32, #tpu.memory_space<vmem>> -> memref<128x128xf32, #tpu.memory_space<vmem>>
    %dma_wait3A_137 = arith.constant 0 : i32
    %dma_wait3A_138 = tpu.memref_slice %arg7[%mul3A_2, %dma_wait3A_137] : memref<160000x128xf32, #tpu.memory_space<hbm>> -> memref<128x128xf32, #tpu.memory_space<hbm>>
    %dma_wait3A_139 = arith.constant 0 : i32
    %dma_wait3A_140 = tpu.memref_slice %arg7[%mul3A_2, %dma_wait3A_139] : memref<160000x128xf32, #tpu.memory_space<hbm>> -> memref<128x128xf32, #tpu.memory_space<hbm>>
    %dma_wait3A_141 = arith.constant 0 : i32
    %dma_wait3A_142 = arith.constant 0 : i32
    %dma_wait3A_143 = tpu.memref_slice %arg12[%dma_wait3A_129, %dma_wait3A_141, %dma_wait3A_142] : memref<2x128x128xf32, #tpu.memory_space<vmem>> -> memref<1x128x128xf32, #tpu.memory_space<vmem>>
    %dma_wait3A_144 = tpu.memref_squeeze %dma_wait3A_143 : memref<1x128x128xf32, #tpu.memory_space<vmem>> -> memref<128x128xf32, #tpu.memory_space<vmem>>
    %dma_wait3A_145 = arith.constant 0 : i32
    %dma_wait3A_146 = arith.constant 0 : i32
    %dma_wait3A_147 = tpu.memref_slice %dma_wait3A_144[%dma_wait3A_145, %dma_wait3A_146] : memref<128x128xf32, #tpu.memory_space<vmem>> -> memref<128x128xf32, #tpu.memory_space<vmem>>
    tpu.wait_dma2 semaphore(%arg23 : memref<!tpu.dma_semaphore, #tpu.memory_space<semaphore_mem>>) src(%dma_wait3A_147 : memref<128x128xf32, #tpu.memory_space<vmem>>) dst(%dma_wait3A_140 : memref<128x128xf32, #tpu.memory_space<hbm>>)
    %dma_wait3A_148 = arith.constant 1 : i32
    %dma_wait3A_149 = arith.constant 0 : i32
    %dma_wait3A_150 = arith.constant 0 : i32
    %dma_wait3A_151 = tpu.memref_slice %arg13[%dma_wait3A_148, %dma_wait3A_149, %dma_wait3A_150] : memref<2x128x128xf32, #tpu.memory_space<vmem>> -> memref<1x128x128xf32, #tpu.memory_space<vmem>>
    %dma_wait3A_152 = tpu.memref_squeeze %dma_wait3A_151 : memref<1x128x128xf32, #tpu.memory_space<vmem>> -> memref<128x128xf32, #tpu.memory_space<vmem>>
    %dma_wait3A_153 = arith.constant 0 : i32
    %dma_wait3A_154 = arith.constant 0 : i32
    %dma_wait3A_155 = tpu.memref_slice %dma_wait3A_152[%dma_wait3A_153, %dma_wait3A_154] : memref<128x128xf32, #tpu.memory_space<vmem>> -> memref<128x128xf32, #tpu.memory_space<vmem>>
    %dma_wait3A_156 = arith.constant 0 : i32
    %dma_wait3A_157 = tpu.memref_slice %arg8[%mul3A_2, %dma_wait3A_156] : memref<160000x128xf32, #tpu.memory_space<hbm>> -> memref<128x128xf32, #tpu.memory_space<hbm>>
    %dma_wait3A_158 = arith.constant 0 : i32
    %dma_wait3A_159 = tpu.memref_slice %arg8[%mul3A_2, %dma_wait3A_158] : memref<160000x128xf32, #tpu.memory_space<hbm>> -> memref<128x128xf32, #tpu.memory_space<hbm>>
    %dma_wait3A_160 = arith.constant 0 : i32
    %dma_wait3A_161 = arith.constant 0 : i32
    %dma_wait3A_162 = tpu.memref_slice %arg13[%dma_wait3A_148, %dma_wait3A_160, %dma_wait3A_161] : memref<2x128x128xf32, #tpu.memory_space<vmem>> -> memref<1x128x128xf32, #tpu.memory_space<vmem>>
    %dma_wait3A_163 = tpu.memref_squeeze %dma_wait3A_162 : memref<1x128x128xf32, #tpu.memory_space<vmem>> -> memref<128x128xf32, #tpu.memory_space<vmem>>
    %dma_wait3A_164 = arith.constant 0 : i32
    %dma_wait3A_165 = arith.constant 0 : i32
    %dma_wait3A_166 = tpu.memref_slice %dma_wait3A_163[%dma_wait3A_164, %dma_wait3A_165] : memref<128x128xf32, #tpu.memory_space<vmem>> -> memref<128x128xf32, #tpu.memory_space<vmem>>
    tpu.wait_dma2 semaphore(%arg23 : memref<!tpu.dma_semaphore, #tpu.memory_space<semaphore_mem>>) src(%dma_wait3A_166 : memref<128x128xf32, #tpu.memory_space<vmem>>) dst(%dma_wait3A_159 : memref<128x128xf32, #tpu.memory_space<hbm>>)
    %dma_wait3A_167 = arith.constant 1 : i32
    %dma_wait3A_168 = arith.constant 0 : i32
    %dma_wait3A_169 = arith.constant 0 : i32
    %dma_wait3A_170 = tpu.memref_slice %arg14[%dma_wait3A_167, %dma_wait3A_168, %dma_wait3A_169] : memref<2x128x128xf32, #tpu.memory_space<vmem>> -> memref<1x128x128xf32, #tpu.memory_space<vmem>>
    %dma_wait3A_171 = tpu.memref_squeeze %dma_wait3A_170 : memref<1x128x128xf32, #tpu.memory_space<vmem>> -> memref<128x128xf32, #tpu.memory_space<vmem>>
    %dma_wait3A_172 = arith.constant 0 : i32
    %dma_wait3A_173 = arith.constant 0 : i32
    %dma_wait3A_174 = tpu.memref_slice %dma_wait3A_171[%dma_wait3A_172, %dma_wait3A_173] : memref<128x128xf32, #tpu.memory_space<vmem>> -> memref<128x128xf32, #tpu.memory_space<vmem>>
    %dma_wait3A_175 = arith.constant 0 : i32
    %dma_wait3A_176 = tpu.memref_slice %arg9[%mul3A_2, %dma_wait3A_175] : memref<160000x128xf32, #tpu.memory_space<hbm>> -> memref<128x128xf32, #tpu.memory_space<hbm>>
    %dma_wait3A_177 = arith.constant 0 : i32
    %dma_wait3A_178 = tpu.memref_slice %arg9[%mul3A_2, %dma_wait3A_177] : memref<160000x128xf32, #tpu.memory_space<hbm>> -> memref<128x128xf32, #tpu.memory_space<hbm>>
    %dma_wait3A_179 = arith.constant 0 : i32
    %dma_wait3A_180 = arith.constant 0 : i32
    %dma_wait3A_181 = tpu.memref_slice %arg14[%dma_wait3A_167, %dma_wait3A_179, %dma_wait3A_180] : memref<2x128x128xf32, #tpu.memory_space<vmem>> -> memref<1x128x128xf32, #tpu.memory_space<vmem>>
    %dma_wait3A_182 = tpu.memref_squeeze %dma_wait3A_181 : memref<1x128x128xf32, #tpu.memory_space<vmem>> -> memref<128x128xf32, #tpu.memory_space<vmem>>
    %dma_wait3A_183 = arith.constant 0 : i32
    %dma_wait3A_184 = arith.constant 0 : i32
    %dma_wait3A_185 = tpu.memref_slice %dma_wait3A_182[%dma_wait3A_183, %dma_wait3A_184] : memref<128x128xf32, #tpu.memory_space<vmem>> -> memref<128x128xf32, #tpu.memory_space<vmem>>
    tpu.wait_dma2 semaphore(%arg23 : memref<!tpu.dma_semaphore, #tpu.memory_space<semaphore_mem>>) src(%dma_wait3A_185 : memref<128x128xf32, #tpu.memory_space<vmem>>) dst(%dma_wait3A_178 : memref<128x128xf32, #tpu.memory_space<hbm>>)
    %add3A_186 = arith.constant 4992 : i32
    %add3A_187 = arith.addi %mul3A_2, %add3A_186 : i32
    "tpu.region"() ({
      %run_scoped3A_296 = tpu.sem_alloc : memref<!tpu.dma_semaphore, #tpu.memory_space<semaphore_mem>>
      %dma_start3A_297 = tpu.memref_slice %arg5[%add3A_187] : memref<160000xi32, #tpu.memory_space<hbm>> -> memref<8xi32, #tpu.memory_space<hbm>>
      %dma_start3A_298 = tpu.memref_slice %arg5[%add3A_187] : memref<160000xi32, #tpu.memory_space<hbm>> -> memref<8xi32, #tpu.memory_space<hbm>>
      tpu.enqueue_dma source(%dma_start3A_298 : memref<8xi32, #tpu.memory_space<hbm>>) target(%arg15 : memref<8xi32, #tpu.memory_space<vmem>>) target_semaphore(%run_scoped3A_296 : memref<!tpu.dma_semaphore, #tpu.memory_space<semaphore_mem>>)
      %dma_wait3A_299 = tpu.memref_slice %arg5[%add3A_187] : memref<160000xi32, #tpu.memory_space<hbm>> -> memref<8xi32, #tpu.memory_space<hbm>>
      %dma_wait3A_300 = tpu.memref_slice %arg5[%add3A_187] : memref<160000xi32, #tpu.memory_space<hbm>> -> memref<8xi32, #tpu.memory_space<hbm>>
      tpu.wait_dma2 semaphore(%run_scoped3A_296 : memref<!tpu.dma_semaphore, #tpu.memory_space<semaphore_mem>>) src(%dma_wait3A_300 : memref<8xi32, #tpu.memory_space<hbm>>) dst(%arg15 : memref<8xi32, #tpu.memory_space<vmem>>)
      tpu.yield
    }) : () -> ()
    "tpu.region"() ({
      %run_scoped3A_296 = tpu.sem_alloc : memref<!tpu.dma_semaphore, #tpu.memory_space<semaphore_mem>>
      %dma_start3A_297 = tpu.memref_slice %arg6[%add3A_187] : memref<160000xi32, #tpu.memory_space<hbm>> -> memref<8xi32, #tpu.memory_space<hbm>>
      %dma_start3A_298 = tpu.memref_slice %arg6[%add3A_187] : memref<160000xi32, #tpu.memory_space<hbm>> -> memref<8xi32, #tpu.memory_space<hbm>>
      tpu.enqueue_dma source(%dma_start3A_298 : memref<8xi32, #tpu.memory_space<hbm>>) target(%arg16 : memref<8xi32, #tpu.memory_space<vmem>>) target_semaphore(%run_scoped3A_296 : memref<!tpu.dma_semaphore, #tpu.memory_space<semaphore_mem>>)
      %dma_wait3A_299 = tpu.memref_slice %arg6[%add3A_187] : memref<160000xi32, #tpu.memory_space<hbm>> -> memref<8xi32, #tpu.memory_space<hbm>>
      %dma_wait3A_300 = tpu.memref_slice %arg6[%add3A_187] : memref<160000xi32, #tpu.memory_space<hbm>> -> memref<8xi32, #tpu.memory_space<hbm>>
      tpu.wait_dma2 semaphore(%run_scoped3A_296 : memref<!tpu.dma_semaphore, #tpu.memory_space<semaphore_mem>>) src(%dma_wait3A_300 : memref<8xi32, #tpu.memory_space<hbm>>) dst(%arg16 : memref<8xi32, #tpu.memory_space<vmem>>)
      tpu.yield
    }) : () -> ()
    %dma_start3A_188 = arith.constant 0 : i32
    %dma_start3A_189 = arith.constant 0 : i32
    %dma_start3A_190 = tpu.memref_slice %arg2[%dma_start3A_188, %dma_start3A_189] : memref<10000x128xf32, #tpu.memory_space<hbm>> -> memref<10000x128xf32, #tpu.memory_space<hbm>>
    tpu.enqueue_indirect_dma source(%dma_start3A_190 : memref<10000x128xf32, #tpu.memory_space<hbm>>) target(%arg17 : memref<8x128xf32, #tpu.memory_space<vmem>>) offsets(%arg15 : memref<8xi32, #tpu.memory_space<vmem>>) semaphore(%arg21 : memref<!tpu.dma_semaphore, #tpu.memory_space<semaphore_mem>>)
    %dma_start3A_191 = arith.constant 0 : i32
    %dma_start3A_192 = arith.constant 0 : i32
    %dma_start3A_193 = tpu.memref_slice %arg3[%dma_start3A_191, %dma_start3A_192] : memref<10000x128xf32, #tpu.memory_space<hbm>> -> memref<10000x128xf32, #tpu.memory_space<hbm>>
    tpu.enqueue_indirect_dma source(%dma_start3A_193 : memref<10000x128xf32, #tpu.memory_space<hbm>>) target(%arg18 : memref<8x128xf32, #tpu.memory_space<vmem>>) offsets(%arg16 : memref<8xi32, #tpu.memory_space<vmem>>) semaphore(%arg21 : memref<!tpu.dma_semaphore, #tpu.memory_space<semaphore_mem>>)
    %dma_start3A_194 = arith.constant 0 : i32
    %dma_start3A_195 = arith.constant 0 : i32
    %dma_start3A_196 = tpu.memref_slice %arg4[%dma_start3A_194, %dma_start3A_195] : memref<10000x128xf32, #tpu.memory_space<hbm>> -> memref<10000x128xf32, #tpu.memory_space<hbm>>
    tpu.enqueue_indirect_dma source(%dma_start3A_196 : memref<10000x128xf32, #tpu.memory_space<hbm>>) target(%arg19 : memref<8x128xf32, #tpu.memory_space<vmem>>) offsets(%arg16 : memref<8xi32, #tpu.memory_space<vmem>>) semaphore(%arg21 : memref<!tpu.dma_semaphore, #tpu.memory_space<semaphore_mem>>)
    %dma_wait3A_197 = arith.constant 0 : i32
    %dma_wait3A_198 = arith.constant 0 : i32
    %dma_wait3A_199 = tpu.memref_slice %arg2[%dma_wait3A_197, %dma_wait3A_198] : memref<10000x128xf32, #tpu.memory_space<hbm>> -> memref<8x128xf32, #tpu.memory_space<hbm>>
    %dma_wait3A_200 = arith.constant 0 : i32
    %dma_wait3A_201 = arith.constant 0 : i32
    %dma_wait3A_202 = tpu.memref_slice %arg2[%dma_wait3A_200, %dma_wait3A_201] : memref<10000x128xf32, #tpu.memory_space<hbm>> -> memref<8x128xf32, #tpu.memory_space<hbm>>
    tpu.wait_dma2 semaphore(%arg21 : memref<!tpu.dma_semaphore, #tpu.memory_space<semaphore_mem>>) src(%dma_wait3A_202 : memref<8x128xf32, #tpu.memory_space<hbm>>) dst(%arg17 : memref<8x128xf32, #tpu.memory_space<vmem>>)
    %dma_wait3A_203 = arith.constant 0 : i32
    %dma_wait3A_204 = arith.constant 0 : i32
    %dma_wait3A_205 = tpu.memref_slice %arg2[%dma_wait3A_203, %dma_wait3A_204] : memref<10000x128xf32, #tpu.memory_space<hbm>> -> memref<8x128xf32, #tpu.memory_space<hbm>>
    %dma_wait3A_206 = arith.constant 0 : i32
    %dma_wait3A_207 = arith.constant 0 : i32
    %dma_wait3A_208 = tpu.memref_slice %arg2[%dma_wait3A_206, %dma_wait3A_207] : memref<10000x128xf32, #tpu.memory_space<hbm>> -> memref<8x128xf32, #tpu.memory_space<hbm>>
    tpu.wait_dma2 semaphore(%arg21 : memref<!tpu.dma_semaphore, #tpu.memory_space<semaphore_mem>>) src(%dma_wait3A_208 : memref<8x128xf32, #tpu.memory_space<hbm>>) dst(%arg18 : memref<8x128xf32, #tpu.memory_space<vmem>>)
    %dma_wait3A_209 = arith.constant 0 : i32
    %dma_wait3A_210 = arith.constant 0 : i32
    %dma_wait3A_211 = tpu.memref_slice %arg2[%dma_wait3A_209, %dma_wait3A_210] : memref<10000x128xf32, #tpu.memory_space<hbm>> -> memref<8x128xf32, #tpu.memory_space<hbm>>
    %dma_wait3A_212 = arith.constant 0 : i32
    %dma_wait3A_213 = arith.constant 0 : i32
    %dma_wait3A_214 = tpu.memref_slice %arg2[%dma_wait3A_212, %dma_wait3A_213] : memref<10000x128xf32, #tpu.memory_space<hbm>> -> memref<8x128xf32, #tpu.memory_space<hbm>>
    tpu.wait_dma2 semaphore(%arg21 : memref<!tpu.dma_semaphore, #tpu.memory_space<semaphore_mem>>) src(%dma_wait3A_214 : memref<8x128xf32, #tpu.memory_space<hbm>>) dst(%arg19 : memref<8x128xf32, #tpu.memory_space<vmem>>)
    %dma_start3A_215 = arith.constant 0 : i32
    %dma_start3A_216 = tpu.memref_slice %arg7[%add3A_187, %dma_start3A_215] : memref<160000x128xf32, #tpu.memory_space<hbm>> -> memref<8x128xf32, #tpu.memory_space<hbm>>
    %dma_start3A_217 = arith.constant 0 : i32
    %dma_start3A_218 = tpu.memref_slice %arg7[%add3A_187, %dma_start3A_217] : memref<160000x128xf32, #tpu.memory_space<hbm>> -> memref<8x128xf32, #tpu.memory_space<hbm>>
    tpu.enqueue_dma source(%arg17 : memref<8x128xf32, #tpu.memory_space<vmem>>) target(%dma_start3A_218 : memref<8x128xf32, #tpu.memory_space<hbm>>) target_semaphore(%arg23 : memref<!tpu.dma_semaphore, #tpu.memory_space<semaphore_mem>>)
    %dma_start3A_219 = arith.constant 0 : i32
    %dma_start3A_220 = tpu.memref_slice %arg8[%add3A_187, %dma_start3A_219] : memref<160000x128xf32, #tpu.memory_space<hbm>> -> memref<8x128xf32, #tpu.memory_space<hbm>>
    %dma_start3A_221 = arith.constant 0 : i32
    %dma_start3A_222 = tpu.memref_slice %arg8[%add3A_187, %dma_start3A_221] : memref<160000x128xf32, #tpu.memory_space<hbm>> -> memref<8x128xf32, #tpu.memory_space<hbm>>
    tpu.enqueue_dma source(%arg18 : memref<8x128xf32, #tpu.memory_space<vmem>>) target(%dma_start3A_222 : memref<8x128xf32, #tpu.memory_space<hbm>>) target_semaphore(%arg23 : memref<!tpu.dma_semaphore, #tpu.memory_space<semaphore_mem>>)
    %dma_start3A_223 = arith.constant 0 : i32
    %dma_start3A_224 = tpu.memref_slice %arg9[%add3A_187, %dma_start3A_223] : memref<160000x128xf32, #tpu.memory_space<hbm>> -> memref<8x128xf32, #tpu.memory_space<hbm>>
    %dma_start3A_225 = arith.constant 0 : i32
    %dma_start3A_226 = tpu.memref_slice %arg9[%add3A_187, %dma_start3A_225] : memref<160000x128xf32, #tpu.memory_space<hbm>> -> memref<8x128xf32, #tpu.memory_space<hbm>>
    tpu.enqueue_dma source(%arg19 : memref<8x128xf32, #tpu.memory_space<vmem>>) target(%dma_start3A_226 : memref<8x128xf32, #tpu.memory_space<hbm>>) target_semaphore(%arg23 : memref<!tpu.dma_semaphore, #tpu.memory_space<semaphore_mem>>)
    %dma_wait3A_227 = arith.constant 0 : i32
    %dma_wait3A_228 = tpu.memref_slice %arg7[%add3A_187, %dma_wait3A_227] : memref<160000x128xf32, #tpu.memory_space<hbm>> -> memref<8x128xf32, #tpu.memory_space<hbm>>
    %dma_wait3A_229 = arith.constant 0 : i32
    %dma_wait3A_230 = tpu.memref_slice %arg7[%add3A_187, %dma_wait3A_229] : memref<160000x128xf32, #tpu.memory_space<hbm>> -> memref<8x128xf32, #tpu.memory_space<hbm>>
    tpu.wait_dma2 semaphore(%arg23 : memref<!tpu.dma_semaphore, #tpu.memory_space<semaphore_mem>>) src(%arg17 : memref<8x128xf32, #tpu.memory_space<vmem>>) dst(%dma_wait3A_230 : memref<8x128xf32, #tpu.memory_space<hbm>>)
    %dma_wait3A_231 = arith.constant 0 : i32
    %dma_wait3A_232 = tpu.memref_slice %arg8[%add3A_187, %dma_wait3A_231] : memref<160000x128xf32, #tpu.memory_space<hbm>> -> memref<8x128xf32, #tpu.memory_space<hbm>>
    %dma_wait3A_233 = arith.constant 0 : i32
    %dma_wait3A_234 = tpu.memref_slice %arg8[%add3A_187, %dma_wait3A_233] : memref<160000x128xf32, #tpu.memory_space<hbm>> -> memref<8x128xf32, #tpu.memory_space<hbm>>
    tpu.wait_dma2 semaphore(%arg23 : memref<!tpu.dma_semaphore, #tpu.memory_space<semaphore_mem>>) src(%arg18 : memref<8x128xf32, #tpu.memory_space<vmem>>) dst(%dma_wait3A_234 : memref<8x128xf32, #tpu.memory_space<hbm>>)
    %dma_wait3A_235 = arith.constant 0 : i32
    %dma_wait3A_236 = tpu.memref_slice %arg9[%add3A_187, %dma_wait3A_235] : memref<160000x128xf32, #tpu.memory_space<hbm>> -> memref<8x128xf32, #tpu.memory_space<hbm>>
    %dma_wait3A_237 = arith.constant 0 : i32
    %dma_wait3A_238 = tpu.memref_slice %arg9[%add3A_187, %dma_wait3A_237] : memref<160000x128xf32, #tpu.memory_space<hbm>> -> memref<8x128xf32, #tpu.memory_space<hbm>>
    tpu.wait_dma2 semaphore(%arg23 : memref<!tpu.dma_semaphore, #tpu.memory_space<semaphore_mem>>) src(%arg19 : memref<8x128xf32, #tpu.memory_space<vmem>>) dst(%dma_wait3A_238 : memref<8x128xf32, #tpu.memory_space<hbm>>)
    %dma_wait3A_239 = arith.constant 0 : i32
    %dma_wait3A_240 = arith.constant 0 : i32
    %dma_wait3A_241 = arith.constant 0 : i32
    %dma_wait3A_242 = tpu.memref_slice %arg12[%dma_wait3A_239, %dma_wait3A_240, %dma_wait3A_241] : memref<2x128x128xf32, #tpu.memory_space<vmem>> -> memref<1x128x128xf32, #tpu.memory_space<vmem>>
    %dma_wait3A_243 = tpu.memref_squeeze %dma_wait3A_242 : memref<1x128x128xf32, #tpu.memory_space<vmem>> -> memref<128x128xf32, #tpu.memory_space<vmem>>
    %dma_wait3A_244 = arith.constant 0 : i32
    %dma_wait3A_245 = arith.constant 0 : i32
    %dma_wait3A_246 = tpu.memref_slice %dma_wait3A_243[%dma_wait3A_244, %dma_wait3A_245] : memref<128x128xf32, #tpu.memory_space<vmem>> -> memref<128x128xf32, #tpu.memory_space<vmem>>
    %dma_wait3A_247 = arith.constant 0 : i32
    %dma_wait3A_248 = tpu.memref_slice %arg7[%mul3A_2, %dma_wait3A_247] : memref<160000x128xf32, #tpu.memory_space<hbm>> -> memref<128x128xf32, #tpu.memory_space<hbm>>
    %dma_wait3A_249 = arith.constant 0 : i32
    %dma_wait3A_250 = tpu.memref_slice %arg7[%mul3A_2, %dma_wait3A_249] : memref<160000x128xf32, #tpu.memory_space<hbm>> -> memref<128x128xf32, #tpu.memory_space<hbm>>
    %dma_wait3A_251 = arith.constant 0 : i32
    %dma_wait3A_252 = arith.constant 0 : i32
    %dma_wait3A_253 = tpu.memref_slice %arg12[%dma_wait3A_239, %dma_wait3A_251, %dma_wait3A_252] : memref<2x128x128xf32, #tpu.memory_space<vmem>> -> memref<1x128x128xf32, #tpu.memory_space<vmem>>
    %dma_wait3A_254 = tpu.memref_squeeze %dma_wait3A_253 : memref<1x128x128xf32, #tpu.memory_space<vmem>> -> memref<128x128xf32, #tpu.memory_space<vmem>>
    %dma_wait3A_255 = arith.constant 0 : i32
    %dma_wait3A_256 = arith.constant 0 : i32
    %dma_wait3A_257 = tpu.memref_slice %dma_wait3A_254[%dma_wait3A_255, %dma_wait3A_256] : memref<128x128xf32, #tpu.memory_space<vmem>> -> memref<128x128xf32, #tpu.memory_space<vmem>>
    tpu.wait_dma2 semaphore(%arg22 : memref<!tpu.dma_semaphore, #tpu.memory_space<semaphore_mem>>) src(%dma_wait3A_257 : memref<128x128xf32, #tpu.memory_space<vmem>>) dst(%dma_wait3A_250 : memref<128x128xf32, #tpu.memory_space<hbm>>)
    %dma_wait3A_258 = arith.constant 0 : i32
    %dma_wait3A_259 = arith.constant 0 : i32
    %dma_wait3A_260 = arith.constant 0 : i32
    %dma_wait3A_261 = tpu.memref_slice %arg13[%dma_wait3A_258, %dma_wait3A_259, %dma_wait3A_260] : memref<2x128x128xf32, #tpu.memory_space<vmem>> -> memref<1x128x128xf32, #tpu.memory_space<vmem>>
    %dma_wait3A_262 = tpu.memref_squeeze %dma_wait3A_261 : memref<1x128x128xf32, #tpu.memory_space<vmem>> -> memref<128x128xf32, #tpu.memory_space<vmem>>
    %dma_wait3A_263 = arith.constant 0 : i32
    %dma_wait3A_264 = arith.constant 0 : i32
    %dma_wait3A_265 = tpu.memref_slice %dma_wait3A_262[%dma_wait3A_263, %dma_wait3A_264] : memref<128x128xf32, #tpu.memory_space<vmem>> -> memref<128x128xf32, #tpu.memory_space<vmem>>
    %dma_wait3A_266 = arith.constant 0 : i32
    %dma_wait3A_267 = tpu.memref_slice %arg8[%mul3A_2, %dma_wait3A_266] : memref<160000x128xf32, #tpu.memory_space<hbm>> -> memref<128x128xf32, #tpu.memory_space<hbm>>
    %dma_wait3A_268 = arith.constant 0 : i32
    %dma_wait3A_269 = tpu.memref_slice %arg8[%mul3A_2, %dma_wait3A_268] : memref<160000x128xf32, #tpu.memory_space<hbm>> -> memref<128x128xf32, #tpu.memory_space<hbm>>
    %dma_wait3A_270 = arith.constant 0 : i32
    %dma_wait3A_271 = arith.constant 0 : i32
    %dma_wait3A_272 = tpu.memref_slice %arg13[%dma_wait3A_258, %dma_wait3A_270, %dma_wait3A_271] : memref<2x128x128xf32, #tpu.memory_space<vmem>> -> memref<1x128x128xf32, #tpu.memory_space<vmem>>
    %dma_wait3A_273 = tpu.memref_squeeze %dma_wait3A_272 : memref<1x128x128xf32, #tpu.memory_space<vmem>> -> memref<128x128xf32, #tpu.memory_space<vmem>>
    %dma_wait3A_274 = arith.constant 0 : i32
    %dma_wait3A_275 = arith.constant 0 : i32
    %dma_wait3A_276 = tpu.memref_slice %dma_wait3A_273[%dma_wait3A_274, %dma_wait3A_275] : memref<128x128xf32, #tpu.memory_space<vmem>> -> memref<128x128xf32, #tpu.memory_space<vmem>>
    tpu.wait_dma2 semaphore(%arg22 : memref<!tpu.dma_semaphore, #tpu.memory_space<semaphore_mem>>) src(%dma_wait3A_276 : memref<128x128xf32, #tpu.memory_space<vmem>>) dst(%dma_wait3A_269 : memref<128x128xf32, #tpu.memory_space<hbm>>)
    %dma_wait3A_277 = arith.constant 0 : i32
    %dma_wait3A_278 = arith.constant 0 : i32
    %dma_wait3A_279 = arith.constant 0 : i32
    %dma_wait3A_280 = tpu.memref_slice %arg14[%dma_wait3A_277, %dma_wait3A_278, %dma_wait3A_279] : memref<2x128x128xf32, #tpu.memory_space<vmem>> -> memref<1x128x128xf32, #tpu.memory_space<vmem>>
    %dma_wait3A_281 = tpu.memref_squeeze %dma_wait3A_280 : memref<1x128x128xf32, #tpu.memory_space<vmem>> -> memref<128x128xf32, #tpu.memory_space<vmem>>
    %dma_wait3A_282 = arith.constant 0 : i32
    %dma_wait3A_283 = arith.constant 0 : i32
    %dma_wait3A_284 = tpu.memref_slice %dma_wait3A_281[%dma_wait3A_282, %dma_wait3A_283] : memref<128x128xf32, #tpu.memory_space<vmem>> -> memref<128x128xf32, #tpu.memory_space<vmem>>
    %dma_wait3A_285 = arith.constant 0 : i32
    %dma_wait3A_286 = tpu.memref_slice %arg9[%mul3A_2, %dma_wait3A_285] : memref<160000x128xf32, #tpu.memory_space<hbm>> -> memref<128x128xf32, #tpu.memory_space<hbm>>
    %dma_wait3A_287 = arith.constant 0 : i32
    %dma_wait3A_288 = tpu.memref_slice %arg9[%mul3A_2, %dma_wait3A_287] : memref<160000x128xf32, #tpu.memory_space<hbm>> -> memref<128x128xf32, #tpu.memory_space<hbm>>
    %dma_wait3A_289 = arith.constant 0 : i32
    %dma_wait3A_290 = arith.constant 0 : i32
    %dma_wait3A_291 = tpu.memref_slice %arg14[%dma_wait3A_277, %dma_wait3A_289, %dma_wait3A_290] : memref<2x128x128xf32, #tpu.memory_space<vmem>> -> memref<1x128x128xf32, #tpu.memory_space<vmem>>
    %dma_wait3A_292 = tpu.memref_squeeze %dma_wait3A_291 : memref<1x128x128xf32, #tpu.memory_space<vmem>> -> memref<128x128xf32, #tpu.memory_space<vmem>>
    %dma_wait3A_293 = arith.constant 0 : i32
    %dma_wait3A_294 = arith.constant 0 : i32
    %dma_wait3A_295 = tpu.memref_slice %dma_wait3A_292[%dma_wait3A_293, %dma_wait3A_294] : memref<128x128xf32, #tpu.memory_space<vmem>> -> memref<128x128xf32, #tpu.memory_space<vmem>>
    tpu.wait_dma2 semaphore(%arg22 : memref<!tpu.dma_semaphore, #tpu.memory_space<semaphore_mem>>) src(%dma_wait3A_295 : memref<128x128xf32, #tpu.memory_space<vmem>>) dst(%dma_wait3A_288 : memref<128x128xf32, #tpu.memory_space<hbm>>)
    return
  }
}

#map = affine_map<(d0, d1) -> (0, 0)>
#map1 = affine_map<(d0, d1) -> (0)>
module attributes {stable_mosaic.version = 14 : i64} {
  func.func @gather(%arg0: i32, %arg1: i32, %arg2: memref<10000x128xf32, #tpu.memory_space<hbm>>, %arg3: memref<10000x128xf32, #tpu.memory_space<hbm>>, %arg4: memref<10000x128xf32, #tpu.memory_space<hbm>>, %arg5: memref<160000xi32, #tpu.memory_space<hbm>>, %arg6: memref<160000xi32, #tpu.memory_space<hbm>>, %arg7: memref<160000x128xf32, #tpu.memory_space<hbm>>, %arg8: memref<160000x128xf32, #tpu.memory_space<hbm>>, %arg9: memref<160000x128xf32, #tpu.memory_space<hbm>>, %arg10: memref<2x128xi32, #tpu.memory_space<vmem>>, %arg11: memref<2x128xi32, #tpu.memory_space<vmem>>, %arg12: memref<2x128x128xf32, #tpu.memory_space<vmem>>, %arg13: memref<2x128x128xf32, #tpu.memory_space<vmem>>, %arg14: memref<2x128x128xf32, #tpu.memory_space<vmem>>, %arg15: memref<8xi32, #tpu.memory_space<vmem>>, %arg16: memref<8xi32, #tpu.memory_space<vmem>>, %arg17: memref<8x128xf32, #tpu.memory_space<vmem>>, %arg18: memref<8x128xf32, #tpu.memory_space<vmem>>, %arg19: memref<8x128xf32, #tpu.memory_space<vmem>>, %arg20: memref<!tpu.dma_semaphore, #tpu.memory_space<semaphore_mem>>, %arg21: memref<!tpu.dma_semaphore, #tpu.memory_space<semaphore_mem>>, %arg22: memref<!tpu.dma_semaphore, #tpu.memory_space<semaphore_mem>>, %arg23: memref<!tpu.dma_semaphore, #tpu.memory_space<semaphore_mem>>) attributes {dimension_semantics = [#tpu.dimension_semantics<core_parallel>, #tpu.dimension_semantics<subcore_parallel>], iteration_bounds = array<i64: 2, 16>, scalar_prefetch = 0 : i64, scratch_operands = 14 : i64, tpu.core_type = #tpu.core_type<sc_vector_subcore>, window_params = [{transform_indices = #map}, {transform_indices = #map}, {transform_indices = #map}, {transform_indices = #map1}, {transform_indices = #map1}, {transform_indices = #map}, {transform_indices = #map}, {transform_indices = #map}]} {
    %mul3A = arith.constant 2 : i32
    %mul3A_0 = arith.muli %arg1, %mul3A : i32
    %add3A = arith.addi %mul3A_0, %arg0 : i32
    %mul3A_1 = arith.constant 5000 : i32
    %mul3A_2 = arith.muli %add3A, %mul3A_1 : i32
    %run_scoped3A = arith.constant 0 : i32
    "tpu.region"() ({
      %run_scoped3A_296 = tpu.sem_alloc : memref<!tpu.dma_semaphore, #tpu.memory_space<semaphore_mem>>
      %dma_start3A_297 = arith.constant 0 : i32
      %dma_start3A_298 = tpu.memref_slice %arg10[%run_scoped3A, %dma_start3A_297] : memref<2x128xi32, #tpu.memory_space<vmem>> -> memref<1x128xi32, #tpu.memory_space<vmem>>
      %dma_start3A_299 = tpu.memref_squeeze %dma_start3A_298 : memref<1x128xi32, #tpu.memory_space<vmem>> -> memref<128xi32, #tpu.memory_space<vmem>>
      %dma_start3A_300 = tpu.memref_slice %arg5[%mul3A_2] : memref<160000xi32, #tpu.memory_space<hbm>> -> memref<128xi32, #tpu.memory_space<hbm>>
      %dma_start3A_301 = arith.constant 0 : i32
      %dma_start3A_302 = tpu.memref_slice %arg10[%run_scoped3A, %dma_start3A_301] : memref<2x128xi32, #tpu.memory_space<vmem>> -> memref<1x128xi32, #tpu.memory_space<vmem>>
      %dma_start3A_303 = tpu.memref_squeeze %dma_start3A_302 : memref<1x128xi32, #tpu.memory_space<vmem>> -> memref<128xi32, #tpu.memory_space<vmem>>
      %dma_start3A_304 = tpu.memref_slice %arg5[%mul3A_2] : memref<160000xi32, #tpu.memory_space<hbm>> -> memref<128xi32, #tpu.memory_space<hbm>>
      tpu.enqueue_dma source(%dma_start3A_304 : memref<128xi32, #tpu.memory_space<hbm>>) target(%dma_start3A_303 : memref<128xi32, #tpu.memory_space<vmem>>) target_semaphore(%run_scoped3A_296 : memref<!tpu.dma_semaphore, #tpu.memory_space<semaphore_mem>>)
      %dma_wait3A_305 = arith.constant 0 : i32
      %dma_wait3A_306 = tpu.memref_slice %arg10[%run_scoped3A, %dma_wait3A_305] : memref<2x128xi32, #tpu.memory_space<vmem>> -> memref<1x128xi32, #tpu.memory_space<vmem>>
      %dma_wait3A_307 = tpu.memref_squeeze %dma_wait3A_306 : memref<1x128xi32, #tpu.memory_space<vmem>> -> memref<128xi32, #tpu.memory_space<vmem>>
      %dma_wait3A_308 = tpu.memref_slice %arg5[%mul3A_2] : memref<160000xi32, #tpu.memory_space<hbm>> -> memref<128xi32, #tpu.memory_space<hbm>>
      %dma_wait3A_309 = arith.constant 0 : i32
      %dma_wait3A_310 = tpu.memref_slice %arg10[%run_scoped3A, %dma_wait3A_309] : memref<2x128xi32, #tpu.memory_space<vmem>> -> memref<1x128xi32, #tpu.memory_space<vmem>>
      %dma_wait3A_311 = tpu.memref_squeeze %dma_wait3A_310 : memref<1x128xi32, #tpu.memory_space<vmem>> -> memref<128xi32, #tpu.memory_space<vmem>>
      %dma_wait3A_312 = tpu.memref_slice %arg5[%mul3A_2] : memref<160000xi32, #tpu.memory_space<hbm>> -> memref<128xi32, #tpu.memory_space<hbm>>
      tpu.wait_dma2 semaphore(%run_scoped3A_296 : memref<!tpu.dma_semaphore, #tpu.memory_space<semaphore_mem>>) src(%dma_wait3A_312 : memref<128xi32, #tpu.memory_space<hbm>>) dst(%dma_wait3A_311 : memref<128xi32, #tpu.memory_space<vmem>>)
      tpu.yield
    }) : () -> ()
    %run_scoped3A_3 = arith.constant 0 : i32
    "tpu.region"() ({
      %run_scoped3A_296 = tpu.sem_alloc : memref<!tpu.dma_semaphore, #tpu.memory_space<semaphore_mem>>
      %dma_start3A_297 = arith.constant 0 : i32
      %dma_start3A_298 = tpu.memref_slice %arg11[%run_scoped3A_3, %dma_start3A_297] : memref<2x128xi32, #tpu.memory_space<vmem>> -> memref<1x128xi32, #tpu.memory_space<vmem>>
      %dma_start3A_299 = tpu.memref_squeeze %dma_start3A_298 : memref<1x128xi32, #tpu.memory_space<vmem>> -> memref<128xi32, #tpu.memory_space<vmem>>
      %dma_start3A_300 = tpu.memref_slice %arg6[%mul3A_2] : memref<160000xi32, #tpu.memory_space<hbm>> -> memref<128xi32, #tpu.memory_space<hbm>>
      %dma_start3A_301 = arith.constant 0 : i32
      %dma_start3A_302 = tpu.memref_slice %arg11[%run_scoped3A_3, %dma_start3A_301] : memref<2x128xi32, #tpu.memory_space<vmem>> -> memref<1x128xi32, #tpu.memory_space<vmem>>
      %dma_start3A_303 = tpu.memref_squeeze %dma_start3A_302 : memref<1x128xi32, #tpu.memory_space<vmem>> -> memref<128xi32, #tpu.memory_space<vmem>>
      %dma_start3A_304 = tpu.memref_slice %arg6[%mul3A_2] : memref<160000xi32, #tpu.memory_space<hbm>> -> memref<128xi32, #tpu.memory_space<hbm>>
      tpu.enqueue_dma source(%dma_start3A_304 : memref<128xi32, #tpu.memory_space<hbm>>) target(%dma_start3A_303 : memref<128xi32, #tpu.memory_space<vmem>>) target_semaphore(%run_scoped3A_296 : memref<!tpu.dma_semaphore, #tpu.memory_space<semaphore_mem>>)
      %dma_wait3A_305 = arith.constant 0 : i32
      %dma_wait3A_306 = tpu.memref_slice %arg11[%run_scoped3A_3, %dma_wait3A_305] : memref<2x128xi32, #tpu.memory_space<vmem>> -> memref<1x128xi32, #tpu.memory_space<vmem>>
      %dma_wait3A_307 = tpu.memref_squeeze %dma_wait3A_306 : memref<1x128xi32, #tpu.memory_space<vmem>> -> memref<128xi32, #tpu.memory_space<vmem>>
      %dma_wait3A_308 = tpu.memref_slice %arg6[%mul3A_2] : memref<160000xi32, #tpu.memory_space<hbm>> -> memref<128xi32, #tpu.memory_space<hbm>>
      %dma_wait3A_309 = arith.constant 0 : i32
      %dma_wait3A_310 = tpu.memref_slice %arg11[%run_scoped3A_3, %dma_wait3A_309] : memref<2x128xi32, #tpu.memory_space<vmem>> -> memref<1x128xi32, #tpu.memory_space<vmem>>
      %dma_wait3A_311 = tpu.memref_squeeze %dma_wait3A_310 : memref<1x128xi32, #tpu.memory_space<vmem>> -> memref<128xi32, #tpu.memory_space<vmem>>
      %dma_wait3A_312 = tpu.memref_slice %arg6[%mul3A_2] : memref<160000xi32, #tpu.memory_space<hbm>> -> memref<128xi32, #tpu.memory_space<hbm>>
      tpu.wait_dma2 semaphore(%run_scoped3A_296 : memref<!tpu.dma_semaphore, #tpu.memory_space<semaphore_mem>>) src(%dma_wait3A_312 : memref<128xi32, #tpu.memory_space<hbm>>) dst(%dma_wait3A_311 : memref<128xi32, #tpu.memory_space<vmem>>)
      tpu.yield
    }) : () -> ()
    %dma_start3A = arith.constant 0 : i32
    %dma_start3A_4 = arith.constant 0 : i32
    %dma_start3A_5 = arith.constant 0 : i32
    %dma_start3A_6 = arith.constant 0 : i32
    %dma_start3A_7 = tpu.memref_slice %arg12[%dma_start3A_4, %dma_start3A_5, %dma_start3A_6] : memref<2x128x128xf32, #tpu.memory_space<vmem>> -> memref<1x128x128xf32, #tpu.memory_space<vmem>>
    %dma_start3A_8 = tpu.memref_squeeze %dma_start3A_7 : memref<1x128x128xf32, #tpu.memory_space<vmem>> -> memref<128x128xf32, #tpu.memory_space<vmem>>
    %dma_start3A_9 = arith.constant 0 : i32
    %dma_start3A_10 = tpu.memref_slice %arg10[%dma_start3A, %dma_start3A_9] : memref<2x128xi32, #tpu.memory_space<vmem>> -> memref<1x128xi32, #tpu.memory_space<vmem>>
    %dma_start3A_11 = tpu.memref_squeeze %dma_start3A_10 : memref<1x128xi32, #tpu.memory_space<vmem>> -> memref<128xi32, #tpu.memory_space<vmem>>
    %dma_start3A_12 = arith.constant 0 : i32
    %dma_start3A_13 = arith.constant 0 : i32
    %dma_start3A_14 = tpu.memref_slice %arg2[%dma_start3A_12, %dma_start3A_13] : memref<10000x128xf32, #tpu.memory_space<hbm>> -> memref<10000x128xf32, #tpu.memory_space<hbm>>
    tpu.enqueue_indirect_dma source(%dma_start3A_14 : memref<10000x128xf32, #tpu.memory_space<hbm>>) target(%dma_start3A_8 : memref<128x128xf32, #tpu.memory_space<vmem>>) offsets(%dma_start3A_11 : memref<128xi32, #tpu.memory_space<vmem>>) semaphore(%arg20 : memref<!tpu.dma_semaphore, #tpu.memory_space<semaphore_mem>>)
    %dma_start3A_15 = arith.constant 0 : i32
    %dma_start3A_16 = arith.constant 0 : i32
    %dma_start3A_17 = arith.constant 0 : i32
    %dma_start3A_18 = arith.constant 0 : i32
    %dma_start3A_19 = tpu.memref_slice %arg13[%dma_start3A_16, %dma_start3A_17, %dma_start3A_18] : memref<2x128x128xf32, #tpu.memory_space<vmem>> -> memref<1x128x128xf32, #tpu.memory_space<vmem>>
    %dma_start3A_20 = tpu.memref_squeeze %dma_start3A_19 : memref<1x128x128xf32, #tpu.memory_space<vmem>> -> memref<128x128xf32, #tpu.memory_space<vmem>>
    %dma_start3A_21 = arith.constant 0 : i32
    %dma_start3A_22 = tpu.memref_slice %arg11[%dma_start3A_15, %dma_start3A_21] : memref<2x128xi32, #tpu.memory_space<vmem>> -> memref<1x128xi32, #tpu.memory_space<vmem>>
    %dma_start3A_23 = tpu.memref_squeeze %dma_start3A_22 : memref<1x128xi32, #tpu.memory_space<vmem>> -> memref<128xi32, #tpu.memory_space<vmem>>
    %dma_start3A_24 = arith.constant 0 : i32
    %dma_start3A_25 = arith.constant 0 : i32
    %dma_start3A_26 = tpu.memref_slice %arg3[%dma_start3A_24, %dma_start3A_25] : memref<10000x128xf32, #tpu.memory_space<hbm>> -> memref<10000x128xf32, #tpu.memory_space<hbm>>
    tpu.enqueue_indirect_dma source(%dma_start3A_26 : memref<10000x128xf32, #tpu.memory_space<hbm>>) target(%dma_start3A_20 : memref<128x128xf32, #tpu.memory_space<vmem>>) offsets(%dma_start3A_23 : memref<128xi32, #tpu.memory_space<vmem>>) semaphore(%arg20 : memref<!tpu.dma_semaphore, #tpu.memory_space<semaphore_mem>>)
    %dma_start3A_27 = arith.constant 0 : i32
    %dma_start3A_28 = arith.constant 0 : i32
    %dma_start3A_29 = arith.constant 0 : i32
    %dma_start3A_30 = arith.constant 0 : i32
    %dma_start3A_31 = tpu.memref_slice %arg14[%dma_start3A_28, %dma_start3A_29, %dma_start3A_30] : memref<2x128x128xf32, #tpu.memory_space<vmem>> -> memref<1x128x128xf32, #tpu.memory_space<vmem>>
    %dma_start3A_32 = tpu.memref_squeeze %dma_start3A_31 : memref<1x128x128xf32, #tpu.memory_space<vmem>> -> memref<128x128xf32, #tpu.memory_space<vmem>>
    %dma_start3A_33 = arith.constant 0 : i32
    %dma_start3A_34 = tpu.memref_slice %arg11[%dma_start3A_27, %dma_start3A_33] : memref<2x128xi32, #tpu.memory_space<vmem>> -> memref<1x128xi32, #tpu.memory_space<vmem>>
    %dma_start3A_35 = tpu.memref_squeeze %dma_start3A_34 : memref<1x128xi32, #tpu.memory_space<vmem>> -> memref<128xi32, #tpu.memory_space<vmem>>
    %dma_start3A_36 = arith.constant 0 : i32
    %dma_start3A_37 = arith.constant 0 : i32
    %dma_start3A_38 = tpu.memref_slice %arg4[%dma_start3A_36, %dma_start3A_37] : memref<10000x128xf32, #tpu.memory_space<hbm>> -> memref<10000x128xf32, #tpu.memory_space<hbm>>
    tpu.enqueue_indirect_dma source(%dma_start3A_38 : memref<10000x128xf32, #tpu.memory_space<hbm>>) target(%dma_start3A_32 : memref<128x128xf32, #tpu.memory_space<vmem>>) offsets(%dma_start3A_35 : memref<128xi32, #tpu.memory_space<vmem>>) semaphore(%arg20 : memref<!tpu.dma_semaphore, #tpu.memory_space<semaphore_mem>>)
    %scan3A = arith.constant 0 : i32
    %scan3A_39 = arith.constant 0 : i32
    %scan3A_40 = arith.constant 19 : i32
    %scan3A_41 = arith.addi %scan3A_39, %scan3A_40 : i32
    %scan3A_42 = arith.constant 1 : i32
    scf.for %scan3A_296 = %scan3A_39 to %scan3A_41 step %scan3A_42  : i32 {
      %mul3A_297 = arith.constant 2 : i32
      %mul3A_298 = arith.muli %scan3A_296, %mul3A_297 : i32
      %add3A_299 = arith.constant 0 : i32
      %add3A_300 = arith.addi %mul3A_298, %add3A_299 : i32
      %mul3A_301 = arith.constant 128 : i32
      %mul3A_302 = arith.muli %add3A_300, %mul3A_301 : i32
      %add3A_303 = arith.addi %mul3A_2, %mul3A_302 : i32
      %dma_wait3A_304 = arith.constant 0 : i32
      %dma_wait3A_305 = arith.constant 0 : i32
      %dma_wait3A_306 = arith.constant 0 : i32
      %dma_wait3A_307 = tpu.memref_slice %arg12[%dma_wait3A_304, %dma_wait3A_305, %dma_wait3A_306] : memref<2x128x128xf32, #tpu.memory_space<vmem>> -> memref<1x128x128xf32, #tpu.memory_space<vmem>>
      %dma_wait3A_308 = tpu.memref_squeeze %dma_wait3A_307 : memref<1x128x128xf32, #tpu.memory_space<vmem>> -> memref<128x128xf32, #tpu.memory_space<vmem>>
      %dma_wait3A_309 = arith.constant 0 : i32
      %dma_wait3A_310 = arith.constant 0 : i32
      %dma_wait3A_311 = tpu.memref_slice %arg2[%dma_wait3A_309, %dma_wait3A_310] : memref<10000x128xf32, #tpu.memory_space<hbm>> -> memref<128x128xf32, #tpu.memory_space<hbm>>
      %dma_wait3A_312 = arith.constant 0 : i32
      %dma_wait3A_313 = arith.constant 0 : i32
      %dma_wait3A_314 = tpu.memref_slice %arg12[%dma_wait3A_304, %dma_wait3A_312, %dma_wait3A_313] : memref<2x128x128xf32, #tpu.memory_space<vmem>> -> memref<1x128x128xf32, #tpu.memory_space<vmem>>
      %dma_wait3A_315 = tpu.memref_squeeze %dma_wait3A_314 : memref<1x128x128xf32, #tpu.memory_space<vmem>> -> memref<128x128xf32, #tpu.memory_space<vmem>>
      %dma_wait3A_316 = arith.constant 0 : i32
      %dma_wait3A_317 = arith.constant 0 : i32
      %dma_wait3A_318 = tpu.memref_slice %arg2[%dma_wait3A_316, %dma_wait3A_317] : memref<10000x128xf32, #tpu.memory_space<hbm>> -> memref<128x128xf32, #tpu.memory_space<hbm>>
      tpu.wait_dma2 semaphore(%arg20 : memref<!tpu.dma_semaphore, #tpu.memory_space<semaphore_mem>>) src(%dma_wait3A_318 : memref<128x128xf32, #tpu.memory_space<hbm>>) dst(%dma_wait3A_315 : memref<128x128xf32, #tpu.memory_space<vmem>>)
      %dma_wait3A_319 = arith.constant 0 : i32
      %dma_wait3A_320 = arith.constant 0 : i32
      %dma_wait3A_321 = arith.constant 0 : i32
      %dma_wait3A_322 = tpu.memref_slice %arg13[%dma_wait3A_319, %dma_wait3A_320, %dma_wait3A_321] : memref<2x128x128xf32, #tpu.memory_space<vmem>> -> memref<1x128x128xf32, #tpu.memory_space<vmem>>
      %dma_wait3A_323 = tpu.memref_squeeze %dma_wait3A_322 : memref<1x128x128xf32, #tpu.memory_space<vmem>> -> memref<128x128xf32, #tpu.memory_space<vmem>>
      %dma_wait3A_324 = arith.constant 0 : i32
      %dma_wait3A_325 = arith.constant 0 : i32
      %dma_wait3A_326 = tpu.memref_slice %arg2[%dma_wait3A_324, %dma_wait3A_325] : memref<10000x128xf32, #tpu.memory_space<hbm>> -> memref<128x128xf32, #tpu.memory_space<hbm>>
      %dma_wait3A_327 = arith.constant 0 : i32
      %dma_wait3A_328 = arith.constant 0 : i32
      %dma_wait3A_329 = tpu.memref_slice %arg13[%dma_wait3A_319, %dma_wait3A_327, %dma_wait3A_328] : memref<2x128x128xf32, #tpu.memory_space<vmem>> -> memref<1x128x128xf32, #tpu.memory_space<vmem>>
      %dma_wait3A_330 = tpu.memref_squeeze %dma_wait3A_329 : memref<1x128x128xf32, #tpu.memory_space<vmem>> -> memref<128x128xf32, #tpu.memory_space<vmem>>
      %dma_wait3A_331 = arith.constant 0 : i32
      %dma_wait3A_332 = arith.constant 0 : i32
      %dma_wait3A_333 = tpu.memref_slice %arg2[%dma_wait3A_331, %dma_wait3A_332] : memref<10000x128xf32, #tpu.memory_space<hbm>> -> memref<128x128xf32, #tpu.memory_space<hbm>>
      tpu.wait_dma2 semaphore(%arg20 : memref<!tpu.dma_semaphore, #tpu.memory_space<semaphore_mem>>) src(%dma_wait3A_333 : memref<128x128xf32, #tpu.memory_space<hbm>>) dst(%dma_wait3A_330 : memref<128x128xf32, #tpu.memory_space<vmem>>)
      %dma_wait3A_334 = arith.constant 0 : i32
      %dma_wait3A_335 = arith.constant 0 : i32
      %dma_wait3A_336 = arith.constant 0 : i32
      %dma_wait3A_337 = tpu.memref_slice %arg14[%dma_wait3A_334, %dma_wait3A_335, %dma_wait3A_336] : memref<2x128x128xf32, #tpu.memory_space<vmem>> -> memref<1x128x128xf32, #tpu.memory_space<vmem>>
      %dma_wait3A_338 = tpu.memref_squeeze %dma_wait3A_337 : memref<1x128x128xf32, #tpu.memory_space<vmem>> -> memref<128x128xf32, #tpu.memory_space<vmem>>
      %dma_wait3A_339 = arith.constant 0 : i32
      %dma_wait3A_340 = arith.constant 0 : i32
      %dma_wait3A_341 = tpu.memref_slice %arg2[%dma_wait3A_339, %dma_wait3A_340] : memref<10000x128xf32, #tpu.memory_space<hbm>> -> memref<128x128xf32, #tpu.memory_space<hbm>>
      %dma_wait3A_342 = arith.constant 0 : i32
      %dma_wait3A_343 = arith.constant 0 : i32
      %dma_wait3A_344 = tpu.memref_slice %arg14[%dma_wait3A_334, %dma_wait3A_342, %dma_wait3A_343] : memref<2x128x128xf32, #tpu.memory_space<vmem>> -> memref<1x128x128xf32, #tpu.memory_space<vmem>>
      %dma_wait3A_345 = tpu.memref_squeeze %dma_wait3A_344 : memref<1x128x128xf32, #tpu.memory_space<vmem>> -> memref<128x128xf32, #tpu.memory_space<vmem>>
      %dma_wait3A_346 = arith.constant 0 : i32
      %dma_wait3A_347 = arith.constant 0 : i32
      %dma_wait3A_348 = tpu.memref_slice %arg2[%dma_wait3A_346, %dma_wait3A_347] : memref<10000x128xf32, #tpu.memory_space<hbm>> -> memref<128x128xf32, #tpu.memory_space<hbm>>
      tpu.wait_dma2 semaphore(%arg20 : memref<!tpu.dma_semaphore, #tpu.memory_space<semaphore_mem>>) src(%dma_wait3A_348 : memref<128x128xf32, #tpu.memory_space<hbm>>) dst(%dma_wait3A_345 : memref<128x128xf32, #tpu.memory_space<vmem>>)
      %dma_start3A_349 = arith.constant 0 : i32
      %dma_start3A_350 = arith.constant 0 : i32
      %dma_start3A_351 = arith.constant 0 : i32
      %dma_start3A_352 = tpu.memref_slice %arg12[%dma_start3A_349, %dma_start3A_350, %dma_start3A_351] : memref<2x128x128xf32, #tpu.memory_space<vmem>> -> memref<1x128x128xf32, #tpu.memory_space<vmem>>
      %dma_start3A_353 = tpu.memref_squeeze %dma_start3A_352 : memref<1x128x128xf32, #tpu.memory_space<vmem>> -> memref<128x128xf32, #tpu.memory_space<vmem>>
      %dma_start3A_354 = arith.constant 0 : i32
      %dma_start3A_355 = tpu.memref_slice %arg7[%add3A_303, %dma_start3A_354] : memref<160000x128xf32, #tpu.memory_space<hbm>> -> memref<128x128xf32, #tpu.memory_space<hbm>>
      %dma_start3A_356 = arith.constant 0 : i32
      %dma_start3A_357 = tpu.memref_slice %arg7[%add3A_303, %dma_start3A_356] : memref<160000x128xf32, #tpu.memory_space<hbm>> -> memref<128x128xf32, #tpu.memory_space<hbm>>
      %dma_start3A_358 = arith.constant 0 : i32
      %dma_start3A_359 = arith.constant 0 : i32
      %dma_start3A_360 = tpu.memref_slice %arg12[%dma_start3A_349, %dma_start3A_358, %dma_start3A_359] : memref<2x128x128xf32, #tpu.memory_space<vmem>> -> memref<1x128x128xf32, #tpu.memory_space<vmem>>
      %dma_start3A_361 = tpu.memref_squeeze %dma_start3A_360 : memref<1x128x128xf32, #tpu.memory_space<vmem>> -> memref<128x128xf32, #tpu.memory_space<vmem>>
      tpu.enqueue_dma source(%dma_start3A_361 : memref<128x128xf32, #tpu.memory_space<vmem>>) target(%dma_start3A_357 : memref<128x128xf32, #tpu.memory_space<hbm>>) target_semaphore(%arg22 : memref<!tpu.dma_semaphore, #tpu.memory_space<semaphore_mem>>)
      %dma_start3A_362 = arith.constant 0 : i32
      %dma_start3A_363 = arith.constant 0 : i32
      %dma_start3A_364 = arith.constant 0 : i32
      %dma_start3A_365 = tpu.memref_slice %arg13[%dma_start3A_362, %dma_start3A_363, %dma_start3A_364] : memref<2x128x128xf32, #tpu.memory_space<vmem>> -> memref<1x128x128xf32, #tpu.memory_space<vmem>>
      %dma_start3A_366 = tpu.memref_squeeze %dma_start3A_365 : memref<1x128x128xf32, #tpu.memory_space<vmem>> -> memref<128x128xf32, #tpu.memory_space<vmem>>
      %dma_start3A_367 = arith.constant 0 : i32
      %dma_start3A_368 = tpu.memref_slice %arg8[%add3A_303, %dma_start3A_367] : memref<160000x128xf32, #tpu.memory_space<hbm>> -> memref<128x128xf32, #tpu.memory_space<hbm>>
      %dma_start3A_369 = arith.constant 0 : i32
      %dma_start3A_370 = tpu.memref_slice %arg8[%add3A_303, %dma_start3A_369] : memref<160000x128xf32, #tpu.memory_space<hbm>> -> memref<128x128xf32, #tpu.memory_space<hbm>>
      %dma_start3A_371 = arith.constant 0 : i32
      %dma_start3A_372 = arith.constant 0 : i32
      %dma_start3A_373 = tpu.memref_slice %arg13[%dma_start3A_362, %dma_start3A_371, %dma_start3A_372] : memref<2x128x128xf32, #tpu.memory_space<vmem>> -> memref<1x128x128xf32, #tpu.memory_space<vmem>>
      %dma_start3A_374 = tpu.memref_squeeze %dma_start3A_373 : memref<1x128x128xf32, #tpu.memory_space<vmem>> -> memref<128x128xf32, #tpu.memory_space<vmem>>
      tpu.enqueue_dma source(%dma_start3A_374 : memref<128x128xf32, #tpu.memory_space<vmem>>) target(%dma_start3A_370 : memref<128x128xf32, #tpu.memory_space<hbm>>) target_semaphore(%arg22 : memref<!tpu.dma_semaphore, #tpu.memory_space<semaphore_mem>>)
      %dma_start3A_375 = arith.constant 0 : i32
      %dma_start3A_376 = arith.constant 0 : i32
      %dma_start3A_377 = arith.constant 0 : i32
      %dma_start3A_378 = tpu.memref_slice %arg14[%dma_start3A_375, %dma_start3A_376, %dma_start3A_377] : memref<2x128x128xf32, #tpu.memory_space<vmem>> -> memref<1x128x128xf32, #tpu.memory_space<vmem>>
      %dma_start3A_379 = tpu.memref_squeeze %dma_start3A_378 : memref<1x128x128xf32, #tpu.memory_space<vmem>> -> memref<128x128xf32, #tpu.memory_space<vmem>>
      %dma_start3A_380 = arith.constant 0 : i32
      %dma_start3A_381 = tpu.memref_slice %arg9[%add3A_303, %dma_start3A_380] : memref<160000x128xf32, #tpu.memory_space<hbm>> -> memref<128x128xf32, #tpu.memory_space<hbm>>
      %dma_start3A_382 = arith.constant 0 : i32
      %dma_start3A_383 = tpu.memref_slice %arg9[%add3A_303, %dma_start3A_382] : memref<160000x128xf32, #tpu.memory_space<hbm>> -> memref<128x128xf32, #tpu.memory_space<hbm>>
      %dma_start3A_384 = arith.constant 0 : i32
      %dma_start3A_385 = arith.constant 0 : i32
      %dma_start3A_386 = tpu.memref_slice %arg14[%dma_start3A_375, %dma_start3A_384, %dma_start3A_385] : memref<2x128x128xf32, #tpu.memory_space<vmem>> -> memref<1x128x128xf32, #tpu.memory_space<vmem>>
      %dma_start3A_387 = tpu.memref_squeeze %dma_start3A_386 : memref<1x128x128xf32, #tpu.memory_space<vmem>> -> memref<128x128xf32, #tpu.memory_space<vmem>>
      tpu.enqueue_dma source(%dma_start3A_387 : memref<128x128xf32, #tpu.memory_space<vmem>>) target(%dma_start3A_383 : memref<128x128xf32, #tpu.memory_space<hbm>>) target_semaphore(%arg22 : memref<!tpu.dma_semaphore, #tpu.memory_space<semaphore_mem>>)
      %add3A_388 = arith.constant 1 : i32
      %add3A_389 = arith.addi %add3A_300, %add3A_388 : i32
      %lt3A = arith.constant 39 : i32
      %lt3A_390 = arith.cmpi slt, %add3A_389, %lt3A : i32
      %convert_element_type3A = arith.extui %lt3A_390 : i1 to i32
      %cond3A = arith.constant 0 : i32
      %cond3A_391 = arith.cmpi ne, %convert_element_type3A, %cond3A : i32
      scf.if %cond3A_391 {
        %gt3A = arith.constant 0 : i32
        %gt3A_490 = arith.cmpi sgt, %add3A_300, %gt3A : i32
        %convert_element_type3A_491 = arith.extui %gt3A_490 : i1 to i32
        %cond3A_492 = arith.constant 0 : i32
        %cond3A_493 = arith.cmpi ne, %convert_element_type3A_491, %cond3A_492 : i32
        scf.if %cond3A_493 {
          %dma_wait3A_534 = arith.constant 1 : i32
          %dma_wait3A_535 = arith.constant 0 : i32
          %dma_wait3A_536 = arith.constant 0 : i32
          %dma_wait3A_537 = tpu.memref_slice %arg12[%dma_wait3A_534, %dma_wait3A_535, %dma_wait3A_536] : memref<2x128x128xf32, #tpu.memory_space<vmem>> -> memref<1x128x128xf32, #tpu.memory_space<vmem>>
          %dma_wait3A_538 = tpu.memref_squeeze %dma_wait3A_537 : memref<1x128x128xf32, #tpu.memory_space<vmem>> -> memref<128x128xf32, #tpu.memory_space<vmem>>
          %dma_wait3A_539 = arith.constant 0 : i32
          %dma_wait3A_540 = arith.constant 0 : i32
          %dma_wait3A_541 = tpu.memref_slice %dma_wait3A_538[%dma_wait3A_539, %dma_wait3A_540] : memref<128x128xf32, #tpu.memory_space<vmem>> -> memref<128x128xf32, #tpu.memory_space<vmem>>
          %dma_wait3A_542 = arith.constant 0 : i32
          %dma_wait3A_543 = tpu.memref_slice %arg7[%mul3A_2, %dma_wait3A_542] : memref<160000x128xf32, #tpu.memory_space<hbm>> -> memref<128x128xf32, #tpu.memory_space<hbm>>
          %dma_wait3A_544 = arith.constant 0 : i32
          %dma_wait3A_545 = tpu.memref_slice %arg7[%mul3A_2, %dma_wait3A_544] : memref<160000x128xf32, #tpu.memory_space<hbm>> -> memref<128x128xf32, #tpu.memory_space<hbm>>
          %dma_wait3A_546 = arith.constant 0 : i32
          %dma_wait3A_547 = arith.constant 0 : i32
          %dma_wait3A_548 = tpu.memref_slice %arg12[%dma_wait3A_534, %dma_wait3A_546, %dma_wait3A_547] : memref<2x128x128xf32, #tpu.memory_space<vmem>> -> memref<1x128x128xf32, #tpu.memory_space<vmem>>
          %dma_wait3A_549 = tpu.memref_squeeze %dma_wait3A_548 : memref<1x128x128xf32, #tpu.memory_space<vmem>> -> memref<128x128xf32, #tpu.memory_space<vmem>>
          %dma_wait3A_550 = arith.constant 0 : i32
          %dma_wait3A_551 = arith.constant 0 : i32
          %dma_wait3A_552 = tpu.memref_slice %dma_wait3A_549[%dma_wait3A_550, %dma_wait3A_551] : memref<128x128xf32, #tpu.memory_space<vmem>> -> memref<128x128xf32, #tpu.memory_space<vmem>>
          tpu.wait_dma2 semaphore(%arg23 : memref<!tpu.dma_semaphore, #tpu.memory_space<semaphore_mem>>) src(%dma_wait3A_552 : memref<128x128xf32, #tpu.memory_space<vmem>>) dst(%dma_wait3A_545 : memref<128x128xf32, #tpu.memory_space<hbm>>)
          %dma_wait3A_553 = arith.constant 1 : i32
          %dma_wait3A_554 = arith.constant 0 : i32
          %dma_wait3A_555 = arith.constant 0 : i32
          %dma_wait3A_556 = tpu.memref_slice %arg13[%dma_wait3A_553, %dma_wait3A_554, %dma_wait3A_555] : memref<2x128x128xf32, #tpu.memory_space<vmem>> -> memref<1x128x128xf32, #tpu.memory_space<vmem>>
          %dma_wait3A_557 = tpu.memref_squeeze %dma_wait3A_556 : memref<1x128x128xf32, #tpu.memory_space<vmem>> -> memref<128x128xf32, #tpu.memory_space<vmem>>
          %dma_wait3A_558 = arith.constant 0 : i32
          %dma_wait3A_559 = arith.constant 0 : i32
          %dma_wait3A_560 = tpu.memref_slice %dma_wait3A_557[%dma_wait3A_558, %dma_wait3A_559] : memref<128x128xf32, #tpu.memory_space<vmem>> -> memref<128x128xf32, #tpu.memory_space<vmem>>
          %dma_wait3A_561 = arith.constant 0 : i32
          %dma_wait3A_562 = tpu.memref_slice %arg8[%mul3A_2, %dma_wait3A_561] : memref<160000x128xf32, #tpu.memory_space<hbm>> -> memref<128x128xf32, #tpu.memory_space<hbm>>
          %dma_wait3A_563 = arith.constant 0 : i32
          %dma_wait3A_564 = tpu.memref_slice %arg8[%mul3A_2, %dma_wait3A_563] : memref<160000x128xf32, #tpu.memory_space<hbm>> -> memref<128x128xf32, #tpu.memory_space<hbm>>
          %dma_wait3A_565 = arith.constant 0 : i32
          %dma_wait3A_566 = arith.constant 0 : i32
          %dma_wait3A_567 = tpu.memref_slice %arg13[%dma_wait3A_553, %dma_wait3A_565, %dma_wait3A_566] : memref<2x128x128xf32, #tpu.memory_space<vmem>> -> memref<1x128x128xf32, #tpu.memory_space<vmem>>
          %dma_wait3A_568 = tpu.memref_squeeze %dma_wait3A_567 : memref<1x128x128xf32, #tpu.memory_space<vmem>> -> memref<128x128xf32, #tpu.memory_space<vmem>>
          %dma_wait3A_569 = arith.constant 0 : i32
          %dma_wait3A_570 = arith.constant 0 : i32
          %dma_wait3A_571 = tpu.memref_slice %dma_wait3A_568[%dma_wait3A_569, %dma_wait3A_570] : memref<128x128xf32, #tpu.memory_space<vmem>> -> memref<128x128xf32, #tpu.memory_space<vmem>>
          tpu.wait_dma2 semaphore(%arg23 : memref<!tpu.dma_semaphore, #tpu.memory_space<semaphore_mem>>) src(%dma_wait3A_571 : memref<128x128xf32, #tpu.memory_space<vmem>>) dst(%dma_wait3A_564 : memref<128x128xf32, #tpu.memory_space<hbm>>)
          %dma_wait3A_572 = arith.constant 1 : i32
          %dma_wait3A_573 = arith.constant 0 : i32
          %dma_wait3A_574 = arith.constant 0 : i32
          %dma_wait3A_575 = tpu.memref_slice %arg14[%dma_wait3A_572, %dma_wait3A_573, %dma_wait3A_574] : memref<2x128x128xf32, #tpu.memory_space<vmem>> -> memref<1x128x128xf32, #tpu.memory_space<vmem>>
          %dma_wait3A_576 = tpu.memref_squeeze %dma_wait3A_575 : memref<1x128x128xf32, #tpu.memory_space<vmem>> -> memref<128x128xf32, #tpu.memory_space<vmem>>
          %dma_wait3A_577 = arith.constant 0 : i32
          %dma_wait3A_578 = arith.constant 0 : i32
          %dma_wait3A_579 = tpu.memref_slice %dma_wait3A_576[%dma_wait3A_577, %dma_wait3A_578] : memref<128x128xf32, #tpu.memory_space<vmem>> -> memref<128x128xf32, #tpu.memory_space<vmem>>
          %dma_wait3A_580 = arith.constant 0 : i32
          %dma_wait3A_581 = tpu.memref_slice %arg9[%mul3A_2, %dma_wait3A_580] : memref<160000x128xf32, #tpu.memory_space<hbm>> -> memref<128x128xf32, #tpu.memory_space<hbm>>
          %dma_wait3A_582 = arith.constant 0 : i32
          %dma_wait3A_583 = tpu.memref_slice %arg9[%mul3A_2, %dma_wait3A_582] : memref<160000x128xf32, #tpu.memory_space<hbm>> -> memref<128x128xf32, #tpu.memory_space<hbm>>
          %dma_wait3A_584 = arith.constant 0 : i32
          %dma_wait3A_585 = arith.constant 0 : i32
          %dma_wait3A_586 = tpu.memref_slice %arg14[%dma_wait3A_572, %dma_wait3A_584, %dma_wait3A_585] : memref<2x128x128xf32, #tpu.memory_space<vmem>> -> memref<1x128x128xf32, #tpu.memory_space<vmem>>
          %dma_wait3A_587 = tpu.memref_squeeze %dma_wait3A_586 : memref<1x128x128xf32, #tpu.memory_space<vmem>> -> memref<128x128xf32, #tpu.memory_space<vmem>>
          %dma_wait3A_588 = arith.constant 0 : i32
          %dma_wait3A_589 = arith.constant 0 : i32
          %dma_wait3A_590 = tpu.memref_slice %dma_wait3A_587[%dma_wait3A_588, %dma_wait3A_589] : memref<128x128xf32, #tpu.memory_space<vmem>> -> memref<128x128xf32, #tpu.memory_space<vmem>>
          tpu.wait_dma2 semaphore(%arg23 : memref<!tpu.dma_semaphore, #tpu.memory_space<semaphore_mem>>) src(%dma_wait3A_590 : memref<128x128xf32, #tpu.memory_space<vmem>>) dst(%dma_wait3A_583 : memref<128x128xf32, #tpu.memory_space<hbm>>)
        } else {
        }
        %add3A_494 = arith.constant 128 : i32
        %add3A_495 = arith.addi %add3A_303, %add3A_494 : i32
        %run_scoped3A_496 = arith.constant 1 : i32
        "tpu.region"() ({
          %run_scoped3A_534 = tpu.sem_alloc : memref<!tpu.dma_semaphore, #tpu.memory_space<semaphore_mem>>
          %dma_start3A_535 = arith.constant 0 : i32
          %dma_start3A_536 = tpu.memref_slice %arg10[%run_scoped3A_496, %dma_start3A_535] : memref<2x128xi32, #tpu.memory_space<vmem>> -> memref<1x128xi32, #tpu.memory_space<vmem>>
          %dma_start3A_537 = tpu.memref_squeeze %dma_start3A_536 : memref<1x128xi32, #tpu.memory_space<vmem>> -> memref<128xi32, #tpu.memory_space<vmem>>
          %dma_start3A_538 = tpu.memref_slice %arg5[%add3A_495] : memref<160000xi32, #tpu.memory_space<hbm>> -> memref<128xi32, #tpu.memory_space<hbm>>
          %dma_start3A_539 = arith.constant 0 : i32
          %dma_start3A_540 = tpu.memref_slice %arg10[%run_scoped3A_496, %dma_start3A_539] : memref<2x128xi32, #tpu.memory_space<vmem>> -> memref<1x128xi32, #tpu.memory_space<vmem>>
          %dma_start3A_541 = tpu.memref_squeeze %dma_start3A_540 : memref<1x128xi32, #tpu.memory_space<vmem>> -> memref<128xi32, #tpu.memory_space<vmem>>
          %dma_start3A_542 = tpu.memref_slice %arg5[%add3A_495] : memref<160000xi32, #tpu.memory_space<hbm>> -> memref<128xi32, #tpu.memory_space<hbm>>
          tpu.enqueue_dma source(%dma_start3A_542 : memref<128xi32, #tpu.memory_space<hbm>>) target(%dma_start3A_541 : memref<128xi32, #tpu.memory_space<vmem>>) target_semaphore(%run_scoped3A_534 : memref<!tpu.dma_semaphore, #tpu.memory_space<semaphore_mem>>)
          %dma_wait3A_543 = arith.constant 0 : i32
          %dma_wait3A_544 = tpu.memref_slice %arg10[%run_scoped3A_496, %dma_wait3A_543] : memref<2x128xi32, #tpu.memory_space<vmem>> -> memref<1x128xi32, #tpu.memory_space<vmem>>
          %dma_wait3A_545 = tpu.memref_squeeze %dma_wait3A_544 : memref<1x128xi32, #tpu.memory_space<vmem>> -> memref<128xi32, #tpu.memory_space<vmem>>
          %dma_wait3A_546 = tpu.memref_slice %arg5[%add3A_495] : memref<160000xi32, #tpu.memory_space<hbm>> -> memref<128xi32, #tpu.memory_space<hbm>>
          %dma_wait3A_547 = arith.constant 0 : i32
          %dma_wait3A_548 = tpu.memref_slice %arg10[%run_scoped3A_496, %dma_wait3A_547] : memref<2x128xi32, #tpu.memory_space<vmem>> -> memref<1x128xi32, #tpu.memory_space<vmem>>
          %dma_wait3A_549 = tpu.memref_squeeze %dma_wait3A_548 : memref<1x128xi32, #tpu.memory_space<vmem>> -> memref<128xi32, #tpu.memory_space<vmem>>
          %dma_wait3A_550 = tpu.memref_slice %arg5[%add3A_495] : memref<160000xi32, #tpu.memory_space<hbm>> -> memref<128xi32, #tpu.memory_space<hbm>>
          tpu.wait_dma2 semaphore(%run_scoped3A_534 : memref<!tpu.dma_semaphore, #tpu.memory_space<semaphore_mem>>) src(%dma_wait3A_550 : memref<128xi32, #tpu.memory_space<hbm>>) dst(%dma_wait3A_549 : memref<128xi32, #tpu.memory_space<vmem>>)
          tpu.yield
        }) : () -> ()
        %run_scoped3A_497 = arith.constant 1 : i32
        "tpu.region"() ({
          %run_scoped3A_534 = tpu.sem_alloc : memref<!tpu.dma_semaphore, #tpu.memory_space<semaphore_mem>>
          %dma_start3A_535 = arith.constant 0 : i32
          %dma_start3A_536 = tpu.memref_slice %arg11[%run_scoped3A_497, %dma_start3A_535] : memref<2x128xi32, #tpu.memory_space<vmem>> -> memref<1x128xi32, #tpu.memory_space<vmem>>
          %dma_start3A_537 = tpu.memref_squeeze %dma_start3A_536 : memref<1x128xi32, #tpu.memory_space<vmem>> -> memref<128xi32, #tpu.memory_space<vmem>>
          %dma_start3A_538 = tpu.memref_slice %arg6[%add3A_495] : memref<160000xi32, #tpu.memory_space<hbm>> -> memref<128xi32, #tpu.memory_space<hbm>>
          %dma_start3A_539 = arith.constant 0 : i32
          %dma_start3A_540 = tpu.memref_slice %arg11[%run_scoped3A_497, %dma_start3A_539] : memref<2x128xi32, #tpu.memory_space<vmem>> -> memref<1x128xi32, #tpu.memory_space<vmem>>
          %dma_start3A_541 = tpu.memref_squeeze %dma_start3A_540 : memref<1x128xi32, #tpu.memory_space<vmem>> -> memref<128xi32, #tpu.memory_space<vmem>>
          %dma_start3A_542 = tpu.memref_slice %arg6[%add3A_495] : memref<160000xi32, #tpu.memory_space<hbm>> -> memref<128xi32, #tpu.memory_space<hbm>>
          tpu.enqueue_dma source(%dma_start3A_542 : memref<128xi32, #tpu.memory_space<hbm>>) target(%dma_start3A_541 : memref<128xi32, #tpu.memory_space<vmem>>) target_semaphore(%run_scoped3A_534 : memref<!tpu.dma_semaphore, #tpu.memory_space<semaphore_mem>>)
          %dma_wait3A_543 = arith.constant 0 : i32
          %dma_wait3A_544 = tpu.memref_slice %arg11[%run_scoped3A_497, %dma_wait3A_543] : memref<2x128xi32, #tpu.memory_space<vmem>> -> memref<1x128xi32, #tpu.memory_space<vmem>>
          %dma_wait3A_545 = tpu.memref_squeeze %dma_wait3A_544 : memref<1x128xi32, #tpu.memory_space<vmem>> -> memref<128xi32, #tpu.memory_space<vmem>>
          %dma_wait3A_546 = tpu.memref_slice %arg6[%add3A_495] : memref<160000xi32, #tpu.memory_space<hbm>> -> memref<128xi32, #tpu.memory_space<hbm>>
          %dma_wait3A_547 = arith.constant 0 : i32
          %dma_wait3A_548 = tpu.memref_slice %arg11[%run_scoped3A_497, %dma_wait3A_547] : memref<2x128xi32, #tpu.memory_space<vmem>> -> memref<1x128xi32, #tpu.memory_space<vmem>>
          %dma_wait3A_549 = tpu.memref_squeeze %dma_wait3A_548 : memref<1x128xi32, #tpu.memory_space<vmem>> -> memref<128xi32, #tpu.memory_space<vmem>>
          %dma_wait3A_550 = tpu.memref_slice %arg6[%add3A_495] : memref<160000xi32, #tpu.memory_space<hbm>> -> memref<128xi32, #tpu.memory_space<hbm>>
          tpu.wait_dma2 semaphore(%run_scoped3A_534 : memref<!tpu.dma_semaphore, #tpu.memory_space<semaphore_mem>>) src(%dma_wait3A_550 : memref<128xi32, #tpu.memory_space<hbm>>) dst(%dma_wait3A_549 : memref<128xi32, #tpu.memory_space<vmem>>)
          tpu.yield
        }) : () -> ()
        %dma_start3A_498 = arith.constant 1 : i32
        %dma_start3A_499 = arith.constant 1 : i32
        %dma_start3A_500 = arith.constant 0 : i32
        %dma_start3A_501 = arith.constant 0 : i32
        %dma_start3A_502 = tpu.memref_slice %arg12[%dma_start3A_499, %dma_start3A_500, %dma_start3A_501] : memref<2x128x128xf32, #tpu.memory_space<vmem>> -> memref<1x128x128xf32, #tpu.memory_space<vmem>>
        %dma_start3A_503 = tpu.memref_squeeze %dma_start3A_502 : memref<1x128x128xf32, #tpu.memory_space<vmem>> -> memref<128x128xf32, #tpu.memory_space<vmem>>
        %dma_start3A_504 = arith.constant 0 : i32
        %dma_start3A_505 = tpu.memref_slice %arg10[%dma_start3A_498, %dma_start3A_504] : memref<2x128xi32, #tpu.memory_space<vmem>> -> memref<1x128xi32, #tpu.memory_space<vmem>>
        %dma_start3A_506 = tpu.memref_squeeze %dma_start3A_505 : memref<1x128xi32, #tpu.memory_space<vmem>> -> memref<128xi32, #tpu.memory_space<vmem>>
        %dma_start3A_507 = arith.constant 0 : i32
        %dma_start3A_508 = arith.constant 0 : i32
        %dma_start3A_509 = tpu.memref_slice %arg2[%dma_start3A_507, %dma_start3A_508] : memref<10000x128xf32, #tpu.memory_space<hbm>> -> memref<10000x128xf32, #tpu.memory_space<hbm>>
        tpu.enqueue_indirect_dma source(%dma_start3A_509 : memref<10000x128xf32, #tpu.memory_space<hbm>>) target(%dma_start3A_503 : memref<128x128xf32, #tpu.memory_space<vmem>>) offsets(%dma_start3A_506 : memref<128xi32, #tpu.memory_space<vmem>>) semaphore(%arg21 : memref<!tpu.dma_semaphore, #tpu.memory_space<semaphore_mem>>)
        %dma_start3A_510 = arith.constant 1 : i32
        %dma_start3A_511 = arith.constant 1 : i32
        %dma_start3A_512 = arith.constant 0 : i32
        %dma_start3A_513 = arith.constant 0 : i32
        %dma_start3A_514 = tpu.memref_slice %arg13[%dma_start3A_511, %dma_start3A_512, %dma_start3A_513] : memref<2x128x128xf32, #tpu.memory_space<vmem>> -> memref<1x128x128xf32, #tpu.memory_space<vmem>>
        %dma_start3A_515 = tpu.memref_squeeze %dma_start3A_514 : memref<1x128x128xf32, #tpu.memory_space<vmem>> -> memref<128x128xf32, #tpu.memory_space<vmem>>
        %dma_start3A_516 = arith.constant 0 : i32
        %dma_start3A_517 = tpu.memref_slice %arg11[%dma_start3A_510, %dma_start3A_516] : memref<2x128xi32, #tpu.memory_space<vmem>> -> memref<1x128xi32, #tpu.memory_space<vmem>>
        %dma_start3A_518 = tpu.memref_squeeze %dma_start3A_517 : memref<1x128xi32, #tpu.memory_space<vmem>> -> memref<128xi32, #tpu.memory_space<vmem>>
        %dma_start3A_519 = arith.constant 0 : i32
        %dma_start3A_520 = arith.constant 0 : i32
        %dma_start3A_521 = tpu.memref_slice %arg3[%dma_start3A_519, %dma_start3A_520] : memref<10000x128xf32, #tpu.memory_space<hbm>> -> memref<10000x128xf32, #tpu.memory_space<hbm>>
        tpu.enqueue_indirect_dma source(%dma_start3A_521 : memref<10000x128xf32, #tpu.memory_space<hbm>>) target(%dma_start3A_515 : memref<128x128xf32, #tpu.memory_space<vmem>>) offsets(%dma_start3A_518 : memref<128xi32, #tpu.memory_space<vmem>>) semaphore(%arg21 : memref<!tpu.dma_semaphore, #tpu.memory_space<semaphore_mem>>)
        %dma_start3A_522 = arith.constant 1 : i32
        %dma_start3A_523 = arith.constant 1 : i32
        %dma_start3A_524 = arith.constant 0 : i32
        %dma_start3A_525 = arith.constant 0 : i32
        %dma_start3A_526 = tpu.memref_slice %arg14[%dma_start3A_523, %dma_start3A_524, %dma_start3A_525] : memref<2x128x128xf32, #tpu.memory_space<vmem>> -> memref<1x128x128xf32, #tpu.memory_space<vmem>>
        %dma_start3A_527 = tpu.memref_squeeze %dma_start3A_526 : memref<1x128x128xf32, #tpu.memory_space<vmem>> -> memref<128x128xf32, #tpu.memory_space<vmem>>
        %dma_start3A_528 = arith.constant 0 : i32
        %dma_start3A_529 = tpu.memref_slice %arg11[%dma_start3A_522, %dma_start3A_528] : memref<2x128xi32, #tpu.memory_space<vmem>> -> memref<1x128xi32, #tpu.memory_space<vmem>>
        %dma_start3A_530 = tpu.memref_squeeze %dma_start3A_529 : memref<1x128xi32, #tpu.memory_space<vmem>> -> memref<128xi32, #tpu.memory_space<vmem>>
        %dma_start3A_531 = arith.constant 0 : i32
        %dma_start3A_532 = arith.constant 0 : i32
        %dma_start3A_533 = tpu.memref_slice %arg4[%dma_start3A_531, %dma_start3A_532] : memref<10000x128xf32, #tpu.memory_space<hbm>> -> memref<10000x128xf32, #tpu.memory_space<hbm>>
        tpu.enqueue_indirect_dma source(%dma_start3A_533 : memref<10000x128xf32, #tpu.memory_space<hbm>>) target(%dma_start3A_527 : memref<128x128xf32, #tpu.memory_space<vmem>>) offsets(%dma_start3A_530 : memref<128xi32, #tpu.memory_space<vmem>>) semaphore(%arg21 : memref<!tpu.dma_semaphore, #tpu.memory_space<semaphore_mem>>)
      } else {
      }
      %mul3A_392 = arith.constant 2 : i32
      %mul3A_393 = arith.muli %scan3A_296, %mul3A_392 : i32
      %add3A_394 = arith.constant 1 : i32
      %add3A_395 = arith.addi %mul3A_393, %add3A_394 : i32
      %mul3A_396 = arith.constant 128 : i32
      %mul3A_397 = arith.muli %add3A_395, %mul3A_396 : i32
      %add3A_398 = arith.addi %mul3A_2, %mul3A_397 : i32
      %dma_wait3A_399 = arith.constant 1 : i32
      %dma_wait3A_400 = arith.constant 0 : i32
      %dma_wait3A_401 = arith.constant 0 : i32
      %dma_wait3A_402 = tpu.memref_slice %arg12[%dma_wait3A_399, %dma_wait3A_400, %dma_wait3A_401] : memref<2x128x128xf32, #tpu.memory_space<vmem>> -> memref<1x128x128xf32, #tpu.memory_space<vmem>>
      %dma_wait3A_403 = tpu.memref_squeeze %dma_wait3A_402 : memref<1x128x128xf32, #tpu.memory_space<vmem>> -> memref<128x128xf32, #tpu.memory_space<vmem>>
      %dma_wait3A_404 = arith.constant 0 : i32
      %dma_wait3A_405 = arith.constant 0 : i32
      %dma_wait3A_406 = tpu.memref_slice %arg2[%dma_wait3A_404, %dma_wait3A_405] : memref<10000x128xf32, #tpu.memory_space<hbm>> -> memref<128x128xf32, #tpu.memory_space<hbm>>
      %dma_wait3A_407 = arith.constant 0 : i32
      %dma_wait3A_408 = arith.constant 0 : i32
      %dma_wait3A_409 = tpu.memref_slice %arg12[%dma_wait3A_399, %dma_wait3A_407, %dma_wait3A_408] : memref<2x128x128xf32, #tpu.memory_space<vmem>> -> memref<1x128x128xf32, #tpu.memory_space<vmem>>
      %dma_wait3A_410 = tpu.memref_squeeze %dma_wait3A_409 : memref<1x128x128xf32, #tpu.memory_space<vmem>> -> memref<128x128xf32, #tpu.memory_space<vmem>>
      %dma_wait3A_411 = arith.constant 0 : i32
      %dma_wait3A_412 = arith.constant 0 : i32
      %dma_wait3A_413 = tpu.memref_slice %arg2[%dma_wait3A_411, %dma_wait3A_412] : memref<10000x128xf32, #tpu.memory_space<hbm>> -> memref<128x128xf32, #tpu.memory_space<hbm>>
      tpu.wait_dma2 semaphore(%arg21 : memref<!tpu.dma_semaphore, #tpu.memory_space<semaphore_mem>>) src(%dma_wait3A_413 : memref<128x128xf32, #tpu.memory_space<hbm>>) dst(%dma_wait3A_410 : memref<128x128xf32, #tpu.memory_space<vmem>>)
      %dma_wait3A_414 = arith.constant 1 : i32
      %dma_wait3A_415 = arith.constant 0 : i32
      %dma_wait3A_416 = arith.constant 0 : i32
      %dma_wait3A_417 = tpu.memref_slice %arg13[%dma_wait3A_414, %dma_wait3A_415, %dma_wait3A_416] : memref<2x128x128xf32, #tpu.memory_space<vmem>> -> memref<1x128x128xf32, #tpu.memory_space<vmem>>
      %dma_wait3A_418 = tpu.memref_squeeze %dma_wait3A_417 : memref<1x128x128xf32, #tpu.memory_space<vmem>> -> memref<128x128xf32, #tpu.memory_space<vmem>>
      %dma_wait3A_419 = arith.constant 0 : i32
      %dma_wait3A_420 = arith.constant 0 : i32
      %dma_wait3A_421 = tpu.memref_slice %arg2[%dma_wait3A_419, %dma_wait3A_420] : memref<10000x128xf32, #tpu.memory_space<hbm>> -> memref<128x128xf32, #tpu.memory_space<hbm>>
      %dma_wait3A_422 = arith.constant 0 : i32
      %dma_wait3A_423 = arith.constant 0 : i32
      %dma_wait3A_424 = tpu.memref_slice %arg13[%dma_wait3A_414, %dma_wait3A_422, %dma_wait3A_423] : memref<2x128x128xf32, #tpu.memory_space<vmem>> -> memref<1x128x128xf32, #tpu.memory_space<vmem>>
      %dma_wait3A_425 = tpu.memref_squeeze %dma_wait3A_424 : memref<1x128x128xf32, #tpu.memory_space<vmem>> -> memref<128x128xf32, #tpu.memory_space<vmem>>
      %dma_wait3A_426 = arith.constant 0 : i32
      %dma_wait3A_427 = arith.constant 0 : i32
      %dma_wait3A_428 = tpu.memref_slice %arg2[%dma_wait3A_426, %dma_wait3A_427] : memref<10000x128xf32, #tpu.memory_space<hbm>> -> memref<128x128xf32, #tpu.memory_space<hbm>>
      tpu.wait_dma2 semaphore(%arg21 : memref<!tpu.dma_semaphore, #tpu.memory_space<semaphore_mem>>) src(%dma_wait3A_428 : memref<128x128xf32, #tpu.memory_space<hbm>>) dst(%dma_wait3A_425 : memref<128x128xf32, #tpu.memory_space<vmem>>)
      %dma_wait3A_429 = arith.constant 1 : i32
      %dma_wait3A_430 = arith.constant 0 : i32
      %dma_wait3A_431 = arith.constant 0 : i32
      %dma_wait3A_432 = tpu.memref_slice %arg14[%dma_wait3A_429, %dma_wait3A_430, %dma_wait3A_431] : memref<2x128x128xf32, #tpu.memory_space<vmem>> -> memref<1x128x128xf32, #tpu.memory_space<vmem>>
      %dma_wait3A_433 = tpu.memref_squeeze %dma_wait3A_432 : memref<1x128x128xf32, #tpu.memory_space<vmem>> -> memref<128x128xf32, #tpu.memory_space<vmem>>
      %dma_wait3A_434 = arith.constant 0 : i32
      %dma_wait3A_435 = arith.constant 0 : i32
      %dma_wait3A_436 = tpu.memref_slice %arg2[%dma_wait3A_434, %dma_wait3A_435] : memref<10000x128xf32, #tpu.memory_space<hbm>> -> memref<128x128xf32, #tpu.memory_space<hbm>>
      %dma_wait3A_437 = arith.constant 0 : i32
      %dma_wait3A_438 = arith.constant 0 : i32
      %dma_wait3A_439 = tpu.memref_slice %arg14[%dma_wait3A_429, %dma_wait3A_437, %dma_wait3A_438] : memref<2x128x128xf32, #tpu.memory_space<vmem>> -> memref<1x128x128xf32, #tpu.memory_space<vmem>>
      %dma_wait3A_440 = tpu.memref_squeeze %dma_wait3A_439 : memref<1x128x128xf32, #tpu.memory_space<vmem>> -> memref<128x128xf32, #tpu.memory_space<vmem>>
      %dma_wait3A_441 = arith.constant 0 : i32
      %dma_wait3A_442 = arith.constant 0 : i32
      %dma_wait3A_443 = tpu.memref_slice %arg2[%dma_wait3A_441, %dma_wait3A_442] : memref<10000x128xf32, #tpu.memory_space<hbm>> -> memref<128x128xf32, #tpu.memory_space<hbm>>
      tpu.wait_dma2 semaphore(%arg21 : memref<!tpu.dma_semaphore, #tpu.memory_space<semaphore_mem>>) src(%dma_wait3A_443 : memref<128x128xf32, #tpu.memory_space<hbm>>) dst(%dma_wait3A_440 : memref<128x128xf32, #tpu.memory_space<vmem>>)
      %dma_start3A_444 = arith.constant 1 : i32
      %dma_start3A_445 = arith.constant 0 : i32
      %dma_start3A_446 = arith.constant 0 : i32
      %dma_start3A_447 = tpu.memref_slice %arg12[%dma_start3A_444, %dma_start3A_445, %dma_start3A_446] : memref<2x128x128xf32, #tpu.memory_space<vmem>> -> memref<1x128x128xf32, #tpu.memory_space<vmem>>
      %dma_start3A_448 = tpu.memref_squeeze %dma_start3A_447 : memref<1x128x128xf32, #tpu.memory_space<vmem>> -> memref<128x128xf32, #tpu.memory_space<vmem>>
      %dma_start3A_449 = arith.constant 0 : i32
      %dma_start3A_450 = tpu.memref_slice %arg7[%add3A_398, %dma_start3A_449] : memref<160000x128xf32, #tpu.memory_space<hbm>> -> memref<128x128xf32, #tpu.memory_space<hbm>>
      %dma_start3A_451 = arith.constant 0 : i32
      %dma_start3A_452 = tpu.memref_slice %arg7[%add3A_398, %dma_start3A_451] : memref<160000x128xf32, #tpu.memory_space<hbm>> -> memref<128x128xf32, #tpu.memory_space<hbm>>
      %dma_start3A_453 = arith.constant 0 : i32
      %dma_start3A_454 = arith.constant 0 : i32
      %dma_start3A_455 = tpu.memref_slice %arg12[%dma_start3A_444, %dma_start3A_453, %dma_start3A_454] : memref<2x128x128xf32, #tpu.memory_space<vmem>> -> memref<1x128x128xf32, #tpu.memory_space<vmem>>
      %dma_start3A_456 = tpu.memref_squeeze %dma_start3A_455 : memref<1x128x128xf32, #tpu.memory_space<vmem>> -> memref<128x128xf32, #tpu.memory_space<vmem>>
      tpu.enqueue_dma source(%dma_start3A_456 : memref<128x128xf32, #tpu.memory_space<vmem>>) target(%dma_start3A_452 : memref<128x128xf32, #tpu.memory_space<hbm>>) target_semaphore(%arg23 : memref<!tpu.dma_semaphore, #tpu.memory_space<semaphore_mem>>)
      %dma_start3A_457 = arith.constant 1 : i32
      %dma_start3A_458 = arith.constant 0 : i32
      %dma_start3A_459 = arith.constant 0 : i32
      %dma_start3A_460 = tpu.memref_slice %arg13[%dma_start3A_457, %dma_start3A_458, %dma_start3A_459] : memref<2x128x128xf32, #tpu.memory_space<vmem>> -> memref<1x128x128xf32, #tpu.memory_space<vmem>>
      %dma_start3A_461 = tpu.memref_squeeze %dma_start3A_460 : memref<1x128x128xf32, #tpu.memory_space<vmem>> -> memref<128x128xf32, #tpu.memory_space<vmem>>
      %dma_start3A_462 = arith.constant 0 : i32
      %dma_start3A_463 = tpu.memref_slice %arg8[%add3A_398, %dma_start3A_462] : memref<160000x128xf32, #tpu.memory_space<hbm>> -> memref<128x128xf32, #tpu.memory_space<hbm>>
      %dma_start3A_464 = arith.constant 0 : i32
      %dma_start3A_465 = tpu.memref_slice %arg8[%add3A_398, %dma_start3A_464] : memref<160000x128xf32, #tpu.memory_space<hbm>> -> memref<128x128xf32, #tpu.memory_space<hbm>>
      %dma_start3A_466 = arith.constant 0 : i32
      %dma_start3A_467 = arith.constant 0 : i32
      %dma_start3A_468 = tpu.memref_slice %arg13[%dma_start3A_457, %dma_start3A_466, %dma_start3A_467] : memref<2x128x128xf32, #tpu.memory_space<vmem>> -> memref<1x128x128xf32, #tpu.memory_space<vmem>>
      %dma_start3A_469 = tpu.memref_squeeze %dma_start3A_468 : memref<1x128x128xf32, #tpu.memory_space<vmem>> -> memref<128x128xf32, #tpu.memory_space<vmem>>
      tpu.enqueue_dma source(%dma_start3A_469 : memref<128x128xf32, #tpu.memory_space<vmem>>) target(%dma_start3A_465 : memref<128x128xf32, #tpu.memory_space<hbm>>) target_semaphore(%arg23 : memref<!tpu.dma_semaphore, #tpu.memory_space<semaphore_mem>>)
      %dma_start3A_470 = arith.constant 1 : i32
      %dma_start3A_471 = arith.constant 0 : i32
      %dma_start3A_472 = arith.constant 0 : i32
      %dma_start3A_473 = tpu.memref_slice %arg14[%dma_start3A_470, %dma_start3A_471, %dma_start3A_472] : memref<2x128x128xf32, #tpu.memory_space<vmem>> -> memref<1x128x128xf32, #tpu.memory_space<vmem>>
      %dma_start3A_474 = tpu.memref_squeeze %dma_start3A_473 : memref<1x128x128xf32, #tpu.memory_space<vmem>> -> memref<128x128xf32, #tpu.memory_space<vmem>>
      %dma_start3A_475 = arith.constant 0 : i32
      %dma_start3A_476 = tpu.memref_slice %arg9[%add3A_398, %dma_start3A_475] : memref<160000x128xf32, #tpu.memory_space<hbm>> -> memref<128x128xf32, #tpu.memory_space<hbm>>
      %dma_start3A_477 = arith.constant 0 : i32
      %dma_start3A_478 = tpu.memref_slice %arg9[%add3A_398, %dma_start3A_477] : memref<160000x128xf32, #tpu.memory_space<hbm>> -> memref<128x128xf32, #tpu.memory_space<hbm>>
      %dma_start3A_479 = arith.constant 0 : i32
      %dma_start3A_480 = arith.constant 0 : i32
      %dma_start3A_481 = tpu.memref_slice %arg14[%dma_start3A_470, %dma_start3A_479, %dma_start3A_480] : memref<2x128x128xf32, #tpu.memory_space<vmem>> -> memref<1x128x128xf32, #tpu.memory_space<vmem>>
      %dma_start3A_482 = tpu.memref_squeeze %dma_start3A_481 : memref<1x128x128xf32, #tpu.memory_space<vmem>> -> memref<128x128xf32, #tpu.memory_space<vmem>>
      tpu.enqueue_dma source(%dma_start3A_482 : memref<128x128xf32, #tpu.memory_space<vmem>>) target(%dma_start3A_478 : memref<128x128xf32, #tpu.memory_space<hbm>>) target_semaphore(%arg23 : memref<!tpu.dma_semaphore, #tpu.memory_space<semaphore_mem>>)
      %add3A_483 = arith.constant 1 : i32
      %add3A_484 = arith.addi %add3A_395, %add3A_483 : i32
      %lt3A_485 = arith.constant 39 : i32
      %lt3A_486 = arith.cmpi slt, %add3A_484, %lt3A_485 : i32
      %convert_element_type3A_487 = arith.extui %lt3A_486 : i1 to i32
      %cond3A_488 = arith.constant 0 : i32
      %cond3A_489 = arith.cmpi ne, %convert_element_type3A_487, %cond3A_488 : i32
      scf.if %cond3A_489 {
        %gt3A = arith.constant 0 : i32
        %gt3A_490 = arith.cmpi sgt, %add3A_395, %gt3A : i32
        %convert_element_type3A_491 = arith.extui %gt3A_490 : i1 to i32
        %cond3A_492 = arith.constant 0 : i32
        %cond3A_493 = arith.cmpi ne, %convert_element_type3A_491, %cond3A_492 : i32
        scf.if %cond3A_493 {
          %dma_wait3A_534 = arith.constant 0 : i32
          %dma_wait3A_535 = arith.constant 0 : i32
          %dma_wait3A_536 = arith.constant 0 : i32
          %dma_wait3A_537 = tpu.memref_slice %arg12[%dma_wait3A_534, %dma_wait3A_535, %dma_wait3A_536] : memref<2x128x128xf32, #tpu.memory_space<vmem>> -> memref<1x128x128xf32, #tpu.memory_space<vmem>>
          %dma_wait3A_538 = tpu.memref_squeeze %dma_wait3A_537 : memref<1x128x128xf32, #tpu.memory_space<vmem>> -> memref<128x128xf32, #tpu.memory_space<vmem>>
          %dma_wait3A_539 = arith.constant 0 : i32
          %dma_wait3A_540 = arith.constant 0 : i32
          %dma_wait3A_541 = tpu.memref_slice %dma_wait3A_538[%dma_wait3A_539, %dma_wait3A_540] : memref<128x128xf32, #tpu.memory_space<vmem>> -> memref<128x128xf32, #tpu.memory_space<vmem>>
          %dma_wait3A_542 = arith.constant 0 : i32
          %dma_wait3A_543 = tpu.memref_slice %arg7[%mul3A_2, %dma_wait3A_542] : memref<160000x128xf32, #tpu.memory_space<hbm>> -> memref<128x128xf32, #tpu.memory_space<hbm>>
          %dma_wait3A_544 = arith.constant 0 : i32
          %dma_wait3A_545 = tpu.memref_slice %arg7[%mul3A_2, %dma_wait3A_544] : memref<160000x128xf32, #tpu.memory_space<hbm>> -> memref<128x128xf32, #tpu.memory_space<hbm>>
          %dma_wait3A_546 = arith.constant 0 : i32
          %dma_wait3A_547 = arith.constant 0 : i32
          %dma_wait3A_548 = tpu.memref_slice %arg12[%dma_wait3A_534, %dma_wait3A_546, %dma_wait3A_547] : memref<2x128x128xf32, #tpu.memory_space<vmem>> -> memref<1x128x128xf32, #tpu.memory_space<vmem>>
          %dma_wait3A_549 = tpu.memref_squeeze %dma_wait3A_548 : memref<1x128x128xf32, #tpu.memory_space<vmem>> -> memref<128x128xf32, #tpu.memory_space<vmem>>
          %dma_wait3A_550 = arith.constant 0 : i32
          %dma_wait3A_551 = arith.constant 0 : i32
          %dma_wait3A_552 = tpu.memref_slice %dma_wait3A_549[%dma_wait3A_550, %dma_wait3A_551] : memref<128x128xf32, #tpu.memory_space<vmem>> -> memref<128x128xf32, #tpu.memory_space<vmem>>
          tpu.wait_dma2 semaphore(%arg22 : memref<!tpu.dma_semaphore, #tpu.memory_space<semaphore_mem>>) src(%dma_wait3A_552 : memref<128x128xf32, #tpu.memory_space<vmem>>) dst(%dma_wait3A_545 : memref<128x128xf32, #tpu.memory_space<hbm>>)
          %dma_wait3A_553 = arith.constant 0 : i32
          %dma_wait3A_554 = arith.constant 0 : i32
          %dma_wait3A_555 = arith.constant 0 : i32
          %dma_wait3A_556 = tpu.memref_slice %arg13[%dma_wait3A_553, %dma_wait3A_554, %dma_wait3A_555] : memref<2x128x128xf32, #tpu.memory_space<vmem>> -> memref<1x128x128xf32, #tpu.memory_space<vmem>>
          %dma_wait3A_557 = tpu.memref_squeeze %dma_wait3A_556 : memref<1x128x128xf32, #tpu.memory_space<vmem>> -> memref<128x128xf32, #tpu.memory_space<vmem>>
          %dma_wait3A_558 = arith.constant 0 : i32
          %dma_wait3A_559 = arith.constant 0 : i32
          %dma_wait3A_560 = tpu.memref_slice %dma_wait3A_557[%dma_wait3A_558, %dma_wait3A_559] : memref<128x128xf32, #tpu.memory_space<vmem>> -> memref<128x128xf32, #tpu.memory_space<vmem>>
          %dma_wait3A_561 = arith.constant 0 : i32
          %dma_wait3A_562 = tpu.memref_slice %arg8[%mul3A_2, %dma_wait3A_561] : memref<160000x128xf32, #tpu.memory_space<hbm>> -> memref<128x128xf32, #tpu.memory_space<hbm>>
          %dma_wait3A_563 = arith.constant 0 : i32
          %dma_wait3A_564 = tpu.memref_slice %arg8[%mul3A_2, %dma_wait3A_563] : memref<160000x128xf32, #tpu.memory_space<hbm>> -> memref<128x128xf32, #tpu.memory_space<hbm>>
          %dma_wait3A_565 = arith.constant 0 : i32
          %dma_wait3A_566 = arith.constant 0 : i32
          %dma_wait3A_567 = tpu.memref_slice %arg13[%dma_wait3A_553, %dma_wait3A_565, %dma_wait3A_566] : memref<2x128x128xf32, #tpu.memory_space<vmem>> -> memref<1x128x128xf32, #tpu.memory_space<vmem>>
          %dma_wait3A_568 = tpu.memref_squeeze %dma_wait3A_567 : memref<1x128x128xf32, #tpu.memory_space<vmem>> -> memref<128x128xf32, #tpu.memory_space<vmem>>
          %dma_wait3A_569 = arith.constant 0 : i32
          %dma_wait3A_570 = arith.constant 0 : i32
          %dma_wait3A_571 = tpu.memref_slice %dma_wait3A_568[%dma_wait3A_569, %dma_wait3A_570] : memref<128x128xf32, #tpu.memory_space<vmem>> -> memref<128x128xf32, #tpu.memory_space<vmem>>
          tpu.wait_dma2 semaphore(%arg22 : memref<!tpu.dma_semaphore, #tpu.memory_space<semaphore_mem>>) src(%dma_wait3A_571 : memref<128x128xf32, #tpu.memory_space<vmem>>) dst(%dma_wait3A_564 : memref<128x128xf32, #tpu.memory_space<hbm>>)
          %dma_wait3A_572 = arith.constant 0 : i32
          %dma_wait3A_573 = arith.constant 0 : i32
          %dma_wait3A_574 = arith.constant 0 : i32
          %dma_wait3A_575 = tpu.memref_slice %arg14[%dma_wait3A_572, %dma_wait3A_573, %dma_wait3A_574] : memref<2x128x128xf32, #tpu.memory_space<vmem>> -> memref<1x128x128xf32, #tpu.memory_space<vmem>>
          %dma_wait3A_576 = tpu.memref_squeeze %dma_wait3A_575 : memref<1x128x128xf32, #tpu.memory_space<vmem>> -> memref<128x128xf32, #tpu.memory_space<vmem>>
          %dma_wait3A_577 = arith.constant 0 : i32
          %dma_wait3A_578 = arith.constant 0 : i32
          %dma_wait3A_579 = tpu.memref_slice %dma_wait3A_576[%dma_wait3A_577, %dma_wait3A_578] : memref<128x128xf32, #tpu.memory_space<vmem>> -> memref<128x128xf32, #tpu.memory_space<vmem>>
          %dma_wait3A_580 = arith.constant 0 : i32
          %dma_wait3A_581 = tpu.memref_slice %arg9[%mul3A_2, %dma_wait3A_580] : memref<160000x128xf32, #tpu.memory_space<hbm>> -> memref<128x128xf32, #tpu.memory_space<hbm>>
          %dma_wait3A_582 = arith.constant 0 : i32
          %dma_wait3A_583 = tpu.memref_slice %arg9[%mul3A_2, %dma_wait3A_582] : memref<160000x128xf32, #tpu.memory_space<hbm>> -> memref<128x128xf32, #tpu.memory_space<hbm>>
          %dma_wait3A_584 = arith.constant 0 : i32
          %dma_wait3A_585 = arith.constant 0 : i32
          %dma_wait3A_586 = tpu.memref_slice %arg14[%dma_wait3A_572, %dma_wait3A_584, %dma_wait3A_585] : memref<2x128x128xf32, #tpu.memory_space<vmem>> -> memref<1x128x128xf32, #tpu.memory_space<vmem>>
          %dma_wait3A_587 = tpu.memref_squeeze %dma_wait3A_586 : memref<1x128x128xf32, #tpu.memory_space<vmem>> -> memref<128x128xf32, #tpu.memory_space<vmem>>
          %dma_wait3A_588 = arith.constant 0 : i32
          %dma_wait3A_589 = arith.constant 0 : i32
          %dma_wait3A_590 = tpu.memref_slice %dma_wait3A_587[%dma_wait3A_588, %dma_wait3A_589] : memref<128x128xf32, #tpu.memory_space<vmem>> -> memref<128x128xf32, #tpu.memory_space<vmem>>
          tpu.wait_dma2 semaphore(%arg22 : memref<!tpu.dma_semaphore, #tpu.memory_space<semaphore_mem>>) src(%dma_wait3A_590 : memref<128x128xf32, #tpu.memory_space<vmem>>) dst(%dma_wait3A_583 : memref<128x128xf32, #tpu.memory_space<hbm>>)
        } else {
        }
        %add3A_494 = arith.constant 128 : i32
        %add3A_495 = arith.addi %add3A_398, %add3A_494 : i32
        %run_scoped3A_496 = arith.constant 0 : i32
        "tpu.region"() ({
          %run_scoped3A_534 = tpu.sem_alloc : memref<!tpu.dma_semaphore, #tpu.memory_space<semaphore_mem>>
          %dma_start3A_535 = arith.constant 0 : i32
          %dma_start3A_536 = tpu.memref_slice %arg10[%run_scoped3A_496, %dma_start3A_535] : memref<2x128xi32, #tpu.memory_space<vmem>> -> memref<1x128xi32, #tpu.memory_space<vmem>>
          %dma_start3A_537 = tpu.memref_squeeze %dma_start3A_536 : memref<1x128xi32, #tpu.memory_space<vmem>> -> memref<128xi32, #tpu.memory_space<vmem>>
          %dma_start3A_538 = tpu.memref_slice %arg5[%add3A_495] : memref<160000xi32, #tpu.memory_space<hbm>> -> memref<128xi32, #tpu.memory_space<hbm>>
          %dma_start3A_539 = arith.constant 0 : i32
          %dma_start3A_540 = tpu.memref_slice %arg10[%run_scoped3A_496, %dma_start3A_539] : memref<2x128xi32, #tpu.memory_space<vmem>> -> memref<1x128xi32, #tpu.memory_space<vmem>>
          %dma_start3A_541 = tpu.memref_squeeze %dma_start3A_540 : memref<1x128xi32, #tpu.memory_space<vmem>> -> memref<128xi32, #tpu.memory_space<vmem>>
          %dma_start3A_542 = tpu.memref_slice %arg5[%add3A_495] : memref<160000xi32, #tpu.memory_space<hbm>> -> memref<128xi32, #tpu.memory_space<hbm>>
          tpu.enqueue_dma source(%dma_start3A_542 : memref<128xi32, #tpu.memory_space<hbm>>) target(%dma_start3A_541 : memref<128xi32, #tpu.memory_space<vmem>>) target_semaphore(%run_scoped3A_534 : memref<!tpu.dma_semaphore, #tpu.memory_space<semaphore_mem>>)
          %dma_wait3A_543 = arith.constant 0 : i32
          %dma_wait3A_544 = tpu.memref_slice %arg10[%run_scoped3A_496, %dma_wait3A_543] : memref<2x128xi32, #tpu.memory_space<vmem>> -> memref<1x128xi32, #tpu.memory_space<vmem>>
          %dma_wait3A_545 = tpu.memref_squeeze %dma_wait3A_544 : memref<1x128xi32, #tpu.memory_space<vmem>> -> memref<128xi32, #tpu.memory_space<vmem>>
          %dma_wait3A_546 = tpu.memref_slice %arg5[%add3A_495] : memref<160000xi32, #tpu.memory_space<hbm>> -> memref<128xi32, #tpu.memory_space<hbm>>
          %dma_wait3A_547 = arith.constant 0 : i32
          %dma_wait3A_548 = tpu.memref_slice %arg10[%run_scoped3A_496, %dma_wait3A_547] : memref<2x128xi32, #tpu.memory_space<vmem>> -> memref<1x128xi32, #tpu.memory_space<vmem>>
          %dma_wait3A_549 = tpu.memref_squeeze %dma_wait3A_548 : memref<1x128xi32, #tpu.memory_space<vmem>> -> memref<128xi32, #tpu.memory_space<vmem>>
          %dma_wait3A_550 = tpu.memref_slice %arg5[%add3A_495] : memref<160000xi32, #tpu.memory_space<hbm>> -> memref<128xi32, #tpu.memory_space<hbm>>
          tpu.wait_dma2 semaphore(%run_scoped3A_534 : memref<!tpu.dma_semaphore, #tpu.memory_space<semaphore_mem>>) src(%dma_wait3A_550 : memref<128xi32, #tpu.memory_space<hbm>>) dst(%dma_wait3A_549 : memref<128xi32, #tpu.memory_space<vmem>>)
          tpu.yield
        }) : () -> ()
        %run_scoped3A_497 = arith.constant 0 : i32
        "tpu.region"() ({
          %run_scoped3A_534 = tpu.sem_alloc : memref<!tpu.dma_semaphore, #tpu.memory_space<semaphore_mem>>
          %dma_start3A_535 = arith.constant 0 : i32
          %dma_start3A_536 = tpu.memref_slice %arg11[%run_scoped3A_497, %dma_start3A_535] : memref<2x128xi32, #tpu.memory_space<vmem>> -> memref<1x128xi32, #tpu.memory_space<vmem>>
          %dma_start3A_537 = tpu.memref_squeeze %dma_start3A_536 : memref<1x128xi32, #tpu.memory_space<vmem>> -> memref<128xi32, #tpu.memory_space<vmem>>
          %dma_start3A_538 = tpu.memref_slice %arg6[%add3A_495] : memref<160000xi32, #tpu.memory_space<hbm>> -> memref<128xi32, #tpu.memory_space<hbm>>
          %dma_start3A_539 = arith.constant 0 : i32
          %dma_start3A_540 = tpu.memref_slice %arg11[%run_scoped3A_497, %dma_start3A_539] : memref<2x128xi32, #tpu.memory_space<vmem>> -> memref<1x128xi32, #tpu.memory_space<vmem>>
          %dma_start3A_541 = tpu.memref_squeeze %dma_start3A_540 : memref<1x128xi32, #tpu.memory_space<vmem>> -> memref<128xi32, #tpu.memory_space<vmem>>
          %dma_start3A_542 = tpu.memref_slice %arg6[%add3A_495] : memref<160000xi32, #tpu.memory_space<hbm>> -> memref<128xi32, #tpu.memory_space<hbm>>
          tpu.enqueue_dma source(%dma_start3A_542 : memref<128xi32, #tpu.memory_space<hbm>>) target(%dma_start3A_541 : memref<128xi32, #tpu.memory_space<vmem>>) target_semaphore(%run_scoped3A_534 : memref<!tpu.dma_semaphore, #tpu.memory_space<semaphore_mem>>)
          %dma_wait3A_543 = arith.constant 0 : i32
          %dma_wait3A_544 = tpu.memref_slice %arg11[%run_scoped3A_497, %dma_wait3A_543] : memref<2x128xi32, #tpu.memory_space<vmem>> -> memref<1x128xi32, #tpu.memory_space<vmem>>
          %dma_wait3A_545 = tpu.memref_squeeze %dma_wait3A_544 : memref<1x128xi32, #tpu.memory_space<vmem>> -> memref<128xi32, #tpu.memory_space<vmem>>
          %dma_wait3A_546 = tpu.memref_slice %arg6[%add3A_495] : memref<160000xi32, #tpu.memory_space<hbm>> -> memref<128xi32, #tpu.memory_space<hbm>>
          %dma_wait3A_547 = arith.constant 0 : i32
          %dma_wait3A_548 = tpu.memref_slice %arg11[%run_scoped3A_497, %dma_wait3A_547] : memref<2x128xi32, #tpu.memory_space<vmem>> -> memref<1x128xi32, #tpu.memory_space<vmem>>
          %dma_wait3A_549 = tpu.memref_squeeze %dma_wait3A_548 : memref<1x128xi32, #tpu.memory_space<vmem>> -> memref<128xi32, #tpu.memory_space<vmem>>
          %dma_wait3A_550 = tpu.memref_slice %arg6[%add3A_495] : memref<160000xi32, #tpu.memory_space<hbm>> -> memref<128xi32, #tpu.memory_space<hbm>>
          tpu.wait_dma2 semaphore(%run_scoped3A_534 : memref<!tpu.dma_semaphore, #tpu.memory_space<semaphore_mem>>) src(%dma_wait3A_550 : memref<128xi32, #tpu.memory_space<hbm>>) dst(%dma_wait3A_549 : memref<128xi32, #tpu.memory_space<vmem>>)
          tpu.yield
        }) : () -> ()
        %dma_start3A_498 = arith.constant 0 : i32
        %dma_start3A_499 = arith.constant 0 : i32
        %dma_start3A_500 = arith.constant 0 : i32
        %dma_start3A_501 = arith.constant 0 : i32
        %dma_start3A_502 = tpu.memref_slice %arg12[%dma_start3A_499, %dma_start3A_500, %dma_start3A_501] : memref<2x128x128xf32, #tpu.memory_space<vmem>> -> memref<1x128x128xf32, #tpu.memory_space<vmem>>
        %dma_start3A_503 = tpu.memref_squeeze %dma_start3A_502 : memref<1x128x128xf32, #tpu.memory_space<vmem>> -> memref<128x128xf32, #tpu.memory_space<vmem>>
        %dma_start3A_504 = arith.constant 0 : i32
        %dma_start3A_505 = tpu.memref_slice %arg10[%dma_start3A_498, %dma_start3A_504] : memref<2x128xi32, #tpu.memory_space<vmem>> -> memref<1x128xi32, #tpu.memory_space<vmem>>
        %dma_start3A_506 = tpu.memref_squeeze %dma_start3A_505 : memref<1x128xi32, #tpu.memory_space<vmem>> -> memref<128xi32, #tpu.memory_space<vmem>>
        %dma_start3A_507 = arith.constant 0 : i32
        %dma_start3A_508 = arith.constant 0 : i32
        %dma_start3A_509 = tpu.memref_slice %arg2[%dma_start3A_507, %dma_start3A_508] : memref<10000x128xf32, #tpu.memory_space<hbm>> -> memref<10000x128xf32, #tpu.memory_space<hbm>>
        tpu.enqueue_indirect_dma source(%dma_start3A_509 : memref<10000x128xf32, #tpu.memory_space<hbm>>) target(%dma_start3A_503 : memref<128x128xf32, #tpu.memory_space<vmem>>) offsets(%dma_start3A_506 : memref<128xi32, #tpu.memory_space<vmem>>) semaphore(%arg20 : memref<!tpu.dma_semaphore, #tpu.memory_space<semaphore_mem>>)
        %dma_start3A_510 = arith.constant 0 : i32
        %dma_start3A_511 = arith.constant 0 : i32
        %dma_start3A_512 = arith.constant 0 : i32
        %dma_start3A_513 = arith.constant 0 : i32
        %dma_start3A_514 = tpu.memref_slice %arg13[%dma_start3A_511, %dma_start3A_512, %dma_start3A_513] : memref<2x128x128xf32, #tpu.memory_space<vmem>> -> memref<1x128x128xf32, #tpu.memory_space<vmem>>
        %dma_start3A_515 = tpu.memref_squeeze %dma_start3A_514 : memref<1x128x128xf32, #tpu.memory_space<vmem>> -> memref<128x128xf32, #tpu.memory_space<vmem>>
        %dma_start3A_516 = arith.constant 0 : i32
        %dma_start3A_517 = tpu.memref_slice %arg11[%dma_start3A_510, %dma_start3A_516] : memref<2x128xi32, #tpu.memory_space<vmem>> -> memref<1x128xi32, #tpu.memory_space<vmem>>
        %dma_start3A_518 = tpu.memref_squeeze %dma_start3A_517 : memref<1x128xi32, #tpu.memory_space<vmem>> -> memref<128xi32, #tpu.memory_space<vmem>>
        %dma_start3A_519 = arith.constant 0 : i32
        %dma_start3A_520 = arith.constant 0 : i32
        %dma_start3A_521 = tpu.memref_slice %arg3[%dma_start3A_519, %dma_start3A_520] : memref<10000x128xf32, #tpu.memory_space<hbm>> -> memref<10000x128xf32, #tpu.memory_space<hbm>>
        tpu.enqueue_indirect_dma source(%dma_start3A_521 : memref<10000x128xf32, #tpu.memory_space<hbm>>) target(%dma_start3A_515 : memref<128x128xf32, #tpu.memory_space<vmem>>) offsets(%dma_start3A_518 : memref<128xi32, #tpu.memory_space<vmem>>) semaphore(%arg20 : memref<!tpu.dma_semaphore, #tpu.memory_space<semaphore_mem>>)
        %dma_start3A_522 = arith.constant 0 : i32
        %dma_start3A_523 = arith.constant 0 : i32
        %dma_start3A_524 = arith.constant 0 : i32
        %dma_start3A_525 = arith.constant 0 : i32
        %dma_start3A_526 = tpu.memref_slice %arg14[%dma_start3A_523, %dma_start3A_524, %dma_start3A_525] : memref<2x128x128xf32, #tpu.memory_space<vmem>> -> memref<1x128x128xf32, #tpu.memory_space<vmem>>
        %dma_start3A_527 = tpu.memref_squeeze %dma_start3A_526 : memref<1x128x128xf32, #tpu.memory_space<vmem>> -> memref<128x128xf32, #tpu.memory_space<vmem>>
        %dma_start3A_528 = arith.constant 0 : i32
        %dma_start3A_529 = tpu.memref_slice %arg11[%dma_start3A_522, %dma_start3A_528] : memref<2x128xi32, #tpu.memory_space<vmem>> -> memref<1x128xi32, #tpu.memory_space<vmem>>
        %dma_start3A_530 = tpu.memref_squeeze %dma_start3A_529 : memref<1x128xi32, #tpu.memory_space<vmem>> -> memref<128xi32, #tpu.memory_space<vmem>>
        %dma_start3A_531 = arith.constant 0 : i32
        %dma_start3A_532 = arith.constant 0 : i32
        %dma_start3A_533 = tpu.memref_slice %arg4[%dma_start3A_531, %dma_start3A_532] : memref<10000x128xf32, #tpu.memory_space<hbm>> -> memref<10000x128xf32, #tpu.memory_space<hbm>>
        tpu.enqueue_indirect_dma source(%dma_start3A_533 : memref<10000x128xf32, #tpu.memory_space<hbm>>) target(%dma_start3A_527 : memref<128x128xf32, #tpu.memory_space<vmem>>) offsets(%dma_start3A_530 : memref<128xi32, #tpu.memory_space<vmem>>) semaphore(%arg20 : memref<!tpu.dma_semaphore, #tpu.memory_space<semaphore_mem>>)
      } else {
      }
    }
    %scan3A_43 = arith.constant 19 : i32
    %add3A_44 = arith.constant 4864 : i32
    %add3A_45 = arith.addi %mul3A_2, %add3A_44 : i32
    %dma_wait3A = arith.constant 0 : i32
    %dma_wait3A_46 = arith.constant 0 : i32
    %dma_wait3A_47 = arith.constant 0 : i32
    %dma_wait3A_48 = tpu.memref_slice %arg12[%dma_wait3A, %dma_wait3A_46, %dma_wait3A_47] : memref<2x128x128xf32, #tpu.memory_space<vmem>> -> memref<1x128x128xf32, #tpu.memory_space<vmem>>
    %dma_wait3A_49 = tpu.memref_squeeze %dma_wait3A_48 : memref<1x128x128xf32, #tpu.memory_space<vmem>> -> memref<128x128xf32, #tpu.memory_space<vmem>>
    %dma_wait3A_50 = arith.constant 0 : i32
    %dma_wait3A_51 = arith.constant 0 : i32
    %dma_wait3A_52 = tpu.memref_slice %arg2[%dma_wait3A_50, %dma_wait3A_51] : memref<10000x128xf32, #tpu.memory_space<hbm>> -> memref<128x128xf32, #tpu.memory_space<hbm>>
    %dma_wait3A_53 = arith.constant 0 : i32
    %dma_wait3A_54 = arith.constant 0 : i32
    %dma_wait3A_55 = tpu.memref_slice %arg12[%dma_wait3A, %dma_wait3A_53, %dma_wait3A_54] : memref<2x128x128xf32, #tpu.memory_space<vmem>> -> memref<1x128x128xf32, #tpu.memory_space<vmem>>
    %dma_wait3A_56 = tpu.memref_squeeze %dma_wait3A_55 : memref<1x128x128xf32, #tpu.memory_space<vmem>> -> memref<128x128xf32, #tpu.memory_space<vmem>>
    %dma_wait3A_57 = arith.constant 0 : i32
    %dma_wait3A_58 = arith.constant 0 : i32
    %dma_wait3A_59 = tpu.memref_slice %arg2[%dma_wait3A_57, %dma_wait3A_58] : memref<10000x128xf32, #tpu.memory_space<hbm>> -> memref<128x128xf32, #tpu.memory_space<hbm>>
    tpu.wait_dma2 semaphore(%arg20 : memref<!tpu.dma_semaphore, #tpu.memory_space<semaphore_mem>>) src(%dma_wait3A_59 : memref<128x128xf32, #tpu.memory_space<hbm>>) dst(%dma_wait3A_56 : memref<128x128xf32, #tpu.memory_space<vmem>>)
    %dma_wait3A_60 = arith.constant 0 : i32
    %dma_wait3A_61 = arith.constant 0 : i32
    %dma_wait3A_62 = arith.constant 0 : i32
    %dma_wait3A_63 = tpu.memref_slice %arg13[%dma_wait3A_60, %dma_wait3A_61, %dma_wait3A_62] : memref<2x128x128xf32, #tpu.memory_space<vmem>> -> memref<1x128x128xf32, #tpu.memory_space<vmem>>
    %dma_wait3A_64 = tpu.memref_squeeze %dma_wait3A_63 : memref<1x128x128xf32, #tpu.memory_space<vmem>> -> memref<128x128xf32, #tpu.memory_space<vmem>>
    %dma_wait3A_65 = arith.constant 0 : i32
    %dma_wait3A_66 = arith.constant 0 : i32
    %dma_wait3A_67 = tpu.memref_slice %arg2[%dma_wait3A_65, %dma_wait3A_66] : memref<10000x128xf32, #tpu.memory_space<hbm>> -> memref<128x128xf32, #tpu.memory_space<hbm>>
    %dma_wait3A_68 = arith.constant 0 : i32
    %dma_wait3A_69 = arith.constant 0 : i32
    %dma_wait3A_70 = tpu.memref_slice %arg13[%dma_wait3A_60, %dma_wait3A_68, %dma_wait3A_69] : memref<2x128x128xf32, #tpu.memory_space<vmem>> -> memref<1x128x128xf32, #tpu.memory_space<vmem>>
    %dma_wait3A_71 = tpu.memref_squeeze %dma_wait3A_70 : memref<1x128x128xf32, #tpu.memory_space<vmem>> -> memref<128x128xf32, #tpu.memory_space<vmem>>
    %dma_wait3A_72 = arith.constant 0 : i32
    %dma_wait3A_73 = arith.constant 0 : i32
    %dma_wait3A_74 = tpu.memref_slice %arg2[%dma_wait3A_72, %dma_wait3A_73] : memref<10000x128xf32, #tpu.memory_space<hbm>> -> memref<128x128xf32, #tpu.memory_space<hbm>>
    tpu.wait_dma2 semaphore(%arg20 : memref<!tpu.dma_semaphore, #tpu.memory_space<semaphore_mem>>) src(%dma_wait3A_74 : memref<128x128xf32, #tpu.memory_space<hbm>>) dst(%dma_wait3A_71 : memref<128x128xf32, #tpu.memory_space<vmem>>)
    %dma_wait3A_75 = arith.constant 0 : i32
    %dma_wait3A_76 = arith.constant 0 : i32
    %dma_wait3A_77 = arith.constant 0 : i32
    %dma_wait3A_78 = tpu.memref_slice %arg14[%dma_wait3A_75, %dma_wait3A_76, %dma_wait3A_77] : memref<2x128x128xf32, #tpu.memory_space<vmem>> -> memref<1x128x128xf32, #tpu.memory_space<vmem>>
    %dma_wait3A_79 = tpu.memref_squeeze %dma_wait3A_78 : memref<1x128x128xf32, #tpu.memory_space<vmem>> -> memref<128x128xf32, #tpu.memory_space<vmem>>
    %dma_wait3A_80 = arith.constant 0 : i32
    %dma_wait3A_81 = arith.constant 0 : i32
    %dma_wait3A_82 = tpu.memref_slice %arg2[%dma_wait3A_80, %dma_wait3A_81] : memref<10000x128xf32, #tpu.memory_space<hbm>> -> memref<128x128xf32, #tpu.memory_space<hbm>>
    %dma_wait3A_83 = arith.constant 0 : i32
    %dma_wait3A_84 = arith.constant 0 : i32
    %dma_wait3A_85 = tpu.memref_slice %arg14[%dma_wait3A_75, %dma_wait3A_83, %dma_wait3A_84] : memref<2x128x128xf32, #tpu.memory_space<vmem>> -> memref<1x128x128xf32, #tpu.memory_space<vmem>>
    %dma_wait3A_86 = tpu.memref_squeeze %dma_wait3A_85 : memref<1x128x128xf32, #tpu.memory_space<vmem>> -> memref<128x128xf32, #tpu.memory_space<vmem>>
    %dma_wait3A_87 = arith.constant 0 : i32
    %dma_wait3A_88 = arith.constant 0 : i32
    %dma_wait3A_89 = tpu.memref_slice %arg2[%dma_wait3A_87, %dma_wait3A_88] : memref<10000x128xf32, #tpu.memory_space<hbm>> -> memref<128x128xf32, #tpu.memory_space<hbm>>
    tpu.wait_dma2 semaphore(%arg20 : memref<!tpu.dma_semaphore, #tpu.memory_space<semaphore_mem>>) src(%dma_wait3A_89 : memref<128x128xf32, #tpu.memory_space<hbm>>) dst(%dma_wait3A_86 : memref<128x128xf32, #tpu.memory_space<vmem>>)
    %dma_start3A_90 = arith.constant 0 : i32
    %dma_start3A_91 = arith.constant 0 : i32
    %dma_start3A_92 = arith.constant 0 : i32
    %dma_start3A_93 = tpu.memref_slice %arg12[%dma_start3A_90, %dma_start3A_91, %dma_start3A_92] : memref<2x128x128xf32, #tpu.memory_space<vmem>> -> memref<1x128x128xf32, #tpu.memory_space<vmem>>
    %dma_start3A_94 = tpu.memref_squeeze %dma_start3A_93 : memref<1x128x128xf32, #tpu.memory_space<vmem>> -> memref<128x128xf32, #tpu.memory_space<vmem>>
    %dma_start3A_95 = arith.constant 0 : i32
    %dma_start3A_96 = tpu.memref_slice %arg7[%add3A_45, %dma_start3A_95] : memref<160000x128xf32, #tpu.memory_space<hbm>> -> memref<128x128xf32, #tpu.memory_space<hbm>>
    %dma_start3A_97 = arith.constant 0 : i32
    %dma_start3A_98 = tpu.memref_slice %arg7[%add3A_45, %dma_start3A_97] : memref<160000x128xf32, #tpu.memory_space<hbm>> -> memref<128x128xf32, #tpu.memory_space<hbm>>
    %dma_start3A_99 = arith.constant 0 : i32
    %dma_start3A_100 = arith.constant 0 : i32
    %dma_start3A_101 = tpu.memref_slice %arg12[%dma_start3A_90, %dma_start3A_99, %dma_start3A_100] : memref<2x128x128xf32, #tpu.memory_space<vmem>> -> memref<1x128x128xf32, #tpu.memory_space<vmem>>
    %dma_start3A_102 = tpu.memref_squeeze %dma_start3A_101 : memref<1x128x128xf32, #tpu.memory_space<vmem>> -> memref<128x128xf32, #tpu.memory_space<vmem>>
    tpu.enqueue_dma source(%dma_start3A_102 : memref<128x128xf32, #tpu.memory_space<vmem>>) target(%dma_start3A_98 : memref<128x128xf32, #tpu.memory_space<hbm>>) target_semaphore(%arg22 : memref<!tpu.dma_semaphore, #tpu.memory_space<semaphore_mem>>)
    %dma_start3A_103 = arith.constant 0 : i32
    %dma_start3A_104 = arith.constant 0 : i32
    %dma_start3A_105 = arith.constant 0 : i32
    %dma_start3A_106 = tpu.memref_slice %arg13[%dma_start3A_103, %dma_start3A_104, %dma_start3A_105] : memref<2x128x128xf32, #tpu.memory_space<vmem>> -> memref<1x128x128xf32, #tpu.memory_space<vmem>>
    %dma_start3A_107 = tpu.memref_squeeze %dma_start3A_106 : memref<1x128x128xf32, #tpu.memory_space<vmem>> -> memref<128x128xf32, #tpu.memory_space<vmem>>
    %dma_start3A_108 = arith.constant 0 : i32
    %dma_start3A_109 = tpu.memref_slice %arg8[%add3A_45, %dma_start3A_108] : memref<160000x128xf32, #tpu.memory_space<hbm>> -> memref<128x128xf32, #tpu.memory_space<hbm>>
    %dma_start3A_110 = arith.constant 0 : i32
    %dma_start3A_111 = tpu.memref_slice %arg8[%add3A_45, %dma_start3A_110] : memref<160000x128xf32, #tpu.memory_space<hbm>> -> memref<128x128xf32, #tpu.memory_space<hbm>>
    %dma_start3A_112 = arith.constant 0 : i32
    %dma_start3A_113 = arith.constant 0 : i32
    %dma_start3A_114 = tpu.memref_slice %arg13[%dma_start3A_103, %dma_start3A_112, %dma_start3A_113] : memref<2x128x128xf32, #tpu.memory_space<vmem>> -> memref<1x128x128xf32, #tpu.memory_space<vmem>>
    %dma_start3A_115 = tpu.memref_squeeze %dma_start3A_114 : memref<1x128x128xf32, #tpu.memory_space<vmem>> -> memref<128x128xf32, #tpu.memory_space<vmem>>
    tpu.enqueue_dma source(%dma_start3A_115 : memref<128x128xf32, #tpu.memory_space<vmem>>) target(%dma_start3A_111 : memref<128x128xf32, #tpu.memory_space<hbm>>) target_semaphore(%arg22 : memref<!tpu.dma_semaphore, #tpu.memory_space<semaphore_mem>>)
    %dma_start3A_116 = arith.constant 0 : i32
    %dma_start3A_117 = arith.constant 0 : i32
    %dma_start3A_118 = arith.constant 0 : i32
    %dma_start3A_119 = tpu.memref_slice %arg14[%dma_start3A_116, %dma_start3A_117, %dma_start3A_118] : memref<2x128x128xf32, #tpu.memory_space<vmem>> -> memref<1x128x128xf32, #tpu.memory_space<vmem>>
    %dma_start3A_120 = tpu.memref_squeeze %dma_start3A_119 : memref<1x128x128xf32, #tpu.memory_space<vmem>> -> memref<128x128xf32, #tpu.memory_space<vmem>>
    %dma_start3A_121 = arith.constant 0 : i32
    %dma_start3A_122 = tpu.memref_slice %arg9[%add3A_45, %dma_start3A_121] : memref<160000x128xf32, #tpu.memory_space<hbm>> -> memref<128x128xf32, #tpu.memory_space<hbm>>
    %dma_start3A_123 = arith.constant 0 : i32
    %dma_start3A_124 = tpu.memref_slice %arg9[%add3A_45, %dma_start3A_123] : memref<160000x128xf32, #tpu.memory_space<hbm>> -> memref<128x128xf32, #tpu.memory_space<hbm>>
    %dma_start3A_125 = arith.constant 0 : i32
    %dma_start3A_126 = arith.constant 0 : i32
    %dma_start3A_127 = tpu.memref_slice %arg14[%dma_start3A_116, %dma_start3A_125, %dma_start3A_126] : memref<2x128x128xf32, #tpu.memory_space<vmem>> -> memref<1x128x128xf32, #tpu.memory_space<vmem>>
    %dma_start3A_128 = tpu.memref_squeeze %dma_start3A_127 : memref<1x128x128xf32, #tpu.memory_space<vmem>> -> memref<128x128xf32, #tpu.memory_space<vmem>>
    tpu.enqueue_dma source(%dma_start3A_128 : memref<128x128xf32, #tpu.memory_space<vmem>>) target(%dma_start3A_124 : memref<128x128xf32, #tpu.memory_space<hbm>>) target_semaphore(%arg22 : memref<!tpu.dma_semaphore, #tpu.memory_space<semaphore_mem>>)
    %dma_wait3A_129 = arith.constant 1 : i32
    %dma_wait3A_130 = arith.constant 0 : i32
    %dma_wait3A_131 = arith.constant 0 : i32
    %dma_wait3A_132 = tpu.memref_slice %arg12[%dma_wait3A_129, %dma_wait3A_130, %dma_wait3A_131] : memref<2x128x128xf32, #tpu.memory_space<vmem>> -> memref<1x128x128xf32, #tpu.memory_space<vmem>>
    %dma_wait3A_133 = tpu.memref_squeeze %dma_wait3A_132 : memref<1x128x128xf32, #tpu.memory_space<vmem>> -> memref<128x128xf32, #tpu.memory_space<vmem>>
    %dma_wait3A_134 = arith.constant 0 : i32
    %dma_wait3A_135 = arith.constant 0 : i32
    %dma_wait3A_136 = tpu.memref_slice %dma_wait3A_133[%dma_wait3A_134, %dma_wait3A_135] : memref<128x128xf32, #tpu.memory_space<vmem>> -> memref<128x128xf32, #tpu.memory_space<vmem>>
    %dma_wait3A_137 = arith.constant 0 : i32
    %dma_wait3A_138 = tpu.memref_slice %arg7[%mul3A_2, %dma_wait3A_137] : memref<160000x128xf32, #tpu.memory_space<hbm>> -> memref<128x128xf32, #tpu.memory_space<hbm>>
    %dma_wait3A_139 = arith.constant 0 : i32
    %dma_wait3A_140 = tpu.memref_slice %arg7[%mul3A_2, %dma_wait3A_139] : memref<160000x128xf32, #tpu.memory_space<hbm>> -> memref<128x128xf32, #tpu.memory_space<hbm>>
    %dma_wait3A_141 = arith.constant 0 : i32
    %dma_wait3A_142 = arith.constant 0 : i32
    %dma_wait3A_143 = tpu.memref_slice %arg12[%dma_wait3A_129, %dma_wait3A_141, %dma_wait3A_142] : memref<2x128x128xf32, #tpu.memory_space<vmem>> -> memref<1x128x128xf32, #tpu.memory_space<vmem>>
    %dma_wait3A_144 = tpu.memref_squeeze %dma_wait3A_143 : memref<1x128x128xf32, #tpu.memory_space<vmem>> -> memref<128x128xf32, #tpu.memory_space<vmem>>
    %dma_wait3A_145 = arith.constant 0 : i32
    %dma_wait3A_146 = arith.constant 0 : i32
    %dma_wait3A_147 = tpu.memref_slice %dma_wait3A_144[%dma_wait3A_145, %dma_wait3A_146] : memref<128x128xf32, #tpu.memory_space<vmem>> -> memref<128x128xf32, #tpu.memory_space<vmem>>
    tpu.wait_dma2 semaphore(%arg23 : memref<!tpu.dma_semaphore, #tpu.memory_space<semaphore_mem>>) src(%dma_wait3A_147 : memref<128x128xf32, #tpu.memory_space<vmem>>) dst(%dma_wait3A_140 : memref<128x128xf32, #tpu.memory_space<hbm>>)
    %dma_wait3A_148 = arith.constant 1 : i32
    %dma_wait3A_149 = arith.constant 0 : i32
    %dma_wait3A_150 = arith.constant 0 : i32
    %dma_wait3A_151 = tpu.memref_slice %arg13[%dma_wait3A_148, %dma_wait3A_149, %dma_wait3A_150] : memref<2x128x128xf32, #tpu.memory_space<vmem>> -> memref<1x128x128xf32, #tpu.memory_space<vmem>>
    %dma_wait3A_152 = tpu.memref_squeeze %dma_wait3A_151 : memref<1x128x128xf32, #tpu.memory_space<vmem>> -> memref<128x128xf32, #tpu.memory_space<vmem>>
    %dma_wait3A_153 = arith.constant 0 : i32
    %dma_wait3A_154 = arith.constant 0 : i32
    %dma_wait3A_155 = tpu.memref_slice %dma_wait3A_152[%dma_wait3A_153, %dma_wait3A_154] : memref<128x128xf32, #tpu.memory_space<vmem>> -> memref<128x128xf32, #tpu.memory_space<vmem>>
    %dma_wait3A_156 = arith.constant 0 : i32
    %dma_wait3A_157 = tpu.memref_slice %arg8[%mul3A_2, %dma_wait3A_156] : memref<160000x128xf32, #tpu.memory_space<hbm>> -> memref<128x128xf32, #tpu.memory_space<hbm>>
    %dma_wait3A_158 = arith.constant 0 : i32
    %dma_wait3A_159 = tpu.memref_slice %arg8[%mul3A_2, %dma_wait3A_158] : memref<160000x128xf32, #tpu.memory_space<hbm>> -> memref<128x128xf32, #tpu.memory_space<hbm>>
    %dma_wait3A_160 = arith.constant 0 : i32
    %dma_wait3A_161 = arith.constant 0 : i32
    %dma_wait3A_162 = tpu.memref_slice %arg13[%dma_wait3A_148, %dma_wait3A_160, %dma_wait3A_161] : memref<2x128x128xf32, #tpu.memory_space<vmem>> -> memref<1x128x128xf32, #tpu.memory_space<vmem>>
    %dma_wait3A_163 = tpu.memref_squeeze %dma_wait3A_162 : memref<1x128x128xf32, #tpu.memory_space<vmem>> -> memref<128x128xf32, #tpu.memory_space<vmem>>
    %dma_wait3A_164 = arith.constant 0 : i32
    %dma_wait3A_165 = arith.constant 0 : i32
    %dma_wait3A_166 = tpu.memref_slice %dma_wait3A_163[%dma_wait3A_164, %dma_wait3A_165] : memref<128x128xf32, #tpu.memory_space<vmem>> -> memref<128x128xf32, #tpu.memory_space<vmem>>
    tpu.wait_dma2 semaphore(%arg23 : memref<!tpu.dma_semaphore, #tpu.memory_space<semaphore_mem>>) src(%dma_wait3A_166 : memref<128x128xf32, #tpu.memory_space<vmem>>) dst(%dma_wait3A_159 : memref<128x128xf32, #tpu.memory_space<hbm>>)
    %dma_wait3A_167 = arith.constant 1 : i32
    %dma_wait3A_168 = arith.constant 0 : i32
    %dma_wait3A_169 = arith.constant 0 : i32
    %dma_wait3A_170 = tpu.memref_slice %arg14[%dma_wait3A_167, %dma_wait3A_168, %dma_wait3A_169] : memref<2x128x128xf32, #tpu.memory_space<vmem>> -> memref<1x128x128xf32, #tpu.memory_space<vmem>>
    %dma_wait3A_171 = tpu.memref_squeeze %dma_wait3A_170 : memref<1x128x128xf32, #tpu.memory_space<vmem>> -> memref<128x128xf32, #tpu.memory_space<vmem>>
    %dma_wait3A_172 = arith.constant 0 : i32
    %dma_wait3A_173 = arith.constant 0 : i32
    %dma_wait3A_174 = tpu.memref_slice %dma_wait3A_171[%dma_wait3A_172, %dma_wait3A_173] : memref<128x128xf32, #tpu.memory_space<vmem>> -> memref<128x128xf32, #tpu.memory_space<vmem>>
    %dma_wait3A_175 = arith.constant 0 : i32
    %dma_wait3A_176 = tpu.memref_slice %arg9[%mul3A_2, %dma_wait3A_175] : memref<160000x128xf32, #tpu.memory_space<hbm>> -> memref<128x128xf32, #tpu.memory_space<hbm>>
    %dma_wait3A_177 = arith.constant 0 : i32
    %dma_wait3A_178 = tpu.memref_slice %arg9[%mul3A_2, %dma_wait3A_177] : memref<160000x128xf32, #tpu.memory_space<hbm>> -> memref<128x128xf32, #tpu.memory_space<hbm>>
    %dma_wait3A_179 = arith.constant 0 : i32
    %dma_wait3A_180 = arith.constant 0 : i32
    %dma_wait3A_181 = tpu.memref_slice %arg14[%dma_wait3A_167, %dma_wait3A_179, %dma_wait3A_180] : memref<2x128x128xf32, #tpu.memory_space<vmem>> -> memref<1x128x128xf32, #tpu.memory_space<vmem>>
    %dma_wait3A_182 = tpu.memref_squeeze %dma_wait3A_181 : memref<1x128x128xf32, #tpu.memory_space<vmem>> -> memref<128x128xf32, #tpu.memory_space<vmem>>
    %dma_wait3A_183 = arith.constant 0 : i32
    %dma_wait3A_184 = arith.constant 0 : i32
    %dma_wait3A_185 = tpu.memref_slice %dma_wait3A_182[%dma_wait3A_183, %dma_wait3A_184] : memref<128x128xf32, #tpu.memory_space<vmem>> -> memref<128x128xf32, #tpu.memory_space<vmem>>
    tpu.wait_dma2 semaphore(%arg23 : memref<!tpu.dma_semaphore, #tpu.memory_space<semaphore_mem>>) src(%dma_wait3A_185 : memref<128x128xf32, #tpu.memory_space<vmem>>) dst(%dma_wait3A_178 : memref<128x128xf32, #tpu.memory_space<hbm>>)
    %add3A_186 = arith.constant 4992 : i32
    %add3A_187 = arith.addi %mul3A_2, %add3A_186 : i32
    "tpu.region"() ({
      %run_scoped3A_296 = tpu.sem_alloc : memref<!tpu.dma_semaphore, #tpu.memory_space<semaphore_mem>>
      %dma_start3A_297 = tpu.memref_slice %arg5[%add3A_187] : memref<160000xi32, #tpu.memory_space<hbm>> -> memref<8xi32, #tpu.memory_space<hbm>>
      %dma_start3A_298 = tpu.memref_slice %arg5[%add3A_187] : memref<160000xi32, #tpu.memory_space<hbm>> -> memref<8xi32, #tpu.memory_space<hbm>>
      tpu.enqueue_dma source(%dma_start3A_298 : memref<8xi32, #tpu.memory_space<hbm>>) target(%arg15 : memref<8xi32, #tpu.memory_space<vmem>>) target_semaphore(%run_scoped3A_296 : memref<!tpu.dma_semaphore, #tpu.memory_space<semaphore_mem>>)
      %dma_wait3A_299 = tpu.memref_slice %arg5[%add3A_187] : memref<160000xi32, #tpu.memory_space<hbm>> -> memref<8xi32, #tpu.memory_space<hbm>>
      %dma_wait3A_300 = tpu.memref_slice %arg5[%add3A_187] : memref<160000xi32, #tpu.memory_space<hbm>> -> memref<8xi32, #tpu.memory_space<hbm>>
      tpu.wait_dma2 semaphore(%run_scoped3A_296 : memref<!tpu.dma_semaphore, #tpu.memory_space<semaphore_mem>>) src(%dma_wait3A_300 : memref<8xi32, #tpu.memory_space<hbm>>) dst(%arg15 : memref<8xi32, #tpu.memory_space<vmem>>)
      tpu.yield
    }) : () -> ()
    "tpu.region"() ({
      %run_scoped3A_296 = tpu.sem_alloc : memref<!tpu.dma_semaphore, #tpu.memory_space<semaphore_mem>>
      %dma_start3A_297 = tpu.memref_slice %arg6[%add3A_187] : memref<160000xi32, #tpu.memory_space<hbm>> -> memref<8xi32, #tpu.memory_space<hbm>>
      %dma_start3A_298 = tpu.memref_slice %arg6[%add3A_187] : memref<160000xi32, #tpu.memory_space<hbm>> -> memref<8xi32, #tpu.memory_space<hbm>>
      tpu.enqueue_dma source(%dma_start3A_298 : memref<8xi32, #tpu.memory_space<hbm>>) target(%arg16 : memref<8xi32, #tpu.memory_space<vmem>>) target_semaphore(%run_scoped3A_296 : memref<!tpu.dma_semaphore, #tpu.memory_space<semaphore_mem>>)
      %dma_wait3A_299 = tpu.memref_slice %arg6[%add3A_187] : memref<160000xi32, #tpu.memory_space<hbm>> -> memref<8xi32, #tpu.memory_space<hbm>>
      %dma_wait3A_300 = tpu.memref_slice %arg6[%add3A_187] : memref<160000xi32, #tpu.memory_space<hbm>> -> memref<8xi32, #tpu.memory_space<hbm>>
      tpu.wait_dma2 semaphore(%run_scoped3A_296 : memref<!tpu.dma_semaphore, #tpu.memory_space<semaphore_mem>>) src(%dma_wait3A_300 : memref<8xi32, #tpu.memory_space<hbm>>) dst(%arg16 : memref<8xi32, #tpu.memory_space<vmem>>)
      tpu.yield
    }) : () -> ()
    %dma_start3A_188 = arith.constant 0 : i32
    %dma_start3A_189 = arith.constant 0 : i32
    %dma_start3A_190 = tpu.memref_slice %arg2[%dma_start3A_188, %dma_start3A_189] : memref<10000x128xf32, #tpu.memory_space<hbm>> -> memref<10000x128xf32, #tpu.memory_space<hbm>>
    tpu.enqueue_indirect_dma source(%dma_start3A_190 : memref<10000x128xf32, #tpu.memory_space<hbm>>) target(%arg17 : memref<8x128xf32, #tpu.memory_space<vmem>>) offsets(%arg15 : memref<8xi32, #tpu.memory_space<vmem>>) semaphore(%arg21 : memref<!tpu.dma_semaphore, #tpu.memory_space<semaphore_mem>>)
    %dma_start3A_191 = arith.constant 0 : i32
    %dma_start3A_192 = arith.constant 0 : i32
    %dma_start3A_193 = tpu.memref_slice %arg3[%dma_start3A_191, %dma_start3A_192] : memref<10000x128xf32, #tpu.memory_space<hbm>> -> memref<10000x128xf32, #tpu.memory_space<hbm>>
    tpu.enqueue_indirect_dma source(%dma_start3A_193 : memref<10000x128xf32, #tpu.memory_space<hbm>>) target(%arg18 : memref<8x128xf32, #tpu.memory_space<vmem>>) offsets(%arg16 : memref<8xi32, #tpu.memory_space<vmem>>) semaphore(%arg21 : memref<!tpu.dma_semaphore, #tpu.memory_space<semaphore_mem>>)
    %dma_start3A_194 = arith.constant 0 : i32
    %dma_start3A_195 = arith.constant 0 : i32
    %dma_start3A_196 = tpu.memref_slice %arg4[%dma_start3A_194, %dma_start3A_195] : memref<10000x128xf32, #tpu.memory_space<hbm>> -> memref<10000x128xf32, #tpu.memory_space<hbm>>
    tpu.enqueue_indirect_dma source(%dma_start3A_196 : memref<10000x128xf32, #tpu.memory_space<hbm>>) target(%arg19 : memref<8x128xf32, #tpu.memory_space<vmem>>) offsets(%arg16 : memref<8xi32, #tpu.memory_space<vmem>>) semaphore(%arg21 : memref<!tpu.dma_semaphore, #tpu.memory_space<semaphore_mem>>)
    %dma_wait3A_197 = arith.constant 0 : i32
    %dma_wait3A_198 = arith.constant 0 : i32
    %dma_wait3A_199 = tpu.memref_slice %arg2[%dma_wait3A_197, %dma_wait3A_198] : memref<10000x128xf32, #tpu.memory_space<hbm>> -> memref<8x128xf32, #tpu.memory_space<hbm>>
    %dma_wait3A_200 = arith.constant 0 : i32
    %dma_wait3A_201 = arith.constant 0 : i32
    %dma_wait3A_202 = tpu.memref_slice %arg2[%dma_wait3A_200, %dma_wait3A_201] : memref<10000x128xf32, #tpu.memory_space<hbm>> -> memref<8x128xf32, #tpu.memory_space<hbm>>
    tpu.wait_dma2 semaphore(%arg21 : memref<!tpu.dma_semaphore, #tpu.memory_space<semaphore_mem>>) src(%dma_wait3A_202 : memref<8x128xf32, #tpu.memory_space<hbm>>) dst(%arg17 : memref<8x128xf32, #tpu.memory_space<vmem>>)
    %dma_wait3A_203 = arith.constant 0 : i32
    %dma_wait3A_204 = arith.constant 0 : i32
    %dma_wait3A_205 = tpu.memref_slice %arg2[%dma_wait3A_203, %dma_wait3A_204] : memref<10000x128xf32, #tpu.memory_space<hbm>> -> memref<8x128xf32, #tpu.memory_space<hbm>>
    %dma_wait3A_206 = arith.constant 0 : i32
    %dma_wait3A_207 = arith.constant 0 : i32
    %dma_wait3A_208 = tpu.memref_slice %arg2[%dma_wait3A_206, %dma_wait3A_207] : memref<10000x128xf32, #tpu.memory_space<hbm>> -> memref<8x128xf32, #tpu.memory_space<hbm>>
    tpu.wait_dma2 semaphore(%arg21 : memref<!tpu.dma_semaphore, #tpu.memory_space<semaphore_mem>>) src(%dma_wait3A_208 : memref<8x128xf32, #tpu.memory_space<hbm>>) dst(%arg18 : memref<8x128xf32, #tpu.memory_space<vmem>>)
    %dma_wait3A_209 = arith.constant 0 : i32
    %dma_wait3A_210 = arith.constant 0 : i32
    %dma_wait3A_211 = tpu.memref_slice %arg2[%dma_wait3A_209, %dma_wait3A_210] : memref<10000x128xf32, #tpu.memory_space<hbm>> -> memref<8x128xf32, #tpu.memory_space<hbm>>
    %dma_wait3A_212 = arith.constant 0 : i32
    %dma_wait3A_213 = arith.constant 0 : i32
    %dma_wait3A_214 = tpu.memref_slice %arg2[%dma_wait3A_212, %dma_wait3A_213] : memref<10000x128xf32, #tpu.memory_space<hbm>> -> memref<8x128xf32, #tpu.memory_space<hbm>>
    tpu.wait_dma2 semaphore(%arg21 : memref<!tpu.dma_semaphore, #tpu.memory_space<semaphore_mem>>) src(%dma_wait3A_214 : memref<8x128xf32, #tpu.memory_space<hbm>>) dst(%arg19 : memref<8x128xf32, #tpu.memory_space<vmem>>)
    %dma_start3A_215 = arith.constant 0 : i32
    %dma_start3A_216 = tpu.memref_slice %arg7[%add3A_187, %dma_start3A_215] : memref<160000x128xf32, #tpu.memory_space<hbm>> -> memref<8x128xf32, #tpu.memory_space<hbm>>
    %dma_start3A_217 = arith.constant 0 : i32
    %dma_start3A_218 = tpu.memref_slice %arg7[%add3A_187, %dma_start3A_217] : memref<160000x128xf32, #tpu.memory_space<hbm>> -> memref<8x128xf32, #tpu.memory_space<hbm>>
    tpu.enqueue_dma source(%arg17 : memref<8x128xf32, #tpu.memory_space<vmem>>) target(%dma_start3A_218 : memref<8x128xf32, #tpu.memory_space<hbm>>) target_semaphore(%arg23 : memref<!tpu.dma_semaphore, #tpu.memory_space<semaphore_mem>>)
    %dma_start3A_219 = arith.constant 0 : i32
    %dma_start3A_220 = tpu.memref_slice %arg8[%add3A_187, %dma_start3A_219] : memref<160000x128xf32, #tpu.memory_space<hbm>> -> memref<8x128xf32, #tpu.memory_space<hbm>>
    %dma_start3A_221 = arith.constant 0 : i32
    %dma_start3A_222 = tpu.memref_slice %arg8[%add3A_187, %dma_start3A_221] : memref<160000x128xf32, #tpu.memory_space<hbm>> -> memref<8x128xf32, #tpu.memory_space<hbm>>
    tpu.enqueue_dma source(%arg18 : memref<8x128xf32, #tpu.memory_space<vmem>>) target(%dma_start3A_222 : memref<8x128xf32, #tpu.memory_space<hbm>>) target_semaphore(%arg23 : memref<!tpu.dma_semaphore, #tpu.memory_space<semaphore_mem>>)
    %dma_start3A_223 = arith.constant 0 : i32
    %dma_start3A_224 = tpu.memref_slice %arg9[%add3A_187, %dma_start3A_223] : memref<160000x128xf32, #tpu.memory_space<hbm>> -> memref<8x128xf32, #tpu.memory_space<hbm>>
    %dma_start3A_225 = arith.constant 0 : i32
    %dma_start3A_226 = tpu.memref_slice %arg9[%add3A_187, %dma_start3A_225] : memref<160000x128xf32, #tpu.memory_space<hbm>> -> memref<8x128xf32, #tpu.memory_space<hbm>>
    tpu.enqueue_dma source(%arg19 : memref<8x128xf32, #tpu.memory_space<vmem>>) target(%dma_start3A_226 : memref<8x128xf32, #tpu.memory_space<hbm>>) target_semaphore(%arg23 : memref<!tpu.dma_semaphore, #tpu.memory_space<semaphore_mem>>)
    %dma_wait3A_227 = arith.constant 0 : i32
    %dma_wait3A_228 = tpu.memref_slice %arg7[%add3A_187, %dma_wait3A_227] : memref<160000x128xf32, #tpu.memory_space<hbm>> -> memref<8x128xf32, #tpu.memory_space<hbm>>
    %dma_wait3A_229 = arith.constant 0 : i32
    %dma_wait3A_230 = tpu.memref_slice %arg7[%add3A_187, %dma_wait3A_229] : memref<160000x128xf32, #tpu.memory_space<hbm>> -> memref<8x128xf32, #tpu.memory_space<hbm>>
    tpu.wait_dma2 semaphore(%arg23 : memref<!tpu.dma_semaphore, #tpu.memory_space<semaphore_mem>>) src(%arg17 : memref<8x128xf32, #tpu.memory_space<vmem>>) dst(%dma_wait3A_230 : memref<8x128xf32, #tpu.memory_space<hbm>>)
    %dma_wait3A_231 = arith.constant 0 : i32
    %dma_wait3A_232 = tpu.memref_slice %arg8[%add3A_187, %dma_wait3A_231] : memref<160000x128xf32, #tpu.memory_space<hbm>> -> memref<8x128xf32, #tpu.memory_space<hbm>>
    %dma_wait3A_233 = arith.constant 0 : i32
    %dma_wait3A_234 = tpu.memref_slice %arg8[%add3A_187, %dma_wait3A_233] : memref<160000x128xf32, #tpu.memory_space<hbm>> -> memref<8x128xf32, #tpu.memory_space<hbm>>
    tpu.wait_dma2 semaphore(%arg23 : memref<!tpu.dma_semaphore, #tpu.memory_space<semaphore_mem>>) src(%arg18 : memref<8x128xf32, #tpu.memory_space<vmem>>) dst(%dma_wait3A_234 : memref<8x128xf32, #tpu.memory_space<hbm>>)
    %dma_wait3A_235 = arith.constant 0 : i32
    %dma_wait3A_236 = tpu.memref_slice %arg9[%add3A_187, %dma_wait3A_235] : memref<160000x128xf32, #tpu.memory_space<hbm>> -> memref<8x128xf32, #tpu.memory_space<hbm>>
    %dma_wait3A_237 = arith.constant 0 : i32
    %dma_wait3A_238 = tpu.memref_slice %arg9[%add3A_187, %dma_wait3A_237] : memref<160000x128xf32, #tpu.memory_space<hbm>> -> memref<8x128xf32, #tpu.memory_space<hbm>>
    tpu.wait_dma2 semaphore(%arg23 : memref<!tpu.dma_semaphore, #tpu.memory_space<semaphore_mem>>) src(%arg19 : memref<8x128xf32, #tpu.memory_space<vmem>>) dst(%dma_wait3A_238 : memref<8x128xf32, #tpu.memory_space<hbm>>)
    %dma_wait3A_239 = arith.constant 0 : i32
    %dma_wait3A_240 = arith.constant 0 : i32
    %dma_wait3A_241 = arith.constant 0 : i32
    %dma_wait3A_242 = tpu.memref_slice %arg12[%dma_wait3A_239, %dma_wait3A_240, %dma_wait3A_241] : memref<2x128x128xf32, #tpu.memory_space<vmem>> -> memref<1x128x128xf32, #tpu.memory_space<vmem>>
    %dma_wait3A_243 = tpu.memref_squeeze %dma_wait3A_242 : memref<1x128x128xf32, #tpu.memory_space<vmem>> -> memref<128x128xf32, #tpu.memory_space<vmem>>
    %dma_wait3A_244 = arith.constant 0 : i32
    %dma_wait3A_245 = arith.constant 0 : i32
    %dma_wait3A_246 = tpu.memref_slice %dma_wait3A_243[%dma_wait3A_244, %dma_wait3A_245] : memref<128x128xf32, #tpu.memory_space<vmem>> -> memref<128x128xf32, #tpu.memory_space<vmem>>
    %dma_wait3A_247 = arith.constant 0 : i32
    %dma_wait3A_248 = tpu.memref_slice %arg7[%mul3A_2, %dma_wait3A_247] : memref<160000x128xf32, #tpu.memory_space<hbm>> -> memref<128x128xf32, #tpu.memory_space<hbm>>
    %dma_wait3A_249 = arith.constant 0 : i32
    %dma_wait3A_250 = tpu.memref_slice %arg7[%mul3A_2, %dma_wait3A_249] : memref<160000x128xf32, #tpu.memory_space<hbm>> -> memref<128x128xf32, #tpu.memory_space<hbm>>
    %dma_wait3A_251 = arith.constant 0 : i32
    %dma_wait3A_252 = arith.constant 0 : i32
    %dma_wait3A_253 = tpu.memref_slice %arg12[%dma_wait3A_239, %dma_wait3A_251, %dma_wait3A_252] : memref<2x128x128xf32, #tpu.memory_space<vmem>> -> memref<1x128x128xf32, #tpu.memory_space<vmem>>
    %dma_wait3A_254 = tpu.memref_squeeze %dma_wait3A_253 : memref<1x128x128xf32, #tpu.memory_space<vmem>> -> memref<128x128xf32, #tpu.memory_space<vmem>>
    %dma_wait3A_255 = arith.constant 0 : i32
    %dma_wait3A_256 = arith.constant 0 : i32
    %dma_wait3A_257 = tpu.memref_slice %dma_wait3A_254[%dma_wait3A_255, %dma_wait3A_256] : memref<128x128xf32, #tpu.memory_space<vmem>> -> memref<128x128xf32, #tpu.memory_space<vmem>>
    tpu.wait_dma2 semaphore(%arg22 : memref<!tpu.dma_semaphore, #tpu.memory_space<semaphore_mem>>) src(%dma_wait3A_257 : memref<128x128xf32, #tpu.memory_space<vmem>>) dst(%dma_wait3A_250 : memref<128x128xf32, #tpu.memory_space<hbm>>)
    %dma_wait3A_258 = arith.constant 0 : i32
    %dma_wait3A_259 = arith.constant 0 : i32
    %dma_wait3A_260 = arith.constant 0 : i32
    %dma_wait3A_261 = tpu.memref_slice %arg13[%dma_wait3A_258, %dma_wait3A_259, %dma_wait3A_260] : memref<2x128x128xf32, #tpu.memory_space<vmem>> -> memref<1x128x128xf32, #tpu.memory_space<vmem>>
    %dma_wait3A_262 = tpu.memref_squeeze %dma_wait3A_261 : memref<1x128x128xf32, #tpu.memory_space<vmem>> -> memref<128x128xf32, #tpu.memory_space<vmem>>
    %dma_wait3A_263 = arith.constant 0 : i32
    %dma_wait3A_264 = arith.constant 0 : i32
    %dma_wait3A_265 = tpu.memref_slice %dma_wait3A_262[%dma_wait3A_263, %dma_wait3A_264] : memref<128x128xf32, #tpu.memory_space<vmem>> -> memref<128x128xf32, #tpu.memory_space<vmem>>
    %dma_wait3A_266 = arith.constant 0 : i32
    %dma_wait3A_267 = tpu.memref_slice %arg8[%mul3A_2, %dma_wait3A_266] : memref<160000x128xf32, #tpu.memory_space<hbm>> -> memref<128x128xf32, #tpu.memory_space<hbm>>
    %dma_wait3A_268 = arith.constant 0 : i32
    %dma_wait3A_269 = tpu.memref_slice %arg8[%mul3A_2, %dma_wait3A_268] : memref<160000x128xf32, #tpu.memory_space<hbm>> -> memref<128x128xf32, #tpu.memory_space<hbm>>
    %dma_wait3A_270 = arith.constant 0 : i32
    %dma_wait3A_271 = arith.constant 0 : i32
    %dma_wait3A_272 = tpu.memref_slice %arg13[%dma_wait3A_258, %dma_wait3A_270, %dma_wait3A_271] : memref<2x128x128xf32, #tpu.memory_space<vmem>> -> memref<1x128x128xf32, #tpu.memory_space<vmem>>
    %dma_wait3A_273 = tpu.memref_squeeze %dma_wait3A_272 : memref<1x128x128xf32, #tpu.memory_space<vmem>> -> memref<128x128xf32, #tpu.memory_space<vmem>>
    %dma_wait3A_274 = arith.constant 0 : i32
    %dma_wait3A_275 = arith.constant 0 : i32
    %dma_wait3A_276 = tpu.memref_slice %dma_wait3A_273[%dma_wait3A_274, %dma_wait3A_275] : memref<128x128xf32, #tpu.memory_space<vmem>> -> memref<128x128xf32, #tpu.memory_space<vmem>>
    tpu.wait_dma2 semaphore(%arg22 : memref<!tpu.dma_semaphore, #tpu.memory_space<semaphore_mem>>) src(%dma_wait3A_276 : memref<128x128xf32, #tpu.memory_space<vmem>>) dst(%dma_wait3A_269 : memref<128x128xf32, #tpu.memory_space<hbm>>)
    %dma_wait3A_277 = arith.constant 0 : i32
    %dma_wait3A_278 = arith.constant 0 : i32
    %dma_wait3A_279 = arith.constant 0 : i32
    %dma_wait3A_280 = tpu.memref_slice %arg14[%dma_wait3A_277, %dma_wait3A_278, %dma_wait3A_279] : memref<2x128x128xf32, #tpu.memory_space<vmem>> -> memref<1x128x128xf32, #tpu.memory_space<vmem>>
    %dma_wait3A_281 = tpu.memref_squeeze %dma_wait3A_280 : memref<1x128x128xf32, #tpu.memory_space<vmem>> -> memref<128x128xf32, #tpu.memory_space<vmem>>
    %dma_wait3A_282 = arith.constant 0 : i32
    %dma_wait3A_283 = arith.constant 0 : i32
    %dma_wait3A_284 = tpu.memref_slice %dma_wait3A_281[%dma_wait3A_282, %dma_wait3A_283] : memref<128x128xf32, #tpu.memory_space<vmem>> -> memref<128x128xf32, #tpu.memory_space<vmem>>
    %dma_wait3A_285 = arith.constant 0 : i32
    %dma_wait3A_286 = tpu.memref_slice %arg9[%mul3A_2, %dma_wait3A_285] : memref<160000x128xf32, #tpu.memory_space<hbm>> -> memref<128x128xf32, #tpu.memory_space<hbm>>
    %dma_wait3A_287 = arith.constant 0 : i32
    %dma_wait3A_288 = tpu.memref_slice %arg9[%mul3A_2, %dma_wait3A_287] : memref<160000x128xf32, #tpu.memory_space<hbm>> -> memref<128x128xf32, #tpu.memory_space<hbm>>
    %dma_wait3A_289 = arith.constant 0 : i32
    %dma_wait3A_290 = arith.constant 0 : i32
    %dma_wait3A_291 = tpu.memref_slice %arg14[%dma_wait3A_277, %dma_wait3A_289, %dma_wait3A_290] : memref<2x128x128xf32, #tpu.memory_space<vmem>> -> memref<1x128x128xf32, #tpu.memory_space<vmem>>
    %dma_wait3A_292 = tpu.memref_squeeze %dma_wait3A_291 : memref<1x128x128xf32, #tpu.memory_space<vmem>> -> memref<128x128xf32, #tpu.memory_space<vmem>>
    %dma_wait3A_293 = arith.constant 0 : i32
    %dma_wait3A_294 = arith.constant 0 : i32
    %dma_wait3A_295 = tpu.memref_slice %dma_wait3A_292[%dma_wait3A_293, %dma_wait3A_294] : memref<128x128xf32, #tpu.memory_space<vmem>> -> memref<128x128xf32, #tpu.memory_space<vmem>>
    tpu.wait_dma2 semaphore(%arg22 : memref<!tpu.dma_semaphore, #tpu.memory_space<semaphore_mem>>) src(%dma_wait3A_295 : memref<128x128xf32, #tpu.memory_space<vmem>>) dst(%dma_wait3A_288 : memref<128x128xf32, #tpu.memory_space<hbm>>)
    return
  }
}

#map = affine_map<(d0, d1) -> (0, 0)>
#map1 = affine_map<(d0, d1) -> (0)>
#map2 = affine_map<(d0, d1) -> (0, 0, 0)>
module attributes {stable_mosaic.version = 14 : i64} {
  func.func @scatter(%arg0: i32, %arg1: i32, %arg2: memref<160000x128xf32, #tpu.memory_space<hbm>>, %arg3: memref<160000x128xf32, #tpu.memory_space<hbm>>, %arg4: memref<160000xi32, #tpu.memory_space<hbm>>, %arg5: memref<10000x128xf32, #tpu.memory_space<hbm>>, %arg6: memref<2x10000x128xf32, #tpu.memory_space<hbm>>, %arg7: memref<2x128xi32, #tpu.memory_space<vmem>>, %arg8: memref<2x128x128xf32, #tpu.memory_space<vmem>>, %arg9: memref<16xi32, #tpu.memory_space<vmem>>, %arg10: memref<16x128xf32, #tpu.memory_space<vmem>>, %arg11: memref<10000x128xf32, #tpu.memory_space<vmem_shared>>, %arg12: memref<!tpu.dma_semaphore, #tpu.memory_space<semaphore_mem>>) attributes {dimension_semantics = [#tpu.dimension_semantics<core_parallel>, #tpu.dimension_semantics<subcore_parallel>], iteration_bounds = array<i64: 2, 16>, scalar_prefetch = 0 : i64, scratch_operands = 6 : i64, tpu.core_type = #tpu.core_type<sc_vector_subcore>, window_params = [{transform_indices = #map}, {transform_indices = #map}, {transform_indices = #map1}, {transform_indices = #map}, {transform_indices = #map2}]} {
    %mul3A = arith.constant 10000 : i32
    %mul3A_0 = arith.muli %arg1, %mul3A : i32
    %eq3A = arith.constant 0 : i32
    %eq3A_1 = arith.cmpi eq, %arg1, %eq3A : i32
    %convert_element_type3A = arith.extui %eq3A_1 : i1 to i32
    %cond3A = arith.constant 0 : i32
    %cond3A_2 = arith.cmpi ne, %convert_element_type3A, %cond3A : i32
    scf.if %cond3A_2 {
      "tpu.region"() ({
        %run_scoped3A = tpu.sem_alloc : memref<!tpu.dma_semaphore, #tpu.memory_space<semaphore_mem>>
        tpu.enqueue_dma source(%arg5 : memref<10000x128xf32, #tpu.memory_space<hbm>>) target(%arg11 : memref<10000x128xf32, #tpu.memory_space<vmem_shared>>) target_semaphore(%run_scoped3A : memref<!tpu.dma_semaphore, #tpu.memory_space<semaphore_mem>>)
        tpu.wait_dma2 semaphore(%run_scoped3A : memref<!tpu.dma_semaphore, #tpu.memory_space<semaphore_mem>>) src(%arg5 : memref<10000x128xf32, #tpu.memory_space<hbm>>) dst(%arg11 : memref<10000x128xf32, #tpu.memory_space<vmem_shared>>)
        tpu.yield
      }) : () -> ()
    } else {
    }
    %barrier3A = arith.constant 0 : index
    tpu.barrier barrier_id(%barrier3A)
    %eq3A_3 = arith.constant 0 : i32
    %eq3A_4 = arith.cmpi eq, %arg0, %eq3A_3 : i32
    %convert_element_type3A_5 = arith.extui %eq3A_4 : i1 to i32
    %cond3A_6 = arith.constant 0 : i32
    %cond3A_7 = arith.cmpi ne, %convert_element_type3A_5, %cond3A_6 : i32
    scf.if %cond3A_7 {
      %run_scoped3A = arith.constant 0 : i32
      "tpu.region"() ({
        %run_scoped3A_37 = tpu.sem_alloc : memref<!tpu.dma_semaphore, #tpu.memory_space<semaphore_mem>>
        %dma_start3A_38 = arith.constant 0 : i32
        %dma_start3A_39 = tpu.memref_slice %arg7[%run_scoped3A, %dma_start3A_38] : memref<2x128xi32, #tpu.memory_space<vmem>> -> memref<1x128xi32, #tpu.memory_space<vmem>>
        %dma_start3A_40 = tpu.memref_squeeze %dma_start3A_39 : memref<1x128xi32, #tpu.memory_space<vmem>> -> memref<128xi32, #tpu.memory_space<vmem>>
        %dma_start3A_41 = tpu.memref_slice %arg4[%mul3A_0] : memref<160000xi32, #tpu.memory_space<hbm>> -> memref<128xi32, #tpu.memory_space<hbm>>
        %dma_start3A_42 = arith.constant 0 : i32
        %dma_start3A_43 = tpu.memref_slice %arg7[%run_scoped3A, %dma_start3A_42] : memref<2x128xi32, #tpu.memory_space<vmem>> -> memref<1x128xi32, #tpu.memory_space<vmem>>
        %dma_start3A_44 = tpu.memref_squeeze %dma_start3A_43 : memref<1x128xi32, #tpu.memory_space<vmem>> -> memref<128xi32, #tpu.memory_space<vmem>>
        %dma_start3A_45 = tpu.memref_slice %arg4[%mul3A_0] : memref<160000xi32, #tpu.memory_space<hbm>> -> memref<128xi32, #tpu.memory_space<hbm>>
        tpu.enqueue_dma source(%dma_start3A_45 : memref<128xi32, #tpu.memory_space<hbm>>) target(%dma_start3A_44 : memref<128xi32, #tpu.memory_space<vmem>>) target_semaphore(%run_scoped3A_37 : memref<!tpu.dma_semaphore, #tpu.memory_space<semaphore_mem>>)
        %dma_wait3A = arith.constant 0 : i32
        %dma_wait3A_46 = tpu.memref_slice %arg7[%run_scoped3A, %dma_wait3A] : memref<2x128xi32, #tpu.memory_space<vmem>> -> memref<1x128xi32, #tpu.memory_space<vmem>>
        %dma_wait3A_47 = tpu.memref_squeeze %dma_wait3A_46 : memref<1x128xi32, #tpu.memory_space<vmem>> -> memref<128xi32, #tpu.memory_space<vmem>>
        %dma_wait3A_48 = tpu.memref_slice %arg4[%mul3A_0] : memref<160000xi32, #tpu.memory_space<hbm>> -> memref<128xi32, #tpu.memory_space<hbm>>
        %dma_wait3A_49 = arith.constant 0 : i32
        %dma_wait3A_50 = tpu.memref_slice %arg7[%run_scoped3A, %dma_wait3A_49] : memref<2x128xi32, #tpu.memory_space<vmem>> -> memref<1x128xi32, #tpu.memory_space<vmem>>
        %dma_wait3A_51 = tpu.memref_squeeze %dma_wait3A_50 : memref<1x128xi32, #tpu.memory_space<vmem>> -> memref<128xi32, #tpu.memory_space<vmem>>
        %dma_wait3A_52 = tpu.memref_slice %arg4[%mul3A_0] : memref<160000xi32, #tpu.memory_space<hbm>> -> memref<128xi32, #tpu.memory_space<hbm>>
        tpu.wait_dma2 semaphore(%run_scoped3A_37 : memref<!tpu.dma_semaphore, #tpu.memory_space<semaphore_mem>>) src(%dma_wait3A_52 : memref<128xi32, #tpu.memory_space<hbm>>) dst(%dma_wait3A_51 : memref<128xi32, #tpu.memory_space<vmem>>)
        tpu.yield
      }) : () -> ()
      %dma_start3A = arith.constant 0 : i32
      %dma_start3A_19 = arith.constant 0 : i32
      %dma_start3A_20 = arith.constant 0 : i32
      %dma_start3A_21 = tpu.memref_slice %arg8[%dma_start3A, %dma_start3A_19, %dma_start3A_20] : memref<2x128x128xf32, #tpu.memory_space<vmem>> -> memref<1x128x128xf32, #tpu.memory_space<vmem>>
      %dma_start3A_22 = tpu.memref_squeeze %dma_start3A_21 : memref<1x128x128xf32, #tpu.memory_space<vmem>> -> memref<128x128xf32, #tpu.memory_space<vmem>>
      %dma_start3A_23 = arith.constant 0 : i32
      %dma_start3A_24 = tpu.memref_slice %arg2[%mul3A_0, %dma_start3A_23] : memref<160000x128xf32, #tpu.memory_space<hbm>> -> memref<128x128xf32, #tpu.memory_space<hbm>>
      %dma_start3A_25 = arith.constant 0 : i32
      %dma_start3A_26 = arith.constant 0 : i32
      %dma_start3A_27 = tpu.memref_slice %arg8[%dma_start3A, %dma_start3A_25, %dma_start3A_26] : memref<2x128x128xf32, #tpu.memory_space<vmem>> -> memref<1x128x128xf32, #tpu.memory_space<vmem>>
      %dma_start3A_28 = tpu.memref_squeeze %dma_start3A_27 : memref<1x128x128xf32, #tpu.memory_space<vmem>> -> memref<128x128xf32, #tpu.memory_space<vmem>>
      %dma_start3A_29 = arith.constant 0 : i32
      %dma_start3A_30 = tpu.memref_slice %arg2[%mul3A_0, %dma_start3A_29] : memref<160000x128xf32, #tpu.memory_space<hbm>> -> memref<128x128xf32, #tpu.memory_space<hbm>>
      tpu.enqueue_dma source(%dma_start3A_30 : memref<128x128xf32, #tpu.memory_space<hbm>>) target(%dma_start3A_28 : memref<128x128xf32, #tpu.memory_space<vmem>>) target_semaphore(%arg12 : memref<!tpu.dma_semaphore, #tpu.memory_space<semaphore_mem>>)
      %scan3A = arith.constant 0 : i32
      %scan3A_31 = arith.constant 0 : i32
      %scan3A_32 = arith.constant 39 : i32
      %scan3A_33 = arith.addi %scan3A_31, %scan3A_32 : i32
      %scan3A_34 = arith.constant 1 : i32
      scf.for %scan3A_37 = %scan3A_31 to %scan3A_33 step %scan3A_34  : i32 {
        %mul3A_38 = arith.constant 2 : i32
        %mul3A_39 = arith.muli %scan3A_37, %mul3A_38 : i32
        %add3A_40 = arith.constant 0 : i32
        %add3A_41 = arith.addi %mul3A_39, %add3A_40 : i32
        %mul3A_42 = arith.constant 128 : i32
        %mul3A_43 = arith.muli %add3A_41, %mul3A_42 : i32
        %add3A_44 = arith.addi %mul3A_0, %mul3A_43 : i32
        %dma_wait3A = arith.constant 0 : i32
        %dma_wait3A_45 = arith.constant 0 : i32
        %dma_wait3A_46 = arith.constant 0 : i32
        %dma_wait3A_47 = tpu.memref_slice %arg8[%dma_wait3A, %dma_wait3A_45, %dma_wait3A_46] : memref<2x128x128xf32, #tpu.memory_space<vmem>> -> memref<1x128x128xf32, #tpu.memory_space<vmem>>
        %dma_wait3A_48 = tpu.memref_squeeze %dma_wait3A_47 : memref<1x128x128xf32, #tpu.memory_space<vmem>> -> memref<128x128xf32, #tpu.memory_space<vmem>>
        %dma_wait3A_49 = arith.constant 0 : i32
        %dma_wait3A_50 = tpu.memref_slice %arg2[%add3A_44, %dma_wait3A_49] : memref<160000x128xf32, #tpu.memory_space<hbm>> -> memref<128x128xf32, #tpu.memory_space<hbm>>
        %dma_wait3A_51 = arith.constant 0 : i32
        %dma_wait3A_52 = arith.constant 0 : i32
        %dma_wait3A_53 = tpu.memref_slice %arg8[%dma_wait3A, %dma_wait3A_51, %dma_wait3A_52] : memref<2x128x128xf32, #tpu.memory_space<vmem>> -> memref<1x128x128xf32, #tpu.memory_space<vmem>>
        %dma_wait3A_54 = tpu.memref_squeeze %dma_wait3A_53 : memref<1x128x128xf32, #tpu.memory_space<vmem>> -> memref<128x128xf32, #tpu.memory_space<vmem>>
        %dma_wait3A_55 = arith.constant 0 : i32
        %dma_wait3A_56 = tpu.memref_slice %arg2[%add3A_44, %dma_wait3A_55] : memref<160000x128xf32, #tpu.memory_space<hbm>> -> memref<128x128xf32, #tpu.memory_space<hbm>>
        tpu.wait_dma2 semaphore(%arg12 : memref<!tpu.dma_semaphore, #tpu.memory_space<semaphore_mem>>) src(%dma_wait3A_56 : memref<128x128xf32, #tpu.memory_space<hbm>>) dst(%dma_wait3A_54 : memref<128x128xf32, #tpu.memory_space<vmem>>)
        %add3A_57 = arith.constant 128 : i32
        %add3A_58 = arith.addi %add3A_44, %add3A_57 : i32
        %add3A_59 = arith.constant 1 : i32
        %add3A_60 = arith.addi %add3A_41, %add3A_59 : i32
        %lt3A = arith.constant 78 : i32
        %lt3A_61 = arith.cmpi slt, %add3A_60, %lt3A : i32
        %convert_element_type3A_62 = arith.extui %lt3A_61 : i1 to i32
        %cond3A_63 = arith.constant 0 : i32
        %cond3A_64 = arith.cmpi ne, %convert_element_type3A_62, %cond3A_63 : i32
        scf.if %cond3A_64 {
          %run_scoped3A_98 = arith.constant 1 : i32
          "tpu.region"() ({
            %run_scoped3A_112 = tpu.sem_alloc : memref<!tpu.dma_semaphore, #tpu.memory_space<semaphore_mem>>
            %dma_start3A_113 = arith.constant 0 : i32
            %dma_start3A_114 = tpu.memref_slice %arg7[%run_scoped3A_98, %dma_start3A_113] : memref<2x128xi32, #tpu.memory_space<vmem>> -> memref<1x128xi32, #tpu.memory_space<vmem>>
            %dma_start3A_115 = tpu.memref_squeeze %dma_start3A_114 : memref<1x128xi32, #tpu.memory_space<vmem>> -> memref<128xi32, #tpu.memory_space<vmem>>
            %dma_start3A_116 = tpu.memref_slice %arg4[%add3A_58] : memref<160000xi32, #tpu.memory_space<hbm>> -> memref<128xi32, #tpu.memory_space<hbm>>
            %dma_start3A_117 = arith.constant 0 : i32
            %dma_start3A_118 = tpu.memref_slice %arg7[%run_scoped3A_98, %dma_start3A_117] : memref<2x128xi32, #tpu.memory_space<vmem>> -> memref<1x128xi32, #tpu.memory_space<vmem>>
            %dma_start3A_119 = tpu.memref_squeeze %dma_start3A_118 : memref<1x128xi32, #tpu.memory_space<vmem>> -> memref<128xi32, #tpu.memory_space<vmem>>
            %dma_start3A_120 = tpu.memref_slice %arg4[%add3A_58] : memref<160000xi32, #tpu.memory_space<hbm>> -> memref<128xi32, #tpu.memory_space<hbm>>
            tpu.enqueue_dma source(%dma_start3A_120 : memref<128xi32, #tpu.memory_space<hbm>>) target(%dma_start3A_119 : memref<128xi32, #tpu.memory_space<vmem>>) target_semaphore(%run_scoped3A_112 : memref<!tpu.dma_semaphore, #tpu.memory_space<semaphore_mem>>)
            %dma_wait3A_121 = arith.constant 0 : i32
            %dma_wait3A_122 = tpu.memref_slice %arg7[%run_scoped3A_98, %dma_wait3A_121] : memref<2x128xi32, #tpu.memory_space<vmem>> -> memref<1x128xi32, #tpu.memory_space<vmem>>
            %dma_wait3A_123 = tpu.memref_squeeze %dma_wait3A_122 : memref<1x128xi32, #tpu.memory_space<vmem>> -> memref<128xi32, #tpu.memory_space<vmem>>
            %dma_wait3A_124 = tpu.memref_slice %arg4[%add3A_58] : memref<160000xi32, #tpu.memory_space<hbm>> -> memref<128xi32, #tpu.memory_space<hbm>>
            %dma_wait3A_125 = arith.constant 0 : i32
            %dma_wait3A_126 = tpu.memref_slice %arg7[%run_scoped3A_98, %dma_wait3A_125] : memref<2x128xi32, #tpu.memory_space<vmem>> -> memref<1x128xi32, #tpu.memory_space<vmem>>
            %dma_wait3A_127 = tpu.memref_squeeze %dma_wait3A_126 : memref<1x128xi32, #tpu.memory_space<vmem>> -> memref<128xi32, #tpu.memory_space<vmem>>
            %dma_wait3A_128 = tpu.memref_slice %arg4[%add3A_58] : memref<160000xi32, #tpu.memory_space<hbm>> -> memref<128xi32, #tpu.memory_space<hbm>>
            tpu.wait_dma2 semaphore(%run_scoped3A_112 : memref<!tpu.dma_semaphore, #tpu.memory_space<semaphore_mem>>) src(%dma_wait3A_128 : memref<128xi32, #tpu.memory_space<hbm>>) dst(%dma_wait3A_127 : memref<128xi32, #tpu.memory_space<vmem>>)
            tpu.yield
          }) : () -> ()
          %dma_start3A_99 = arith.constant 1 : i32
          %dma_start3A_100 = arith.constant 0 : i32
          %dma_start3A_101 = arith.constant 0 : i32
          %dma_start3A_102 = tpu.memref_slice %arg8[%dma_start3A_99, %dma_start3A_100, %dma_start3A_101] : memref<2x128x128xf32, #tpu.memory_space<vmem>> -> memref<1x128x128xf32, #tpu.memory_space<vmem>>
          %dma_start3A_103 = tpu.memref_squeeze %dma_start3A_102 : memref<1x128x128xf32, #tpu.memory_space<vmem>> -> memref<128x128xf32, #tpu.memory_space<vmem>>
          %dma_start3A_104 = arith.constant 0 : i32
          %dma_start3A_105 = tpu.memref_slice %arg2[%add3A_58, %dma_start3A_104] : memref<160000x128xf32, #tpu.memory_space<hbm>> -> memref<128x128xf32, #tpu.memory_space<hbm>>
          %dma_start3A_106 = arith.constant 0 : i32
          %dma_start3A_107 = arith.constant 0 : i32
          %dma_start3A_108 = tpu.memref_slice %arg8[%dma_start3A_99, %dma_start3A_106, %dma_start3A_107] : memref<2x128x128xf32, #tpu.memory_space<vmem>> -> memref<1x128x128xf32, #tpu.memory_space<vmem>>
          %dma_start3A_109 = tpu.memref_squeeze %dma_start3A_108 : memref<1x128x128xf32, #tpu.memory_space<vmem>> -> memref<128x128xf32, #tpu.memory_space<vmem>>
          %dma_start3A_110 = arith.constant 0 : i32
          %dma_start3A_111 = tpu.memref_slice %arg2[%add3A_58, %dma_start3A_110] : memref<160000x128xf32, #tpu.memory_space<hbm>> -> memref<128x128xf32, #tpu.memory_space<hbm>>
          tpu.enqueue_dma source(%dma_start3A_111 : memref<128x128xf32, #tpu.memory_space<hbm>>) target(%dma_start3A_109 : memref<128x128xf32, #tpu.memory_space<vmem>>) target_semaphore(%arg12 : memref<!tpu.dma_semaphore, #tpu.memory_space<semaphore_mem>>)
        } else {
        }
        %run_scoped3A_65 = arith.constant 0 : i32
        %run_scoped3A_66 = arith.constant 0 : i32
        "tpu.region"() ({
          %run_scoped3A_98 = tpu.sem_alloc : memref<!tpu.dma_semaphore, #tpu.memory_space<semaphore_mem>>
          %dma_start3A_99 = arith.constant 0 : i32
          %dma_start3A_100 = arith.constant 0 : i32
          %dma_start3A_101 = tpu.memref_slice %arg8[%run_scoped3A_65, %dma_start3A_99, %dma_start3A_100] : memref<2x128x128xf32, #tpu.memory_space<vmem>> -> memref<1x128x128xf32, #tpu.memory_space<vmem>>
          %dma_start3A_102 = tpu.memref_squeeze %dma_start3A_101 : memref<1x128x128xf32, #tpu.memory_space<vmem>> -> memref<128x128xf32, #tpu.memory_space<vmem>>
          %dma_start3A_103 = arith.constant 0 : i32
          %dma_start3A_104 = tpu.memref_slice %arg7[%run_scoped3A_66, %dma_start3A_103] : memref<2x128xi32, #tpu.memory_space<vmem>> -> memref<1x128xi32, #tpu.memory_space<vmem>>
          %dma_start3A_105 = tpu.memref_squeeze %dma_start3A_104 : memref<1x128xi32, #tpu.memory_space<vmem>> -> memref<128xi32, #tpu.memory_space<vmem>>
          %dma_start3A_106 = arith.constant 0 : i32
          %dma_start3A_107 = arith.constant 0 : i32
          %dma_start3A_108 = tpu.memref_slice %arg11[%dma_start3A_106, %dma_start3A_107] : memref<10000x128xf32, #tpu.memory_space<vmem_shared>> -> memref<10000x128xf32, #tpu.memory_space<vmem_shared>>
          tpu.enqueue_indirect_dma source(%dma_start3A_102 : memref<128x128xf32, #tpu.memory_space<vmem>>) target(%dma_start3A_108 : memref<10000x128xf32, #tpu.memory_space<vmem_shared>>) offsets(%dma_start3A_105 : memref<128xi32, #tpu.memory_space<vmem>>) semaphore(%run_scoped3A_98 : memref<!tpu.dma_semaphore, #tpu.memory_space<semaphore_mem>>) {add = true}
          %dma_wait3A_109 = arith.constant 0 : i32
          %dma_wait3A_110 = arith.constant 0 : i32
          %dma_wait3A_111 = tpu.memref_slice %arg8[%run_scoped3A_65, %dma_wait3A_109, %dma_wait3A_110] : memref<2x128x128xf32, #tpu.memory_space<vmem>> -> memref<1x128x128xf32, #tpu.memory_space<vmem>>
          %dma_wait3A_112 = tpu.memref_squeeze %dma_wait3A_111 : memref<1x128x128xf32, #tpu.memory_space<vmem>> -> memref<128x128xf32, #tpu.memory_space<vmem>>
          %dma_wait3A_113 = arith.constant 0 : i32
          %dma_wait3A_114 = tpu.memref_slice %arg7[%run_scoped3A_66, %dma_wait3A_113] : memref<2x128xi32, #tpu.memory_space<vmem>> -> memref<1x128xi32, #tpu.memory_space<vmem>>
          %dma_wait3A_115 = tpu.memref_squeeze %dma_wait3A_114 : memref<1x128xi32, #tpu.memory_space<vmem>> -> memref<128xi32, #tpu.memory_space<vmem>>
          %dma_wait3A_116 = arith.constant 0 : i32
          %dma_wait3A_117 = arith.constant 0 : i32
          %dma_wait3A_118 = tpu.memref_slice %arg11[%dma_wait3A_116, %dma_wait3A_117] : memref<10000x128xf32, #tpu.memory_space<vmem_shared>> -> memref<10000x128xf32, #tpu.memory_space<vmem_shared>>
          tpu.wait_indirect_dma semaphore(%run_scoped3A_98 : memref<!tpu.dma_semaphore, #tpu.memory_space<semaphore_mem>>) src(%dma_wait3A_112 : memref<128x128xf32, #tpu.memory_space<vmem>>) dst(%dma_wait3A_118 : memref<10000x128xf32, #tpu.memory_space<vmem_shared>>)
          tpu.yield
        }) : () -> ()
        %mul3A_67 = arith.constant 2 : i32
        %mul3A_68 = arith.muli %scan3A_37, %mul3A_67 : i32
        %add3A_69 = arith.constant 1 : i32
        %add3A_70 = arith.addi %mul3A_68, %add3A_69 : i32
        %mul3A_71 = arith.constant 128 : i32
        %mul3A_72 = arith.muli %add3A_70, %mul3A_71 : i32
        %add3A_73 = arith.addi %mul3A_0, %mul3A_72 : i32
        %dma_wait3A_74 = arith.constant 1 : i32
        %dma_wait3A_75 = arith.constant 0 : i32
        %dma_wait3A_76 = arith.constant 0 : i32
        %dma_wait3A_77 = tpu.memref_slice %arg8[%dma_wait3A_74, %dma_wait3A_75, %dma_wait3A_76] : memref<2x128x128xf32, #tpu.memory_space<vmem>> -> memref<1x128x128xf32, #tpu.memory_space<vmem>>
        %dma_wait3A_78 = tpu.memref_squeeze %dma_wait3A_77 : memref<1x128x128xf32, #tpu.memory_space<vmem>> -> memref<128x128xf32, #tpu.memory_space<vmem>>
        %dma_wait3A_79 = arith.constant 0 : i32
        %dma_wait3A_80 = tpu.memref_slice %arg2[%add3A_73, %dma_wait3A_79] : memref<160000x128xf32, #tpu.memory_space<hbm>> -> memref<128x128xf32, #tpu.memory_space<hbm>>
        %dma_wait3A_81 = arith.constant 0 : i32
        %dma_wait3A_82 = arith.constant 0 : i32
        %dma_wait3A_83 = tpu.memref_slice %arg8[%dma_wait3A_74, %dma_wait3A_81, %dma_wait3A_82] : memref<2x128x128xf32, #tpu.memory_space<vmem>> -> memref<1x128x128xf32, #tpu.memory_space<vmem>>
        %dma_wait3A_84 = tpu.memref_squeeze %dma_wait3A_83 : memref<1x128x128xf32, #tpu.memory_space<vmem>> -> memref<128x128xf32, #tpu.memory_space<vmem>>
        %dma_wait3A_85 = arith.constant 0 : i32
        %dma_wait3A_86 = tpu.memref_slice %arg2[%add3A_73, %dma_wait3A_85] : memref<160000x128xf32, #tpu.memory_space<hbm>> -> memref<128x128xf32, #tpu.memory_space<hbm>>
        tpu.wait_dma2 semaphore(%arg12 : memref<!tpu.dma_semaphore, #tpu.memory_space<semaphore_mem>>) src(%dma_wait3A_86 : memref<128x128xf32, #tpu.memory_space<hbm>>) dst(%dma_wait3A_84 : memref<128x128xf32, #tpu.memory_space<vmem>>)
        %add3A_87 = arith.constant 128 : i32
        %add3A_88 = arith.addi %add3A_73, %add3A_87 : i32
        %add3A_89 = arith.constant 1 : i32
        %add3A_90 = arith.addi %add3A_70, %add3A_89 : i32
        %lt3A_91 = arith.constant 78 : i32
        %lt3A_92 = arith.cmpi slt, %add3A_90, %lt3A_91 : i32
        %convert_element_type3A_93 = arith.extui %lt3A_92 : i1 to i32
        %cond3A_94 = arith.constant 0 : i32
        %cond3A_95 = arith.cmpi ne, %convert_element_type3A_93, %cond3A_94 : i32
        scf.if %cond3A_95 {
          %run_scoped3A_98 = arith.constant 0 : i32
          "tpu.region"() ({
            %run_scoped3A_112 = tpu.sem_alloc : memref<!tpu.dma_semaphore, #tpu.memory_space<semaphore_mem>>
            %dma_start3A_113 = arith.constant 0 : i32
            %dma_start3A_114 = tpu.memref_slice %arg7[%run_scoped3A_98, %dma_start3A_113] : memref<2x128xi32, #tpu.memory_space<vmem>> -> memref<1x128xi32, #tpu.memory_space<vmem>>
            %dma_start3A_115 = tpu.memref_squeeze %dma_start3A_114 : memref<1x128xi32, #tpu.memory_space<vmem>> -> memref<128xi32, #tpu.memory_space<vmem>>
            %dma_start3A_116 = tpu.memref_slice %arg4[%add3A_88] : memref<160000xi32, #tpu.memory_space<hbm>> -> memref<128xi32, #tpu.memory_space<hbm>>
            %dma_start3A_117 = arith.constant 0 : i32
            %dma_start3A_118 = tpu.memref_slice %arg7[%run_scoped3A_98, %dma_start3A_117] : memref<2x128xi32, #tpu.memory_space<vmem>> -> memref<1x128xi32, #tpu.memory_space<vmem>>
            %dma_start3A_119 = tpu.memref_squeeze %dma_start3A_118 : memref<1x128xi32, #tpu.memory_space<vmem>> -> memref<128xi32, #tpu.memory_space<vmem>>
            %dma_start3A_120 = tpu.memref_slice %arg4[%add3A_88] : memref<160000xi32, #tpu.memory_space<hbm>> -> memref<128xi32, #tpu.memory_space<hbm>>
            tpu.enqueue_dma source(%dma_start3A_120 : memref<128xi32, #tpu.memory_space<hbm>>) target(%dma_start3A_119 : memref<128xi32, #tpu.memory_space<vmem>>) target_semaphore(%run_scoped3A_112 : memref<!tpu.dma_semaphore, #tpu.memory_space<semaphore_mem>>)
            %dma_wait3A_121 = arith.constant 0 : i32
            %dma_wait3A_122 = tpu.memref_slice %arg7[%run_scoped3A_98, %dma_wait3A_121] : memref<2x128xi32, #tpu.memory_space<vmem>> -> memref<1x128xi32, #tpu.memory_space<vmem>>
            %dma_wait3A_123 = tpu.memref_squeeze %dma_wait3A_122 : memref<1x128xi32, #tpu.memory_space<vmem>> -> memref<128xi32, #tpu.memory_space<vmem>>
            %dma_wait3A_124 = tpu.memref_slice %arg4[%add3A_88] : memref<160000xi32, #tpu.memory_space<hbm>> -> memref<128xi32, #tpu.memory_space<hbm>>
            %dma_wait3A_125 = arith.constant 0 : i32
            %dma_wait3A_126 = tpu.memref_slice %arg7[%run_scoped3A_98, %dma_wait3A_125] : memref<2x128xi32, #tpu.memory_space<vmem>> -> memref<1x128xi32, #tpu.memory_space<vmem>>
            %dma_wait3A_127 = tpu.memref_squeeze %dma_wait3A_126 : memref<1x128xi32, #tpu.memory_space<vmem>> -> memref<128xi32, #tpu.memory_space<vmem>>
            %dma_wait3A_128 = tpu.memref_slice %arg4[%add3A_88] : memref<160000xi32, #tpu.memory_space<hbm>> -> memref<128xi32, #tpu.memory_space<hbm>>
            tpu.wait_dma2 semaphore(%run_scoped3A_112 : memref<!tpu.dma_semaphore, #tpu.memory_space<semaphore_mem>>) src(%dma_wait3A_128 : memref<128xi32, #tpu.memory_space<hbm>>) dst(%dma_wait3A_127 : memref<128xi32, #tpu.memory_space<vmem>>)
            tpu.yield
          }) : () -> ()
          %dma_start3A_99 = arith.constant 0 : i32
          %dma_start3A_100 = arith.constant 0 : i32
          %dma_start3A_101 = arith.constant 0 : i32
          %dma_start3A_102 = tpu.memref_slice %arg8[%dma_start3A_99, %dma_start3A_100, %dma_start3A_101] : memref<2x128x128xf32, #tpu.memory_space<vmem>> -> memref<1x128x128xf32, #tpu.memory_space<vmem>>
          %dma_start3A_103 = tpu.memref_squeeze %dma_start3A_102 : memref<1x128x128xf32, #tpu.memory_space<vmem>> -> memref<128x128xf32, #tpu.memory_space<vmem>>
          %dma_start3A_104 = arith.constant 0 : i32
          %dma_start3A_105 = tpu.memref_slice %arg2[%add3A_88, %dma_start3A_104] : memref<160000x128xf32, #tpu.memory_space<hbm>> -> memref<128x128xf32, #tpu.memory_space<hbm>>
          %dma_start3A_106 = arith.constant 0 : i32
          %dma_start3A_107 = arith.constant 0 : i32
          %dma_start3A_108 = tpu.memref_slice %arg8[%dma_start3A_99, %dma_start3A_106, %dma_start3A_107] : memref<2x128x128xf32, #tpu.memory_space<vmem>> -> memref<1x128x128xf32, #tpu.memory_space<vmem>>
          %dma_start3A_109 = tpu.memref_squeeze %dma_start3A_108 : memref<1x128x128xf32, #tpu.memory_space<vmem>> -> memref<128x128xf32, #tpu.memory_space<vmem>>
          %dma_start3A_110 = arith.constant 0 : i32
          %dma_start3A_111 = tpu.memref_slice %arg2[%add3A_88, %dma_start3A_110] : memref<160000x128xf32, #tpu.memory_space<hbm>> -> memref<128x128xf32, #tpu.memory_space<hbm>>
          tpu.enqueue_dma source(%dma_start3A_111 : memref<128x128xf32, #tpu.memory_space<hbm>>) target(%dma_start3A_109 : memref<128x128xf32, #tpu.memory_space<vmem>>) target_semaphore(%arg12 : memref<!tpu.dma_semaphore, #tpu.memory_space<semaphore_mem>>)
        } else {
        }
        %run_scoped3A_96 = arith.constant 1 : i32
        %run_scoped3A_97 = arith.constant 1 : i32
        "tpu.region"() ({
          %run_scoped3A_98 = tpu.sem_alloc : memref<!tpu.dma_semaphore, #tpu.memory_space<semaphore_mem>>
          %dma_start3A_99 = arith.constant 0 : i32
          %dma_start3A_100 = arith.constant 0 : i32
          %dma_start3A_101 = tpu.memref_slice %arg8[%run_scoped3A_96, %dma_start3A_99, %dma_start3A_100] : memref<2x128x128xf32, #tpu.memory_space<vmem>> -> memref<1x128x128xf32, #tpu.memory_space<vmem>>
          %dma_start3A_102 = tpu.memref_squeeze %dma_start3A_101 : memref<1x128x128xf32, #tpu.memory_space<vmem>> -> memref<128x128xf32, #tpu.memory_space<vmem>>
          %dma_start3A_103 = arith.constant 0 : i32
          %dma_start3A_104 = tpu.memref_slice %arg7[%run_scoped3A_97, %dma_start3A_103] : memref<2x128xi32, #tpu.memory_space<vmem>> -> memref<1x128xi32, #tpu.memory_space<vmem>>
          %dma_start3A_105 = tpu.memref_squeeze %dma_start3A_104 : memref<1x128xi32, #tpu.memory_space<vmem>> -> memref<128xi32, #tpu.memory_space<vmem>>
          %dma_start3A_106 = arith.constant 0 : i32
          %dma_start3A_107 = arith.constant 0 : i32
          %dma_start3A_108 = tpu.memref_slice %arg11[%dma_start3A_106, %dma_start3A_107] : memref<10000x128xf32, #tpu.memory_space<vmem_shared>> -> memref<10000x128xf32, #tpu.memory_space<vmem_shared>>
          tpu.enqueue_indirect_dma source(%dma_start3A_102 : memref<128x128xf32, #tpu.memory_space<vmem>>) target(%dma_start3A_108 : memref<10000x128xf32, #tpu.memory_space<vmem_shared>>) offsets(%dma_start3A_105 : memref<128xi32, #tpu.memory_space<vmem>>) semaphore(%run_scoped3A_98 : memref<!tpu.dma_semaphore, #tpu.memory_space<semaphore_mem>>) {add = true}
          %dma_wait3A_109 = arith.constant 0 : i32
          %dma_wait3A_110 = arith.constant 0 : i32
          %dma_wait3A_111 = tpu.memref_slice %arg8[%run_scoped3A_96, %dma_wait3A_109, %dma_wait3A_110] : memref<2x128x128xf32, #tpu.memory_space<vmem>> -> memref<1x128x128xf32, #tpu.memory_space<vmem>>
          %dma_wait3A_112 = tpu.memref_squeeze %dma_wait3A_111 : memref<1x128x128xf32, #tpu.memory_space<vmem>> -> memref<128x128xf32, #tpu.memory_space<vmem>>
          %dma_wait3A_113 = arith.constant 0 : i32
          %dma_wait3A_114 = tpu.memref_slice %arg7[%run_scoped3A_97, %dma_wait3A_113] : memref<2x128xi32, #tpu.memory_space<vmem>> -> memref<1x128xi32, #tpu.memory_space<vmem>>
          %dma_wait3A_115 = tpu.memref_squeeze %dma_wait3A_114 : memref<1x128xi32, #tpu.memory_space<vmem>> -> memref<128xi32, #tpu.memory_space<vmem>>
          %dma_wait3A_116 = arith.constant 0 : i32
          %dma_wait3A_117 = arith.constant 0 : i32
          %dma_wait3A_118 = tpu.memref_slice %arg11[%dma_wait3A_116, %dma_wait3A_117] : memref<10000x128xf32, #tpu.memory_space<vmem_shared>> -> memref<10000x128xf32, #tpu.memory_space<vmem_shared>>
          tpu.wait_indirect_dma semaphore(%run_scoped3A_98 : memref<!tpu.dma_semaphore, #tpu.memory_space<semaphore_mem>>) src(%dma_wait3A_112 : memref<128x128xf32, #tpu.memory_space<vmem>>) dst(%dma_wait3A_118 : memref<10000x128xf32, #tpu.memory_space<vmem_shared>>)
          tpu.yield
        }) : () -> ()
      }
      %scan3A_35 = arith.constant 39 : i32
      %add3A = arith.constant 9984 : i32
      %add3A_36 = arith.addi %mul3A_0, %add3A : i32
      "tpu.region"() ({
        %run_scoped3A_37 = tpu.sem_alloc : memref<!tpu.dma_semaphore, #tpu.memory_space<semaphore_mem>>
        %dma_start3A_38 = tpu.memref_slice %arg4[%add3A_36] : memref<160000xi32, #tpu.memory_space<hbm>> -> memref<16xi32, #tpu.memory_space<hbm>>
        %dma_start3A_39 = tpu.memref_slice %arg4[%add3A_36] : memref<160000xi32, #tpu.memory_space<hbm>> -> memref<16xi32, #tpu.memory_space<hbm>>
        tpu.enqueue_dma source(%dma_start3A_39 : memref<16xi32, #tpu.memory_space<hbm>>) target(%arg9 : memref<16xi32, #tpu.memory_space<vmem>>) target_semaphore(%run_scoped3A_37 : memref<!tpu.dma_semaphore, #tpu.memory_space<semaphore_mem>>)
        %dma_wait3A = tpu.memref_slice %arg4[%add3A_36] : memref<160000xi32, #tpu.memory_space<hbm>> -> memref<16xi32, #tpu.memory_space<hbm>>
        %dma_wait3A_40 = tpu.memref_slice %arg4[%add3A_36] : memref<160000xi32, #tpu.memory_space<hbm>> -> memref<16xi32, #tpu.memory_space<hbm>>
        tpu.wait_dma2 semaphore(%run_scoped3A_37 : memref<!tpu.dma_semaphore, #tpu.memory_space<semaphore_mem>>) src(%dma_wait3A_40 : memref<16xi32, #tpu.memory_space<hbm>>) dst(%arg9 : memref<16xi32, #tpu.memory_space<vmem>>)
        tpu.yield
      }) : () -> ()
      "tpu.region"() ({
        %run_scoped3A_37 = tpu.sem_alloc : memref<!tpu.dma_semaphore, #tpu.memory_space<semaphore_mem>>
        %dma_start3A_38 = arith.constant 0 : i32
        %dma_start3A_39 = tpu.memref_slice %arg2[%add3A_36, %dma_start3A_38] : memref<160000x128xf32, #tpu.memory_space<hbm>> -> memref<16x128xf32, #tpu.memory_space<hbm>>
        %dma_start3A_40 = arith.constant 0 : i32
        %dma_start3A_41 = tpu.memref_slice %arg2[%add3A_36, %dma_start3A_40] : memref<160000x128xf32, #tpu.memory_space<hbm>> -> memref<16x128xf32, #tpu.memory_space<hbm>>
        tpu.enqueue_dma source(%dma_start3A_41 : memref<16x128xf32, #tpu.memory_space<hbm>>) target(%arg10 : memref<16x128xf32, #tpu.memory_space<vmem>>) target_semaphore(%run_scoped3A_37 : memref<!tpu.dma_semaphore, #tpu.memory_space<semaphore_mem>>)
        %dma_wait3A = arith.constant 0 : i32
        %dma_wait3A_42 = tpu.memref_slice %arg2[%add3A_36, %dma_wait3A] : memref<160000x128xf32, #tpu.memory_space<hbm>> -> memref<16x128xf32, #tpu.memory_space<hbm>>
        %dma_wait3A_43 = arith.constant 0 : i32
        %dma_wait3A_44 = tpu.memref_slice %arg2[%add3A_36, %dma_wait3A_43] : memref<160000x128xf32, #tpu.memory_space<hbm>> -> memref<16x128xf32, #tpu.memory_space<hbm>>
        tpu.wait_dma2 semaphore(%run_scoped3A_37 : memref<!tpu.dma_semaphore, #tpu.memory_space<semaphore_mem>>) src(%dma_wait3A_44 : memref<16x128xf32, #tpu.memory_space<hbm>>) dst(%arg10 : memref<16x128xf32, #tpu.memory_space<vmem>>)
        tpu.yield
      }) : () -> ()
      "tpu.region"() ({
        %run_scoped3A_37 = tpu.sem_alloc : memref<!tpu.dma_semaphore, #tpu.memory_space<semaphore_mem>>
        %dma_start3A_38 = arith.constant 0 : i32
        %dma_start3A_39 = arith.constant 0 : i32
        %dma_start3A_40 = tpu.memref_slice %arg11[%dma_start3A_38, %dma_start3A_39] : memref<10000x128xf32, #tpu.memory_space<vmem_shared>> -> memref<10000x128xf32, #tpu.memory_space<vmem_shared>>
        tpu.enqueue_indirect_dma source(%arg10 : memref<16x128xf32, #tpu.memory_space<vmem>>) target(%dma_start3A_40 : memref<10000x128xf32, #tpu.memory_space<vmem_shared>>) offsets(%arg9 : memref<16xi32, #tpu.memory_space<vmem>>) semaphore(%run_scoped3A_37 : memref<!tpu.dma_semaphore, #tpu.memory_space<semaphore_mem>>) {add = true}
        %dma_wait3A = arith.constant 0 : i32
        %dma_wait3A_41 = arith.constant 0 : i32
        %dma_wait3A_42 = tpu.memref_slice %arg11[%dma_wait3A, %dma_wait3A_41] : memref<10000x128xf32, #tpu.memory_space<vmem_shared>> -> memref<10000x128xf32, #tpu.memory_space<vmem_shared>>
        tpu.wait_indirect_dma semaphore(%run_scoped3A_37 : memref<!tpu.dma_semaphore, #tpu.memory_space<semaphore_mem>>) src(%arg10 : memref<16x128xf32, #tpu.memory_space<vmem>>) dst(%dma_wait3A_42 : memref<10000x128xf32, #tpu.memory_space<vmem_shared>>)
        tpu.yield
      }) : () -> ()
    } else {
    }
    %eq3A_8 = arith.constant 1 : i32
    %eq3A_9 = arith.cmpi eq, %arg0, %eq3A_8 : i32
    %convert_element_type3A_10 = arith.extui %eq3A_9 : i1 to i32
    %cond3A_11 = arith.constant 0 : i32
    %cond3A_12 = arith.cmpi ne, %convert_element_type3A_10, %cond3A_11 : i32
    scf.if %cond3A_12 {
      %run_scoped3A = arith.constant 0 : i32
      "tpu.region"() ({
        %run_scoped3A_37 = tpu.sem_alloc : memref<!tpu.dma_semaphore, #tpu.memory_space<semaphore_mem>>
        %dma_start3A_38 = arith.constant 0 : i32
        %dma_start3A_39 = tpu.memref_slice %arg7[%run_scoped3A, %dma_start3A_38] : memref<2x128xi32, #tpu.memory_space<vmem>> -> memref<1x128xi32, #tpu.memory_space<vmem>>
        %dma_start3A_40 = tpu.memref_squeeze %dma_start3A_39 : memref<1x128xi32, #tpu.memory_space<vmem>> -> memref<128xi32, #tpu.memory_space<vmem>>
        %dma_start3A_41 = tpu.memref_slice %arg4[%mul3A_0] : memref<160000xi32, #tpu.memory_space<hbm>> -> memref<128xi32, #tpu.memory_space<hbm>>
        %dma_start3A_42 = arith.constant 0 : i32
        %dma_start3A_43 = tpu.memref_slice %arg7[%run_scoped3A, %dma_start3A_42] : memref<2x128xi32, #tpu.memory_space<vmem>> -> memref<1x128xi32, #tpu.memory_space<vmem>>
        %dma_start3A_44 = tpu.memref_squeeze %dma_start3A_43 : memref<1x128xi32, #tpu.memory_space<vmem>> -> memref<128xi32, #tpu.memory_space<vmem>>
        %dma_start3A_45 = tpu.memref_slice %arg4[%mul3A_0] : memref<160000xi32, #tpu.memory_space<hbm>> -> memref<128xi32, #tpu.memory_space<hbm>>
        tpu.enqueue_dma source(%dma_start3A_45 : memref<128xi32, #tpu.memory_space<hbm>>) target(%dma_start3A_44 : memref<128xi32, #tpu.memory_space<vmem>>) target_semaphore(%run_scoped3A_37 : memref<!tpu.dma_semaphore, #tpu.memory_space<semaphore_mem>>)
        %dma_wait3A = arith.constant 0 : i32
        %dma_wait3A_46 = tpu.memref_slice %arg7[%run_scoped3A, %dma_wait3A] : memref<2x128xi32, #tpu.memory_space<vmem>> -> memref<1x128xi32, #tpu.memory_space<vmem>>
        %dma_wait3A_47 = tpu.memref_squeeze %dma_wait3A_46 : memref<1x128xi32, #tpu.memory_space<vmem>> -> memref<128xi32, #tpu.memory_space<vmem>>
        %dma_wait3A_48 = tpu.memref_slice %arg4[%mul3A_0] : memref<160000xi32, #tpu.memory_space<hbm>> -> memref<128xi32, #tpu.memory_space<hbm>>
        %dma_wait3A_49 = arith.constant 0 : i32
        %dma_wait3A_50 = tpu.memref_slice %arg7[%run_scoped3A, %dma_wait3A_49] : memref<2x128xi32, #tpu.memory_space<vmem>> -> memref<1x128xi32, #tpu.memory_space<vmem>>
        %dma_wait3A_51 = tpu.memref_squeeze %dma_wait3A_50 : memref<1x128xi32, #tpu.memory_space<vmem>> -> memref<128xi32, #tpu.memory_space<vmem>>
        %dma_wait3A_52 = tpu.memref_slice %arg4[%mul3A_0] : memref<160000xi32, #tpu.memory_space<hbm>> -> memref<128xi32, #tpu.memory_space<hbm>>
        tpu.wait_dma2 semaphore(%run_scoped3A_37 : memref<!tpu.dma_semaphore, #tpu.memory_space<semaphore_mem>>) src(%dma_wait3A_52 : memref<128xi32, #tpu.memory_space<hbm>>) dst(%dma_wait3A_51 : memref<128xi32, #tpu.memory_space<vmem>>)
        tpu.yield
      }) : () -> ()
      %dma_start3A = arith.constant 0 : i32
      %dma_start3A_19 = arith.constant 0 : i32
      %dma_start3A_20 = arith.constant 0 : i32
      %dma_start3A_21 = tpu.memref_slice %arg8[%dma_start3A, %dma_start3A_19, %dma_start3A_20] : memref<2x128x128xf32, #tpu.memory_space<vmem>> -> memref<1x128x128xf32, #tpu.memory_space<vmem>>
      %dma_start3A_22 = tpu.memref_squeeze %dma_start3A_21 : memref<1x128x128xf32, #tpu.memory_space<vmem>> -> memref<128x128xf32, #tpu.memory_space<vmem>>
      %dma_start3A_23 = arith.constant 0 : i32
      %dma_start3A_24 = tpu.memref_slice %arg3[%mul3A_0, %dma_start3A_23] : memref<160000x128xf32, #tpu.memory_space<hbm>> -> memref<128x128xf32, #tpu.memory_space<hbm>>
      %dma_start3A_25 = arith.constant 0 : i32
      %dma_start3A_26 = arith.constant 0 : i32
      %dma_start3A_27 = tpu.memref_slice %arg8[%dma_start3A, %dma_start3A_25, %dma_start3A_26] : memref<2x128x128xf32, #tpu.memory_space<vmem>> -> memref<1x128x128xf32, #tpu.memory_space<vmem>>
      %dma_start3A_28 = tpu.memref_squeeze %dma_start3A_27 : memref<1x128x128xf32, #tpu.memory_space<vmem>> -> memref<128x128xf32, #tpu.memory_space<vmem>>
      %dma_start3A_29 = arith.constant 0 : i32
      %dma_start3A_30 = tpu.memref_slice %arg3[%mul3A_0, %dma_start3A_29] : memref<160000x128xf32, #tpu.memory_space<hbm>> -> memref<128x128xf32, #tpu.memory_space<hbm>>
      tpu.enqueue_dma source(%dma_start3A_30 : memref<128x128xf32, #tpu.memory_space<hbm>>) target(%dma_start3A_28 : memref<128x128xf32, #tpu.memory_space<vmem>>) target_semaphore(%arg12 : memref<!tpu.dma_semaphore, #tpu.memory_space<semaphore_mem>>)
      %scan3A = arith.constant 0 : i32
      %scan3A_31 = arith.constant 0 : i32
      %scan3A_32 = arith.constant 39 : i32
      %scan3A_33 = arith.addi %scan3A_31, %scan3A_32 : i32
      %scan3A_34 = arith.constant 1 : i32
      scf.for %scan3A_37 = %scan3A_31 to %scan3A_33 step %scan3A_34  : i32 {
        %mul3A_38 = arith.constant 2 : i32
        %mul3A_39 = arith.muli %scan3A_37, %mul3A_38 : i32
        %add3A_40 = arith.constant 0 : i32
        %add3A_41 = arith.addi %mul3A_39, %add3A_40 : i32
        %mul3A_42 = arith.constant 128 : i32
        %mul3A_43 = arith.muli %add3A_41, %mul3A_42 : i32
        %add3A_44 = arith.addi %mul3A_0, %mul3A_43 : i32
        %dma_wait3A = arith.constant 0 : i32
        %dma_wait3A_45 = arith.constant 0 : i32
        %dma_wait3A_46 = arith.constant 0 : i32
        %dma_wait3A_47 = tpu.memref_slice %arg8[%dma_wait3A, %dma_wait3A_45, %dma_wait3A_46] : memref<2x128x128xf32, #tpu.memory_space<vmem>> -> memref<1x128x128xf32, #tpu.memory_space<vmem>>
        %dma_wait3A_48 = tpu.memref_squeeze %dma_wait3A_47 : memref<1x128x128xf32, #tpu.memory_space<vmem>> -> memref<128x128xf32, #tpu.memory_space<vmem>>
        %dma_wait3A_49 = arith.constant 0 : i32
        %dma_wait3A_50 = tpu.memref_slice %arg3[%add3A_44, %dma_wait3A_49] : memref<160000x128xf32, #tpu.memory_space<hbm>> -> memref<128x128xf32, #tpu.memory_space<hbm>>
        %dma_wait3A_51 = arith.constant 0 : i32
        %dma_wait3A_52 = arith.constant 0 : i32
        %dma_wait3A_53 = tpu.memref_slice %arg8[%dma_wait3A, %dma_wait3A_51, %dma_wait3A_52] : memref<2x128x128xf32, #tpu.memory_space<vmem>> -> memref<1x128x128xf32, #tpu.memory_space<vmem>>
        %dma_wait3A_54 = tpu.memref_squeeze %dma_wait3A_53 : memref<1x128x128xf32, #tpu.memory_space<vmem>> -> memref<128x128xf32, #tpu.memory_space<vmem>>
        %dma_wait3A_55 = arith.constant 0 : i32
        %dma_wait3A_56 = tpu.memref_slice %arg3[%add3A_44, %dma_wait3A_55] : memref<160000x128xf32, #tpu.memory_space<hbm>> -> memref<128x128xf32, #tpu.memory_space<hbm>>
        tpu.wait_dma2 semaphore(%arg12 : memref<!tpu.dma_semaphore, #tpu.memory_space<semaphore_mem>>) src(%dma_wait3A_56 : memref<128x128xf32, #tpu.memory_space<hbm>>) dst(%dma_wait3A_54 : memref<128x128xf32, #tpu.memory_space<vmem>>)
        %add3A_57 = arith.constant 128 : i32
        %add3A_58 = arith.addi %add3A_44, %add3A_57 : i32
        %add3A_59 = arith.constant 1 : i32
        %add3A_60 = arith.addi %add3A_41, %add3A_59 : i32
        %lt3A = arith.constant 78 : i32
        %lt3A_61 = arith.cmpi slt, %add3A_60, %lt3A : i32
        %convert_element_type3A_62 = arith.extui %lt3A_61 : i1 to i32
        %cond3A_63 = arith.constant 0 : i32
        %cond3A_64 = arith.cmpi ne, %convert_element_type3A_62, %cond3A_63 : i32
        scf.if %cond3A_64 {
          %run_scoped3A_98 = arith.constant 1 : i32
          "tpu.region"() ({
            %run_scoped3A_112 = tpu.sem_alloc : memref<!tpu.dma_semaphore, #tpu.memory_space<semaphore_mem>>
            %dma_start3A_113 = arith.constant 0 : i32
            %dma_start3A_114 = tpu.memref_slice %arg7[%run_scoped3A_98, %dma_start3A_113] : memref<2x128xi32, #tpu.memory_space<vmem>> -> memref<1x128xi32, #tpu.memory_space<vmem>>
            %dma_start3A_115 = tpu.memref_squeeze %dma_start3A_114 : memref<1x128xi32, #tpu.memory_space<vmem>> -> memref<128xi32, #tpu.memory_space<vmem>>
            %dma_start3A_116 = tpu.memref_slice %arg4[%add3A_58] : memref<160000xi32, #tpu.memory_space<hbm>> -> memref<128xi32, #tpu.memory_space<hbm>>
            %dma_start3A_117 = arith.constant 0 : i32
            %dma_start3A_118 = tpu.memref_slice %arg7[%run_scoped3A_98, %dma_start3A_117] : memref<2x128xi32, #tpu.memory_space<vmem>> -> memref<1x128xi32, #tpu.memory_space<vmem>>
            %dma_start3A_119 = tpu.memref_squeeze %dma_start3A_118 : memref<1x128xi32, #tpu.memory_space<vmem>> -> memref<128xi32, #tpu.memory_space<vmem>>
            %dma_start3A_120 = tpu.memref_slice %arg4[%add3A_58] : memref<160000xi32, #tpu.memory_space<hbm>> -> memref<128xi32, #tpu.memory_space<hbm>>
            tpu.enqueue_dma source(%dma_start3A_120 : memref<128xi32, #tpu.memory_space<hbm>>) target(%dma_start3A_119 : memref<128xi32, #tpu.memory_space<vmem>>) target_semaphore(%run_scoped3A_112 : memref<!tpu.dma_semaphore, #tpu.memory_space<semaphore_mem>>)
            %dma_wait3A_121 = arith.constant 0 : i32
            %dma_wait3A_122 = tpu.memref_slice %arg7[%run_scoped3A_98, %dma_wait3A_121] : memref<2x128xi32, #tpu.memory_space<vmem>> -> memref<1x128xi32, #tpu.memory_space<vmem>>
            %dma_wait3A_123 = tpu.memref_squeeze %dma_wait3A_122 : memref<1x128xi32, #tpu.memory_space<vmem>> -> memref<128xi32, #tpu.memory_space<vmem>>
            %dma_wait3A_124 = tpu.memref_slice %arg4[%add3A_58] : memref<160000xi32, #tpu.memory_space<hbm>> -> memref<128xi32, #tpu.memory_space<hbm>>
            %dma_wait3A_125 = arith.constant 0 : i32
            %dma_wait3A_126 = tpu.memref_slice %arg7[%run_scoped3A_98, %dma_wait3A_125] : memref<2x128xi32, #tpu.memory_space<vmem>> -> memref<1x128xi32, #tpu.memory_space<vmem>>
            %dma_wait3A_127 = tpu.memref_squeeze %dma_wait3A_126 : memref<1x128xi32, #tpu.memory_space<vmem>> -> memref<128xi32, #tpu.memory_space<vmem>>
            %dma_wait3A_128 = tpu.memref_slice %arg4[%add3A_58] : memref<160000xi32, #tpu.memory_space<hbm>> -> memref<128xi32, #tpu.memory_space<hbm>>
            tpu.wait_dma2 semaphore(%run_scoped3A_112 : memref<!tpu.dma_semaphore, #tpu.memory_space<semaphore_mem>>) src(%dma_wait3A_128 : memref<128xi32, #tpu.memory_space<hbm>>) dst(%dma_wait3A_127 : memref<128xi32, #tpu.memory_space<vmem>>)
            tpu.yield
          }) : () -> ()
          %dma_start3A_99 = arith.constant 1 : i32
          %dma_start3A_100 = arith.constant 0 : i32
          %dma_start3A_101 = arith.constant 0 : i32
          %dma_start3A_102 = tpu.memref_slice %arg8[%dma_start3A_99, %dma_start3A_100, %dma_start3A_101] : memref<2x128x128xf32, #tpu.memory_space<vmem>> -> memref<1x128x128xf32, #tpu.memory_space<vmem>>
          %dma_start3A_103 = tpu.memref_squeeze %dma_start3A_102 : memref<1x128x128xf32, #tpu.memory_space<vmem>> -> memref<128x128xf32, #tpu.memory_space<vmem>>
          %dma_start3A_104 = arith.constant 0 : i32
          %dma_start3A_105 = tpu.memref_slice %arg3[%add3A_58, %dma_start3A_104] : memref<160000x128xf32, #tpu.memory_space<hbm>> -> memref<128x128xf32, #tpu.memory_space<hbm>>
          %dma_start3A_106 = arith.constant 0 : i32
          %dma_start3A_107 = arith.constant 0 : i32
          %dma_start3A_108 = tpu.memref_slice %arg8[%dma_start3A_99, %dma_start3A_106, %dma_start3A_107] : memref<2x128x128xf32, #tpu.memory_space<vmem>> -> memref<1x128x128xf32, #tpu.memory_space<vmem>>
          %dma_start3A_109 = tpu.memref_squeeze %dma_start3A_108 : memref<1x128x128xf32, #tpu.memory_space<vmem>> -> memref<128x128xf32, #tpu.memory_space<vmem>>
          %dma_start3A_110 = arith.constant 0 : i32
          %dma_start3A_111 = tpu.memref_slice %arg3[%add3A_58, %dma_start3A_110] : memref<160000x128xf32, #tpu.memory_space<hbm>> -> memref<128x128xf32, #tpu.memory_space<hbm>>
          tpu.enqueue_dma source(%dma_start3A_111 : memref<128x128xf32, #tpu.memory_space<hbm>>) target(%dma_start3A_109 : memref<128x128xf32, #tpu.memory_space<vmem>>) target_semaphore(%arg12 : memref<!tpu.dma_semaphore, #tpu.memory_space<semaphore_mem>>)
        } else {
        }
        %run_scoped3A_65 = arith.constant 0 : i32
        %run_scoped3A_66 = arith.constant 0 : i32
        "tpu.region"() ({
          %run_scoped3A_98 = tpu.sem_alloc : memref<!tpu.dma_semaphore, #tpu.memory_space<semaphore_mem>>
          %dma_start3A_99 = arith.constant 0 : i32
          %dma_start3A_100 = arith.constant 0 : i32
          %dma_start3A_101 = tpu.memref_slice %arg8[%run_scoped3A_65, %dma_start3A_99, %dma_start3A_100] : memref<2x128x128xf32, #tpu.memory_space<vmem>> -> memref<1x128x128xf32, #tpu.memory_space<vmem>>
          %dma_start3A_102 = tpu.memref_squeeze %dma_start3A_101 : memref<1x128x128xf32, #tpu.memory_space<vmem>> -> memref<128x128xf32, #tpu.memory_space<vmem>>
          %dma_start3A_103 = arith.constant 0 : i32
          %dma_start3A_104 = tpu.memref_slice %arg7[%run_scoped3A_66, %dma_start3A_103] : memref<2x128xi32, #tpu.memory_space<vmem>> -> memref<1x128xi32, #tpu.memory_space<vmem>>
          %dma_start3A_105 = tpu.memref_squeeze %dma_start3A_104 : memref<1x128xi32, #tpu.memory_space<vmem>> -> memref<128xi32, #tpu.memory_space<vmem>>
          %dma_start3A_106 = arith.constant 0 : i32
          %dma_start3A_107 = arith.constant 0 : i32
          %dma_start3A_108 = tpu.memref_slice %arg11[%dma_start3A_106, %dma_start3A_107] : memref<10000x128xf32, #tpu.memory_space<vmem_shared>> -> memref<10000x128xf32, #tpu.memory_space<vmem_shared>>
          tpu.enqueue_indirect_dma source(%dma_start3A_102 : memref<128x128xf32, #tpu.memory_space<vmem>>) target(%dma_start3A_108 : memref<10000x128xf32, #tpu.memory_space<vmem_shared>>) offsets(%dma_start3A_105 : memref<128xi32, #tpu.memory_space<vmem>>) semaphore(%run_scoped3A_98 : memref<!tpu.dma_semaphore, #tpu.memory_space<semaphore_mem>>) {add = true}
          %dma_wait3A_109 = arith.constant 0 : i32
          %dma_wait3A_110 = arith.constant 0 : i32
          %dma_wait3A_111 = tpu.memref_slice %arg8[%run_scoped3A_65, %dma_wait3A_109, %dma_wait3A_110] : memref<2x128x128xf32, #tpu.memory_space<vmem>> -> memref<1x128x128xf32, #tpu.memory_space<vmem>>
          %dma_wait3A_112 = tpu.memref_squeeze %dma_wait3A_111 : memref<1x128x128xf32, #tpu.memory_space<vmem>> -> memref<128x128xf32, #tpu.memory_space<vmem>>
          %dma_wait3A_113 = arith.constant 0 : i32
          %dma_wait3A_114 = tpu.memref_slice %arg7[%run_scoped3A_66, %dma_wait3A_113] : memref<2x128xi32, #tpu.memory_space<vmem>> -> memref<1x128xi32, #tpu.memory_space<vmem>>
          %dma_wait3A_115 = tpu.memref_squeeze %dma_wait3A_114 : memref<1x128xi32, #tpu.memory_space<vmem>> -> memref<128xi32, #tpu.memory_space<vmem>>
          %dma_wait3A_116 = arith.constant 0 : i32
          %dma_wait3A_117 = arith.constant 0 : i32
          %dma_wait3A_118 = tpu.memref_slice %arg11[%dma_wait3A_116, %dma_wait3A_117] : memref<10000x128xf32, #tpu.memory_space<vmem_shared>> -> memref<10000x128xf32, #tpu.memory_space<vmem_shared>>
          tpu.wait_indirect_dma semaphore(%run_scoped3A_98 : memref<!tpu.dma_semaphore, #tpu.memory_space<semaphore_mem>>) src(%dma_wait3A_112 : memref<128x128xf32, #tpu.memory_space<vmem>>) dst(%dma_wait3A_118 : memref<10000x128xf32, #tpu.memory_space<vmem_shared>>)
          tpu.yield
        }) : () -> ()
        %mul3A_67 = arith.constant 2 : i32
        %mul3A_68 = arith.muli %scan3A_37, %mul3A_67 : i32
        %add3A_69 = arith.constant 1 : i32
        %add3A_70 = arith.addi %mul3A_68, %add3A_69 : i32
        %mul3A_71 = arith.constant 128 : i32
        %mul3A_72 = arith.muli %add3A_70, %mul3A_71 : i32
        %add3A_73 = arith.addi %mul3A_0, %mul3A_72 : i32
        %dma_wait3A_74 = arith.constant 1 : i32
        %dma_wait3A_75 = arith.constant 0 : i32
        %dma_wait3A_76 = arith.constant 0 : i32
        %dma_wait3A_77 = tpu.memref_slice %arg8[%dma_wait3A_74, %dma_wait3A_75, %dma_wait3A_76] : memref<2x128x128xf32, #tpu.memory_space<vmem>> -> memref<1x128x128xf32, #tpu.memory_space<vmem>>
        %dma_wait3A_78 = tpu.memref_squeeze %dma_wait3A_77 : memref<1x128x128xf32, #tpu.memory_space<vmem>> -> memref<128x128xf32, #tpu.memory_space<vmem>>
        %dma_wait3A_79 = arith.constant 0 : i32
        %dma_wait3A_80 = tpu.memref_slice %arg3[%add3A_73, %dma_wait3A_79] : memref<160000x128xf32, #tpu.memory_space<hbm>> -> memref<128x128xf32, #tpu.memory_space<hbm>>
        %dma_wait3A_81 = arith.constant 0 : i32
        %dma_wait3A_82 = arith.constant 0 : i32
        %dma_wait3A_83 = tpu.memref_slice %arg8[%dma_wait3A_74, %dma_wait3A_81, %dma_wait3A_82] : memref<2x128x128xf32, #tpu.memory_space<vmem>> -> memref<1x128x128xf32, #tpu.memory_space<vmem>>
        %dma_wait3A_84 = tpu.memref_squeeze %dma_wait3A_83 : memref<1x128x128xf32, #tpu.memory_space<vmem>> -> memref<128x128xf32, #tpu.memory_space<vmem>>
        %dma_wait3A_85 = arith.constant 0 : i32
        %dma_wait3A_86 = tpu.memref_slice %arg3[%add3A_73, %dma_wait3A_85] : memref<160000x128xf32, #tpu.memory_space<hbm>> -> memref<128x128xf32, #tpu.memory_space<hbm>>
        tpu.wait_dma2 semaphore(%arg12 : memref<!tpu.dma_semaphore, #tpu.memory_space<semaphore_mem>>) src(%dma_wait3A_86 : memref<128x128xf32, #tpu.memory_space<hbm>>) dst(%dma_wait3A_84 : memref<128x128xf32, #tpu.memory_space<vmem>>)
        %add3A_87 = arith.constant 128 : i32
        %add3A_88 = arith.addi %add3A_73, %add3A_87 : i32
        %add3A_89 = arith.constant 1 : i32
        %add3A_90 = arith.addi %add3A_70, %add3A_89 : i32
        %lt3A_91 = arith.constant 78 : i32
        %lt3A_92 = arith.cmpi slt, %add3A_90, %lt3A_91 : i32
        %convert_element_type3A_93 = arith.extui %lt3A_92 : i1 to i32
        %cond3A_94 = arith.constant 0 : i32
        %cond3A_95 = arith.cmpi ne, %convert_element_type3A_93, %cond3A_94 : i32
        scf.if %cond3A_95 {
          %run_scoped3A_98 = arith.constant 0 : i32
          "tpu.region"() ({
            %run_scoped3A_112 = tpu.sem_alloc : memref<!tpu.dma_semaphore, #tpu.memory_space<semaphore_mem>>
            %dma_start3A_113 = arith.constant 0 : i32
            %dma_start3A_114 = tpu.memref_slice %arg7[%run_scoped3A_98, %dma_start3A_113] : memref<2x128xi32, #tpu.memory_space<vmem>> -> memref<1x128xi32, #tpu.memory_space<vmem>>
            %dma_start3A_115 = tpu.memref_squeeze %dma_start3A_114 : memref<1x128xi32, #tpu.memory_space<vmem>> -> memref<128xi32, #tpu.memory_space<vmem>>
            %dma_start3A_116 = tpu.memref_slice %arg4[%add3A_88] : memref<160000xi32, #tpu.memory_space<hbm>> -> memref<128xi32, #tpu.memory_space<hbm>>
            %dma_start3A_117 = arith.constant 0 : i32
            %dma_start3A_118 = tpu.memref_slice %arg7[%run_scoped3A_98, %dma_start3A_117] : memref<2x128xi32, #tpu.memory_space<vmem>> -> memref<1x128xi32, #tpu.memory_space<vmem>>
            %dma_start3A_119 = tpu.memref_squeeze %dma_start3A_118 : memref<1x128xi32, #tpu.memory_space<vmem>> -> memref<128xi32, #tpu.memory_space<vmem>>
            %dma_start3A_120 = tpu.memref_slice %arg4[%add3A_88] : memref<160000xi32, #tpu.memory_space<hbm>> -> memref<128xi32, #tpu.memory_space<hbm>>
            tpu.enqueue_dma source(%dma_start3A_120 : memref<128xi32, #tpu.memory_space<hbm>>) target(%dma_start3A_119 : memref<128xi32, #tpu.memory_space<vmem>>) target_semaphore(%run_scoped3A_112 : memref<!tpu.dma_semaphore, #tpu.memory_space<semaphore_mem>>)
            %dma_wait3A_121 = arith.constant 0 : i32
            %dma_wait3A_122 = tpu.memref_slice %arg7[%run_scoped3A_98, %dma_wait3A_121] : memref<2x128xi32, #tpu.memory_space<vmem>> -> memref<1x128xi32, #tpu.memory_space<vmem>>
            %dma_wait3A_123 = tpu.memref_squeeze %dma_wait3A_122 : memref<1x128xi32, #tpu.memory_space<vmem>> -> memref<128xi32, #tpu.memory_space<vmem>>
            %dma_wait3A_124 = tpu.memref_slice %arg4[%add3A_88] : memref<160000xi32, #tpu.memory_space<hbm>> -> memref<128xi32, #tpu.memory_space<hbm>>
            %dma_wait3A_125 = arith.constant 0 : i32
            %dma_wait3A_126 = tpu.memref_slice %arg7[%run_scoped3A_98, %dma_wait3A_125] : memref<2x128xi32, #tpu.memory_space<vmem>> -> memref<1x128xi32, #tpu.memory_space<vmem>>
            %dma_wait3A_127 = tpu.memref_squeeze %dma_wait3A_126 : memref<1x128xi32, #tpu.memory_space<vmem>> -> memref<128xi32, #tpu.memory_space<vmem>>
            %dma_wait3A_128 = tpu.memref_slice %arg4[%add3A_88] : memref<160000xi32, #tpu.memory_space<hbm>> -> memref<128xi32, #tpu.memory_space<hbm>>
            tpu.wait_dma2 semaphore(%run_scoped3A_112 : memref<!tpu.dma_semaphore, #tpu.memory_space<semaphore_mem>>) src(%dma_wait3A_128 : memref<128xi32, #tpu.memory_space<hbm>>) dst(%dma_wait3A_127 : memref<128xi32, #tpu.memory_space<vmem>>)
            tpu.yield
          }) : () -> ()
          %dma_start3A_99 = arith.constant 0 : i32
          %dma_start3A_100 = arith.constant 0 : i32
          %dma_start3A_101 = arith.constant 0 : i32
          %dma_start3A_102 = tpu.memref_slice %arg8[%dma_start3A_99, %dma_start3A_100, %dma_start3A_101] : memref<2x128x128xf32, #tpu.memory_space<vmem>> -> memref<1x128x128xf32, #tpu.memory_space<vmem>>
          %dma_start3A_103 = tpu.memref_squeeze %dma_start3A_102 : memref<1x128x128xf32, #tpu.memory_space<vmem>> -> memref<128x128xf32, #tpu.memory_space<vmem>>
          %dma_start3A_104 = arith.constant 0 : i32
          %dma_start3A_105 = tpu.memref_slice %arg3[%add3A_88, %dma_start3A_104] : memref<160000x128xf32, #tpu.memory_space<hbm>> -> memref<128x128xf32, #tpu.memory_space<hbm>>
          %dma_start3A_106 = arith.constant 0 : i32
          %dma_start3A_107 = arith.constant 0 : i32
          %dma_start3A_108 = tpu.memref_slice %arg8[%dma_start3A_99, %dma_start3A_106, %dma_start3A_107] : memref<2x128x128xf32, #tpu.memory_space<vmem>> -> memref<1x128x128xf32, #tpu.memory_space<vmem>>
          %dma_start3A_109 = tpu.memref_squeeze %dma_start3A_108 : memref<1x128x128xf32, #tpu.memory_space<vmem>> -> memref<128x128xf32, #tpu.memory_space<vmem>>
          %dma_start3A_110 = arith.constant 0 : i32
          %dma_start3A_111 = tpu.memref_slice %arg3[%add3A_88, %dma_start3A_110] : memref<160000x128xf32, #tpu.memory_space<hbm>> -> memref<128x128xf32, #tpu.memory_space<hbm>>
          tpu.enqueue_dma source(%dma_start3A_111 : memref<128x128xf32, #tpu.memory_space<hbm>>) target(%dma_start3A_109 : memref<128x128xf32, #tpu.memory_space<vmem>>) target_semaphore(%arg12 : memref<!tpu.dma_semaphore, #tpu.memory_space<semaphore_mem>>)
        } else {
        }
        %run_scoped3A_96 = arith.constant 1 : i32
        %run_scoped3A_97 = arith.constant 1 : i32
        "tpu.region"() ({
          %run_scoped3A_98 = tpu.sem_alloc : memref<!tpu.dma_semaphore, #tpu.memory_space<semaphore_mem>>
          %dma_start3A_99 = arith.constant 0 : i32
          %dma_start3A_100 = arith.constant 0 : i32
          %dma_start3A_101 = tpu.memref_slice %arg8[%run_scoped3A_96, %dma_start3A_99, %dma_start3A_100] : memref<2x128x128xf32, #tpu.memory_space<vmem>> -> memref<1x128x128xf32, #tpu.memory_space<vmem>>
          %dma_start3A_102 = tpu.memref_squeeze %dma_start3A_101 : memref<1x128x128xf32, #tpu.memory_space<vmem>> -> memref<128x128xf32, #tpu.memory_space<vmem>>
          %dma_start3A_103 = arith.constant 0 : i32
          %dma_start3A_104 = tpu.memref_slice %arg7[%run_scoped3A_97, %dma_start3A_103] : memref<2x128xi32, #tpu.memory_space<vmem>> -> memref<1x128xi32, #tpu.memory_space<vmem>>
          %dma_start3A_105 = tpu.memref_squeeze %dma_start3A_104 : memref<1x128xi32, #tpu.memory_space<vmem>> -> memref<128xi32, #tpu.memory_space<vmem>>
          %dma_start3A_106 = arith.constant 0 : i32
          %dma_start3A_107 = arith.constant 0 : i32
          %dma_start3A_108 = tpu.memref_slice %arg11[%dma_start3A_106, %dma_start3A_107] : memref<10000x128xf32, #tpu.memory_space<vmem_shared>> -> memref<10000x128xf32, #tpu.memory_space<vmem_shared>>
          tpu.enqueue_indirect_dma source(%dma_start3A_102 : memref<128x128xf32, #tpu.memory_space<vmem>>) target(%dma_start3A_108 : memref<10000x128xf32, #tpu.memory_space<vmem_shared>>) offsets(%dma_start3A_105 : memref<128xi32, #tpu.memory_space<vmem>>) semaphore(%run_scoped3A_98 : memref<!tpu.dma_semaphore, #tpu.memory_space<semaphore_mem>>) {add = true}
          %dma_wait3A_109 = arith.constant 0 : i32
          %dma_wait3A_110 = arith.constant 0 : i32
          %dma_wait3A_111 = tpu.memref_slice %arg8[%run_scoped3A_96, %dma_wait3A_109, %dma_wait3A_110] : memref<2x128x128xf32, #tpu.memory_space<vmem>> -> memref<1x128x128xf32, #tpu.memory_space<vmem>>
          %dma_wait3A_112 = tpu.memref_squeeze %dma_wait3A_111 : memref<1x128x128xf32, #tpu.memory_space<vmem>> -> memref<128x128xf32, #tpu.memory_space<vmem>>
          %dma_wait3A_113 = arith.constant 0 : i32
          %dma_wait3A_114 = tpu.memref_slice %arg7[%run_scoped3A_97, %dma_wait3A_113] : memref<2x128xi32, #tpu.memory_space<vmem>> -> memref<1x128xi32, #tpu.memory_space<vmem>>
          %dma_wait3A_115 = tpu.memref_squeeze %dma_wait3A_114 : memref<1x128xi32, #tpu.memory_space<vmem>> -> memref<128xi32, #tpu.memory_space<vmem>>
          %dma_wait3A_116 = arith.constant 0 : i32
          %dma_wait3A_117 = arith.constant 0 : i32
          %dma_wait3A_118 = tpu.memref_slice %arg11[%dma_wait3A_116, %dma_wait3A_117] : memref<10000x128xf32, #tpu.memory_space<vmem_shared>> -> memref<10000x128xf32, #tpu.memory_space<vmem_shared>>
          tpu.wait_indirect_dma semaphore(%run_scoped3A_98 : memref<!tpu.dma_semaphore, #tpu.memory_space<semaphore_mem>>) src(%dma_wait3A_112 : memref<128x128xf32, #tpu.memory_space<vmem>>) dst(%dma_wait3A_118 : memref<10000x128xf32, #tpu.memory_space<vmem_shared>>)
          tpu.yield
        }) : () -> ()
      }
      %scan3A_35 = arith.constant 39 : i32
      %add3A = arith.constant 9984 : i32
      %add3A_36 = arith.addi %mul3A_0, %add3A : i32
      "tpu.region"() ({
        %run_scoped3A_37 = tpu.sem_alloc : memref<!tpu.dma_semaphore, #tpu.memory_space<semaphore_mem>>
        %dma_start3A_38 = tpu.memref_slice %arg4[%add3A_36] : memref<160000xi32, #tpu.memory_space<hbm>> -> memref<16xi32, #tpu.memory_space<hbm>>
        %dma_start3A_39 = tpu.memref_slice %arg4[%add3A_36] : memref<160000xi32, #tpu.memory_space<hbm>> -> memref<16xi32, #tpu.memory_space<hbm>>
        tpu.enqueue_dma source(%dma_start3A_39 : memref<16xi32, #tpu.memory_space<hbm>>) target(%arg9 : memref<16xi32, #tpu.memory_space<vmem>>) target_semaphore(%run_scoped3A_37 : memref<!tpu.dma_semaphore, #tpu.memory_space<semaphore_mem>>)
        %dma_wait3A = tpu.memref_slice %arg4[%add3A_36] : memref<160000xi32, #tpu.memory_space<hbm>> -> memref<16xi32, #tpu.memory_space<hbm>>
        %dma_wait3A_40 = tpu.memref_slice %arg4[%add3A_36] : memref<160000xi32, #tpu.memory_space<hbm>> -> memref<16xi32, #tpu.memory_space<hbm>>
        tpu.wait_dma2 semaphore(%run_scoped3A_37 : memref<!tpu.dma_semaphore, #tpu.memory_space<semaphore_mem>>) src(%dma_wait3A_40 : memref<16xi32, #tpu.memory_space<hbm>>) dst(%arg9 : memref<16xi32, #tpu.memory_space<vmem>>)
        tpu.yield
      }) : () -> ()
      "tpu.region"() ({
        %run_scoped3A_37 = tpu.sem_alloc : memref<!tpu.dma_semaphore, #tpu.memory_space<semaphore_mem>>
        %dma_start3A_38 = arith.constant 0 : i32
        %dma_start3A_39 = tpu.memref_slice %arg3[%add3A_36, %dma_start3A_38] : memref<160000x128xf32, #tpu.memory_space<hbm>> -> memref<16x128xf32, #tpu.memory_space<hbm>>
        %dma_start3A_40 = arith.constant 0 : i32
        %dma_start3A_41 = tpu.memref_slice %arg3[%add3A_36, %dma_start3A_40] : memref<160000x128xf32, #tpu.memory_space<hbm>> -> memref<16x128xf32, #tpu.memory_space<hbm>>
        tpu.enqueue_dma source(%dma_start3A_41 : memref<16x128xf32, #tpu.memory_space<hbm>>) target(%arg10 : memref<16x128xf32, #tpu.memory_space<vmem>>) target_semaphore(%run_scoped3A_37 : memref<!tpu.dma_semaphore, #tpu.memory_space<semaphore_mem>>)
        %dma_wait3A = arith.constant 0 : i32
        %dma_wait3A_42 = tpu.memref_slice %arg3[%add3A_36, %dma_wait3A] : memref<160000x128xf32, #tpu.memory_space<hbm>> -> memref<16x128xf32, #tpu.memory_space<hbm>>
        %dma_wait3A_43 = arith.constant 0 : i32
        %dma_wait3A_44 = tpu.memref_slice %arg3[%add3A_36, %dma_wait3A_43] : memref<160000x128xf32, #tpu.memory_space<hbm>> -> memref<16x128xf32, #tpu.memory_space<hbm>>
        tpu.wait_dma2 semaphore(%run_scoped3A_37 : memref<!tpu.dma_semaphore, #tpu.memory_space<semaphore_mem>>) src(%dma_wait3A_44 : memref<16x128xf32, #tpu.memory_space<hbm>>) dst(%arg10 : memref<16x128xf32, #tpu.memory_space<vmem>>)
        tpu.yield
      }) : () -> ()
      "tpu.region"() ({
        %run_scoped3A_37 = tpu.sem_alloc : memref<!tpu.dma_semaphore, #tpu.memory_space<semaphore_mem>>
        %dma_start3A_38 = arith.constant 0 : i32
        %dma_start3A_39 = arith.constant 0 : i32
        %dma_start3A_40 = tpu.memref_slice %arg11[%dma_start3A_38, %dma_start3A_39] : memref<10000x128xf32, #tpu.memory_space<vmem_shared>> -> memref<10000x128xf32, #tpu.memory_space<vmem_shared>>
        tpu.enqueue_indirect_dma source(%arg10 : memref<16x128xf32, #tpu.memory_space<vmem>>) target(%dma_start3A_40 : memref<10000x128xf32, #tpu.memory_space<vmem_shared>>) offsets(%arg9 : memref<16xi32, #tpu.memory_space<vmem>>) semaphore(%run_scoped3A_37 : memref<!tpu.dma_semaphore, #tpu.memory_space<semaphore_mem>>) {add = true}
        %dma_wait3A = arith.constant 0 : i32
        %dma_wait3A_41 = arith.constant 0 : i32
        %dma_wait3A_42 = tpu.memref_slice %arg11[%dma_wait3A, %dma_wait3A_41] : memref<10000x128xf32, #tpu.memory_space<vmem_shared>> -> memref<10000x128xf32, #tpu.memory_space<vmem_shared>>
        tpu.wait_indirect_dma semaphore(%run_scoped3A_37 : memref<!tpu.dma_semaphore, #tpu.memory_space<semaphore_mem>>) src(%arg10 : memref<16x128xf32, #tpu.memory_space<vmem>>) dst(%dma_wait3A_42 : memref<10000x128xf32, #tpu.memory_space<vmem_shared>>)
        tpu.yield
      }) : () -> ()
    } else {
    }
    %barrier3A_13 = arith.constant 0 : index
    tpu.barrier barrier_id(%barrier3A_13)
    %eq3A_14 = arith.constant 0 : i32
    %eq3A_15 = arith.cmpi eq, %arg1, %eq3A_14 : i32
    %convert_element_type3A_16 = arith.extui %eq3A_15 : i1 to i32
    %cond3A_17 = arith.constant 0 : i32
    %cond3A_18 = arith.cmpi ne, %convert_element_type3A_16, %cond3A_17 : i32
    scf.if %cond3A_18 {
      "tpu.region"() ({
        %run_scoped3A = tpu.sem_alloc : memref<!tpu.dma_semaphore, #tpu.memory_space<semaphore_mem>>
        %dma_start3A = arith.constant 0 : i32
        %dma_start3A_19 = arith.constant 0 : i32
        %dma_start3A_20 = tpu.memref_slice %arg6[%arg0, %dma_start3A, %dma_start3A_19] : memref<2x10000x128xf32, #tpu.memory_space<hbm>> -> memref<1x10000x128xf32, #tpu.memory_space<hbm>>
        %dma_start3A_21 = tpu.memref_squeeze %dma_start3A_20 : memref<1x10000x128xf32, #tpu.memory_space<hbm>> -> memref<10000x128xf32, #tpu.memory_space<hbm>>
        tpu.enqueue_dma source(%arg11 : memref<10000x128xf32, #tpu.memory_space<vmem_shared>>) target(%dma_start3A_21 : memref<10000x128xf32, #tpu.memory_space<hbm>>) target_semaphore(%run_scoped3A : memref<!tpu.dma_semaphore, #tpu.memory_space<semaphore_mem>>)
        %dma_wait3A = arith.constant 0 : i32
        %dma_wait3A_22 = arith.constant 0 : i32
        %dma_wait3A_23 = tpu.memref_slice %arg6[%arg0, %dma_wait3A, %dma_wait3A_22] : memref<2x10000x128xf32, #tpu.memory_space<hbm>> -> memref<1x10000x128xf32, #tpu.memory_space<hbm>>
        %dma_wait3A_24 = tpu.memref_squeeze %dma_wait3A_23 : memref<1x10000x128xf32, #tpu.memory_space<hbm>> -> memref<10000x128xf32, #tpu.memory_space<hbm>>
        tpu.wait_dma2 semaphore(%run_scoped3A : memref<!tpu.dma_semaphore, #tpu.memory_space<semaphore_mem>>) src(%arg11 : memref<10000x128xf32, #tpu.memory_space<vmem_shared>>) dst(%dma_wait3A_24 : memref<10000x128xf32, #tpu.memory_space<hbm>>)
        tpu.yield
      }) : () -> ()
    } else {
    }
    return
  }
}

module attributes {stable_mosaic.version = 14 : i64} {
  func.func @_proj_body(%arg0: i32, %arg1: memref<1000x128xf32, #tpu.memory_space<vmem>>, %arg2: memref<128x128xf32, #tpu.memory_space<vmem>>, %arg3: memref<1x128xf32, #tpu.memory_space<vmem>>, %arg4: memref<128x384xf32, #tpu.memory_space<vmem>>, %arg5: memref<1x384xf32, #tpu.memory_space<vmem>>, %arg6: memref<1000x128xf32, #tpu.memory_space<vmem>>, %arg7: memref<1000x128xf32, #tpu.memory_space<vmem>>, %arg8: memref<1000x128xf32, #tpu.memory_space<vmem>>, %arg9: memref<1000x128xf32, #tpu.memory_space<vmem>>) attributes {dimension_semantics = [#tpu.dimension_semantics<arbitrary>], iteration_bounds = array<i64: 10>, scalar_prefetch = 0 : i64, scratch_operands = 0 : i64, tpu.core_type = #tpu.core_type<tc>, window_params = [{transform_indices = @transform_0, window_bounds = array<i64: 1000, 128>}, {pipeline_mode = #tpu.pipeline_mode<synchronous>, transform_indices = @transform_1, window_bounds = array<i64: 128, 128>}, {pipeline_mode = #tpu.pipeline_mode<synchronous>, transform_indices = @transform_2, window_bounds = array<i64: 1, 128>}, {pipeline_mode = #tpu.pipeline_mode<synchronous>, transform_indices = @transform_3, window_bounds = array<i64: 128, 384>}, {pipeline_mode = #tpu.pipeline_mode<synchronous>, transform_indices = @transform_4, window_bounds = array<i64: 1, 384>}, {transform_indices = @transform_5, window_bounds = array<i64: 1000, 128>}, {transform_indices = @transform_6, window_bounds = array<i64: 1000, 128>}, {transform_indices = @transform_7, window_bounds = array<i64: 1000, 128>}, {transform_indices = @transform_8, window_bounds = array<i64: 1000, 128>}]} {
    %get3A = arith.constant 0 : index
    %get3A_0 = arith.constant 0 : index
    %get3A_1 = vector.load %arg1[%get3A, %get3A_0] : memref<1000x128xf32, #tpu.memory_space<vmem>>, vector<1000x128xf32>
    %get3A_2 = arith.constant 0 : index
    %get3A_3 = arith.constant 0 : index
    %get3A_4 = vector.load %arg2[%get3A_2, %get3A_3] : memref<128x128xf32, #tpu.memory_space<vmem>>, vector<128x128xf32>
    %dot_general3A = arith.constant dense<0.000000e+00> : vector<1000x128xf32>
    %dot_general3A_5 = tpu.matmul %get3A_1, %get3A_4, %dot_general3A {dimension_numbers = #tpu.dot_dimension_numbers<[1], [0], [0], [1], [0, 0, 1, 1], [], []>, transpose_lhs_hint = false} : vector<1000x128xf32>, vector<128x128xf32>, vector<1000x128xf32> -> vector<1000x128xf32>
    %get3A_6 = arith.constant 0 : index
    %get3A_7 = arith.constant 0 : index
    %get3A_8 = vector.load %arg3[%get3A_6, %get3A_7] : memref<1x128xf32, #tpu.memory_space<vmem>>, vector<1x128xf32>
    %add3A = vector.broadcast %get3A_8 : vector<1x128xf32> to vector<1000x128xf32>
    %add3A_9 = arith.addf %dot_general3A_5, %add3A : vector<1000x128xf32>
    %mul3A = arith.constant 5.000000e-01 : f32
    %mul3A_10 = vector.broadcast %mul3A : f32 to vector<1000x128xf32>
    %mul3A_11 = arith.mulf %mul3A_10, %add3A_9 : vector<1000x128xf32>
    %mul3A_12 = arith.constant 0.707106769 : f32
    %mul3A_13 = vector.broadcast %mul3A_12 : f32 to vector<1000x128xf32>
    %mul3A_14 = arith.mulf %add3A_9, %mul3A_13 : vector<1000x128xf32>
    %erf3A = math.erf %mul3A_14 : vector<1000x128xf32>
    %add3A_15 = arith.constant 1.000000e+00 : f32
    %add3A_16 = vector.broadcast %add3A_15 : f32 to vector<1000x128xf32>
    %add3A_17 = arith.addf %add3A_16, %erf3A : vector<1000x128xf32>
    %mul3A_18 = arith.mulf %mul3A_11, %add3A_17 : vector<1000x128xf32>
    %swap3A = arith.constant 0 : index
    %swap3A_19 = arith.constant 0 : index
    %swap3A_20 = vector.load %arg6[%swap3A, %swap3A_19] : memref<1000x128xf32, #tpu.memory_space<vmem>>, vector<1000x128xf32>
    tpu.vector_store %arg6[%swap3A, %swap3A_19], %mul3A_18 {strides = array<i32>} : memref<1000x128xf32, #tpu.memory_space<vmem>>, vector<1000x128xf32>,
    %get3A_21 = arith.constant 0 : index
    %get3A_22 = arith.constant 0 : index
    %get3A_23 = vector.load %arg4[%get3A_21, %get3A_22] : memref<128x384xf32, #tpu.memory_space<vmem>>, vector<128x384xf32>
    %dot_general3A_24 = arith.constant dense<0.000000e+00> : vector<1000x384xf32>
    %dot_general3A_25 = tpu.matmul %mul3A_18, %get3A_23, %dot_general3A_24 {dimension_numbers = #tpu.dot_dimension_numbers<[1], [0], [0], [1], [0, 0, 1, 1], [], []>, transpose_lhs_hint = false} : vector<1000x128xf32>, vector<128x384xf32>, vector<1000x384xf32> -> vector<1000x384xf32>
    %get3A_26 = arith.constant 0 : index
    %get3A_27 = arith.constant 0 : index
    %get3A_28 = vector.load %arg5[%get3A_26, %get3A_27] : memref<1x384xf32, #tpu.memory_space<vmem>>, vector<1x384xf32>
    %add3A_29 = vector.broadcast %get3A_28 : vector<1x384xf32> to vector<1000x384xf32>
    %add3A_30 = arith.addf %dot_general3A_25, %add3A_29 : vector<1000x384xf32>
    %slice3A = vector.extract_strided_slice %add3A_30 {offsets = [0, 0], sizes = [1000, 128], strides = [1, 1]} : vector<1000x384xf32> to vector<1000x128xf32>
    %swap3A_31 = arith.constant 0 : index
    %swap3A_32 = arith.constant 0 : index
    %swap3A_33 = vector.load %arg7[%swap3A_31, %swap3A_32] : memref<1000x128xf32, #tpu.memory_space<vmem>>, vector<1000x128xf32>
    tpu.vector_store %arg7[%swap3A_31, %swap3A_32], %slice3A {strides = array<i32>} : memref<1000x128xf32, #tpu.memory_space<vmem>>, vector<1000x128xf32>,
    %slice3A_34 = vector.extract_strided_slice %add3A_30 {offsets = [0, 128], sizes = [1000, 128], strides = [1, 1]} : vector<1000x384xf32> to vector<1000x128xf32>
    %swap3A_35 = arith.constant 0 : index
    %swap3A_36 = arith.constant 0 : index
    %swap3A_37 = vector.load %arg8[%swap3A_35, %swap3A_36] : memref<1000x128xf32, #tpu.memory_space<vmem>>, vector<1000x128xf32>
    tpu.vector_store %arg8[%swap3A_35, %swap3A_36], %slice3A_34 {strides = array<i32>} : memref<1000x128xf32, #tpu.memory_space<vmem>>, vector<1000x128xf32>,
    %slice3A_38 = vector.extract_strided_slice %add3A_30 {offsets = [0, 256], sizes = [1000, 128], strides = [1, 1]} : vector<1000x384xf32> to vector<1000x128xf32>
    %swap3A_39 = arith.constant 0 : index
    %swap3A_40 = arith.constant 0 : index
    %swap3A_41 = vector.load %arg9[%swap3A_39, %swap3A_40] : memref<1000x128xf32, #tpu.memory_space<vmem>>, vector<1000x128xf32>
    tpu.vector_store %arg9[%swap3A_39, %swap3A_40], %slice3A_38 {strides = array<i32>} : memref<1000x128xf32, #tpu.memory_space<vmem>>, vector<1000x128xf32>,
    return
  }
  func.func @transform_0(%arg0: i32) -> (i32, i32) {
    %c0_i32 = arith.constant 0 : i32
    %c0_i32_0 = arith.constant 0 : i32
    return %arg0, %c0_i32 : i32, i32
  }
  func.func @transform_1(%arg0: i32) -> (i32, i32) {
    %c0_i32 = arith.constant 0 : i32
    %c0_i32_0 = arith.constant 0 : i32
    %c0_i32_1 = arith.constant 0 : i32
    return %c0_i32, %c0_i32_0 : i32, i32
  }
  func.func @transform_2(%arg0: i32) -> (i32, i32) {
    %c0_i32 = arith.constant 0 : i32
    %c0_i32_0 = arith.constant 0 : i32
    %c0_i32_1 = arith.constant 0 : i32
    return %c0_i32, %c0_i32_0 : i32, i32
  }
  func.func @transform_3(%arg0: i32) -> (i32, i32) {
    %c0_i32 = arith.constant 0 : i32
    %c0_i32_0 = arith.constant 0 : i32
    %c0_i32_1 = arith.constant 0 : i32
    return %c0_i32, %c0_i32_0 : i32, i32
  }
  func.func @transform_4(%arg0: i32) -> (i32, i32) {
    %c0_i32 = arith.constant 0 : i32
    %c0_i32_0 = arith.constant 0 : i32
    %c0_i32_1 = arith.constant 0 : i32
    return %c0_i32, %c0_i32_0 : i32, i32
  }
  func.func @transform_5(%arg0: i32) -> (i32, i32) {
    %c0_i32 = arith.constant 0 : i32
    %c0_i32_0 = arith.constant 0 : i32
    return %arg0, %c0_i32 : i32, i32
  }
  func.func @transform_6(%arg0: i32) -> (i32, i32) {
    %c0_i32 = arith.constant 0 : i32
    %c0_i32_0 = arith.constant 0 : i32
    return %arg0, %c0_i32 : i32, i32
  }
  func.func @transform_7(%arg0: i32) -> (i32, i32) {
    %c0_i32 = arith.constant 0 : i32
    %c0_i32_0 = arith.constant 0 : i32
    return %arg0, %c0_i32 : i32, i32
  }
  func.func @transform_8(%arg0: i32) -> (i32, i32) {
    %c0_i32 = arith.constant 0 : i32
    %c0_i32_0 = arith.constant 0 : i32
    return %arg0, %c0_i32 : i32, i32
  }
}

module attributes {stable_mosaic.version = 14 : i64} {
  func.func @_edge_body(%arg0: i32, %arg1: memref<2000x128xf32, #tpu.memory_space<vmem>>, %arg2: memref<2000x128xf32, #tpu.memory_space<vmem>>, %arg3: memref<2000x128xf32, #tpu.memory_space<vmem>>, %arg4: memref<2000x128xf32, #tpu.memory_space<vmem>>, %arg5: memref<2000x128xf32, #tpu.memory_space<vmem>>) attributes {dimension_semantics = [#tpu.dimension_semantics<arbitrary>], iteration_bounds = array<i64: 80>, scalar_prefetch = 0 : i64, scratch_operands = 0 : i64, tpu.core_type = #tpu.core_type<tc>, window_params = [{transform_indices = @transform_0, window_bounds = array<i64: 2000, 128>}, {transform_indices = @transform_1, window_bounds = array<i64: 2000, 128>}, {transform_indices = @transform_2, window_bounds = array<i64: 2000, 128>}, {transform_indices = @transform_3, window_bounds = array<i64: 2000, 128>}, {transform_indices = @transform_4, window_bounds = array<i64: 2000, 128>}]} {
    %iota3A = tpu.iota {dimensions = array<i32: 0>} : vector<128x8xi32>
    %iota3A_0 = tpu.iota {dimensions = array<i32: 1>} : vector<128x8xi32>
    %jit3A = arith.constant 16 : i32
    %div3A = vector.broadcast %jit3A : i32 to vector<128x8xi32>
    %div3A_1 = arith.divsi %iota3A, %div3A : vector<128x8xi32>
    %sign3A = arith.constant 0 : i32
    %sign3A_2 = vector.broadcast %sign3A : i32 to vector<128x8xi32>
    %sign3A_3 = arith.cmpi sgt, %iota3A, %sign3A_2 : vector<128x8xi32>
    %sign3A_4 = arith.extui %sign3A_3 : vector<128x8xi1> to vector<128x8xi32>
    %sign3A_5 = arith.constant 0 : i32
    %sign3A_6 = vector.broadcast %sign3A_5 : i32 to vector<128x8xi32>
    %sign3A_7 = arith.cmpi slt, %iota3A, %sign3A_6 : vector<128x8xi32>
    %sign3A_8 = arith.extui %sign3A_7 : vector<128x8xi1> to vector<128x8xi32>
    %sign3A_9 = arith.subi %sign3A_4, %sign3A_8 : vector<128x8xi32>
    %sign3A_10 = arith.constant 0 : i32
    %sign3A_11 = arith.cmpi sgt, %jit3A, %sign3A_10 : i32
    %sign3A_12 = arith.extui %sign3A_11 : i1 to i32
    %sign3A_13 = arith.constant 0 : i32
    %sign3A_14 = arith.cmpi slt, %jit3A, %sign3A_13 : i32
    %sign3A_15 = arith.extui %sign3A_14 : i1 to i32
    %sign3A_16 = arith.subi %sign3A_12, %sign3A_15 : i32
    %ne3A = vector.broadcast %sign3A_16 : i32 to vector<128x8xi32>
    %ne3A_17 = arith.cmpi ne, %sign3A_9, %ne3A : vector<128x8xi32>
    %rem3A = vector.broadcast %jit3A : i32 to vector<128x8xi32>
    %rem3A_18 = arith.remsi %iota3A, %rem3A : vector<128x8xi32>
    %ne3A_19 = arith.constant 0 : i32
    %ne3A_20 = vector.broadcast %ne3A_19 : i32 to vector<128x8xi32>
    %ne3A_21 = arith.cmpi ne, %rem3A_18, %ne3A_20 : vector<128x8xi32>
    %and3A = arith.andi %ne3A_17, %ne3A_21 : vector<128x8xi1>
    %sub3A = arith.constant 1 : i32
    %sub3A_22 = vector.broadcast %sub3A : i32 to vector<128x8xi32>
    %sub3A_23 = arith.subi %div3A_1, %sub3A_22 : vector<128x8xi32>
    %select_n3A = arith.select %and3A, %sub3A_23, %div3A_1 : vector<128x8xi1>, vector<128x8xi32>
    %eq3A = arith.cmpi eq, %select_n3A, %iota3A_0 : vector<128x8xi32>
    %convert_element_type3A = arith.extui %eq3A : vector<128x8xi1> to vector<128x8xi32>
    %convert_element_type3A_24 = arith.sitofp %convert_element_type3A : vector<128x8xi32> to vector<128x8xf32>
    %get3A = arith.constant 0 : index
    %get3A_25 = arith.constant 0 : index
    %get3A_26 = vector.load %arg1[%get3A, %get3A_25] : memref<2000x128xf32, #tpu.memory_space<vmem>>, vector<2000x128xf32>
    %get3A_27 = arith.constant 0 : index
    %get3A_28 = arith.constant 0 : index
    %get3A_29 = vector.load %arg2[%get3A_27, %get3A_28] : memref<2000x128xf32, #tpu.memory_space<vmem>>, vector<2000x128xf32>
    %mul3A = arith.mulf %get3A_26, %get3A_29 : vector<2000x128xf32>
    %dot_general3A = arith.constant dense<0.000000e+00> : vector<2000x8xf32>
    %dot_general3A_30 = tpu.matmul %mul3A, %convert_element_type3A_24, %dot_general3A {dimension_numbers = #tpu.dot_dimension_numbers<[1], [0], [0], [1], [0, 0, 1, 1], [], []>, transpose_lhs_hint = false} : vector<2000x128xf32>, vector<128x8xf32>, vector<2000x8xf32> -> vector<2000x8xf32>
    %exp3A = math.exp %dot_general3A_30 : vector<2000x8xf32>
    %transpose3A = tpu.transpose %convert_element_type3A_24, [1, 0] : vector<128x8xf32> -> vector<8x128xf32>
    %dot_general3A_31 = arith.constant dense<0.000000e+00> : vector<2000x128xf32>
    %dot_general3A_32 = tpu.matmul %exp3A, %transpose3A, %dot_general3A_31 {dimension_numbers = #tpu.dot_dimension_numbers<[1], [0], [0], [1], [0, 0, 1, 1], [], []>, transpose_lhs_hint = false} : vector<2000x8xf32>, vector<8x128xf32>, vector<2000x128xf32> -> vector<2000x128xf32>
    %get3A_33 = arith.constant 0 : index
    %get3A_34 = arith.constant 0 : index
    %get3A_35 = vector.load %arg3[%get3A_33, %get3A_34] : memref<2000x128xf32, #tpu.memory_space<vmem>>, vector<2000x128xf32>
    %mul3A_36 = arith.mulf %get3A_35, %dot_general3A_32 : vector<2000x128xf32>
    %swap3A = arith.constant 0 : index
    %swap3A_37 = arith.constant 0 : index
    %swap3A_38 = vector.load %arg4[%swap3A, %swap3A_37] : memref<2000x128xf32, #tpu.memory_space<vmem>>, vector<2000x128xf32>
    tpu.vector_store %arg4[%swap3A, %swap3A_37], %mul3A_36 {strides = array<i32>} : memref<2000x128xf32, #tpu.memory_space<vmem>>, vector<2000x128xf32>,
    %swap3A_39 = arith.constant 0 : index
    %swap3A_40 = arith.constant 0 : index
    %swap3A_41 = vector.load %arg5[%swap3A_39, %swap3A_40] : memref<2000x128xf32, #tpu.memory_space<vmem>>, vector<2000x128xf32>
    tpu.vector_store %arg5[%swap3A_39, %swap3A_40], %dot_general3A_32 {strides = array<i32>} : memref<2000x128xf32, #tpu.memory_space<vmem>>, vector<2000x128xf32>,
    return
  }
  func.func @transform_0(%arg0: i32) -> (i32, i32) {
    %c0_i32 = arith.constant 0 : i32
    %c0_i32_0 = arith.constant 0 : i32
    return %arg0, %c0_i32 : i32, i32
  }
  func.func @transform_1(%arg0: i32) -> (i32, i32) {
    %c0_i32 = arith.constant 0 : i32
    %c0_i32_0 = arith.constant 0 : i32
    return %arg0, %c0_i32 : i32, i32
  }
  func.func @transform_2(%arg0: i32) -> (i32, i32) {
    %c0_i32 = arith.constant 0 : i32
    %c0_i32_0 = arith.constant 0 : i32
    return %arg0, %c0_i32 : i32, i32
  }
  func.func @transform_3(%arg0: i32) -> (i32, i32) {
    %c0_i32 = arith.constant 0 : i32
    %c0_i32_0 = arith.constant 0 : i32
    return %arg0, %c0_i32 : i32, i32
  }
  func.func @transform_4(%arg0: i32) -> (i32, i32) {
    %c0_i32 = arith.constant 0 : i32
    %c0_i32_0 = arith.constant 0 : i32
    return %arg0, %c0_i32 : i32, i32
  }
}

module attributes {stable_mosaic.version = 14 : i64} {
  func.func @_epi_body(%arg0: i32, %arg1: memref<2x1000x128xf32, #tpu.memory_space<vmem>>, %arg2: memref<2x1000x128xf32, #tpu.memory_space<vmem>>, %arg3: memref<1000x128xf32, #tpu.memory_space<vmem>>, %arg4: memref<128x128xf32, #tpu.memory_space<vmem>>, %arg5: memref<1x128xf32, #tpu.memory_space<vmem>>, %arg6: memref<1x1xf32, #tpu.memory_space<vmem>>, %arg7: memref<1x128xf32, #tpu.memory_space<vmem>>, %arg8: memref<1x128xf32, #tpu.memory_space<vmem>>, %arg9: memref<128x128xf32, #tpu.memory_space<vmem>>, %arg10: memref<1x128xf32, #tpu.memory_space<vmem>>, %arg11: memref<1000x128xf32, #tpu.memory_space<vmem>>) attributes {dimension_semantics = [#tpu.dimension_semantics<arbitrary>], iteration_bounds = array<i64: 10>, scalar_prefetch = 0 : i64, scratch_operands = 0 : i64, tpu.core_type = #tpu.core_type<tc>, window_params = [{transform_indices = @transform_0, window_bounds = array<i64: 2, 1000, 128>}, {transform_indices = @transform_1, window_bounds = array<i64: 2, 1000, 128>}, {transform_indices = @transform_2, window_bounds = array<i64: 1000, 128>}, {pipeline_mode = #tpu.pipeline_mode<synchronous>, transform_indices = @transform_3, window_bounds = array<i64: 128, 128>}, {pipeline_mode = #tpu.pipeline_mode<synchronous>, transform_indices = @transform_4, window_bounds = array<i64: 1, 128>}, {pipeline_mode = #tpu.pipeline_mode<synchronous>, transform_indices = @transform_5, window_bounds = array<i64: 1, 1>}, {pipeline_mode = #tpu.pipeline_mode<synchronous>, transform_indices = @transform_6, window_bounds = array<i64: 1, 128>}, {pipeline_mode = #tpu.pipeline_mode<synchronous>, transform_indices = @transform_7, window_bounds = array<i64: 1, 128>}, {pipeline_mode = #tpu.pipeline_mode<synchronous>, transform_indices = @transform_8, window_bounds = array<i64: 128, 128>}, {pipeline_mode = #tpu.pipeline_mode<synchronous>, transform_indices = @transform_9, window_bounds = array<i64: 1, 128>}, {transform_indices = @transform_10, window_bounds = array<i64: 1000, 128>}]} {
    %get3A = arith.constant 0 : index
    %get3A_0 = arith.constant 0 : index
    %get3A_1 = arith.constant 0 : index
    %get3A_2 = vector.load %arg1[%get3A, %get3A_0, %get3A_1] : memref<2x1000x128xf32, #tpu.memory_space<vmem>>, vector<1x1000x128xf32>
    %get3A_3 = vector.shape_cast %get3A_2 : vector<1x1000x128xf32> to vector<1000x128xf32>
    %get3A_4 = arith.constant 0 : index
    %get3A_5 = arith.constant 0 : index
    %get3A_6 = arith.constant 0 : index
    %get3A_7 = vector.load %arg2[%get3A_4, %get3A_5, %get3A_6] : memref<2x1000x128xf32, #tpu.memory_space<vmem>>, vector<1x1000x128xf32>
    %get3A_8 = vector.shape_cast %get3A_7 : vector<1x1000x128xf32> to vector<1000x128xf32>
    %add3A = arith.addf %get3A_3, %get3A_8 : vector<1000x128xf32>
    %get3A_9 = arith.constant 1 : index
    %get3A_10 = arith.constant 0 : index
    %get3A_11 = arith.constant 0 : index
    %get3A_12 = vector.load %arg1[%get3A_9, %get3A_10, %get3A_11] : memref<2x1000x128xf32, #tpu.memory_space<vmem>>, vector<1x1000x128xf32>
    %get3A_13 = vector.shape_cast %get3A_12 : vector<1x1000x128xf32> to vector<1000x128xf32>
    %get3A_14 = arith.constant 1 : index
    %get3A_15 = arith.constant 0 : index
    %get3A_16 = arith.constant 0 : index
    %get3A_17 = vector.load %arg2[%get3A_14, %get3A_15, %get3A_16] : memref<2x1000x128xf32, #tpu.memory_space<vmem>>, vector<1x1000x128xf32>
    %get3A_18 = vector.shape_cast %get3A_17 : vector<1x1000x128xf32> to vector<1000x128xf32>
    %add3A_19 = arith.addf %get3A_13, %get3A_18 : vector<1000x128xf32>
    %add3A_20 = arith.constant 1.000000e-16 : f32
    %add3A_21 = vector.broadcast %add3A_20 : f32 to vector<1000x128xf32>
    %add3A_22 = arith.addf %add3A_19, %add3A_21 : vector<1000x128xf32>
    %div3A = arith.divf %add3A, %add3A_22 : vector<1000x128xf32>
    %get3A_23 = arith.constant 0 : index
    %get3A_24 = arith.constant 0 : index
    %get3A_25 = vector.load %arg4[%get3A_23, %get3A_24] : memref<128x128xf32, #tpu.memory_space<vmem>>, vector<128x128xf32>
    %dot_general3A = arith.constant dense<0.000000e+00> : vector<1000x128xf32>
    %dot_general3A_26 = tpu.matmul %div3A, %get3A_25, %dot_general3A {dimension_numbers = #tpu.dot_dimension_numbers<[1], [0], [0], [1], [0, 0, 1, 1], [], []>, transpose_lhs_hint = false} : vector<1000x128xf32>, vector<128x128xf32>, vector<1000x128xf32> -> vector<1000x128xf32>
    %get3A_27 = arith.constant 0 : index
    %get3A_28 = arith.constant 0 : index
    %get3A_29 = vector.load %arg5[%get3A_27, %get3A_28] : memref<1x128xf32, #tpu.memory_space<vmem>>, vector<1x128xf32>
    %add3A_30 = vector.broadcast %get3A_29 : vector<1x128xf32> to vector<1000x128xf32>
    %add3A_31 = arith.addf %dot_general3A_26, %add3A_30 : vector<1000x128xf32>
    %get3A_32 = arith.constant 0 : index
    %get3A_33 = arith.constant 0 : index
    %get3A_34 = vector.load %arg6[%get3A_32, %get3A_33] : memref<1x1xf32, #tpu.memory_space<vmem>>, vector<1x1xf32>
    %get3A_35 = vector.extract %get3A_34[0, 0] : f32 from vector<1x1xf32>
    %mul3A = vector.broadcast %get3A_35 : f32 to vector<1000x128xf32>
    %mul3A_36 = arith.mulf %add3A_31, %mul3A : vector<1000x128xf32>
    %get3A_37 = arith.constant 0 : index
    %get3A_38 = arith.constant 0 : index
    %get3A_39 = vector.load %arg3[%get3A_37, %get3A_38] : memref<1000x128xf32, #tpu.memory_space<vmem>>, vector<1000x128xf32>
    %sub3A = arith.constant 1.000000e+00 : f32
    %sub3A_40 = arith.subf %sub3A, %get3A_35 : f32
    %mul3A_41 = vector.broadcast %sub3A_40 : f32 to vector<1000x128xf32>
    %mul3A_42 = arith.mulf %get3A_39, %mul3A_41 : vector<1000x128xf32>
    %add3A_43 = arith.addf %mul3A_36, %mul3A_42 : vector<1000x128xf32>
    %reduce_sum3A = arith.constant dense<0.000000e+00> : vector<1000xf32>
    %reduce_sum3A_44 = vector.multi_reduction <add>, %add3A_43, %reduce_sum3A [1] : vector<1000x128xf32> to vector<1000xf32>
    %broadcast_in_dim3A = vector.shape_cast %reduce_sum3A_44 : vector<1000xf32> to vector<1000x1xf32>
    %div3A_45 = arith.constant 1.280000e+02 : f32
    %div3A_46 = vector.broadcast %div3A_45 : f32 to vector<1000x1xf32>
    %div3A_47 = arith.divf %broadcast_in_dim3A, %div3A_46 : vector<1000x1xf32>
    %sub3A_48 = vector.broadcast %div3A_47 : vector<1000x1xf32> to vector<1000x128xf32>
    %sub3A_49 = arith.subf %add3A_43, %sub3A_48 : vector<1000x128xf32>
    %integer_pow3A = arith.mulf %sub3A_49, %sub3A_49 : vector<1000x128xf32>
    %reduce_sum3A_50 = arith.constant dense<0.000000e+00> : vector<1000xf32>
    %reduce_sum3A_51 = vector.multi_reduction <add>, %integer_pow3A, %reduce_sum3A_50 [1] : vector<1000x128xf32> to vector<1000xf32>
    %broadcast_in_dim3A_52 = vector.shape_cast %reduce_sum3A_51 : vector<1000xf32> to vector<1000x1xf32>
    %div3A_53 = arith.constant 1.280000e+02 : f32
    %div3A_54 = vector.broadcast %div3A_53 : f32 to vector<1000x1xf32>
    %div3A_55 = arith.divf %broadcast_in_dim3A_52, %div3A_54 : vector<1000x1xf32>
    %sub3A_56 = vector.broadcast %div3A_47 : vector<1000x1xf32> to vector<1000x128xf32>
    %sub3A_57 = arith.subf %add3A_43, %sub3A_56 : vector<1000x128xf32>
    %add3A_58 = arith.constant 9.99999974E-6 : f32
    %add3A_59 = vector.broadcast %add3A_58 : f32 to vector<1000x1xf32>
    %add3A_60 = arith.addf %div3A_55, %add3A_59 : vector<1000x1xf32>
    %sqrt3A = math.sqrt %add3A_60 : vector<1000x1xf32>
    %div3A_61 = vector.broadcast %sqrt3A : vector<1000x1xf32> to vector<1000x128xf32>
    %div3A_62 = arith.divf %sub3A_57, %div3A_61 : vector<1000x128xf32>
    %get3A_63 = arith.constant 0 : index
    %get3A_64 = arith.constant 0 : index
    %get3A_65 = vector.load %arg7[%get3A_63, %get3A_64] : memref<1x128xf32, #tpu.memory_space<vmem>>, vector<1x128xf32>
    %mul3A_66 = vector.broadcast %get3A_65 : vector<1x128xf32> to vector<1000x128xf32>
    %mul3A_67 = arith.mulf %div3A_62, %mul3A_66 : vector<1000x128xf32>
    %get3A_68 = arith.constant 0 : index
    %get3A_69 = arith.constant 0 : index
    %get3A_70 = vector.load %arg8[%get3A_68, %get3A_69] : memref<1x128xf32, #tpu.memory_space<vmem>>, vector<1x128xf32>
    %add3A_71 = vector.broadcast %get3A_70 : vector<1x128xf32> to vector<1000x128xf32>
    %add3A_72 = arith.addf %mul3A_67, %add3A_71 : vector<1000x128xf32>
    %get3A_73 = arith.constant 0 : index
    %get3A_74 = arith.constant 0 : index
    %get3A_75 = vector.load %arg9[%get3A_73, %get3A_74] : memref<128x128xf32, #tpu.memory_space<vmem>>, vector<128x128xf32>
    %dot_general3A_76 = arith.constant dense<0.000000e+00> : vector<1000x128xf32>
    %dot_general3A_77 = tpu.matmul %add3A_72, %get3A_75, %dot_general3A_76 {dimension_numbers = #tpu.dot_dimension_numbers<[1], [0], [0], [1], [0, 0, 1, 1], [], []>, transpose_lhs_hint = false} : vector<1000x128xf32>, vector<128x128xf32>, vector<1000x128xf32> -> vector<1000x128xf32>
    %get3A_78 = arith.constant 0 : index
    %get3A_79 = arith.constant 0 : index
    %get3A_80 = vector.load %arg10[%get3A_78, %get3A_79] : memref<1x128xf32, #tpu.memory_space<vmem>>, vector<1x128xf32>
    %add3A_81 = vector.broadcast %get3A_80 : vector<1x128xf32> to vector<1000x128xf32>
    %add3A_82 = arith.addf %dot_general3A_77, %add3A_81 : vector<1000x128xf32>
    %swap3A = arith.constant 0 : index
    %swap3A_83 = arith.constant 0 : index
    %swap3A_84 = vector.load %arg11[%swap3A, %swap3A_83] : memref<1000x128xf32, #tpu.memory_space<vmem>>, vector<1000x128xf32>
    tpu.vector_store %arg11[%swap3A, %swap3A_83], %add3A_82 {strides = array<i32>} : memref<1000x128xf32, #tpu.memory_space<vmem>>, vector<1000x128xf32>,
    return
  }
  func.func @transform_0(%arg0: i32) -> (i32, i32, i32) {
    %c0_i32 = arith.constant 0 : i32
    %c0_i32_0 = arith.constant 0 : i32
    %c0_i32_1 = arith.constant 0 : i32
    return %c0_i32, %arg0, %c0_i32_0 : i32, i32, i32
  }
  func.func @transform_1(%arg0: i32) -> (i32, i32, i32) {
    %c0_i32 = arith.constant 0 : i32
    %c0_i32_0 = arith.constant 0 : i32
    %c0_i32_1 = arith.constant 0 : i32
    return %c0_i32, %arg0, %c0_i32_0 : i32, i32, i32
  }
  func.func @transform_2(%arg0: i32) -> (i32, i32) {
    %c0_i32 = arith.constant 0 : i32
    %c0_i32_0 = arith.constant 0 : i32
    return %arg0, %c0_i32 : i32, i32
  }
  func.func @transform_3(%arg0: i32) -> (i32, i32) {
    %c0_i32 = arith.constant 0 : i32
    %c0_i32_0 = arith.constant 0 : i32
    %c0_i32_1 = arith.constant 0 : i32
    return %c0_i32, %c0_i32_0 : i32, i32
  }
  func.func @transform_4(%arg0: i32) -> (i32, i32) {
    %c0_i32 = arith.constant 0 : i32
    %c0_i32_0 = arith.constant 0 : i32
    %c0_i32_1 = arith.constant 0 : i32
    return %c0_i32, %c0_i32_0 : i32, i32
  }
  func.func @transform_5(%arg0: i32) -> (i32, i32) {
    %c0_i32 = arith.constant 0 : i32
    %c0_i32_0 = arith.constant 0 : i32
    %c0_i32_1 = arith.constant 0 : i32
    return %c0_i32, %c0_i32_0 : i32, i32
  }
  func.func @transform_6(%arg0: i32) -> (i32, i32) {
    %c0_i32 = arith.constant 0 : i32
    %c0_i32_0 = arith.constant 0 : i32
    %c0_i32_1 = arith.constant 0 : i32
    return %c0_i32, %c0_i32_0 : i32, i32
  }
  func.func @transform_7(%arg0: i32) -> (i32, i32) {
    %c0_i32 = arith.constant 0 : i32
    %c0_i32_0 = arith.constant 0 : i32
    %c0_i32_1 = arith.constant 0 : i32
    return %c0_i32, %c0_i32_0 : i32, i32
  }
  func.func @transform_8(%arg0: i32) -> (i32, i32) {
    %c0_i32 = arith.constant 0 : i32
    %c0_i32_0 = arith.constant 0 : i32
    %c0_i32_1 = arith.constant 0 : i32
    return %c0_i32, %c0_i32_0 : i32, i32
  }
  func.func @transform_9(%arg0: i32) -> (i32, i32) {
    %c0_i32 = arith.constant 0 : i32
    %c0_i32_0 = arith.constant 0 : i32
    %c0_i32_1 = arith.constant 0 : i32
    return %c0_i32, %c0_i32_0 : i32, i32
  }
  func.func @transform_10(%arg0: i32) -> (i32, i32) {
    %c0_i32 = arith.constant 0 : i32
    %c0_i32_0 = arith.constant 0 : i32
    return %arg0, %c0_i32 : i32, i32
  }
}

</mosaic_0001>

<sc_bundles>
// kernel: kernel.10.cloned.1.call-start
scs
__scs_entry_jumppad:
0x0: {  	(pc) =	sbr.rel $0x88, $3  }
0x1: {  	(tag) =	ssettag $0x0;
	lr =	simm.s32 $0x1  }
0x2: {  	[smem:$0x3F8D] =	sst lr;
	_ =	strace $0xD0000000  }
0x3: {  	_ = 	snop  }
0x4: {  	_ = 	snop  }
0x5: {  	_ = 	snop  }
0x6: {  	_ = 	snop  }
0x7: {  	_ = 	snop  }
__scs_overlays_trampoline_lowered:
0x8: {  	[smem:$0x3F9C] =	sst s0  }
0x9: {  	[smem:$0x3F9D] =	sst s1  }
0xa: {  	[smem:$0x3F9E] =	sst s2  }
0xb: {  	[smem:$0x3F9F] =	sst s3  }
0xc: {  	[smem:$0x3FA0] =	sst s4  }
0xd: {  	[smem:$0x3FA1] =	sst s5  }
0xe: {  	[smem:$0x3FA2] =	sst s6  }
0xf: {  	[smem:$0x3FA3] =	sst s7  }
0x10: {  	[smem:$0x3FA4] =	sst s8  }
0x11: {  	[smem:$0x3FA5] =	sst s9;
	s0 =	simm.s32 @!p0 $0x0  }
0x12: {  	s1 =	sld [smem:$0x3F8B];
	s0 =	simm.s32 @p0 $0x1  }
0x13: {  	[smem:$0x3FA6] =	sst s0;
	s0 =	simm.s32 @!p1 $0x0  }
0x14: {  	s2 =	sld [smem:$0x3F8A];
	s0 =	simm.s32 @p1 $0x1  }
0x15: {  	[smem:$0x3FA7] =	sst s0;
	s0 =	simm.s32 @!p2 $0x0  }
0x16: {  	s3 =	sld [smem:$0x3FDB];
	s0 =	simm.s32 @p2 $0x1  }
0x17: {  	s4 =	simm.s32 $0x1BF5;
	[smem:$0x3FA9] =	sst s0  }
0x18: {  	s0 =	sld [smem:$0x3F8C];
	_ =	swait.ge [sflag:s4], $0x0  }
0x19: {  	s7 =	sld [smem:$0x3F8D]  }
0x1a: {  	s8 =	sadd.s32 $0xFFFFE003, lr  }
0x1b: {  	s9 =	sadd.s32 $0xFFFFFEF7, lr;
	s5 =	simm.s32 $0xFFFFFFFF;
	p2 =	slt.u32 s8, $0xFFFFF086  }
0x1c: {  	p1 =	slt.u32 s9, $0xF7A;
	s5 =	simm.s32 @!p2 $0x0  }
0x1d: {  	s5 =	simm.s32 @p1 $0x1;
	p0 =	seq.s32 s7, s2  }
0x1e: {  	s7 =	smul.u32 @!p0 $0xF7A, s2;
	p2 =	seq.s32 @!p0 s5, $0x0  }
0x1f: {  	s9 =	smul.u32 $0xF7A, s1;
	s8 =	simm.s32 @!p0 $0x1BF5;
	p2 =	por !p2, p0  }
0x20: {  	[sflag:s8] =	ssyncset.s32 @!p0 $0xFFFFF086;
	s6 =	sadd.s32 @!p0 s3, s7;
	s7 =	simm.s32 @!p0 $0x108  }
0x21: {  	s3 =	sadd.s32 s3, s9;
	s6 =	sadd.s32 @!p0 $0x88, s6;
	s7 =	simm.s32 @p2 $0x1082  }
0x22: {  	[simem:s7], [sflag:s8] =	dma.local @!p0 [hbm:s6], $0xF7A  }
0x23: {  	s9 =	sor.u32 $0xD0000000, s2;
	s6 =	simm.s32 $0x108;
	_ =	swait.ge @!p0 [sflag:s8], $0x0  }
0x24: {  	s3 =	sadd.s32 $0x88, s3;
	s6 =	simm.s32 @!p1 $0x1082;
	[sflag:s4] =	ssyncset.s32 $0xFFFFF086  }
0x25: {  	[simem:s6], [sflag:s4] =	dma.local [hbm:s3], $0xF7A  }
0x26: {  	[smem:$0x3F8D] =	sst s1;
	(tag) =	ssettag s2;
	_ =	strace s9  }
0x27: {  	s1 =	sld [smem:$0x3F9D]  }
0x28: {  	s2 =	sld [smem:$0x3F9E]  }
0x29: {  	s4 =	sld [smem:$0x3FA0]  }
0x2a: {  	p0 =	seq.s32 s5, $0x0;
	s5 =	sld [smem:$0x3FA1]  }
0x2b: {  	s6 =	sld [smem:$0x3FA2]  }
0x2c: {  	s7 =	sld [smem:$0x3FA3]  }
0x2d: {  	s3 =	simm.s32 $0x108;
	s8 =	sld [smem:$0x3FA4]  }
0x2e: {  	s3 =	simm.s32 @!p0 $0x1082;
	s9 =	sld [smem:$0x3FA5]  }
0x2f: {  	lr =	sadd.s32 s0, s3;
	s0 =	sld [smem:$0x3F9C]  }
0x30: {  	s3 =	sld [smem:$0x3F9F]  }
0x31: {  	[smem:$0x3FA8] =	sst s10  }
0x32: {  	s10 =	sld [smem:$0x3FA6];
	_ =	sdelay $0x3  }
0x33: {  	p0 =	seq.s32 s10, $0x1;
	s10 =	sld [smem:$0x3FA8];
	_ =	sdelay $0x3  }
0x34: {  	[smem:$0x3FA8] =	sst s10  }
0x35: {  	s10 =	sld [smem:$0x3FA7];
	_ =	sdelay $0x3  }
0x36: {  	p1 =	seq.s32 s10, $0x1;
	s10 =	sld [smem:$0x3FA8];
	_ =	sdelay $0x3  }
0x37: {  	[smem:$0x3FA8] =	sst s10  }
0x38: {  	s10 =	sld [smem:$0x3FA9]  }
0x39: {  	_ = 	snop;
	(pc) =	sbr.ind lr, $3  }
0x3a: {  	_ = 	snop  }
0x3b: {  	_ = 	snop  }
0x3c: {  	p2 =	seq.s32 s10, $0x1;
	s10 =	sld [smem:$0x3FA8]  }
0x3d: {  	_ =	shalt  }
0x3e: {  	_ =	shalt  }
0x3f: {  	_ =	shalt  }
0x40: {  	_ =	shalt  }
0x41: {  	_ =	shalt  }
0x42: {  	_ =	shalt  }
0x43: {  	_ =	shalt  }
0x44: {  	_ =	shalt  }
0x45: {  	_ =	shalt  }
0x46: {  	_ =	shalt  }
0x47: {  	_ =	shalt  }
0x48: {  	_ =	shalt  }
0x49: {  	_ =	shalt  }
0x4a: {  	_ =	shalt  }
0x4b: {  	_ =	shalt  }
0x4c: {  	_ =	shalt  }
0x4d: {  	_ =	shalt  }
0x4e: {  	_ =	shalt  }
0x4f: {  	_ =	shalt  }
0x50: {  	_ =	shalt  }
0x51: {  	_ =	shalt  }
0x52: {  	_ =	shalt  }
0x53: {  	_ =	shalt  }
0x54: {  	_ =	shalt  }
0x55: {  	_ =	shalt  }
0x56: {  	_ =	shalt  }
0x57: {  	_ =	shalt  }
0x58: {  	_ =	shalt  }
0x59: {  	_ =	shalt  }
0x5a: {  	_ =	shalt  }
0x5b: {  	_ =	shalt  }
0x5c: {  	_ =	shalt  }
0x5d: {  	_ =	shalt  }
0x5e: {  	_ =	shalt  }
0x5f: {  	_ =	shalt  }
0x60: {  	_ =	shalt  }
0x61: {  	_ =	shalt  }
0x62: {  	_ =	shalt  }
0x63: {  	_ =	shalt  }
0x64: {  	_ =	shalt  }
0x65: {  	_ =	shalt  }
0x66: {  	_ =	shalt  }
0x67: {  	_ =	shalt  }
0x68: {  	_ =	shalt  }
0x69: {  	_ =	shalt  }
0x6a: {  	_ =	shalt  }
0x6b: {  	_ =	shalt  }
0x6c: {  	_ =	shalt  }
0x6d: {  	_ =	shalt  }
0x6e: {  	_ =	shalt  }
0x6f: {  	_ =	shalt  }
0x70: {  	_ =	shalt  }
0x71: {  	_ =	shalt  }
0x72: {  	_ =	shalt  }
0x73: {  	_ =	shalt  }
0x74: {  	_ =	shalt  }
0x75: {  	_ =	shalt  }
0x76: {  	_ =	shalt  }
0x77: {  	_ =	shalt  }
0x78: {  	_ =	shalt  }
0x79: {  	_ =	shalt  }
0x7a: {  	_ =	shalt  }
0x7b: {  	_ =	shalt  }
0x7c: {  	_ =	shalt  }
0x7d: {  	_ =	shalt  }
0x7e: {  	_ =	shalt  }
0x7f: {  	_ =	shalt  }
0x80: {  	_ =	shalt  }
0x81: {  	_ =	shalt  }
0x82: {  	_ =	shalt  }
0x83: {  	_ =	shalt  }
0x84: {  	_ =	shalt  }
0x85: {  	_ =	shalt  }
0x86: {  	_ =	shalt  }
0x87: {  	_ =	shalt  }
.Lfunc_end0:
.L_simem_size_0:
called_computation_lowered:
.L_overlay_start_0:
0x88: {  	s2 =	sld [smem:$0x3FD9]  }
0x89: {  	s3 =	sld [smem:$0x3FFE];
	_ =	sdelay $0x1  }
0x8a: {  	s1 =	srdreg.scid  }
0x8b: {  	s0 =	sand.u32 $0x1, s1  }
0x8c: {  	s17 =	sshll.u32 s0, $0xA;
	s2 =	sadd.s32 s3, s2  }
0x8d: {  	s2 =	sadd.s32 s2, s17  }
0x8e: {  	[smem:$0x3FB4] =	sst s2  }
0x8f: {  	_ = 	snop  }
0x90: {  	s18 =	sld [smem:$0x3FD0];
	(tm) =	ssettm $0x1  }
0x91: {  	s19 =	sld [smem:$0x3FFB];
	_ =	sdelay $0x3  }
0x92: {  	_ =	strace s19  }
0x93: {  	s2 =	sld [smem:$0x3FFC];
	_ =	sdelay $0x3  }
0x94: {  	_ =	strace s2  }
0x95: {  	s2 =	sld [smem:$0x3FFD];
	_ =	sdelay $0x3  }
0x96: {  	_ =	strace s2  }
0x97: {  	_ =	strace $0x8FFFFFFF  }
0x98: {  	s20 =	sld [smem:$0x3FDB];
	_ =	sdelay $0x1  }
0x99: {  	s4 =	simm.s32 $_scs_section_size  }
0x9a: {  	s5 =	simm.s32 $_size__tile_overlayer_lowered;
	s6 =	simm.s32 $_tile_overlayer_lowered  }
0x9b: {  	s7 =	simm.s32 $0x1BFF;
	s21 =	sshll.u32 s6, $0x1;
	s4 =	sadd.s32 s4, s20  }
0x9c: {  	s22 =	simm.s32 $0x0;
	s5 =	sshll.u32 s5, $0x1;
	s6 =	sadd.s32 s21, s4  }
0x9d: {  	[timem:s22], [sflag:s7] =	dma.local [hbm:s6], s5  }
0x9e: {  	_ =	swait.ge [sflag:s7], s5  }
0x9f: {  	s5 =	ssub.s32 $0x0, s5;
	[sflag:s7] =	ssyncset.done $0x0  }
0xa0: {  	[sflag:s7] =	ssyncadd.s32 s5;
	_ =	sdelay $0x1  }
0xa1: {  	s23 =	simm.s32 $0x1B8B  }
0xa2: {  	_ =	swait.ge [sflag:s23], $0x1  }
0xa3: {  	[sflag:s23] =	ssyncset.done $0x0  }
0xa4: {  	[sflag:s23] =	ssyncadd.s32 $0xFFFFFFFF  }
0xa5: {  	s5 =	sld [smem:$0x0]  }
0xa6: {  	s6 =	sand.u32 $0xFFFFFFFE, s1  }
0xa7: {  	p0 =	sne.s32 s1, s6  }
0xa8: {  	s6 =	sshll.u32 @p0 s6, $0xE  }
0xa9: {  	s6 =	sadd.s32 @p0 $0x11B8D, s6;
	s7 =	sshll.u32 @p0 s5, $0x11  }
0xaa: {  	s6 =	sor.u32 @p0 s7, s6  }
0xab: {  	[sflag:s6] =	ssyncadd.remote.s32 @p0 $0x1;
	_ =	sdelay $0x1  }
0xac: {  	s6 =	simm.s32 @p0 $0x1B8D  }
0xad: {  	_ =	swait.eq @p0 [sflag:s6], $0x1  }
0xae: {  	[sflag:s6] =	ssyncadd.s32 @p0 $0xFFFFFFFF  }
0xaf: {  	s7 =	sshll.u32 @!p0 s1, $0xE  }
0xb0: {  	s7 =	sor.u32 @!p0 $0x4000, s7;
	s6 =	simm.s32 @!p0 $0x1B8D  }
0xb1: {  	s5 =	sshll.u32 @!p0 s5, $0x11;
	s7 =	sadd.s32 @!p0 $0x11B8D, s7;
	_ =	swait.eq @!p0 [sflag:s6], $0x1  }
0xb2: {  	s5 =	sor.u32 @!p0 s5, s7;
	[sflag:s6] =	ssyncadd.s32 @!p0 $0xFFFFFFFF  }
0xb3: {  	s25 =	simm.s32 $0x1B8E;
	s24 =	sld [smem:$0x3FFE];
	[sflag:s5] =	ssyncadd.remote.s32 @!p0 $0x1  }
0xb4: {  	s26 =	simm.s32 $execute0_lowered;
	[smem:$0x3FD2] =	sst s25  }
0xb5: {  	s6 =	sshll.u32 s26, $0x1;
	_ =	strace $0x80000049;
	[dreg:$0x1] =	wrdreg $0xFFFFFFFF  }
0xb6: {  	s28 =	simm.s32 $_size_execute0_lowered;
	s4 =	sadd.s32 s4, s6;
	[dreg:$0x0] =	wrdreg $0x0  }
0xb7: {  	s6 =	sshll.u32 s28, $0x1;
	[dreg:$0x2] =	wrdreg s4  }
0xb8: {  	[dreg:$0x3] =	wrdreg s6  }
0xb9: {  	[dreg:$0x4] =	wrdreg $0xC0  }
0xba: {  	_ =	task [dreg:s22], $0x5FFFF  }
0xbb: {  	[dreg:$0x1] =	wrdreg $0xFFFFFFFF  }
0xbc: {  	[dreg:$0x0] =	wrdreg $0x60  }
0xbd: {  	[dreg:$0x2] =	wrdreg s18  }
0xbe: {  	[dreg:$0x3] =	wrdreg s24  }
0xbf: {  	[dreg:$0x4] =	wrdreg $0x9  }
0xc0: {  	_ =	task.clear_ibuf [dreg:s22], $0x5FFFF;
	_ =	strace $0x90000049  }
0xc1: {  	s29 =	simm.s32 $0x9;
	_ =	strace $0x8000004B  }
0xc2: {  	_ =	swait.ge [sflag:s29], $0x1  }
0xc3: {  	[sflag:s29] =	ssyncadd.s32 $0xFFFFFFFF  }
0xc4: {  	_ =	strace $0x9000004B  }
0xc5: {  	_ =	sfence  }
0xc6: {  	s30 =	sld [smem:$0x0];
	_ =	sdelay $0x2  }
0xc7: {  	s31 =	sshll.u32 s1, $0xD;
	s1 =	sshrl.u32 s1, $0x2  }
0xc8: {  	s4 =	sand.u32 $0x4000, s31;
	s1 =	sadd.s32 s1, s30  }
0xc9: {  	s0 =	sor.u32 s4, s0;
	s1 =	sshll.u32 s1, $0x11  }
0xca: {  	s0 =	sor.u32 s1, s0  }
0xcb: {  	s0 =	sadd.s32 $0x8F2B, s0  }
0xcc: {  	[sflag:s0] =	ssyncadd.remote.s32 $0x1  }
0xcd: {  	_ =	sfence.sel $0xFFFF  }
0xce: {  	[dreg:$0x0] =	wrdreg $0xFFFFFFFF;
	(pc) =	sbr.abs _section_cstart, $3  }
0xcf: {  	[dreg:$0x1] =	wrdreg $0xFFFFFFFF  }
0xd0: {  	_ =	task.clear_ibuf [dreg:s22], $0x2FFFF;
	_ =	strace $0x9FFFFFFF  }
0xd1: {  	(tm) =	ssettm $0x7FFFFFFF  }
tec
execute0_lowered:
.L_overlay_start_1:
0x0: {  	(tag) =	ssettag $0x1  }
0x1: {  	s1 =	rddreg [dreg:$0x0]  }
0x2: {  	s0 =	rddreg [dreg:$0x1]  }
0x3: {  	s3 =	simm.s32 $0x0;
	s2 =	srdreg.scid;
	s15 =	stileid.u32  }
0x4: {  	s28 =	simm.s32 $0x10200;
	s29 =	simm.s32 $0x1;
	s30 =	simm.s32 $0x180  }
0x5: {  	s31 =	simm.s32 $0x4200;
	[smem:$0x7FF] =	sst s3;
	s5 =	sadd.s32 $0x7DA200, s0  }
0x6: {  	s4 =	sadd.s32 $0xCC00, s0;
	s6 =	sadd.s32 $0x7D5200, s0;
	s17 =	smul.u32 $0x27100, s15  }
0x7: {  	s2 =	sand.u32 $0x1, s2;
	s9 =	sadd.s32 $0x7DF200, s0;
	s20 =	smul.u32 $0x2710, s15  }
0x8: {  	s7 =	sshll.u32 s15, $0x1;
	s11 =	sadd.s32 $0xA50200, s0;
	s18 =	smul.u32 $0x13880, s2  }
0x9: {  	s8 =	sor.u32 s2, s7;
	s12 =	ssub.s32 $0x2, s2;
	s2 =	smul.u32 $0x1388, s2  }
0xa: {  	_ =	strace $0x8000004A;
	s7 =	sadd.s32 $0x33E00, s0;
	s10 =	smul.u32 $0x1388, s8  }
0xb: {  	s0 =	sadd.s32 $0xCC1200, s0;
	s8 =	smul.u32 $0x9C400, s8;
	s13 =	sshrl.u32 s12, $0x1  }
0xc: {  	s22 =	sadd.s32 s17, s11;
	s12 =	ssub.s32 s12, s13;
	s14 =	sshrl.u32 s10, $0x3  }
0xd: {  	s2 =	sadd.s32 s2, s20;
	s8 =	sshrl.u32 s8, $0x3;
	s23 =	sadd.s32 s5, s14  }
0xe: {  	s24 =	sadd.s32 s6, s14;
	s8 =	sadd.s32 $0x13000, s8;
	[dreg:$0x6] =	wrdreg s23  }
0xf: {  	s10 =	sadd.s32 $0x1380, s10;
	[dreg:$0x7] =	wrdreg s24;
	s25 =	sadd.s32 s9, s8  }
0x10: {  	s14 =	sshrl.u32 s10, $0x3;
	s26 =	sadd.s32 s11, s8;
	[dreg:$0x8] =	wrdreg s25  }
0x11: {  	s10 =	sshll.u32 s10, $0x4;
	s8 =	sadd.s32 s0, s8;
	[dreg:$0x9] =	wrdreg s26  }
0x12: {  	s16 =	sadd.s32 s5, s14;
	s13 =	sadd.s32 s6, s14;
	[dreg:$0xa] =	wrdreg s8  }
0x13: {  	s19 =	sadd.s32 s9, s10;
	s9 =	sadd.s32 s17, s9;
	[dreg:$0xb] =	wrdreg s16  }
0x14: {  	s21 =	sadd.s32 s11, s10;
	s10 =	sadd.s32 s0, s10;
	[dreg:$0xc] =	wrdreg s13  }
0x15: {  	s0 =	sadd.s32 s17, s0;
	s23 =	sadd.s32 $0x80, s2;
	[dreg:$0xd] =	wrdreg s19  }
0x16: {  	s24 =	smax.u32 s12, $0x1;
	s17 =	simm.s32 $0x0;
	[dreg:$0xe] =	wrdreg s21  }
0x17: {  	s9 =	sadd.s32 s18, s9;
	[dreg:$0xf] =	wrdreg s10;
	s0 =	sadd.s32 s18, s0  }
0x18: {  	[dreg:$0x10] =	wrdreg s24;
	s25 =	sshrl.u32 s23, $0x3;
	s26 =	sadd.s32 $0x100, s2  }
0x19: {  	s23 =	simm.s32 $0x100;
	s24 =	simm.s32 $0x80;
	s2 =	simm.s32 $0x14200  }
0x1a: {  	s10 =	simm.s32 $0x4;
	[dreg:$0x3] =	wrdreg s9;
	s9 =	sadd.s32 s18, s22  }
0x1b: {  	[dreg:$0x5] =	wrdreg s0;
	s8 =	sadd.s32 s25, s6;
	s15 =	sadd.s32 s25, s5  }
0x1c: {  	[dreg:$0x12] =	wrdreg s26;
	s22 =	simm.s32 $0x5;
	s25 =	simm.s32 $0x200  }
0x1d: {  	s26 =	simm.s32 $0x8200;
	s0 =	simm.s32 $0xC200;
	[dreg:$0x4] =	wrdreg s9  }
0x1e: {  	[dreg:$0x11] =	wrdreg s8;
	s8 =	simm.s32 $0x2;
	s9 =	simm.s32 $0x3  }
.LBB2_1:
0x1f: {  	s11 =	rddreg [dreg:$0x6]  }
0x20: {  	[tilespmem:s3], [sflag:$0x5] =	stream.linear.gather [hbm4b:s11+s3], $0x80, $0x38;
	[tilespmem:$0x18F00] =	vst v63  }
0x21: {  	_ =	swait.ge [sflag:s22], $0x80  }
0x22: {  	[sflag:s22] =	ssyncset.done $0x0  }
0x23: {  	s20 =	rddreg [dreg:$0x7];
	[sflag:s22] =	ssyncadd.s32 $0xFFFFFF80  }
0x24: {  	[tilespmem:s23], [sflag:$0x5] =	stream.linear.gather [hbm4b:s20+s3], $0x80, $0x38;
	[tilespmem:$0x18F00] =	vst v63  }
0x25: {  	_ =	swait.ge [sflag:s22], $0x80  }
0x26: {  	[sflag:s22] =	ssyncset.done $0x0  }
0x27: {  	[sflag:s22] =	ssyncadd.s32 $0xFFFFFF80  }
0x28: {  	[tilespmem:s25], [sflag:$0x1] =	stream.indirect.gather [hbm4b:s1+s24], $0x80, s3, s24, $0xb8;
	[tilespmem:$0x18F00] =	vst v63  }
0x29: {  	_ = 	snop  }
0x2a: {  	[tilespmem:s26], [sflag:$0x1] =	stream.indirect.gather [hbm4b:s4+s24], $0x80, s23, s24, $0xb8;
	[tilespmem:$0x18F00] =	vst v63  }
0x2b: {  	_ = 	snop  }
0x2c: {  	[tilespmem:s28], [sflag:$0x1] =	stream.indirect.gather [hbm4b:s7+s24], $0x80, s23, s24, $0xb8;
	[tilespmem:$0x18F00] =	vst v63  }
0x2d: {  	_ =	swait.ge [sflag:s29], $0x4000  }
0x2e: {  	[sflag:s29] =	ssyncset.done $0x0  }
0x2f: {  	[sflag:s29] =	ssyncadd.s32 $0xFFFFC000  }
0x30: {  	_ =	swait.ge [sflag:s29], $0x4000  }
0x31: {  	[sflag:s29] =	ssyncset.done $0x0  }
0x32: {  	[sflag:s29] =	ssyncadd.s32 $0xFFFFC000  }
0x33: {  	_ =	swait.ge [sflag:s29], $0x4000  }
0x34: {  	s21 =	rddreg [dreg:$0x3];
	[sflag:s29] =	ssyncset.done $0x0  }
0x35: {  	s12 =	rddreg [dreg:$0x4];
	[sflag:s29] =	ssyncadd.s32 $0xFFFFC000;
	s11 =	sadd.s32 $0x0, s21  }
0x36: {  	[hbm4b:s11+s3] =	stream.linear.scatter [tilespmem:s25], [sflag:$0x3], $0x4000, $0x38;
	[tilespmem:$0x18F00] =	vst v63  }
0x37: {  	p0 =	por $0x1, $0x1;
	s13 =	rddreg [dreg:$0x5];
	s12 =	sadd.s32 $0x0, s12  }
0x38: {  	[hbm4b:s12+s3] =	stream.linear.scatter [tilespmem:s26], [sflag:$0x3], $0x4000, $0x38;
	[tilespmem:$0x18F00] =	vst v63  }
0x39: {  	s16 =	simm.s32 @!p0 $0x4;
	s13 =	sadd.s32 $0x0, s13  }
0x3a: {  	[hbm4b:s13+s3] =	stream.linear.scatter [tilespmem:s28], [sflag:$0x3], $0x4000, $0x38;
	[tilespmem:$0x18F00] =	vst v63  }
0x3b: {  	_ =	swait.ge @!p0 [sflag:s16], $0x4000  }
0x3c: {  	[sflag:s16] =	ssyncset.done @!p0 $0x0  }
0x3d: {  	[sflag:s16] =	ssyncadd.s32 @!p0 $0xFFFFC000  }
0x3e: {  	_ =	swait.ge @!p0 [sflag:s16], $0x4000  }
0x3f: {  	[sflag:s16] =	ssyncset.done @!p0 $0x0  }
0x40: {  	[sflag:s16] =	ssyncadd.s32 @!p0 $0xFFFFC000  }
0x41: {  	_ =	swait.ge @!p0 [sflag:s16], $0x4000  }
0x42: {  	[sflag:s16] =	ssyncset.done @!p0 $0x0  }
0x43: {  	[sflag:s16] =	ssyncadd.s32 @!p0 $0xFFFFC000  }
0x44: {  	[tilespmem:s24], [sflag:$0x5] =	stream.linear.gather [hbm4b:s15+s3], $0x80, $0x38;
	[tilespmem:$0x18F00] =	vst v63  }
0x45: {  	_ =	swait.ge [sflag:s22], $0x80  }
0x46: {  	[sflag:s22] =	ssyncset.done $0x0  }
0x47: {  	s19 =	rddreg [dreg:$0x11];
	[sflag:s22] =	ssyncadd.s32 $0xFFFFFF80  }
0x48: {  	[tilespmem:s30], [sflag:$0x5] =	stream.linear.gather [hbm4b:s19+s3], $0x80, $0x38;
	[tilespmem:$0x18F00] =	vst v63  }
0x49: {  	_ =	swait.ge [sflag:s22], $0x80  }
0x4a: {  	[sflag:s22] =	ssyncset.done $0x0  }
0x4b: {  	[sflag:s22] =	ssyncadd.s32 $0xFFFFFF80  }
0x4c: {  	[tilespmem:s31], [sflag:$0x2] =	stream.indirect.gather [hbm4b:s1+s24], $0x80, s24, s24, $0xb8;
	[tilespmem:$0x18F00] =	vst v63  }
0x4d: {  	_ = 	snop  }
0x4e: {  	[tilespmem:s0], [sflag:$0x2] =	stream.indirect.gather [hbm4b:s4+s24], $0x80, s30, s24, $0xb8;
	[tilespmem:$0x18F00] =	vst v63  }
0x4f: {  	_ = 	snop  }
0x50: {  	[tilespmem:s2], [sflag:$0x2] =	stream.indirect.gather [hbm4b:s7+s24], $0x80, s30, s24, $0xb8;
	[tilespmem:$0x18F00] =	vst v63  }
0x51: {  	_ =	swait.ge [sflag:s8], $0x4000  }
0x52: {  	[sflag:s8] =	ssyncset.done $0x0  }
0x53: {  	[sflag:s8] =	ssyncadd.s32 $0xFFFFC000  }
0x54: {  	_ =	swait.ge [sflag:s8], $0x4000  }
0x55: {  	[sflag:s8] =	ssyncset.done $0x0  }
0x56: {  	[sflag:s8] =	ssyncadd.s32 $0xFFFFC000  }
0x57: {  	_ =	swait.ge [sflag:s8], $0x4000  }
0x58: {  	[sflag:s8] =	ssyncset.done $0x0  }
0x59: {  	s11 =	sadd.s32 $0x800, s11;
	[sflag:s8] =	ssyncadd.s32 $0xFFFFC000  }
0x5a: {  	[hbm4b:s11+s3] =	stream.linear.scatter [tilespmem:s31], [sflag:$0x4], $0x4000, $0x38;
	[tilespmem:$0x18F00] =	vst v63  }
0x5b: {  	s12 =	sadd.s32 $0x800, s12  }
0x5c: {  	[hbm4b:s12+s3] =	stream.linear.scatter [tilespmem:s0], [sflag:$0x4], $0x4000, $0x38;
	[tilespmem:$0x18F00] =	vst v63  }
0x5d: {  	s14 =	sadd.s32 $0x800, s13  }
0x5e: {  	[hbm4b:s14+s3] =	stream.linear.scatter [tilespmem:s2], [sflag:$0x4], $0x4000, $0x38;
	[tilespmem:$0x18F00] =	vst v63  }
0x5f: {  	_ =	swait.ge [sflag:s9], $0x4000  }
0x60: {  	[sflag:s9] =	ssyncset.done $0x0  }
0x61: {  	[sflag:s9] =	ssyncadd.s32 $0xFFFFC000  }
0x62: {  	_ =	swait.ge [sflag:s9], $0x4000  }
0x63: {  	[sflag:s9] =	ssyncset.done $0x0  }
0x64: {  	[sflag:s9] =	ssyncadd.s32 $0xFFFFC000  }
0x65: {  	_ =	swait.ge [sflag:s9], $0x4000  }
0x66: {  	s16 =	rddreg [dreg:$0x12]  }
0x67: {  	[sflag:s9] =	ssyncset.done $0x0;
	s20 =	sshrl.u32 s16, $0x3  }
0x68: {  	[sflag:s9] =	ssyncadd.s32 $0xFFFFC000;
	s21 =	sadd.s32 s5, s20  }
0x69: {  	[tilespmem:s3], [sflag:$0x5] =	stream.linear.gather [hbm4b:s21+s3], $0x80, $0x38;
	[tilespmem:$0x18F00] =	vst v63  }
0x6a: {  	_ =	swait.ge [sflag:s22], $0x80  }
0x6b: {  	[sflag:s22] =	ssyncset.done $0x0  }
0x6c: {  	s11 =	sadd.s32 s6, s20;
	[sflag:s22] =	ssyncadd.s32 $0xFFFFFF80  }
0x6d: {  	[tilespmem:s23], [sflag:$0x5] =	stream.linear.gather [hbm4b:s11+s3], $0x80, $0x38;
	[tilespmem:$0x18F00] =	vst v63  }
0x6e: {  	_ =	swait.ge [sflag:s22], $0x80  }
0x6f: {  	[sflag:s22] =	ssyncset.done $0x0  }
0x70: {  	[sflag:s22] =	ssyncadd.s32 $0xFFFFFF80  }
0x71: {  	[tilespmem:s25], [sflag:$0x1] =	stream.indirect.gather [hbm4b:s1+s24], $0x80, s3, s24, $0xb8;
	[tilespmem:$0x18F00] =	vst v63  }
0x72: {  	s18 =	simm.s32 $0x1000;
	s20 =	smov.u32 s15;
	s11 =	sadd.s32 $0x100, s16  }
0x73: {  	[tilespmem:s26], [sflag:$0x1] =	stream.indirect.gather [hbm4b:s4+s24], $0x80, s23, s24, $0xb8;
	[tilespmem:$0x18F00] =	vst v63  }
.LBB2_2:
0x74: {  	[tilespmem:s28], [sflag:$0x1] =	stream.indirect.gather [hbm4b:s7+s24], $0x80, s23, s24, $0xb8;
	[tilespmem:$0x18F00] =	vst v63  }
0x75: {  	_ =	swait.ge [sflag:s29], $0x4000  }
0x76: {  	[sflag:s29] =	ssyncset.done $0x0  }
0x77: {  	[sflag:s29] =	ssyncadd.s32 $0xFFFFC000  }
0x78: {  	_ =	swait.ge [sflag:s29], $0x4000  }
0x79: {  	[sflag:s29] =	ssyncset.done $0x0  }
0x7a: {  	[sflag:s29] =	ssyncadd.s32 $0xFFFFC000  }
0x7b: {  	_ =	swait.ge [sflag:s29], $0x4000  }
0x7c: {  	s21 =	smov.u32 s18;
	s12 =	rddreg [dreg:$0x3];
	[sflag:s29] =	ssyncset.done $0x0  }
0x7d: {  	s13 =	rddreg [dreg:$0x4];
	[sflag:s29] =	ssyncadd.s32 $0xFFFFC000;
	s16 =	sadd.s32 s21, s12  }
0x7e: {  	[hbm4b:s16+s3] =	stream.linear.scatter [tilespmem:s25], [sflag:$0x3], $0x4000, $0x38;
	[tilespmem:$0x18F00] =	vst v63  }
0x7f: {  	p1 =	seq.s32 s21, $0x0;
	s14 =	rddreg [dreg:$0x5];
	s12 =	sadd.s32 s21, s13  }
0x80: {  	[hbm4b:s12+s3] =	stream.linear.scatter [tilespmem:s26], [sflag:$0x3], $0x4000, $0x38;
	[tilespmem:$0x18F00] =	vst v63  }
0x81: {  	s13 =	sadd.s32 s21, s14;
	s14 =	simm.s32 @!p1 $0x4  }
0x82: {  	[hbm4b:s13+s3] =	stream.linear.scatter [tilespmem:s28], [sflag:$0x3], $0x4000, $0x38;
	[tilespmem:$0x18F00] =	vst v63  }
0x83: {  	_ =	swait.ge @!p1 [sflag:s14], $0x4000  }
0x84: {  	[sflag:s14] =	ssyncset.done @!p1 $0x0  }
0x85: {  	[sflag:s14] =	ssyncadd.s32 @!p1 $0xFFFFC000  }
0x86: {  	_ =	swait.ge @!p1 [sflag:s14], $0x4000  }
0x87: {  	[sflag:s14] =	ssyncset.done @!p1 $0x0  }
0x88: {  	[sflag:s14] =	ssyncadd.s32 @!p1 $0xFFFFC000  }
0x89: {  	_ =	swait.ge @!p1 [sflag:s14], $0x4000  }
0x8a: {  	[sflag:s14] =	ssyncset.done @!p1 $0x0  }
0x8b: {  	s20 =	sadd.s32 $0x20, s20;
	[sflag:s14] =	ssyncadd.s32 @!p1 $0xFFFFC000  }
0x8c: {  	[tilespmem:s24], [sflag:$0x5] =	stream.linear.gather [hbm4b:s20+s3], $0x80, $0x38;
	[tilespmem:$0x18F00] =	vst v63  }
0x8d: {  	_ =	swait.ge [sflag:s22], $0x80  }
0x8e: {  	[sflag:s22] =	ssyncset.done $0x0  }
0x8f: {  	s19 =	sadd.s32 $0x20, s19;
	[sflag:s22] =	ssyncadd.s32 $0xFFFFFF80  }
0x90: {  	[tilespmem:s30], [sflag:$0x5] =	stream.linear.gather [hbm4b:s19+s3], $0x80, $0x38;
	[tilespmem:$0x18F00] =	vst v63  }
0x91: {  	_ =	swait.ge [sflag:s22], $0x80  }
0x92: {  	[sflag:s22] =	ssyncset.done $0x0  }
0x93: {  	[sflag:s22] =	ssyncadd.s32 $0xFFFFFF80  }
0x94: {  	[tilespmem:s31], [sflag:$0x2] =	stream.indirect.gather [hbm4b:s1+s24], $0x80, s24, s24, $0xb8;
	[tilespmem:$0x18F00] =	vst v63  }
0x95: {  	_ = 	snop  }
0x96: {  	[tilespmem:s0], [sflag:$0x2] =	stream.indirect.gather [hbm4b:s4+s24], $0x80, s30, s24, $0xb8;
	[tilespmem:$0x18F00] =	vst v63  }
0x97: {  	_ = 	snop  }
0x98: {  	[tilespmem:s2], [sflag:$0x2] =	stream.indirect.gather [hbm4b:s7+s24], $0x80, s30, s24, $0xb8;
	[tilespmem:$0x18F00] =	vst v63  }
0x99: {  	_ =	swait.ge [sflag:s8], $0x4000  }
0x9a: {  	[sflag:s8] =	ssyncset.done $0x0  }
0x9b: {  	[sflag:s8] =	ssyncadd.s32 $0xFFFFC000  }
0x9c: {  	_ =	swait.ge [sflag:s8], $0x4000  }
0x9d: {  	[sflag:s8] =	ssyncset.done $0x0  }
0x9e: {  	[sflag:s8] =	ssyncadd.s32 $0xFFFFC000  }
0x9f: {  	_ =	swait.ge [sflag:s8], $0x4000  }
0xa0: {  	[sflag:s8] =	ssyncset.done $0x0  }
0xa1: {  	s21 =	sadd.s32 $0x800, s16;
	[sflag:s8] =	ssyncadd.s32 $0xFFFFC000  }
0xa2: {  	[hbm4b:s21+s3] =	stream.linear.scatter [tilespmem:s31], [sflag:$0x4], $0x4000, $0x38;
	[tilespmem:$0x18F00] =	vst v63  }
0xa3: {  	s12 =	sadd.s32 $0x800, s12  }
0xa4: {  	[hbm4b:s12+s3] =	stream.linear.scatter [tilespmem:s0], [sflag:$0x4], $0x4000, $0x38;
	[tilespmem:$0x18F00] =	vst v63  }
0xa5: {  	s13 =	sadd.s32 $0x800, s13  }
0xa6: {  	[hbm4b:s13+s3] =	stream.linear.scatter [tilespmem:s2], [sflag:$0x4], $0x4000, $0x38;
	[tilespmem:$0x18F00] =	vst v63  }
0xa7: {  	_ =	swait.ge [sflag:s9], $0x4000  }
0xa8: {  	[sflag:s9] =	ssyncset.done $0x0  }
0xa9: {  	[sflag:s9] =	ssyncadd.s32 $0xFFFFC000  }
0xaa: {  	_ =	swait.ge [sflag:s9], $0x4000  }
0xab: {  	[sflag:s9] =	ssyncset.done $0x0  }
0xac: {  	[sflag:s9] =	ssyncadd.s32 $0xFFFFC000  }
0xad: {  	_ =	swait.ge [sflag:s9], $0x4000  }
0xae: {  	s16 =	sshrl.u32 s11, $0x3;
	[sflag:s9] =	ssyncset.done $0x0  }
0xaf: {  	s21 =	sadd.s32 s5, s16;
	[sflag:s9] =	ssyncadd.s32 $0xFFFFC000  }
0xb0: {  	[tilespmem:s3], [sflag:$0x5] =	stream.linear.gather [hbm4b:s21+s3], $0x80, $0x38;
	[tilespmem:$0x18F00] =	vst v63  }
0xb1: {  	_ =	swait.ge [sflag:s22], $0x80  }
0xb2: {  	[sflag:s22] =	ssyncset.done $0x0  }
0xb3: {  	s18 =	sadd.s32 $0x1000, s18;
	s12 =	sadd.s32 s6, s16;
	[sflag:s22] =	ssyncadd.s32 $0xFFFFFF80  }
0xb4: {  	[tilespmem:s23], [sflag:$0x5] =	stream.linear.gather [hbm4b:s12+s3], $0x80, $0x38;
	[tilespmem:$0x18F00] =	vst v63  }
0xb5: {  	p0 =	sne.s32 s18, $0x13000;
	_ =	swait.ge [sflag:s22], $0x80  }
.Ltmp0:
0xb6: {  	[sflag:s22] =	ssyncset.done $0x0;
	(pc) =	sbr.rel @p0 .LBB2_2-.Ltmp0, $4  }
0xb7: {  	[sflag:s22] =	ssyncadd.s32 $0xFFFFFF80  }
0xb8: {  	[tilespmem:s25], [sflag:$0x1] =	stream.indirect.gather [hbm4b:s1+s24], $0x80, s3, s24, $0xb8;
	[tilespmem:$0x18F00] =	vst v63  }
0xb9: {  	s11 =	sadd.s32 $0x100, s11  }
0xba: {  	[tilespmem:s26], [sflag:$0x1] =	stream.indirect.gather [hbm4b:s4+s24], $0x80, s23, s24, $0xb8;
	[tilespmem:$0x18F00] =	vst v63  }
0xbb: {  	[tilespmem:s28], [sflag:$0x1] =	stream.indirect.gather [hbm4b:s7+s24], $0x80, s23, s24, $0xb8;
	[tilespmem:$0x18F00] =	vst v63  }
0xbc: {  	_ =	swait.ge [sflag:s29], $0x4000  }
0xbd: {  	[sflag:s29] =	ssyncset.done $0x0  }
0xbe: {  	[sflag:s29] =	ssyncadd.s32 $0xFFFFC000  }
0xbf: {  	_ =	swait.ge [sflag:s29], $0x4000  }
0xc0: {  	[sflag:s29] =	ssyncset.done $0x0  }
0xc1: {  	[sflag:s29] =	ssyncadd.s32 $0xFFFFC000  }
0xc2: {  	_ =	swait.ge [sflag:s29], $0x4000  }
0xc3: {  	[sflag:s29] =	ssyncset.done $0x0  }
0xc4: {  	s11 =	rddreg [dreg:$0x8];
	[sflag:s29] =	ssyncadd.s32 $0xFFFFC000  }
0xc5: {  	[hbm4b:s11+s3] =	stream.linear.scatter [tilespmem:s25], [sflag:$0x3], $0x4000, $0x38;
	[tilespmem:$0x18F00] =	vst v63  }
0xc6: {  	s14 =	rddreg [dreg:$0x9]  }
0xc7: {  	[hbm4b:s14+s3] =	stream.linear.scatter [tilespmem:s26], [sflag:$0x3], $0x4000, $0x38;
	[tilespmem:$0x18F00] =	vst v63  }
0xc8: {  	s16 =	rddreg [dreg:$0xa]  }
0xc9: {  	[hbm4b:s16+s3] =	stream.linear.scatter [tilespmem:s28], [sflag:$0x3], $0x4000, $0x38;
	[tilespmem:$0x18F00] =	vst v63  }
0xca: {  	_ =	swait.ge [sflag:s10], $0x4000  }
0xcb: {  	[sflag:s10] =	ssyncset.done $0x0  }
0xcc: {  	[sflag:s10] =	ssyncadd.s32 $0xFFFFC000  }
0xcd: {  	_ =	swait.ge [sflag:s10], $0x4000  }
0xce: {  	[sflag:s10] =	ssyncset.done $0x0  }
0xcf: {  	[sflag:s10] =	ssyncadd.s32 $0xFFFFC000  }
0xd0: {  	_ =	swait.ge [sflag:s10], $0x4000  }
0xd1: {  	[sflag:s10] =	ssyncset.done $0x0  }
0xd2: {  	s12 =	simm.s32 $0x18200;
	s18 =	rddreg [dreg:$0xb];
	[sflag:s10] =	ssyncadd.s32 $0xFFFFC000  }
0xd3: {  	[tilespmem:s12], [sflag:$0x5] =	stream.linear.gather [hbm4b:s18+s3], $0x8, $0x38;
	[tilespmem:$0x18F00] =	vst v63  }
0xd4: {  	_ =	swait.ge [sflag:s22], $0x8  }
0xd5: {  	[sflag:s22] =	ssyncset.done $0x0  }
0xd6: {  	s13 =	simm.s32 $0x18280;
	s19 =	rddreg [dreg:$0xc];
	[sflag:s22] =	ssyncadd.s32 $0xFFFFFFF8  }
0xd7: {  	[tilespmem:s13], [sflag:$0x5] =	stream.linear.gather [hbm4b:s19+s3], $0x8, $0x38;
	[tilespmem:$0x18F00] =	vst v63  }
0xd8: {  	_ =	swait.ge [sflag:s22], $0x8  }
0xd9: {  	[sflag:s22] =	ssyncset.done $0x0  }
0xda: {  	s20 =	simm.s32 $0x8;
	s14 =	simm.s32 $0x18300;
	[sflag:s22] =	ssyncadd.s32 $0xFFFFFFF8  }
0xdb: {  	[tilespmem:s14], [sflag:$0x2] =	stream.indirect.gather [hbm4b:s1+s20], $0x80, s12, s20, $0xb8;
	[tilespmem:$0x18F00] =	vst v63  }
0xdc: {  	s21 =	simm.s32 $0x18700  }
0xdd: {  	[tilespmem:s21], [sflag:$0x2] =	stream.indirect.gather [hbm4b:s4+s20], $0x80, s13, s20, $0xb8;
	[tilespmem:$0x18F00] =	vst v63  }
0xde: {  	s16 =	simm.s32 $0x18B00  }
0xdf: {  	[tilespmem:s16], [sflag:$0x2] =	stream.indirect.gather [hbm4b:s7+s20], $0x80, s13, s20, $0xb8;
	[tilespmem:$0x18F00] =	vst v63  }
0xe0: {  	_ =	swait.ge [sflag:s8], $0x400  }
0xe1: {  	[sflag:s8] =	ssyncset.done $0x0  }
0xe2: {  	[sflag:s8] =	ssyncadd.s32 $0xFFFFFC00  }
0xe3: {  	_ =	swait.ge [sflag:s8], $0x400  }
0xe4: {  	[sflag:s8] =	ssyncset.done $0x0  }
0xe5: {  	[sflag:s8] =	ssyncadd.s32 $0xFFFFFC00  }
0xe6: {  	_ =	swait.ge [sflag:s8], $0x400  }
0xe7: {  	[sflag:s8] =	ssyncset.done $0x0  }
0xe8: {  	s18 =	rddreg [dreg:$0xd];
	[sflag:s8] =	ssyncadd.s32 $0xFFFFFC00  }
0xe9: {  	[hbm4b:s18+s3] =	stream.linear.scatter [tilespmem:s14], [sflag:$0x4], $0x400, $0x38;
	[tilespmem:$0x18F00] =	vst v63  }
0xea: {  	s19 =	rddreg [dreg:$0xe]  }
0xeb: {  	[hbm4b:s19+s3] =	stream.linear.scatter [tilespmem:s21], [sflag:$0x4], $0x400, $0x38;
	[tilespmem:$0x18F00] =	vst v63  }
0xec: {  	s20 =	rddreg [dreg:$0xf]  }
0xed: {  	[hbm4b:s20+s3] =	stream.linear.scatter [tilespmem:s16], [sflag:$0x4], $0x400, $0x38;
	[tilespmem:$0x18F00] =	vst v63  }
0xee: {  	_ =	swait.ge [sflag:s10], $0x400  }
0xef: {  	[sflag:s10] =	ssyncset.done $0x0  }
0xf0: {  	[sflag:s10] =	ssyncadd.s32 $0xFFFFFC00  }
0xf1: {  	_ =	swait.ge [sflag:s10], $0x400  }
0xf2: {  	[sflag:s10] =	ssyncset.done $0x0  }
0xf3: {  	[sflag:s10] =	ssyncadd.s32 $0xFFFFFC00  }
0xf4: {  	_ =	swait.ge [sflag:s10], $0x400  }
0xf5: {  	[sflag:s10] =	ssyncset.done $0x0  }
0xf6: {  	[sflag:s10] =	ssyncadd.s32 $0xFFFFFC00  }
0xf7: {  	_ =	swait.ge [sflag:s9], $0x4000  }
0xf8: {  	[sflag:s9] =	ssyncset.done $0x0  }
0xf9: {  	[sflag:s9] =	ssyncadd.s32 $0xFFFFC000  }
0xfa: {  	_ =	swait.ge [sflag:s9], $0x4000  }
0xfb: {  	[sflag:s9] =	ssyncset.done $0x0  }
0xfc: {  	[sflag:s9] =	ssyncadd.s32 $0xFFFFC000  }
0xfd: {  	_ =	swait.ge [sflag:s9], $0x4000  }
0xfe: {  	s17 =	sadd.s32 $0x1, s17;
	s21 =	rddreg [dreg:$0x10]  }
0xff: {  	p0 =	sne.s32 s17, s21  }
.Ltmp1:
0x100: {  	_ = 	snop;
	(pc) =	sbr.rel @p0 .LBB2_1-.Ltmp1, $3  }
0x101: {  	_ =	sdelay $0x1  }
0x102: {  	[sflag:s9] =	ssyncset.done $0x0  }
0x103: {  	[sflag:s9] =	ssyncadd.s32 $0xFFFFC000  }
0x104: {  	_ =	sfence.sel $0x180000  }
0x105: {  	[bflag:$0x0] =	sbarrier.arrive $0xFFFF  }
0x106: {  	_ =	strace $0x9000004A  }
0x107: {  	s0 =	stileid.u32;
	[bflag:$0x2] =	sbarrier.arrive $0xFFFF  }
0x108: {  	p0 =	sne.s32 s0, $0x0;
	s0 =	rddreg [dreg:$0x2]  }
0x109: {  	s0 =	sadd.s32 @!p0 $0x100000, s0  }
0x10a: {  	[sflag:s0] =	ssyncadd.tile.s32 @!p0 $0x1;
	_ =	shalt  }
.Lfunc_end2:
_tile_overlayer_lowered:
.L_overlay_start_2:
0x10b: {  	(tag) =	ssettag $0x2  }
0x10c: {  	s0 =	rddreg [dreg:$0x0];
	s2 =	stileid.u32  }
0x10d: {  	s1 =	rddreg [dreg:$0x1];
	p0 =	sne.s32 s2, $0x0  }
0x10e: {  	s3 =	rddreg [dreg:$0x2];
	[bflag:$0x3] =	sbarrier.arrive $0xFFFF;
	s2 =	simm.s32 @!p0 $0x1C05  }
0x10f: {  	[timem:s3], [sflag:s2] =	dma.local @!p0 [hbm:s0], s1  }
0x110: {  	s0 =	simm.s32 @!p0 $0x5  }
0x111: {  	_ =	swait.ge @!p0 [sflag:s0], s1  }
0x112: {  	s1 =	ssub.s32 @!p0 $0x0, s1;
	[sflag:s0] =	ssyncset.done @!p0 $0x0  }
0x113: {  	[sflag:s0] =	ssyncadd.s32 @!p0 s1  }
0x114: {  	[bflag:$0x3] =	sbarrier.arrive $0xFFFF  }
0x115: {  	_ =	shalt  }

// kernel: kernel.13.cloned.1.call-start
scs
__scs_entry_jumppad:
0x0: {  	(pc) =	sbr.rel $0x88, $3  }
0x1: {  	(tag) =	ssettag $0x0;
	lr =	simm.s32 $0x1  }
0x2: {  	[smem:$0x3F8D] =	sst lr;
	_ =	strace $0xD0000000  }
0x3: {  	_ = 	snop  }
0x4: {  	_ = 	snop  }
0x5: {  	_ = 	snop  }
0x6: {  	_ = 	snop  }
0x7: {  	_ = 	snop  }
__scs_overlays_trampoline_lowered:
0x8: {  	[smem:$0x3F9C] =	sst s0  }
0x9: {  	[smem:$0x3F9D] =	sst s1  }
0xa: {  	[smem:$0x3F9E] =	sst s2  }
0xb: {  	[smem:$0x3F9F] =	sst s3  }
0xc: {  	[smem:$0x3FA0] =	sst s4  }
0xd: {  	[smem:$0x3FA1] =	sst s5  }
0xe: {  	[smem:$0x3FA2] =	sst s6  }
0xf: {  	[smem:$0x3FA3] =	sst s7  }
0x10: {  	[smem:$0x3FA4] =	sst s8  }
0x11: {  	[smem:$0x3FA5] =	sst s9;
	s0 =	simm.s32 @!p0 $0x0  }
0x12: {  	s1 =	sld [smem:$0x3F8B];
	s0 =	simm.s32 @p0 $0x1  }
0x13: {  	[smem:$0x3FA6] =	sst s0;
	s0 =	simm.s32 @!p1 $0x0  }
0x14: {  	s2 =	sld [smem:$0x3F8A];
	s0 =	simm.s32 @p1 $0x1  }
0x15: {  	[smem:$0x3FA7] =	sst s0;
	s0 =	simm.s32 @!p2 $0x0  }
0x16: {  	s3 =	sld [smem:$0x3FDB];
	s0 =	simm.s32 @p2 $0x1  }
0x17: {  	s4 =	simm.s32 $0x1BF5;
	[smem:$0x3FA9] =	sst s0  }
0x18: {  	s0 =	sld [smem:$0x3F8C];
	_ =	swait.ge [sflag:s4], $0x0  }
0x19: {  	s7 =	sld [smem:$0x3F8D]  }
0x1a: {  	s8 =	sadd.s32 $0xFFFFE003, lr  }
0x1b: {  	s9 =	sadd.s32 $0xFFFFFEF7, lr;
	s5 =	simm.s32 $0xFFFFFFFF;
	p2 =	slt.u32 s8, $0xFFFFF086  }
0x1c: {  	p1 =	slt.u32 s9, $0xF7A;
	s5 =	simm.s32 @!p2 $0x0  }
0x1d: {  	s5 =	simm.s32 @p1 $0x1;
	p0 =	seq.s32 s7, s2  }
0x1e: {  	s7 =	smul.u32 @!p0 $0xF7A, s2;
	p2 =	seq.s32 @!p0 s5, $0x0  }
0x1f: {  	s9 =	smul.u32 $0xF7A, s1;
	s8 =	simm.s32 @!p0 $0x1BF5;
	p2 =	por !p2, p0  }
0x20: {  	[sflag:s8] =	ssyncset.s32 @!p0 $0xFFFFF086;
	s6 =	sadd.s32 @!p0 s3, s7;
	s7 =	simm.s32 @!p0 $0x108  }
0x21: {  	s3 =	sadd.s32 s3, s9;
	s6 =	sadd.s32 @!p0 $0x88, s6;
	s7 =	simm.s32 @p2 $0x1082  }
0x22: {  	[simem:s7], [sflag:s8] =	dma.local @!p0 [hbm:s6], $0xF7A  }
0x23: {  	s9 =	sor.u32 $0xD0000000, s2;
	s6 =	simm.s32 $0x108;
	_ =	swait.ge @!p0 [sflag:s8], $0x0  }
0x24: {  	s3 =	sadd.s32 $0x88, s3;
	s6 =	simm.s32 @!p1 $0x1082;
	[sflag:s4] =	ssyncset.s32 $0xFFFFF086  }
0x25: {  	[simem:s6], [sflag:s4] =	dma.local [hbm:s3], $0xF7A  }
0x26: {  	[smem:$0x3F8D] =	sst s1;
	(tag) =	ssettag s2;
	_ =	strace s9  }
0x27: {  	s1 =	sld [smem:$0x3F9D]  }
0x28: {  	s2 =	sld [smem:$0x3F9E]  }
0x29: {  	s4 =	sld [smem:$0x3FA0]  }
0x2a: {  	p0 =	seq.s32 s5, $0x0;
	s5 =	sld [smem:$0x3FA1]  }
0x2b: {  	s6 =	sld [smem:$0x3FA2]  }
0x2c: {  	s7 =	sld [smem:$0x3FA3]  }
0x2d: {  	s3 =	simm.s32 $0x108;
	s8 =	sld [smem:$0x3FA4]  }
0x2e: {  	s3 =	simm.s32 @!p0 $0x1082;
	s9 =	sld [smem:$0x3FA5]  }
0x2f: {  	lr =	sadd.s32 s0, s3;
	s0 =	sld [smem:$0x3F9C]  }
0x30: {  	s3 =	sld [smem:$0x3F9F]  }
0x31: {  	[smem:$0x3FA8] =	sst s10  }
0x32: {  	s10 =	sld [smem:$0x3FA6];
	_ =	sdelay $0x3  }
0x33: {  	p0 =	seq.s32 s10, $0x1;
	s10 =	sld [smem:$0x3FA8];
	_ =	sdelay $0x3  }
0x34: {  	[smem:$0x3FA8] =	sst s10  }
0x35: {  	s10 =	sld [smem:$0x3FA7];
	_ =	sdelay $0x3  }
0x36: {  	p1 =	seq.s32 s10, $0x1;
	s10 =	sld [smem:$0x3FA8];
	_ =	sdelay $0x3  }
0x37: {  	[smem:$0x3FA8] =	sst s10  }
0x38: {  	s10 =	sld [smem:$0x3FA9]  }
0x39: {  	_ = 	snop;
	(pc) =	sbr.ind lr, $3  }
0x3a: {  	_ = 	snop  }
0x3b: {  	_ = 	snop  }
0x3c: {  	p2 =	seq.s32 s10, $0x1;
	s10 =	sld [smem:$0x3FA8]  }
0x3d: {  	_ =	shalt  }
0x3e: {  	_ =	shalt  }
0x3f: {  	_ =	shalt  }
0x40: {  	_ =	shalt  }
0x41: {  	_ =	shalt  }
0x42: {  	_ =	shalt  }
0x43: {  	_ =	shalt  }
0x44: {  	_ =	shalt  }
0x45: {  	_ =	shalt  }
0x46: {  	_ =	shalt  }
0x47: {  	_ =	shalt  }
0x48: {  	_ =	shalt  }
0x49: {  	_ =	shalt  }
0x4a: {  	_ =	shalt  }
0x4b: {  	_ =	shalt  }
0x4c: {  	_ =	shalt  }
0x4d: {  	_ =	shalt  }
0x4e: {  	_ =	shalt  }
0x4f: {  	_ =	shalt  }
0x50: {  	_ =	shalt  }
0x51: {  	_ =	shalt  }
0x52: {  	_ =	shalt  }
0x53: {  	_ =	shalt  }
0x54: {  	_ =	shalt  }
0x55: {  	_ =	shalt  }
0x56: {  	_ =	shalt  }
0x57: {  	_ =	shalt  }
0x58: {  	_ =	shalt  }
0x59: {  	_ =	shalt  }
0x5a: {  	_ =	shalt  }
0x5b: {  	_ =	shalt  }
0x5c: {  	_ =	shalt  }
0x5d: {  	_ =	shalt  }
0x5e: {  	_ =	shalt  }
0x5f: {  	_ =	shalt  }
0x60: {  	_ =	shalt  }
0x61: {  	_ =	shalt  }
0x62: {  	_ =	shalt  }
0x63: {  	_ =	shalt  }
0x64: {  	_ =	shalt  }
0x65: {  	_ =	shalt  }
0x66: {  	_ =	shalt  }
0x67: {  	_ =	shalt  }
0x68: {  	_ =	shalt  }
0x69: {  	_ =	shalt  }
0x6a: {  	_ =	shalt  }
0x6b: {  	_ =	shalt  }
0x6c: {  	_ =	shalt  }
0x6d: {  	_ =	shalt  }
0x6e: {  	_ =	shalt  }
0x6f: {  	_ =	shalt  }
0x70: {  	_ =	shalt  }
0x71: {  	_ =	shalt  }
0x72: {  	_ =	shalt  }
0x73: {  	_ =	shalt  }
0x74: {  	_ =	shalt  }
0x75: {  	_ =	shalt  }
0x76: {  	_ =	shalt  }
0x77: {  	_ =	shalt  }
0x78: {  	_ =	shalt  }
0x79: {  	_ =	shalt  }
0x7a: {  	_ =	shalt  }
0x7b: {  	_ =	shalt  }
0x7c: {  	_ =	shalt  }
0x7d: {  	_ =	shalt  }
0x7e: {  	_ =	shalt  }
0x7f: {  	_ =	shalt  }
0x80: {  	_ =	shalt  }
0x81: {  	_ =	shalt  }
0x82: {  	_ =	shalt  }
0x83: {  	_ =	shalt  }
0x84: {  	_ =	shalt  }
0x85: {  	_ =	shalt  }
0x86: {  	_ =	shalt  }
0x87: {  	_ =	shalt  }
.Lfunc_end0:
.L_simem_size_0:
called_computation.1_lowered:
.L_overlay_start_0:
0x88: {  	s2 =	sld [smem:$0x3FD9]  }
0x89: {  	s3 =	sld [smem:$0x3FFE];
	_ =	sdelay $0x1  }
0x8a: {  	s1 =	srdreg.scid  }
0x8b: {  	s0 =	sand.u32 $0x1, s1  }
0x8c: {  	s17 =	sshll.u32 s0, $0xA;
	s2 =	sadd.s32 s3, s2  }
0x8d: {  	s2 =	sadd.s32 s2, s17  }
0x8e: {  	[smem:$0x3FB4] =	sst s2  }
0x8f: {  	_ = 	snop  }
0x90: {  	s2 =	sld [smem:$0x3FD0];
	(tm) =	ssettm $0x1  }
0x91: {  	s18 =	sld [smem:$0x3FFB];
	_ =	sdelay $0x3  }
0x92: {  	_ =	strace s18  }
0x93: {  	s3 =	sld [smem:$0x3FFC];
	_ =	sdelay $0x3  }
0x94: {  	_ =	strace s3  }
0x95: {  	s3 =	sld [smem:$0x3FFD];
	_ =	sdelay $0x3  }
0x96: {  	_ =	strace s3  }
0x97: {  	_ =	strace $0x8FFFFFFF  }
0x98: {  	s19 =	sld [smem:$0x3FDB];
	_ =	sdelay $0x1  }
0x99: {  	s4 =	simm.s32 $_scs_section_size  }
0x9a: {  	s5 =	simm.s32 $_size__tile_overlayer_lowered;
	s6 =	simm.s32 $_tile_overlayer_lowered  }
0x9b: {  	s22 =	simm.s32 $0x1BFF;
	s21 =	sshll.u32 s6, $0x1;
	s3 =	sadd.s32 s4, s19  }
0x9c: {  	s7 =	simm.s32 $0x0;
	s20 =	sshll.u32 s5, $0x1;
	s5 =	sadd.s32 s21, s3  }
0x9d: {  	[timem:s7], [sflag:s22] =	dma.local [hbm:s5], s20  }
0x9e: {  	_ =	swait.ge [sflag:s22], s20  }
0x9f: {  	s4 =	ssub.s32 $0x0, s20;
	[sflag:s22] =	ssyncset.done $0x0  }
0xa0: {  	[sflag:s22] =	ssyncadd.s32 s4;
	_ =	sdelay $0x1  }
0xa1: {  	s23 =	simm.s32 $0x1B8B  }
0xa2: {  	_ =	swait.ge [sflag:s23], $0x1  }
0xa3: {  	[sflag:s23] =	ssyncset.done $0x0  }
0xa4: {  	s25 =	simm.s32 $0x1B8E;
	s24 =	sld [smem:$0x3FFE];
	[sflag:s23] =	ssyncadd.s32 $0xFFFFFFFF  }
0xa5: {  	s26 =	simm.s32 $execute0_lowered;
	[smem:$0x3FD2] =	sst s25  }
0xa6: {  	s5 =	sshll.u32 s26, $0x1;
	_ =	strace $0x80000046;
	[dreg:$0x1] =	wrdreg $0xFFFFFFFF  }
0xa7: {  	s28 =	simm.s32 $_size_execute0_lowered;
	s3 =	sadd.s32 s3, s5;
	[dreg:$0x0] =	wrdreg $0x0  }
0xa8: {  	s5 =	sshll.u32 s28, $0x1;
	[dreg:$0x2] =	wrdreg s3  }
0xa9: {  	[dreg:$0x3] =	wrdreg s5  }
0xaa: {  	[dreg:$0x4] =	wrdreg $0xC0  }
0xab: {  	_ =	task [dreg:s7], $0x5FFFF  }
0xac: {  	[dreg:$0x1] =	wrdreg $0xFFFFFFFF  }
0xad: {  	[dreg:$0x0] =	wrdreg $0x60  }
0xae: {  	[dreg:$0x2] =	wrdreg s2  }
0xaf: {  	[dreg:$0x3] =	wrdreg s24  }
0xb0: {  	[dreg:$0x4] =	wrdreg $0xA  }
0xb1: {  	_ =	task.clear_ibuf [dreg:s7], $0x5FFFF;
	_ =	strace $0x90000046  }
0xb2: {  	s29 =	simm.s32 $0xA;
	_ =	strace $0x80000048  }
0xb3: {  	_ =	swait.ge [sflag:s29], $0x1  }
0xb4: {  	[sflag:s29] =	ssyncadd.s32 $0xFFFFFFFF  }
0xb5: {  	_ =	strace $0x90000048  }
0xb6: {  	_ =	sfence  }
0xb7: {  	s30 =	sld [smem:$0x0];
	_ =	sdelay $0x2  }
0xb8: {  	s31 =	sshll.u32 s1, $0xD;
	s1 =	sshrl.u32 s1, $0x2  }
0xb9: {  	s3 =	sand.u32 $0x4000, s31;
	s1 =	sadd.s32 s1, s30  }
0xba: {  	s0 =	sor.u32 s3, s0;
	s1 =	sshll.u32 s1, $0x11  }
0xbb: {  	s0 =	sor.u32 s1, s0  }
0xbc: {  	s0 =	sadd.s32 $0x8F2B, s0  }
0xbd: {  	[sflag:s0] =	ssyncadd.remote.s32 $0x1  }
0xbe: {  	_ =	sfence.sel $0xFFFF  }
0xbf: {  	[dreg:$0x0] =	wrdreg $0xFFFFFFFF;
	(pc) =	sbr.abs _section_cstart, $3  }
0xc0: {  	[dreg:$0x1] =	wrdreg $0xFFFFFFFF  }
0xc1: {  	_ =	task.clear_ibuf [dreg:s7], $0x2FFFF;
	_ =	strace $0x9FFFFFFF  }
0xc2: {  	(tm) =	ssettm $0x7FFFFFFF  }
0xc3: {  	_ =	shalt  }
tec
execute0_lowered:
.L_overlay_start_1:
0x0: {  	(tag) =	ssettag $0x1  }
0x1: {  	s1 =	rddreg [dreg:$0x0]  }
0x2: {  	s0 =	rddreg [dreg:$0x1]  }
0x3: {  	s3 =	simm.s32 $0x0;
	s2 =	srdreg.scid;
	s15 =	stileid.u32  }
0x4: {  	s28 =	simm.s32 $0x10200;
	s29 =	simm.s32 $0x1;
	s30 =	simm.s32 $0x180  }
0x5: {  	s31 =	simm.s32 $0x4200;
	[smem:$0x7FF] =	sst s3;
	s4 =	sadd.s32 $0xCC00, s0  }
0x6: {  	s2 =	sand.u32 $0x1, s2;
	s7 =	sshll.u32 s15, $0x1;
	s17 =	smul.u32 $0x27100, s15  }
0x7: {  	s5 =	sadd.s32 $0x33E00, s0;
	s6 =	sadd.s32 $0x2C00, s0;
	s20 =	smul.u32 $0x2710, s15  }
0x8: {  	s9 =	sadd.s32 $0x82200, s0;
	s11 =	sadd.s32 $0x2F3200, s0;
	s18 =	smul.u32 $0x13880, s2  }
0x9: {  	s8 =	sor.u32 s2, s7;
	s12 =	ssub.s32 $0x2, s2;
	s2 =	smul.u32 $0x1388, s2  }
0xa: {  	_ =	strace $0x80000047;
	s7 =	sadd.s32 $0x7C00, s0;
	s10 =	smul.u32 $0x1388, s8  }
0xb: {  	s0 =	sadd.s32 $0x564200, s0;
	s8 =	smul.u32 $0x9C400, s8;
	s13 =	sshrl.u32 s12, $0x1  }
0xc: {  	s22 =	sadd.s32 s17, s11;
	s12 =	ssub.s32 s12, s13;
	s14 =	sshrl.u32 s10, $0x3  }
0xd: {  	s2 =	sadd.s32 s2, s20;
	s8 =	sshrl.u32 s8, $0x3;
	s23 =	sadd.s32 s6, s14  }
0xe: {  	s24 =	sadd.s32 s7, s14;
	s8 =	sadd.s32 $0x13000, s8;
	[dreg:$0x6] =	wrdreg s23  }
0xf: {  	s10 =	sadd.s32 $0x1380, s10;
	[dreg:$0x7] =	wrdreg s24;
	s25 =	sadd.s32 s9, s8  }
0x10: {  	s14 =	sshrl.u32 s10, $0x3;
	s26 =	sadd.s32 s11, s8;
	[dreg:$0x8] =	wrdreg s25  }
0x11: {  	s10 =	sshll.u32 s10, $0x4;
	s8 =	sadd.s32 s0, s8;
	[dreg:$0x9] =	wrdreg s26  }
0x12: {  	s16 =	sadd.s32 s6, s14;
	s13 =	sadd.s32 s7, s14;
	[dreg:$0xa] =	wrdreg s8  }
0x13: {  	s19 =	sadd.s32 s9, s10;
	s9 =	sadd.s32 s17, s9;
	[dreg:$0xb] =	wrdreg s16  }
0x14: {  	s21 =	sadd.s32 s11, s10;
	s10 =	sadd.s32 s0, s10;
	[dreg:$0xc] =	wrdreg s13  }
0x15: {  	s0 =	sadd.s32 s17, s0;
	s23 =	sadd.s32 $0x80, s2;
	[dreg:$0xd] =	wrdreg s19  }
0x16: {  	s24 =	smax.u32 s12, $0x1;
	s17 =	simm.s32 $0x0;
	[dreg:$0xe] =	wrdreg s21  }
0x17: {  	s9 =	sadd.s32 s18, s9;
	[dreg:$0xf] =	wrdreg s10;
	s0 =	sadd.s32 s18, s0  }
0x18: {  	[dreg:$0x10] =	wrdreg s24;
	s25 =	sshrl.u32 s23, $0x3;
	s26 =	sadd.s32 $0x100, s2  }
0x19: {  	s23 =	simm.s32 $0x100;
	s24 =	simm.s32 $0x80;
	s2 =	simm.s32 $0x14200  }
0x1a: {  	s10 =	simm.s32 $0x4;
	[dreg:$0x3] =	wrdreg s9;
	s9 =	sadd.s32 s18, s22  }
0x1b: {  	[dreg:$0x5] =	wrdreg s0;
	s8 =	sadd.s32 s25, s7;
	s15 =	sadd.s32 s25, s6  }
0x1c: {  	[dreg:$0x12] =	wrdreg s26;
	s22 =	simm.s32 $0x5;
	s25 =	simm.s32 $0x200  }
0x1d: {  	s26 =	simm.s32 $0x8200;
	s0 =	simm.s32 $0xC200;
	[dreg:$0x4] =	wrdreg s9  }
0x1e: {  	[dreg:$0x11] =	wrdreg s8;
	s8 =	simm.s32 $0x2;
	s9 =	simm.s32 $0x3  }
.LBB2_1:
0x1f: {  	s11 =	rddreg [dreg:$0x6]  }
0x20: {  	[tilespmem:s3], [sflag:$0x5] =	stream.linear.gather [hbm4b:s11+s3], $0x80, $0x38;
	[tilespmem:$0x18F00] =	vst v63  }
0x21: {  	_ =	swait.ge [sflag:s22], $0x80  }
0x22: {  	[sflag:s22] =	ssyncset.done $0x0  }
0x23: {  	s20 =	rddreg [dreg:$0x7];
	[sflag:s22] =	ssyncadd.s32 $0xFFFFFF80  }
0x24: {  	[tilespmem:s23], [sflag:$0x5] =	stream.linear.gather [hbm4b:s20+s3], $0x80, $0x38;
	[tilespmem:$0x18F00] =	vst v63  }
0x25: {  	_ =	swait.ge [sflag:s22], $0x80  }
0x26: {  	[sflag:s22] =	ssyncset.done $0x0  }
0x27: {  	[sflag:s22] =	ssyncadd.s32 $0xFFFFFF80  }
0x28: {  	[tilespmem:s25], [sflag:$0x1] =	stream.indirect.gather [hbm4b:s1+s24], $0x80, s3, s24, $0xb8;
	[tilespmem:$0x18F00] =	vst v63  }
0x29: {  	_ = 	snop  }
0x2a: {  	[tilespmem:s26], [sflag:$0x1] =	stream.indirect.gather [hbm4b:s4+s24], $0x80, s23, s24, $0xb8;
	[tilespmem:$0x18F00] =	vst v63  }
0x2b: {  	_ = 	snop  }
0x2c: {  	[tilespmem:s28], [sflag:$0x1] =	stream.indirect.gather [hbm4b:s5+s24], $0x80, s23, s24, $0xb8;
	[tilespmem:$0x18F00] =	vst v63  }
0x2d: {  	_ =	swait.ge [sflag:s29], $0x4000  }
0x2e: {  	[sflag:s29] =	ssyncset.done $0x0  }
0x2f: {  	[sflag:s29] =	ssyncadd.s32 $0xFFFFC000  }
0x30: {  	_ =	swait.ge [sflag:s29], $0x4000  }
0x31: {  	[sflag:s29] =	ssyncset.done $0x0  }
0x32: {  	[sflag:s29] =	ssyncadd.s32 $0xFFFFC000  }
0x33: {  	_ =	swait.ge [sflag:s29], $0x4000  }
0x34: {  	s21 =	rddreg [dreg:$0x3];
	[sflag:s29] =	ssyncset.done $0x0  }
0x35: {  	s12 =	rddreg [dreg:$0x4];
	[sflag:s29] =	ssyncadd.s32 $0xFFFFC000;
	s11 =	sadd.s32 $0x0, s21  }
0x36: {  	[hbm4b:s11+s3] =	stream.linear.scatter [tilespmem:s25], [sflag:$0x3], $0x4000, $0x38;
	[tilespmem:$0x18F00] =	vst v63  }
0x37: {  	p0 =	por $0x1, $0x1;
	s13 =	rddreg [dreg:$0x5];
	s12 =	sadd.s32 $0x0, s12  }
0x38: {  	[hbm4b:s12+s3] =	stream.linear.scatter [tilespmem:s26], [sflag:$0x3], $0x4000, $0x38;
	[tilespmem:$0x18F00] =	vst v63  }
0x39: {  	s16 =	simm.s32 @!p0 $0x4;
	s13 =	sadd.s32 $0x0, s13  }
0x3a: {  	[hbm4b:s13+s3] =	stream.linear.scatter [tilespmem:s28], [sflag:$0x3], $0x4000, $0x38;
	[tilespmem:$0x18F00] =	vst v63  }
0x3b: {  	_ =	swait.ge @!p0 [sflag:s16], $0x4000  }
0x3c: {  	[sflag:s16] =	ssyncset.done @!p0 $0x0  }
0x3d: {  	[sflag:s16] =	ssyncadd.s32 @!p0 $0xFFFFC000  }
0x3e: {  	_ =	swait.ge @!p0 [sflag:s16], $0x4000  }
0x3f: {  	[sflag:s16] =	ssyncset.done @!p0 $0x0  }
0x40: {  	[sflag:s16] =	ssyncadd.s32 @!p0 $0xFFFFC000  }
0x41: {  	_ =	swait.ge @!p0 [sflag:s16], $0x4000  }
0x42: {  	[sflag:s16] =	ssyncset.done @!p0 $0x0  }
0x43: {  	[sflag:s16] =	ssyncadd.s32 @!p0 $0xFFFFC000  }
0x44: {  	[tilespmem:s24], [sflag:$0x5] =	stream.linear.gather [hbm4b:s15+s3], $0x80, $0x38;
	[tilespmem:$0x18F00] =	vst v63  }
0x45: {  	_ =	swait.ge [sflag:s22], $0x80  }
0x46: {  	[sflag:s22] =	ssyncset.done $0x0  }
0x47: {  	s19 =	rddreg [dreg:$0x11];
	[sflag:s22] =	ssyncadd.s32 $0xFFFFFF80  }
0x48: {  	[tilespmem:s30], [sflag:$0x5] =	stream.linear.gather [hbm4b:s19+s3], $0x80, $0x38;
	[tilespmem:$0x18F00] =	vst v63  }
0x49: {  	_ =	swait.ge [sflag:s22], $0x80  }
0x4a: {  	[sflag:s22] =	ssyncset.done $0x0  }
0x4b: {  	[sflag:s22] =	ssyncadd.s32 $0xFFFFFF80  }
0x4c: {  	[tilespmem:s31], [sflag:$0x2] =	stream.indirect.gather [hbm4b:s1+s24], $0x80, s24, s24, $0xb8;
	[tilespmem:$0x18F00] =	vst v63  }
0x4d: {  	_ = 	snop  }
0x4e: {  	[tilespmem:s0], [sflag:$0x2] =	stream.indirect.gather [hbm4b:s4+s24], $0x80, s30, s24, $0xb8;
	[tilespmem:$0x18F00] =	vst v63  }
0x4f: {  	_ = 	snop  }
0x50: {  	[tilespmem:s2], [sflag:$0x2] =	stream.indirect.gather [hbm4b:s5+s24], $0x80, s30, s24, $0xb8;
	[tilespmem:$0x18F00] =	vst v63  }
0x51: {  	_ =	swait.ge [sflag:s8], $0x4000  }
0x52: {  	[sflag:s8] =	ssyncset.done $0x0  }
0x53: {  	[sflag:s8] =	ssyncadd.s32 $0xFFFFC000  }
0x54: {  	_ =	swait.ge [sflag:s8], $0x4000  }
0x55: {  	[sflag:s8] =	ssyncset.done $0x0  }
0x56: {  	[sflag:s8] =	ssyncadd.s32 $0xFFFFC000  }
0x57: {  	_ =	swait.ge [sflag:s8], $0x4000  }
0x58: {  	[sflag:s8] =	ssyncset.done $0x0  }
0x59: {  	s11 =	sadd.s32 $0x800, s11;
	[sflag:s8] =	ssyncadd.s32 $0xFFFFC000  }
0x5a: {  	[hbm4b:s11+s3] =	stream.linear.scatter [tilespmem:s31], [sflag:$0x4], $0x4000, $0x38;
	[tilespmem:$0x18F00] =	vst v63  }
0x5b: {  	s12 =	sadd.s32 $0x800, s12  }
0x5c: {  	[hbm4b:s12+s3] =	stream.linear.scatter [tilespmem:s0], [sflag:$0x4], $0x4000, $0x38;
	[tilespmem:$0x18F00] =	vst v63  }
0x5d: {  	s14 =	sadd.s32 $0x800, s13  }
0x5e: {  	[hbm4b:s14+s3] =	stream.linear.scatter [tilespmem:s2], [sflag:$0x4], $0x4000, $0x38;
	[tilespmem:$0x18F00] =	vst v63  }
0x5f: {  	_ =	swait.ge [sflag:s9], $0x4000  }
0x60: {  	[sflag:s9] =	ssyncset.done $0x0  }
0x61: {  	[sflag:s9] =	ssyncadd.s32 $0xFFFFC000  }
0x62: {  	_ =	swait.ge [sflag:s9], $0x4000  }
0x63: {  	[sflag:s9] =	ssyncset.done $0x0  }
0x64: {  	[sflag:s9] =	ssyncadd.s32 $0xFFFFC000  }
0x65: {  	_ =	swait.ge [sflag:s9], $0x4000  }
0x66: {  	s16 =	rddreg [dreg:$0x12]  }
0x67: {  	[sflag:s9] =	ssyncset.done $0x0;
	s20 =	sshrl.u32 s16, $0x3  }
0x68: {  	[sflag:s9] =	ssyncadd.s32 $0xFFFFC000;
	s21 =	sadd.s32 s6, s20  }
0x69: {  	[tilespmem:s3], [sflag:$0x5] =	stream.linear.gather [hbm4b:s21+s3], $0x80, $0x38;
	[tilespmem:$0x18F00] =	vst v63  }
0x6a: {  	_ =	swait.ge [sflag:s22], $0x80  }
0x6b: {  	[sflag:s22] =	ssyncset.done $0x0  }
0x6c: {  	s11 =	sadd.s32 s7, s20;
	[sflag:s22] =	ssyncadd.s32 $0xFFFFFF80  }
0x6d: {  	[tilespmem:s23], [sflag:$0x5] =	stream.linear.gather [hbm4b:s11+s3], $0x80, $0x38;
	[tilespmem:$0x18F00] =	vst v63  }
0x6e: {  	_ =	swait.ge [sflag:s22], $0x80  }
0x6f: {  	[sflag:s22] =	ssyncset.done $0x0  }
0x70: {  	[sflag:s22] =	ssyncadd.s32 $0xFFFFFF80  }
0x71: {  	[tilespmem:s25], [sflag:$0x1] =	stream.indirect.gather [hbm4b:s1+s24], $0x80, s3, s24, $0xb8;
	[tilespmem:$0x18F00] =	vst v63  }
0x72: {  	s18 =	simm.s32 $0x1000;
	s20 =	smov.u32 s15;
	s11 =	sadd.s32 $0x100, s16  }
0x73: {  	[tilespmem:s26], [sflag:$0x1] =	stream.indirect.gather [hbm4b:s4+s24], $0x80, s23, s24, $0xb8;
	[tilespmem:$0x18F00] =	vst v63  }
.LBB2_2:
0x74: {  	[tilespmem:s28], [sflag:$0x1] =	stream.indirect.gather [hbm4b:s5+s24], $0x80, s23, s24, $0xb8;
	[tilespmem:$0x18F00] =	vst v63  }
0x75: {  	_ =	swait.ge [sflag:s29], $0x4000  }
0x76: {  	[sflag:s29] =	ssyncset.done $0x0  }
0x77: {  	[sflag:s29] =	ssyncadd.s32 $0xFFFFC000  }
0x78: {  	_ =	swait.ge [sflag:s29], $0x4000  }
0x79: {  	[sflag:s29] =	ssyncset.done $0x0  }
0x7a: {  	[sflag:s29] =	ssyncadd.s32 $0xFFFFC000  }
0x7b: {  	_ =	swait.ge [sflag:s29], $0x4000  }
0x7c: {  	s21 =	smov.u32 s18;
	s12 =	rddreg [dreg:$0x3];
	[sflag:s29] =	ssyncset.done $0x0  }
0x7d: {  	s13 =	rddreg [dreg:$0x4];
	[sflag:s29] =	ssyncadd.s32 $0xFFFFC000;
	s16 =	sadd.s32 s21, s12  }
0x7e: {  	[hbm4b:s16+s3] =	stream.linear.scatter [tilespmem:s25], [sflag:$0x3], $0x4000, $0x38;
	[tilespmem:$0x18F00] =	vst v63  }
0x7f: {  	p1 =	seq.s32 s21, $0x0;
	s14 =	rddreg [dreg:$0x5];
	s12 =	sadd.s32 s21, s13  }
0x80: {  	[hbm4b:s12+s3] =	stream.linear.scatter [tilespmem:s26], [sflag:$0x3], $0x4000, $0x38;
	[tilespmem:$0x18F00] =	vst v63  }
0x81: {  	s13 =	sadd.s32 s21, s14;
	s14 =	simm.s32 @!p1 $0x4  }
0x82: {  	[hbm4b:s13+s3] =	stream.linear.scatter [tilespmem:s28], [sflag:$0x3], $0x4000, $0x38;
	[tilespmem:$0x18F00] =	vst v63  }
0x83: {  	_ =	swait.ge @!p1 [sflag:s14], $0x4000  }
0x84: {  	[sflag:s14] =	ssyncset.done @!p1 $0x0  }
0x85: {  	[sflag:s14] =	ssyncadd.s32 @!p1 $0xFFFFC000  }
0x86: {  	_ =	swait.ge @!p1 [sflag:s14], $0x4000  }
0x87: {  	[sflag:s14] =	ssyncset.done @!p1 $0x0  }
0x88: {  	[sflag:s14] =	ssyncadd.s32 @!p1 $0xFFFFC000  }
0x89: {  	_ =	swait.ge @!p1 [sflag:s14], $0x4000  }
0x8a: {  	[sflag:s14] =	ssyncset.done @!p1 $0x0  }
0x8b: {  	s20 =	sadd.s32 $0x20, s20;
	[sflag:s14] =	ssyncadd.s32 @!p1 $0xFFFFC000  }
0x8c: {  	[tilespmem:s24], [sflag:$0x5] =	stream.linear.gather [hbm4b:s20+s3], $0x80, $0x38;
	[tilespmem:$0x18F00] =	vst v63  }
0x8d: {  	_ =	swait.ge [sflag:s22], $0x80  }
0x8e: {  	[sflag:s22] =	ssyncset.done $0x0  }
0x8f: {  	s19 =	sadd.s32 $0x20, s19;
	[sflag:s22] =	ssyncadd.s32 $0xFFFFFF80  }
0x90: {  	[tilespmem:s30], [sflag:$0x5] =	stream.linear.gather [hbm4b:s19+s3], $0x80, $0x38;
	[tilespmem:$0x18F00] =	vst v63  }
0x91: {  	_ =	swait.ge [sflag:s22], $0x80  }
0x92: {  	[sflag:s22] =	ssyncset.done $0x0  }
0x93: {  	[sflag:s22] =	ssyncadd.s32 $0xFFFFFF80  }
0x94: {  	[tilespmem:s31], [sflag:$0x2] =	stream.indirect.gather [hbm4b:s1+s24], $0x80, s24, s24, $0xb8;
	[tilespmem:$0x18F00] =	vst v63  }
0x95: {  	_ = 	snop  }
0x96: {  	[tilespmem:s0], [sflag:$0x2] =	stream.indirect.gather [hbm4b:s4+s24], $0x80, s30, s24, $0xb8;
	[tilespmem:$0x18F00] =	vst v63  }
0x97: {  	_ = 	snop  }
0x98: {  	[tilespmem:s2], [sflag:$0x2] =	stream.indirect.gather [hbm4b:s5+s24], $0x80, s30, s24, $0xb8;
	[tilespmem:$0x18F00] =	vst v63  }
0x99: {  	_ =	swait.ge [sflag:s8], $0x4000  }
0x9a: {  	[sflag:s8] =	ssyncset.done $0x0  }
0x9b: {  	[sflag:s8] =	ssyncadd.s32 $0xFFFFC000  }
0x9c: {  	_ =	swait.ge [sflag:s8], $0x4000  }
0x9d: {  	[sflag:s8] =	ssyncset.done $0x0  }
0x9e: {  	[sflag:s8] =	ssyncadd.s32 $0xFFFFC000  }
0x9f: {  	_ =	swait.ge [sflag:s8], $0x4000  }
0xa0: {  	[sflag:s8] =	ssyncset.done $0x0  }
0xa1: {  	s21 =	sadd.s32 $0x800, s16;
	[sflag:s8] =	ssyncadd.s32 $0xFFFFC000  }
0xa2: {  	[hbm4b:s21+s3] =	stream.linear.scatter [tilespmem:s31], [sflag:$0x4], $0x4000, $0x38;
	[tilespmem:$0x18F00] =	vst v63  }
0xa3: {  	s12 =	sadd.s32 $0x800, s12  }
0xa4: {  	[hbm4b:s12+s3] =	stream.linear.scatter [tilespmem:s0], [sflag:$0x4], $0x4000, $0x38;
	[tilespmem:$0x18F00] =	vst v63  }
0xa5: {  	s13 =	sadd.s32 $0x800, s13  }
0xa6: {  	[hbm4b:s13+s3] =	stream.linear.scatter [tilespmem:s2], [sflag:$0x4], $0x4000, $0x38;
	[tilespmem:$0x18F00] =	vst v63  }
0xa7: {  	_ =	swait.ge [sflag:s9], $0x4000  }
0xa8: {  	[sflag:s9] =	ssyncset.done $0x0  }
0xa9: {  	[sflag:s9] =	ssyncadd.s32 $0xFFFFC000  }
0xaa: {  	_ =	swait.ge [sflag:s9], $0x4000  }
0xab: {  	[sflag:s9] =	ssyncset.done $0x0  }
0xac: {  	[sflag:s9] =	ssyncadd.s32 $0xFFFFC000  }
0xad: {  	_ =	swait.ge [sflag:s9], $0x4000  }
0xae: {  	s16 =	sshrl.u32 s11, $0x3;
	[sflag:s9] =	ssyncset.done $0x0  }
0xaf: {  	s21 =	sadd.s32 s6, s16;
	[sflag:s9] =	ssyncadd.s32 $0xFFFFC000  }
0xb0: {  	[tilespmem:s3], [sflag:$0x5] =	stream.linear.gather [hbm4b:s21+s3], $0x80, $0x38;
	[tilespmem:$0x18F00] =	vst v63  }
0xb1: {  	_ =	swait.ge [sflag:s22], $0x80  }
0xb2: {  	[sflag:s22] =	ssyncset.done $0x0  }
0xb3: {  	s18 =	sadd.s32 $0x1000, s18;
	s12 =	sadd.s32 s7, s16;
	[sflag:s22] =	ssyncadd.s32 $0xFFFFFF80  }
0xb4: {  	[tilespmem:s23], [sflag:$0x5] =	stream.linear.gather [hbm4b:s12+s3], $0x80, $0x38;
	[tilespmem:$0x18F00] =	vst v63  }
0xb5: {  	p0 =	sne.s32 s18, $0x13000;
	_ =	swait.ge [sflag:s22], $0x80  }
.Ltmp0:
0xb6: {  	[sflag:s22] =	ssyncset.done $0x0;
	(pc) =	sbr.rel @p0 .LBB2_2-.Ltmp0, $4  }
0xb7: {  	[sflag:s22] =	ssyncadd.s32 $0xFFFFFF80  }
0xb8: {  	[tilespmem:s25], [sflag:$0x1] =	stream.indirect.gather [hbm4b:s1+s24], $0x80, s3, s24, $0xb8;
	[tilespmem:$0x18F00] =	vst v63  }
0xb9: {  	s11 =	sadd.s32 $0x100, s11  }
0xba: {  	[tilespmem:s26], [sflag:$0x1] =	stream.indirect.gather [hbm4b:s4+s24], $0x80, s23, s24, $0xb8;
	[tilespmem:$0x18F00] =	vst v63  }
0xbb: {  	[tilespmem:s28], [sflag:$0x1] =	stream.indirect.gather [hbm4b:s5+s24], $0x80, s23, s24, $0xb8;
	[tilespmem:$0x18F00] =	vst v63  }
0xbc: {  	_ =	swait.ge [sflag:s29], $0x4000  }
0xbd: {  	[sflag:s29] =	ssyncset.done $0x0  }
0xbe: {  	[sflag:s29] =	ssyncadd.s32 $0xFFFFC000  }
0xbf: {  	_ =	swait.ge [sflag:s29], $0x4000  }
0xc0: {  	[sflag:s29] =	ssyncset.done $0x0  }
0xc1: {  	[sflag:s29] =	ssyncadd.s32 $0xFFFFC000  }
0xc2: {  	_ =	swait.ge [sflag:s29], $0x4000  }
0xc3: {  	[sflag:s29] =	ssyncset.done $0x0  }
0xc4: {  	s11 =	rddreg [dreg:$0x8];
	[sflag:s29] =	ssyncadd.s32 $0xFFFFC000  }
0xc5: {  	[hbm4b:s11+s3] =	stream.linear.scatter [tilespmem:s25], [sflag:$0x3], $0x4000, $0x38;
	[tilespmem:$0x18F00] =	vst v63  }
0xc6: {  	s14 =	rddreg [dreg:$0x9]  }
0xc7: {  	[hbm4b:s14+s3] =	stream.linear.scatter [tilespmem:s26], [sflag:$0x3], $0x4000, $0x38;
	[tilespmem:$0x18F00] =	vst v63  }
0xc8: {  	s16 =	rddreg [dreg:$0xa]  }
0xc9: {  	[hbm4b:s16+s3] =	stream.linear.scatter [tilespmem:s28], [sflag:$0x3], $0x4000, $0x38;
	[tilespmem:$0x18F00] =	vst v63  }
0xca: {  	_ =	swait.ge [sflag:s10], $0x4000  }
0xcb: {  	[sflag:s10] =	ssyncset.done $0x0  }
0xcc: {  	[sflag:s10] =	ssyncadd.s32 $0xFFFFC000  }
0xcd: {  	_ =	swait.ge [sflag:s10], $0x4000  }
0xce: {  	[sflag:s10] =	ssyncset.done $0x0  }
0xcf: {  	[sflag:s10] =	ssyncadd.s32 $0xFFFFC000  }
0xd0: {  	_ =	swait.ge [sflag:s10], $0x4000  }
0xd1: {  	[sflag:s10] =	ssyncset.done $0x0  }
0xd2: {  	s12 =	simm.s32 $0x18200;
	s18 =	rddreg [dreg:$0xb];
	[sflag:s10] =	ssyncadd.s32 $0xFFFFC000  }
0xd3: {  	[tilespmem:s12], [sflag:$0x5] =	stream.linear.gather [hbm4b:s18+s3], $0x8, $0x38;
	[tilespmem:$0x18F00] =	vst v63  }
0xd4: {  	_ =	swait.ge [sflag:s22], $0x8  }
0xd5: {  	[sflag:s22] =	ssyncset.done $0x0  }
0xd6: {  	s13 =	simm.s32 $0x18280;
	s19 =	rddreg [dreg:$0xc];
	[sflag:s22] =	ssyncadd.s32 $0xFFFFFFF8  }
0xd7: {  	[tilespmem:s13], [sflag:$0x5] =	stream.linear.gather [hbm4b:s19+s3], $0x8, $0x38;
	[tilespmem:$0x18F00] =	vst v63  }
0xd8: {  	_ =	swait.ge [sflag:s22], $0x8  }
0xd9: {  	[sflag:s22] =	ssyncset.done $0x0  }
0xda: {  	s20 =	simm.s32 $0x8;
	s14 =	simm.s32 $0x18300;
	[sflag:s22] =	ssyncadd.s32 $0xFFFFFFF8  }
0xdb: {  	[tilespmem:s14], [sflag:$0x2] =	stream.indirect.gather [hbm4b:s1+s20], $0x80, s12, s20, $0xb8;
	[tilespmem:$0x18F00] =	vst v63  }
0xdc: {  	s21 =	simm.s32 $0x18700  }
0xdd: {  	[tilespmem:s21], [sflag:$0x2] =	stream.indirect.gather [hbm4b:s4+s20], $0x80, s13, s20, $0xb8;
	[tilespmem:$0x18F00] =	vst v63  }
0xde: {  	s16 =	simm.s32 $0x18B00  }
0xdf: {  	[tilespmem:s16], [sflag:$0x2] =	stream.indirect.gather [hbm4b:s5+s20], $0x80, s13, s20, $0xb8;
	[tilespmem:$0x18F00] =	vst v63  }
0xe0: {  	_ =	swait.ge [sflag:s8], $0x400  }
0xe1: {  	[sflag:s8] =	ssyncset.done $0x0  }
0xe2: {  	[sflag:s8] =	ssyncadd.s32 $0xFFFFFC00  }
0xe3: {  	_ =	swait.ge [sflag:s8], $0x400  }
0xe4: {  	[sflag:s8] =	ssyncset.done $0x0  }
0xe5: {  	[sflag:s8] =	ssyncadd.s32 $0xFFFFFC00  }
0xe6: {  	_ =	swait.ge [sflag:s8], $0x400  }
0xe7: {  	[sflag:s8] =	ssyncset.done $0x0  }
0xe8: {  	s18 =	rddreg [dreg:$0xd];
	[sflag:s8] =	ssyncadd.s32 $0xFFFFFC00  }
0xe9: {  	[hbm4b:s18+s3] =	stream.linear.scatter [tilespmem:s14], [sflag:$0x4], $0x400, $0x38;
	[tilespmem:$0x18F00] =	vst v63  }
0xea: {  	s19 =	rddreg [dreg:$0xe]  }
0xeb: {  	[hbm4b:s19+s3] =	stream.linear.scatter [tilespmem:s21], [sflag:$0x4], $0x400, $0x38;
	[tilespmem:$0x18F00] =	vst v63  }
0xec: {  	s20 =	rddreg [dreg:$0xf]  }
0xed: {  	[hbm4b:s20+s3] =	stream.linear.scatter [tilespmem:s16], [sflag:$0x4], $0x400, $0x38;
	[tilespmem:$0x18F00] =	vst v63  }
0xee: {  	_ =	swait.ge [sflag:s10], $0x400  }
0xef: {  	[sflag:s10] =	ssyncset.done $0x0  }
0xf0: {  	[sflag:s10] =	ssyncadd.s32 $0xFFFFFC00  }
0xf1: {  	_ =	swait.ge [sflag:s10], $0x400  }
0xf2: {  	[sflag:s10] =	ssyncset.done $0x0  }
0xf3: {  	[sflag:s10] =	ssyncadd.s32 $0xFFFFFC00  }
0xf4: {  	_ =	swait.ge [sflag:s10], $0x400  }
0xf5: {  	[sflag:s10] =	ssyncset.done $0x0  }
0xf6: {  	[sflag:s10] =	ssyncadd.s32 $0xFFFFFC00  }
0xf7: {  	_ =	swait.ge [sflag:s9], $0x4000  }
0xf8: {  	[sflag:s9] =	ssyncset.done $0x0  }
0xf9: {  	[sflag:s9] =	ssyncadd.s32 $0xFFFFC000  }
0xfa: {  	_ =	swait.ge [sflag:s9], $0x4000  }
0xfb: {  	[sflag:s9] =	ssyncset.done $0x0  }
0xfc: {  	[sflag:s9] =	ssyncadd.s32 $0xFFFFC000  }
0xfd: {  	_ =	swait.ge [sflag:s9], $0x4000  }
0xfe: {  	s17 =	sadd.s32 $0x1, s17;
	s21 =	rddreg [dreg:$0x10]  }
0xff: {  	p0 =	sne.s32 s17, s21  }
.Ltmp1:
0x100: {  	_ = 	snop;
	(pc) =	sbr.rel @p0 .LBB2_1-.Ltmp1, $3  }
0x101: {  	_ =	sdelay $0x1  }
0x102: {  	[sflag:s9] =	ssyncset.done $0x0  }
0x103: {  	[sflag:s9] =	ssyncadd.s32 $0xFFFFC000  }
0x104: {  	_ =	sfence.sel $0x180000  }
0x105: {  	[bflag:$0x0] =	sbarrier.arrive $0xFFFF  }
0x106: {  	_ =	strace $0x90000047  }
0x107: {  	s0 =	stileid.u32;
	[bflag:$0x2] =	sbarrier.arrive $0xFFFF  }
0x108: {  	p0 =	sne.s32 s0, $0x0;
	s0 =	rddreg [dreg:$0x2]  }
0x109: {  	s0 =	sadd.s32 @!p0 $0x100000, s0  }
0x10a: {  	[sflag:s0] =	ssyncadd.tile.s32 @!p0 $0x1;
	_ =	shalt  }
.Lfunc_end2:
_tile_overlayer_lowered:
.L_overlay_start_2:
0x10b: {  	(tag) =	ssettag $0x2  }
0x10c: {  	s0 =	rddreg [dreg:$0x0];
	s2 =	stileid.u32  }
0x10d: {  	s1 =	rddreg [dreg:$0x1];
	p0 =	sne.s32 s2, $0x0  }
0x10e: {  	s3 =	rddreg [dreg:$0x2];
	[bflag:$0x3] =	sbarrier.arrive $0xFFFF;
	s2 =	simm.s32 @!p0 $0x1C05  }
0x10f: {  	[timem:s3], [sflag:s2] =	dma.local @!p0 [hbm:s0], s1  }
0x110: {  	s0 =	simm.s32 @!p0 $0x5  }
0x111: {  	_ =	swait.ge @!p0 [sflag:s0], s1  }
0x112: {  	s1 =	ssub.s32 @!p0 $0x0, s1;
	[sflag:s0] =	ssyncset.done @!p0 $0x0  }
0x113: {  	[sflag:s0] =	ssyncadd.s32 @!p0 s1  }
0x114: {  	[bflag:$0x3] =	sbarrier.arrive $0xFFFF  }
0x115: {  	_ =	shalt  }

// kernel: kernel.16.cloned.1.call-start
scs
__scs_entry_jumppad:
0x0: {  	(pc) =	sbr.rel $0x88, $3  }
0x1: {  	(tag) =	ssettag $0x0;
	lr =	simm.s32 $0x1  }
0x2: {  	[smem:$0x3F8D] =	sst lr;
	_ =	strace $0xD0000000  }
0x3: {  	_ = 	snop  }
0x4: {  	_ = 	snop  }
0x5: {  	_ = 	snop  }
0x6: {  	_ = 	snop  }
0x7: {  	_ = 	snop  }
__scs_overlays_trampoline_lowered:
0x8: {  	[smem:$0x3F9C] =	sst s0  }
0x9: {  	[smem:$0x3F9D] =	sst s1  }
0xa: {  	[smem:$0x3F9E] =	sst s2  }
0xb: {  	[smem:$0x3F9F] =	sst s3  }
0xc: {  	[smem:$0x3FA0] =	sst s4  }
0xd: {  	[smem:$0x3FA1] =	sst s5  }
0xe: {  	[smem:$0x3FA2] =	sst s6  }
0xf: {  	[smem:$0x3FA3] =	sst s7  }
0x10: {  	[smem:$0x3FA4] =	sst s8  }
0x11: {  	[smem:$0x3FA5] =	sst s9;
	s0 =	simm.s32 @!p0 $0x0  }
0x12: {  	s1 =	sld [smem:$0x3F8B];
	s0 =	simm.s32 @p0 $0x1  }
0x13: {  	[smem:$0x3FA6] =	sst s0;
	s0 =	simm.s32 @!p1 $0x0  }
0x14: {  	s2 =	sld [smem:$0x3F8A];
	s0 =	simm.s32 @p1 $0x1  }
0x15: {  	[smem:$0x3FA7] =	sst s0;
	s0 =	simm.s32 @!p2 $0x0  }
0x16: {  	s3 =	sld [smem:$0x3FDB];
	s0 =	simm.s32 @p2 $0x1  }
0x17: {  	s4 =	simm.s32 $0x1BF5;
	[smem:$0x3FA9] =	sst s0  }
0x18: {  	s0 =	sld [smem:$0x3F8C];
	_ =	swait.ge [sflag:s4], $0x0  }
0x19: {  	s7 =	sld [smem:$0x3F8D]  }
0x1a: {  	s8 =	sadd.s32 $0xFFFFE003, lr  }
0x1b: {  	s9 =	sadd.s32 $0xFFFFFEF7, lr;
	s5 =	simm.s32 $0xFFFFFFFF;
	p2 =	slt.u32 s8, $0xFFFFF086  }
0x1c: {  	p1 =	slt.u32 s9, $0xF7A;
	s5 =	simm.s32 @!p2 $0x0  }
0x1d: {  	s5 =	simm.s32 @p1 $0x1;
	p0 =	seq.s32 s7, s2  }
0x1e: {  	s7 =	smul.u32 @!p0 $0xF7A, s2;
	p2 =	seq.s32 @!p0 s5, $0x0  }
0x1f: {  	s9 =	smul.u32 $0xF7A, s1;
	s8 =	simm.s32 @!p0 $0x1BF5;
	p2 =	por !p2, p0  }
0x20: {  	[sflag:s8] =	ssyncset.s32 @!p0 $0xFFFFF086;
	s6 =	sadd.s32 @!p0 s3, s7;
	s7 =	simm.s32 @!p0 $0x108  }
0x21: {  	s3 =	sadd.s32 s3, s9;
	s6 =	sadd.s32 @!p0 $0x88, s6;
	s7 =	simm.s32 @p2 $0x1082  }
0x22: {  	[simem:s7], [sflag:s8] =	dma.local @!p0 [hbm:s6], $0xF7A  }
0x23: {  	s9 =	sor.u32 $0xD0000000, s2;
	s6 =	simm.s32 $0x108;
	_ =	swait.ge @!p0 [sflag:s8], $0x0  }
0x24: {  	s3 =	sadd.s32 $0x88, s3;
	s6 =	simm.s32 @!p1 $0x1082;
	[sflag:s4] =	ssyncset.s32 $0xFFFFF086  }
0x25: {  	[simem:s6], [sflag:s4] =	dma.local [hbm:s3], $0xF7A  }
0x26: {  	[smem:$0x3F8D] =	sst s1;
	(tag) =	ssettag s2;
	_ =	strace s9  }
0x27: {  	s1 =	sld [smem:$0x3F9D]  }
0x28: {  	s2 =	sld [smem:$0x3F9E]  }
0x29: {  	s4 =	sld [smem:$0x3FA0]  }
0x2a: {  	p0 =	seq.s32 s5, $0x0;
	s5 =	sld [smem:$0x3FA1]  }
0x2b: {  	s6 =	sld [smem:$0x3FA2]  }
0x2c: {  	s7 =	sld [smem:$0x3FA3]  }
0x2d: {  	s3 =	simm.s32 $0x108;
	s8 =	sld [smem:$0x3FA4]  }
0x2e: {  	s3 =	simm.s32 @!p0 $0x1082;
	s9 =	sld [smem:$0x3FA5]  }
0x2f: {  	lr =	sadd.s32 s0, s3;
	s0 =	sld [smem:$0x3F9C]  }
0x30: {  	s3 =	sld [smem:$0x3F9F]  }
0x31: {  	[smem:$0x3FA8] =	sst s10  }
0x32: {  	s10 =	sld [smem:$0x3FA6];
	_ =	sdelay $0x3  }
0x33: {  	p0 =	seq.s32 s10, $0x1;
	s10 =	sld [smem:$0x3FA8];
	_ =	sdelay $0x3  }
0x34: {  	[smem:$0x3FA8] =	sst s10  }
0x35: {  	s10 =	sld [smem:$0x3FA7];
	_ =	sdelay $0x3  }
0x36: {  	p1 =	seq.s32 s10, $0x1;
	s10 =	sld [smem:$0x3FA8];
	_ =	sdelay $0x3  }
0x37: {  	[smem:$0x3FA8] =	sst s10  }
0x38: {  	s10 =	sld [smem:$0x3FA9]  }
0x39: {  	_ = 	snop;
	(pc) =	sbr.ind lr, $3  }
0x3a: {  	_ = 	snop  }
0x3b: {  	_ = 	snop  }
0x3c: {  	p2 =	seq.s32 s10, $0x1;
	s10 =	sld [smem:$0x3FA8]  }
0x3d: {  	_ =	shalt  }
0x3e: {  	_ =	shalt  }
0x3f: {  	_ =	shalt  }
0x40: {  	_ =	shalt  }
0x41: {  	_ =	shalt  }
0x42: {  	_ =	shalt  }
0x43: {  	_ =	shalt  }
0x44: {  	_ =	shalt  }
0x45: {  	_ =	shalt  }
0x46: {  	_ =	shalt  }
0x47: {  	_ =	shalt  }
0x48: {  	_ =	shalt  }
0x49: {  	_ =	shalt  }
0x4a: {  	_ =	shalt  }
0x4b: {  	_ =	shalt  }
0x4c: {  	_ =	shalt  }
0x4d: {  	_ =	shalt  }
0x4e: {  	_ =	shalt  }
0x4f: {  	_ =	shalt  }
0x50: {  	_ =	shalt  }
0x51: {  	_ =	shalt  }
0x52: {  	_ =	shalt  }
0x53: {  	_ =	shalt  }
0x54: {  	_ =	shalt  }
0x55: {  	_ =	shalt  }
0x56: {  	_ =	shalt  }
0x57: {  	_ =	shalt  }
0x58: {  	_ =	shalt  }
0x59: {  	_ =	shalt  }
0x5a: {  	_ =	shalt  }
0x5b: {  	_ =	shalt  }
0x5c: {  	_ =	shalt  }
0x5d: {  	_ =	shalt  }
0x5e: {  	_ =	shalt  }
0x5f: {  	_ =	shalt  }
0x60: {  	_ =	shalt  }
0x61: {  	_ =	shalt  }
0x62: {  	_ =	shalt  }
0x63: {  	_ =	shalt  }
0x64: {  	_ =	shalt  }
0x65: {  	_ =	shalt  }
0x66: {  	_ =	shalt  }
0x67: {  	_ =	shalt  }
0x68: {  	_ =	shalt  }
0x69: {  	_ =	shalt  }
0x6a: {  	_ =	shalt  }
0x6b: {  	_ =	shalt  }
0x6c: {  	_ =	shalt  }
0x6d: {  	_ =	shalt  }
0x6e: {  	_ =	shalt  }
0x6f: {  	_ =	shalt  }
0x70: {  	_ =	shalt  }
0x71: {  	_ =	shalt  }
0x72: {  	_ =	shalt  }
0x73: {  	_ =	shalt  }
0x74: {  	_ =	shalt  }
0x75: {  	_ =	shalt  }
0x76: {  	_ =	shalt  }
0x77: {  	_ =	shalt  }
0x78: {  	_ =	shalt  }
0x79: {  	_ =	shalt  }
0x7a: {  	_ =	shalt  }
0x7b: {  	_ =	shalt  }
0x7c: {  	_ =	shalt  }
0x7d: {  	_ =	shalt  }
0x7e: {  	_ =	shalt  }
0x7f: {  	_ =	shalt  }
0x80: {  	_ =	shalt  }
0x81: {  	_ =	shalt  }
0x82: {  	_ =	shalt  }
0x83: {  	_ =	shalt  }
0x84: {  	_ =	shalt  }
0x85: {  	_ =	shalt  }
0x86: {  	_ =	shalt  }
0x87: {  	_ =	shalt  }
.Lfunc_end0:
.L_simem_size_0:
called_computation.2_lowered:
.L_overlay_start_0:
0x88: {  	s2 =	sld [smem:$0x3FD9]  }
0x89: {  	s3 =	sld [smem:$0x3FFE];
	_ =	sdelay $0x1  }
0x8a: {  	s1 =	srdreg.scid  }
0x8b: {  	s0 =	sand.u32 $0x1, s1  }
0x8c: {  	s17 =	sshll.u32 s0, $0xA;
	s2 =	sadd.s32 s3, s2  }
0x8d: {  	s2 =	sadd.s32 s2, s17  }
0x8e: {  	[smem:$0x3FB4] =	sst s2  }
0x8f: {  	_ = 	snop  }
0x90: {  	(tm) =	ssettm $0x1  }
0x91: {  	s18 =	sld [smem:$0x3FFB];
	_ =	sdelay $0x3  }
0x92: {  	_ =	strace s18  }
0x93: {  	s2 =	sld [smem:$0x3FFC];
	_ =	sdelay $0x3  }
0x94: {  	_ =	strace s2  }
0x95: {  	s2 =	sld [smem:$0x3FFD];
	_ =	sdelay $0x3  }
0x96: {  	_ =	strace s2  }
0x97: {  	_ =	strace $0x8FFFFFFF  }
0x98: {  	s19 =	sld [smem:$0x3FDB];
	_ =	sdelay $0x1  }
0x99: {  	s20 =	simm.s32 $_scs_section_size  }
0x9a: {  	s4 =	simm.s32 $_size__tile_overlayer_lowered;
	s5 =	simm.s32 $_tile_overlayer_lowered  }
0x9b: {  	s6 =	simm.s32 $0x1BFF;
	s21 =	sshll.u32 s5, $0x1;
	s3 =	sadd.s32 s20, s19  }
0x9c: {  	s22 =	simm.s32 $0x0;
	s4 =	sshll.u32 s4, $0x1;
	s5 =	sadd.s32 s21, s3  }
0x9d: {  	[timem:s22], [sflag:s6] =	dma.local [hbm:s5], s4  }
0x9e: {  	_ =	swait.ge [sflag:s6], s4  }
0x9f: {  	s4 =	ssub.s32 $0x0, s4;
	[sflag:s6] =	ssyncset.done $0x0  }
0xa0: {  	[sflag:s6] =	ssyncadd.s32 s4;
	_ =	sdelay $0x1  }
0xa1: {  	s23 =	simm.s32 $0x1B8B  }
0xa2: {  	_ =	swait.ge [sflag:s23], $0x1  }
0xa3: {  	[sflag:s23] =	ssyncset.done $0x0  }
0xa4: {  	[sflag:s23] =	ssyncadd.s32 $0xFFFFFFFF  }
0xa5: {  	s4 =	sld [smem:$0x0]  }
0xa6: {  	s5 =	sand.u32 $0xFFFFFFFE, s1  }
0xa7: {  	p0 =	sne.s32 s1, s5  }
0xa8: {  	s5 =	sshll.u32 @p0 s5, $0xE  }
0xa9: {  	s5 =	sadd.s32 @p0 $0x11B8D, s5;
	s6 =	sshll.u32 @p0 s4, $0x11  }
0xaa: {  	s5 =	sor.u32 @p0 s6, s5  }
0xab: {  	[sflag:s5] =	ssyncadd.remote.s32 @p0 $0x1;
	_ =	sdelay $0x1  }
0xac: {  	s5 =	simm.s32 @p0 $0x1B8D  }
0xad: {  	_ =	swait.eq @p0 [sflag:s5], $0x1  }
0xae: {  	[sflag:s5] =	ssyncadd.s32 @p0 $0xFFFFFFFF  }
0xaf: {  	s6 =	sshll.u32 @!p0 s1, $0xE  }
0xb0: {  	s6 =	sor.u32 @!p0 $0x4000, s6;
	s5 =	simm.s32 @!p0 $0x1B8D  }
0xb1: {  	s4 =	sshll.u32 @!p0 s4, $0x11;
	s6 =	sadd.s32 @!p0 $0x11B8D, s6;
	_ =	swait.eq @!p0 [sflag:s5], $0x1  }
0xb2: {  	s4 =	sor.u32 @!p0 s4, s6;
	[sflag:s5] =	ssyncadd.s32 @!p0 $0xFFFFFFFF  }
0xb3: {  	s25 =	simm.s32 $0x1B8E;
	s24 =	sld [smem:$0x3FFE];
	[sflag:s4] =	ssyncadd.remote.s32 @!p0 $0x1  }
0xb4: {  	s26 =	simm.s32 $execute0_lowered;
	[smem:$0x3FD2] =	sst s25  }
0xb5: {  	s5 =	sshll.u32 s26, $0x1;
	_ =	strace $0x8000004F;
	[dreg:$0x1] =	wrdreg $0xFFFFFFFF  }
0xb6: {  	s28 =	simm.s32 $_size_execute0_lowered;
	s3 =	sadd.s32 s3, s5;
	[dreg:$0x0] =	wrdreg $0x0  }
0xb7: {  	s5 =	sshll.u32 s28, $0x1;
	[dreg:$0x2] =	wrdreg s3  }
0xb8: {  	[dreg:$0x3] =	wrdreg s5  }
0xb9: {  	[dreg:$0x4] =	wrdreg $0xC0  }
0xba: {  	_ =	task [dreg:s22], $0x5FFFF  }
0xbb: {  	[dreg:$0x1] =	wrdreg $0xFFFFFFFF  }
0xbc: {  	[dreg:$0x0] =	wrdreg $0x60  }
0xbd: {  	[dreg:$0x2] =	wrdreg s24  }
0xbe: {  	[dreg:$0x3] =	wrdreg $0x89800  }
0xbf: {  	[dreg:$0x4] =	wrdreg $0x9  }
0xc0: {  	_ =	task.clear_ibuf [dreg:s22], $0x5FFFF;
	_ =	strace $0x9000004F  }
0xc1: {  	s29 =	simm.s32 $0x9;
	_ =	strace $0x80000051  }
0xc2: {  	_ =	swait.ge [sflag:s29], $0x1  }
0xc3: {  	[sflag:s29] =	ssyncadd.s32 $0xFFFFFFFF  }
0xc4: {  	_ =	strace $0x90000051  }
0xc5: {  	_ =	sfence  }
0xc6: {  	s30 =	sld [smem:$0x0];
	_ =	sdelay $0x2  }
0xc7: {  	s31 =	sshll.u32 s1, $0xD;
	s1 =	sshrl.u32 s1, $0x2  }
0xc8: {  	s4 =	sand.u32 $0x4000, s31;
	s1 =	sadd.s32 s1, s30  }
0xc9: {  	s0 =	sor.u32 s4, s0;
	s1 =	sshll.u32 s1, $0x11  }
0xca: {  	s0 =	sor.u32 s1, s0  }
0xcb: {  	s0 =	sadd.s32 $0x8F2B, s0  }
0xcc: {  	[sflag:s0] =	ssyncadd.remote.s32 $0x1  }
0xcd: {  	_ =	sfence.sel $0xFFFF  }
0xce: {  	[dreg:$0x0] =	wrdreg $0xFFFFFFFF;
	(pc) =	sbr.abs _section_cstart, $3  }
0xcf: {  	[dreg:$0x1] =	wrdreg $0xFFFFFFFF  }
0xd0: {  	_ =	task.clear_ibuf [dreg:s22], $0x2FFFF;
	_ =	strace $0x9FFFFFFF  }
0xd1: {  	(tm) =	ssettm $0x7FFFFFFF  }
tec
execute0_lowered:
.L_overlay_start_1:
0x0: {  	(tag) =	ssettag $0x1  }
0x1: {  	s7 =	rddreg [dreg:$0x0]  }
0x2: {  	s1 =	rddreg [dreg:$0x1]  }
0x3: {  	s0 =	rddreg [dreg:$0x2]  }
0x4: {  	s2 =	simm.s32 $0x0;
	s6 =	srdreg.scid;
	s15 =	stileid.u32  }
0x5: {  	s18 =	simm.s32 $0x2;
	s19 =	simm.s32 $0x100;
	s20 =	simm.s32 $0x1  }
0x6: {  	s21 =	simm.s32 $0x80;
	s22 =	simm.s32 $0x4100;
	s23 =	simm.s32 $0x8100  }
0x7: {  	s24 =	simm.s32 $0x8180;
	s25 =	simm.s32 $0x10;
	s26 =	simm.s32 $0x0  }
0x8: {  	[smem:$0x7FF] =	sst s2;
	s4 =	sadd.s32 $0x368600, s7;
	s14 =	smul.u32 $0x2710, s15  }
0x9: {  	s3 =	sadd.s32 $0xF7600, s7;
	s5 =	sadd.s32 $0x7DA200, s7;
	s28 =	smul.u32 $0x27100, s15  }
0xa: {  	s8 =	sand.u32 $0x1, s6;
	s6 =	sadd.s32 $0x82200, s7;
	s16 =	smul.u32 $0x4E2, s15  }
0xb: {  	p1 =	sne.s32 s15, $0x0;
	_ =	strace $0x80000050;
	s9 =	smul.u32 $0x27100, s8  }
0xc: {  	s10 =	ssub.s32 $0x2, s8;
	p0 =	seq.s32 s8, $0x1;
	s17 =	sshrl.u32 @!p1 s1, $0x3  }
0xd: {  	s11 =	sshrl.u32 s10, $0x1;
	s29 =	sshrl.u32 s14, $0x3;
	s30 =	sadd.s32 $0x2700, s14  }
.Ltmp0:
0xe: {  	s8 =	sadd.s32 s3, s28;
	s14 =	sadd.s32 $0x2680, s14;
	(pc) =	sbr.rel .LBB2_1-.Ltmp0, $4  }
0xf: {  	s16 =	sadd.s32 s16, s5;
	s12 =	sadd.s32 s9, s7;
	s13 =	ssub.s32 s10, s11  }
0x10: {  	s7 =	sadd.s32 s5, s29;
	s31 =	sshrl.u32 s30, $0x3;
	s10 =	sshll.u32 s30, $0x4  }
0x11: {  	s11 =	sadd.s32 s4, s28;
	s15 =	sshll.u32 s14, $0x4;
	s16 =	sadd.s32 $0x20, s16  }
0x12: {  	s9 =	sadd.s32 s5, s31;
	s12 =	sadd.s32 $0x7C00, s12;
	s13 =	smax.u32 s13, $0x1  }
.LBB2_7:
0x13: {  	[sflag:s18] =	ssyncadd.s32 $0xFFFFC000;
	s28 =	smov.u32 s4  }
.LBB2_8:
0x14: {  	_ =	swait.ge [sflag:s20], $0x4000  }
0x15: {  	s29 =	sshrl.u32 s14, $0x3;
	[sflag:s20] =	ssyncset.done $0x0  }
0x16: {  	s29 =	sadd.s32 s5, s29;
	[sflag:s20] =	ssyncadd.s32 $0xFFFFC000  }
0x17: {  	[tilespmem:s21], [sflag:$0x2] =	stream.linear.gather [hbm4b:s29+s2], $0x80, $0x38;
	[tilespmem:$0x1C200] =	vst v63  }
0x18: {  	_ =	swait.ge [sflag:s18], $0x80  }
0x19: {  	[sflag:s18] =	ssyncset.done $0x0  }
0x1a: {  	s30 =	sadd.s32 s28, s15;
	[sflag:s18] =	ssyncadd.s32 $0xFFFFFF80  }
0x1b: {  	[tilespmem:s22], [sflag:$0x1] =	stream.linear.gather [hbm4b:s30+s2], $0x4000, $0x38;
	[tilespmem:$0x1C200] =	vst v63  }
0x1c: {  	_ = 	snop  }
0x1d: {  	[spmem:s1] =	stream.indirect.scatter.add.f32 [tilespmem:s19], [sflag:$0x2], $0x80, s2, s21, $0xb8;
	[tilespmem:$0x1C200] =	vst v63  }
0x1e: {  	_ =	swait.ge [sflag:s18], $0x4000  }
0x1f: {  	[sflag:s18] =	ssyncset.done $0x0  }
0x20: {  	[sflag:s18] =	ssyncadd.s32 $0xFFFFC000  }
0x21: {  	_ =	swait.ge [sflag:s20], $0x4000  }
0x22: {  	[sflag:s20] =	ssyncset.done $0x0  }
0x23: {  	[sflag:s20] =	ssyncadd.s32 $0xFFFFC000  }
0x24: {  	[spmem:s1] =	stream.indirect.scatter.add.f32 [tilespmem:s22], [sflag:$0x2], $0x80, s21, s21, $0xb8;
	[tilespmem:$0x1C200] =	vst v63  }
0x25: {  	_ =	swait.ge [sflag:s18], $0x4000  }
0x26: {  	[sflag:s18] =	ssyncset.done $0x0  }
0x27: {  	[sflag:s18] =	ssyncadd.s32 $0xFFFFC000  }
0x28: {  	[tilespmem:s23], [sflag:$0x2] =	stream.linear.gather [hbm4b:s9+s2], $0x10, $0x38;
	[tilespmem:$0x1C200] =	vst v63  }
0x29: {  	_ =	swait.ge [sflag:s18], $0x10  }
0x2a: {  	[sflag:s18] =	ssyncset.done $0x0  }
0x2b: {  	s31 =	sadd.s32 s28, s10;
	[sflag:s18] =	ssyncadd.s32 $0xFFFFFFF0  }
0x2c: {  	[tilespmem:s24], [sflag:$0x2] =	stream.linear.gather [hbm4b:s31+s2], $0x800, $0x38;
	[tilespmem:$0x1C200] =	vst v63  }
0x2d: {  	_ =	swait.ge [sflag:s18], $0x800  }
0x2e: {  	[sflag:s18] =	ssyncset.done $0x0  }
0x2f: {  	[sflag:s18] =	ssyncadd.s32 $0xFFFFF800  }
0x30: {  	[spmem:s1] =	stream.indirect.scatter.add.f32 [tilespmem:s24], [sflag:$0x2], $0x80, s23, s25, $0xb8;
	[tilespmem:$0x1C200] =	vst v63  }
0x31: {  	_ =	swait.ge [sflag:s18], $0x800  }
0x32: {  	[sflag:s18] =	ssyncset.done $0x0  }
0x33: {  	s26 =	sadd.s32 $0x1, s26;
	[sflag:s18] =	ssyncadd.s32 $0xFFFFF800  }
0x34: {  	s28 =	simm.s32 @!p1 $0x1C02;
	p2 =	sne.s32 s26, s13;
	[bflag:$0x0] =	sbarrier.arrive $0xFFFF  }
0x35: {  	[hbm:s12], [sflag:s28] =	dma.local @!p1 [spmem:s17], $0x27100  }
.Ltmp1:
0x36: {  	_ = 	snop;
	(pc) =	sbr.rel @!p2 .LBB2_9-.Ltmp1, $4  }
0x37: {  	s28 =	simm.s32 @!p1 $0x2  }
0x38: {  	_ =	swait.ge @!p1 [sflag:s28], $0x27100  }
0x39: {  	[sflag:s28] =	ssyncset.done @!p1 $0x0  }
0x3a: {  	[sflag:s28] =	ssyncadd.s32 @!p1 $0xFFFD8F00  }
.LBB2_1:
0x3b: {  	s28 =	simm.s32 @!p1 $0x1C02  }
0x3c: {  	[spmem:s17], [sflag:s28] =	dma.local @!p1 [hbm:s6], $0x27100  }
0x3d: {  	s28 =	simm.s32 @!p1 $0x2  }
0x3e: {  	_ =	swait.ge @!p1 [sflag:s28], $0x27100  }
0x3f: {  	[sflag:s28] =	ssyncset.done @!p1 $0x0  }
0x40: {  	[sflag:s28] =	ssyncadd.s32 @!p1 $0xFFFD8F00  }
.Ltmp2:
0x41: {  	[bflag:$0x0] =	sbarrier.arrive $0xFFFF;
	(pc) =	sbr.rel @!p0 .LBB2_2-.Ltmp2, $4  }
0x42: {  	[tilespmem:s2], [sflag:$0x2] =	stream.linear.gather [hbm4b:s7+s2], $0x80, $0x38;
	[tilespmem:$0x1C200] =	vst v63  }
0x43: {  	_ =	swait.ge [sflag:s18], $0x80  }
0x44: {  	[sflag:s18] =	ssyncset.done $0x0  }
0x45: {  	s28 =	simm.s32 $0x0;
	[sflag:s18] =	ssyncadd.s32 $0xFFFFFF80  }
0x46: {  	[tilespmem:s19], [sflag:$0x1] =	stream.linear.gather [hbm4b:s11+s28], $0x4000, $0x38;
	[tilespmem:$0x1C200] =	vst v63  }
0x47: {  	_ =	swait.ge [sflag:s20], $0x4000  }
0x48: {  	[sflag:s20] =	ssyncset.done $0x0  }
0x49: {  	s28 =	sadd.s32 $0xFFFFFFF0, s16;
	[sflag:s20] =	ssyncadd.s32 $0xFFFFC000  }
0x4a: {  	[tilespmem:s21], [sflag:$0x2] =	stream.linear.gather [hbm4b:s28+s2], $0x80, $0x38;
	[tilespmem:$0x1C200] =	vst v63  }
0x4b: {  	_ =	swait.ge [sflag:s18], $0x80  }
0x4c: {  	s28 =	sadd.s32 $0x0, s11;
	[sflag:s18] =	ssyncset.done $0x0  }
0x4d: {  	s29 =	sadd.s32 $0x800, s28;
	[sflag:s18] =	ssyncadd.s32 $0xFFFFFF80  }
0x4e: {  	[tilespmem:s22], [sflag:$0x1] =	stream.linear.gather [hbm4b:s29+s2], $0x4000, $0x38;
	[tilespmem:$0x1C200] =	vst v63  }
0x4f: {  	_ = 	snop  }
0x50: {  	[spmem:s1] =	stream.indirect.scatter.add.f32 [tilespmem:s19], [sflag:$0x2], $0x80, s2, s21, $0xb8;
	[tilespmem:$0x1C200] =	vst v63  }
0x51: {  	_ =	swait.ge [sflag:s18], $0x4000  }
0x52: {  	[sflag:s18] =	ssyncset.done $0x0  }
0x53: {  	[sflag:s18] =	ssyncadd.s32 $0xFFFFC000  }
0x54: {  	_ =	swait.ge [sflag:s20], $0x4000  }
0x55: {  	[sflag:s20] =	ssyncset.done $0x0  }
0x56: {  	[sflag:s20] =	ssyncadd.s32 $0xFFFFC000  }
0x57: {  	[tilespmem:s2], [sflag:$0x2] =	stream.linear.gather [hbm4b:s16+s2], $0x80, $0x38;
	[tilespmem:$0x1C200] =	vst v63  }
0x58: {  	_ =	swait.ge [sflag:s18], $0x80  }
0x59: {  	[sflag:s18] =	ssyncset.done $0x0  }
0x5a: {  	s28 =	sadd.s32 $0x1000, s28;
	[sflag:s18] =	ssyncadd.s32 $0xFFFFFF80  }
0x5b: {  	[tilespmem:s19], [sflag:$0x1] =	stream.linear.gather [hbm4b:s28+s2], $0x4000, $0x38;
	[tilespmem:$0x1C200] =	vst v63  }
0x5c: {  	_ = 	snop  }
0x5d: {  	[spmem:s1] =	stream.indirect.scatter.add.f32 [tilespmem:s22], [sflag:$0x2], $0x80, s21, s21, $0xb8;
	[tilespmem:$0x1C200] =	vst v63  }
0x5e: {  	_ =	swait.ge [sflag:s18], $0x4000  }
0x5f: {  	s29 =	smov.u32 s16;
	s28 =	simm.s32 $0x1000;
	[sflag:s18] =	ssyncset.done $0x0  }
.LBB2_6:
0x60: {  	p2 =	sne.s32 s28, $0x25000;
	[sflag:s18] =	ssyncadd.s32 $0xFFFFC000;
	s29 =	sadd.s32 $0x20, s29  }
0x61: {  	s30 =	smov.u32 s28;
	s28 =	sadd.s32 $0x1000, s28  }
0x62: {  	_ =	swait.ge [sflag:s20], $0x4000  }
0x63: {  	[sflag:s20] =	ssyncset.done $0x0  }
0x64: {  	s31 =	sadd.s32 $0xFFFFFFF0, s29;
	[sflag:s20] =	ssyncadd.s32 $0xFFFFC000  }
0x65: {  	[tilespmem:s21], [sflag:$0x2] =	stream.linear.gather [hbm4b:s31+s2], $0x80, $0x38;
	[tilespmem:$0x1C200] =	vst v63  }
0x66: {  	_ =	swait.ge [sflag:s18], $0x80  }
0x67: {  	s30 =	sadd.s32 s30, s11;
	[sflag:s18] =	ssyncset.done $0x0  }
0x68: {  	s31 =	sadd.s32 $0x800, s30;
	[sflag:s18] =	ssyncadd.s32 $0xFFFFFF80  }
0x69: {  	[tilespmem:s22], [sflag:$0x1] =	stream.linear.gather [hbm4b:s31+s2], $0x4000, $0x38;
	[tilespmem:$0x1C200] =	vst v63  }
0x6a: {  	_ = 	snop  }
0x6b: {  	[spmem:s1] =	stream.indirect.scatter.add.f32 [tilespmem:s19], [sflag:$0x2], $0x80, s2, s21, $0xb8;
	[tilespmem:$0x1C200] =	vst v63  }
0x6c: {  	_ =	swait.ge [sflag:s18], $0x4000  }
0x6d: {  	[sflag:s18] =	ssyncset.done $0x0  }
0x6e: {  	[sflag:s18] =	ssyncadd.s32 $0xFFFFC000  }
0x6f: {  	_ =	swait.ge [sflag:s20], $0x4000  }
0x70: {  	[sflag:s20] =	ssyncset.done $0x0  }
0x71: {  	[sflag:s20] =	ssyncadd.s32 $0xFFFFC000  }
0x72: {  	[tilespmem:s2], [sflag:$0x2] =	stream.linear.gather [hbm4b:s29+s2], $0x80, $0x38;
	[tilespmem:$0x1C200] =	vst v63  }
0x73: {  	_ =	swait.ge [sflag:s18], $0x80  }
0x74: {  	[sflag:s18] =	ssyncset.done $0x0  }
0x75: {  	s30 =	sadd.s32 $0x1000, s30;
	[sflag:s18] =	ssyncadd.s32 $0xFFFFFF80  }
0x76: {  	[tilespmem:s19], [sflag:$0x1] =	stream.linear.gather [hbm4b:s30+s2], $0x4000, $0x38;
	[tilespmem:$0x1C200] =	vst v63  }
.Ltmp3:
0x77: {  	_ = 	snop;
	(pc) =	sbr.rel @p2 .LBB2_6-.Ltmp3, $4  }
0x78: {  	_ = 	snop  }
0x79: {  	[spmem:s1] =	stream.indirect.scatter.add.f32 [tilespmem:s22], [sflag:$0x2], $0x80, s21, s21, $0xb8;
	[tilespmem:$0x1C200] =	vst v63  }
0x7a: {  	_ =	swait.ge [sflag:s18], $0x4000  }
0x7b: {  	[sflag:s18] =	ssyncset.done $0x0  }
.Ltmp4:
0x7c: {  	_ = 	snop;
	(pc) =	sbr.rel .LBB2_7-.Ltmp4, $1  }
0x7d: {  	_ =	sdelay $0x3  }
.LBB2_2:
0x7e: {  	[tilespmem:s19], [sflag:$0x1] =	stream.linear.gather [hbm4b:s8+s28], $0x4000, $0x38;
	[tilespmem:$0x1C200] =	vst v63  }
0x7f: {  	_ =	swait.ge [sflag:s20], $0x4000  }
0x80: {  	[sflag:s20] =	ssyncset.done $0x0  }
0x81: {  	s28 =	sadd.s32 $0xFFFFFFF0, s16;
	[sflag:s20] =	ssyncadd.s32 $0xFFFFC000  }
0x82: {  	[tilespmem:s21], [sflag:$0x2] =	stream.linear.gather [hbm4b:s28+s2], $0x80, $0x38;
	[tilespmem:$0x1C200] =	vst v63  }
0x83: {  	_ =	swait.ge [sflag:s18], $0x80  }
0x84: {  	s28 =	sadd.s32 $0x0, s8;
	[sflag:s18] =	ssyncset.done $0x0  }
0x85: {  	s29 =	sadd.s32 $0x800, s28;
	[sflag:s18] =	ssyncadd.s32 $0xFFFFFF80  }
0x86: {  	[tilespmem:s22], [sflag:$0x1] =	stream.linear.gather [hbm4b:s29+s2], $0x4000, $0x38;
	[tilespmem:$0x1C200] =	vst v63  }
0x87: {  	_ = 	snop  }
0x88: {  	[spmem:s1] =	stream.indirect.scatter.add.f32 [tilespmem:s19], [sflag:$0x2], $0x80, s2, s21, $0xb8;
	[tilespmem:$0x1C200] =	vst v63  }
0x89: {  	_ =	swait.ge [sflag:s18], $0x4000  }
0x8a: {  	[sflag:s18] =	ssyncset.done $0x0  }
0x8b: {  	[sflag:s18] =	ssyncadd.s32 $0xFFFFC000  }
0x8c: {  	_ =	swait.ge [sflag:s20], $0x4000  }
0x8d: {  	[sflag:s20] =	ssyncset.done $0x0  }
0x8e: {  	[sflag:s20] =	ssyncadd.s32 $0xFFFFC000  }
0x8f: {  	[tilespmem:s2], [sflag:$0x2] =	stream.linear.gather [hbm4b:s16+s2], $0x80, $0x38;
	[tilespmem:$0x1C200] =	vst v63  }
0x90: {  	_ =	swait.ge [sflag:s18], $0x80  }
0x91: {  	[sflag:s18] =	ssyncset.done $0x0  }
0x92: {  	s28 =	sadd.s32 $0x1000, s28;
	[sflag:s18] =	ssyncadd.s32 $0xFFFFFF80  }
0x93: {  	[tilespmem:s19], [sflag:$0x1] =	stream.linear.gather [hbm4b:s28+s2], $0x4000, $0x38;
	[tilespmem:$0x1C200] =	vst v63  }
0x94: {  	_ = 	snop  }
0x95: {  	[spmem:s1] =	stream.indirect.scatter.add.f32 [tilespmem:s22], [sflag:$0x2], $0x80, s21, s21, $0xb8;
	[tilespmem:$0x1C200] =	vst v63  }
0x96: {  	_ =	swait.ge [sflag:s18], $0x4000  }
0x97: {  	s29 =	smov.u32 s16;
	s28 =	simm.s32 $0x1000;
	[sflag:s18] =	ssyncset.done $0x0  }
.LBB2_3:
0x98: {  	p2 =	seq.s32 s28, $0x25000;
	[sflag:s18] =	ssyncadd.s32 $0xFFFFC000;
	s29 =	sadd.s32 $0x20, s29  }
0x99: {  	s30 =	smov.u32 s28;
	s28 =	sadd.s32 $0x1000, s28  }
0x9a: {  	_ =	swait.ge [sflag:s20], $0x4000  }
0x9b: {  	[sflag:s20] =	ssyncset.done $0x0  }
0x9c: {  	s31 =	sadd.s32 $0xFFFFFFF0, s29;
	[sflag:s20] =	ssyncadd.s32 $0xFFFFC000  }
0x9d: {  	[tilespmem:s21], [sflag:$0x2] =	stream.linear.gather [hbm4b:s31+s2], $0x80, $0x38;
	[tilespmem:$0x1C200] =	vst v63  }
0x9e: {  	_ =	swait.ge [sflag:s18], $0x80  }
0x9f: {  	s30 =	sadd.s32 s30, s8;
	[sflag:s18] =	ssyncset.done $0x0  }
0xa0: {  	s31 =	sadd.s32 $0x800, s30;
	[sflag:s18] =	ssyncadd.s32 $0xFFFFFF80  }
0xa1: {  	[tilespmem:s22], [sflag:$0x1] =	stream.linear.gather [hbm4b:s31+s2], $0x4000, $0x38;
	[tilespmem:$0x1C200] =	vst v63  }
0xa2: {  	_ = 	snop  }
0xa3: {  	[spmem:s1] =	stream.indirect.scatter.add.f32 [tilespmem:s19], [sflag:$0x2], $0x80, s2, s21, $0xb8;
	[tilespmem:$0x1C200] =	vst v63  }
0xa4: {  	_ =	swait.ge [sflag:s18], $0x4000  }
0xa5: {  	[sflag:s18] =	ssyncset.done $0x0  }
0xa6: {  	[sflag:s18] =	ssyncadd.s32 $0xFFFFC000  }
0xa7: {  	_ =	swait.ge [sflag:s20], $0x4000  }
0xa8: {  	[sflag:s20] =	ssyncset.done $0x0  }
0xa9: {  	[sflag:s20] =	ssyncadd.s32 $0xFFFFC000  }
0xaa: {  	[tilespmem:s2], [sflag:$0x2] =	stream.linear.gather [hbm4b:s29+s2], $0x80, $0x38;
	[tilespmem:$0x1C200] =	vst v63  }
0xab: {  	_ =	swait.ge [sflag:s18], $0x80  }
0xac: {  	[sflag:s18] =	ssyncset.done $0x0  }
0xad: {  	s30 =	sadd.s32 $0x1000, s30;
	[sflag:s18] =	ssyncadd.s32 $0xFFFFFF80  }
0xae: {  	[tilespmem:s19], [sflag:$0x1] =	stream.linear.gather [hbm4b:s30+s2], $0x4000, $0x38;
	[tilespmem:$0x1C200] =	vst v63  }
.Ltmp5:
0xaf: {  	_ = 	snop;
	(pc) =	sbr.rel @!p2 .LBB2_3-.Ltmp5, $4  }
0xb0: {  	_ = 	snop  }
0xb1: {  	[spmem:s1] =	stream.indirect.scatter.add.f32 [tilespmem:s22], [sflag:$0x2], $0x80, s21, s21, $0xb8;
	[tilespmem:$0x1C200] =	vst v63  }
0xb2: {  	_ =	swait.ge [sflag:s18], $0x4000  }
0xb3: {  	[sflag:s18] =	ssyncset.done $0x0  }
.Ltmp6:
0xb4: {  	(pc) =	sbr.rel .LBB2_8-.Ltmp6, $2  }
0xb5: {  	_ =	sdelay $0x2  }
0xb6: {  	[sflag:s18] =	ssyncadd.s32 $0xFFFFC000;
	s28 =	smov.u32 s3  }
.LBB2_9:
0xb7: {  	_ =	sfence.sel $0x180000  }
0xb8: {  	[bflag:$0x0] =	sbarrier.arrive $0xFFFF  }
0xb9: {  	_ =	strace $0x90000050  }
0xba: {  	s0 =	sadd.s32 @!p1 $0x100000, s0;
	[bflag:$0x2] =	sbarrier.arrive $0xFFFF  }
0xbb: {  	[sflag:s0] =	ssyncadd.tile.s32 @!p1 $0x1;
	_ =	shalt  }
.Lfunc_end2:
_tile_overlayer_lowered:
.L_overlay_start_2:
0xbc: {  	(tag) =	ssettag $0x2  }
0xbd: {  	s0 =	rddreg [dreg:$0x0];
	s2 =	stileid.u32  }
0xbe: {  	s1 =	rddreg [dreg:$0x1];
	p0 =	sne.s32 s2, $0x0  }
0xbf: {  	s3 =	rddreg [dreg:$0x2];
	[bflag:$0x3] =	sbarrier.arrive $0xFFFF;
	s2 =	simm.s32 @!p0 $0x1C02  }
0xc0: {  	[timem:s3], [sflag:s2] =	dma.local @!p0 [hbm:s0], s1  }
0xc1: {  	s0 =	simm.s32 @!p0 $0x2  }
0xc2: {  	_ =	swait.ge @!p0 [sflag:s0], s1  }
0xc3: {  	s1 =	ssub.s32 @!p0 $0x0, s1;
	[sflag:s0] =	ssyncset.done @!p0 $0x0  }
0xc4: {  	[sflag:s0] =	ssyncadd.s32 @!p0 s1  }
0xc5: {  	[bflag:$0x3] =	sbarrier.arrive $0xFFFF  }
0xc6: {  	_ =	shalt  }

// kernel: kernel.19.cloned.1.call-start
scs
__scs_entry_jumppad:
0x0: {  	(pc) =	sbr.rel $0x88, $3  }
0x1: {  	(tag) =	ssettag $0x0;
	lr =	simm.s32 $0x1  }
0x2: {  	[smem:$0x3F8D] =	sst lr;
	_ =	strace $0xD0000000  }
0x3: {  	_ = 	snop  }
0x4: {  	_ = 	snop  }
0x5: {  	_ = 	snop  }
0x6: {  	_ = 	snop  }
0x7: {  	_ = 	snop  }
__scs_overlays_trampoline_lowered:
0x8: {  	[smem:$0x3F9C] =	sst s0  }
0x9: {  	[smem:$0x3F9D] =	sst s1  }
0xa: {  	[smem:$0x3F9E] =	sst s2  }
0xb: {  	[smem:$0x3F9F] =	sst s3  }
0xc: {  	[smem:$0x3FA0] =	sst s4  }
0xd: {  	[smem:$0x3FA1] =	sst s5  }
0xe: {  	[smem:$0x3FA2] =	sst s6  }
0xf: {  	[smem:$0x3FA3] =	sst s7  }
0x10: {  	[smem:$0x3FA4] =	sst s8  }
0x11: {  	[smem:$0x3FA5] =	sst s9;
	s0 =	simm.s32 @!p0 $0x0  }
0x12: {  	s1 =	sld [smem:$0x3F8B];
	s0 =	simm.s32 @p0 $0x1  }
0x13: {  	[smem:$0x3FA6] =	sst s0;
	s0 =	simm.s32 @!p1 $0x0  }
0x14: {  	s2 =	sld [smem:$0x3F8A];
	s0 =	simm.s32 @p1 $0x1  }
0x15: {  	[smem:$0x3FA7] =	sst s0;
	s0 =	simm.s32 @!p2 $0x0  }
0x16: {  	s3 =	sld [smem:$0x3FDB];
	s0 =	simm.s32 @p2 $0x1  }
0x17: {  	s4 =	simm.s32 $0x1BF5;
	[smem:$0x3FA9] =	sst s0  }
0x18: {  	s0 =	sld [smem:$0x3F8C];
	_ =	swait.ge [sflag:s4], $0x0  }
0x19: {  	s7 =	sld [smem:$0x3F8D]  }
0x1a: {  	s8 =	sadd.s32 $0xFFFFE003, lr  }
0x1b: {  	s9 =	sadd.s32 $0xFFFFFEF7, lr;
	s5 =	simm.s32 $0xFFFFFFFF;
	p2 =	slt.u32 s8, $0xFFFFF086  }
0x1c: {  	p1 =	slt.u32 s9, $0xF7A;
	s5 =	simm.s32 @!p2 $0x0  }
0x1d: {  	s5 =	simm.s32 @p1 $0x1;
	p0 =	seq.s32 s7, s2  }
0x1e: {  	s7 =	smul.u32 @!p0 $0xF7A, s2;
	p2 =	seq.s32 @!p0 s5, $0x0  }
0x1f: {  	s9 =	smul.u32 $0xF7A, s1;
	s8 =	simm.s32 @!p0 $0x1BF5;
	p2 =	por !p2, p0  }
0x20: {  	[sflag:s8] =	ssyncset.s32 @!p0 $0xFFFFF086;
	s6 =	sadd.s32 @!p0 s3, s7;
	s7 =	simm.s32 @!p0 $0x108  }
0x21: {  	s3 =	sadd.s32 s3, s9;
	s6 =	sadd.s32 @!p0 $0x88, s6;
	s7 =	simm.s32 @p2 $0x1082  }
0x22: {  	[simem:s7], [sflag:s8] =	dma.local @!p0 [hbm:s6], $0xF7A  }
0x23: {  	s9 =	sor.u32 $0xD0000000, s2;
	s6 =	simm.s32 $0x108;
	_ =	swait.ge @!p0 [sflag:s8], $0x0  }
0x24: {  	s3 =	sadd.s32 $0x88, s3;
	s6 =	simm.s32 @!p1 $0x1082;
	[sflag:s4] =	ssyncset.s32 $0xFFFFF086  }
0x25: {  	[simem:s6], [sflag:s4] =	dma.local [hbm:s3], $0xF7A  }
0x26: {  	[smem:$0x3F8D] =	sst s1;
	(tag) =	ssettag s2;
	_ =	strace s9  }
0x27: {  	s1 =	sld [smem:$0x3F9D]  }
0x28: {  	s2 =	sld [smem:$0x3F9E]  }
0x29: {  	s4 =	sld [smem:$0x3FA0]  }
0x2a: {  	p0 =	seq.s32 s5, $0x0;
	s5 =	sld [smem:$0x3FA1]  }
0x2b: {  	s6 =	sld [smem:$0x3FA2]  }
0x2c: {  	s7 =	sld [smem:$0x3FA3]  }
0x2d: {  	s3 =	simm.s32 $0x108;
	s8 =	sld [smem:$0x3FA4]  }
0x2e: {  	s3 =	simm.s32 @!p0 $0x1082;
	s9 =	sld [smem:$0x3FA5]  }
0x2f: {  	lr =	sadd.s32 s0, s3;
	s0 =	sld [smem:$0x3F9C]  }
0x30: {  	s3 =	sld [smem:$0x3F9F]  }
0x31: {  	[smem:$0x3FA8] =	sst s10  }
0x32: {  	s10 =	sld [smem:$0x3FA6];
	_ =	sdelay $0x3  }
0x33: {  	p0 =	seq.s32 s10, $0x1;
	s10 =	sld [smem:$0x3FA8];
	_ =	sdelay $0x3  }
0x34: {  	[smem:$0x3FA8] =	sst s10  }
0x35: {  	s10 =	sld [smem:$0x3FA7];
	_ =	sdelay $0x3  }
0x36: {  	p1 =	seq.s32 s10, $0x1;
	s10 =	sld [smem:$0x3FA8];
	_ =	sdelay $0x3  }
0x37: {  	[smem:$0x3FA8] =	sst s10  }
0x38: {  	s10 =	sld [smem:$0x3FA9]  }
0x39: {  	_ = 	snop;
	(pc) =	sbr.ind lr, $3  }
0x3a: {  	_ = 	snop  }
0x3b: {  	_ = 	snop  }
0x3c: {  	p2 =	seq.s32 s10, $0x1;
	s10 =	sld [smem:$0x3FA8]  }
0x3d: {  	_ =	shalt  }
0x3e: {  	_ =	shalt  }
0x3f: {  	_ =	shalt  }
0x40: {  	_ =	shalt  }
0x41: {  	_ =	shalt  }
0x42: {  	_ =	shalt  }
0x43: {  	_ =	shalt  }
0x44: {  	_ =	shalt  }
0x45: {  	_ =	shalt  }
0x46: {  	_ =	shalt  }
0x47: {  	_ =	shalt  }
0x48: {  	_ =	shalt  }
0x49: {  	_ =	shalt  }
0x4a: {  	_ =	shalt  }
0x4b: {  	_ =	shalt  }
0x4c: {  	_ =	shalt  }
0x4d: {  	_ =	shalt  }
0x4e: {  	_ =	shalt  }
0x4f: {  	_ =	shalt  }
0x50: {  	_ =	shalt  }
0x51: {  	_ =	shalt  }
0x52: {  	_ =	shalt  }
0x53: {  	_ =	shalt  }
0x54: {  	_ =	shalt  }
0x55: {  	_ =	shalt  }
0x56: {  	_ =	shalt  }
0x57: {  	_ =	shalt  }
0x58: {  	_ =	shalt  }
0x59: {  	_ =	shalt  }
0x5a: {  	_ =	shalt  }
0x5b: {  	_ =	shalt  }
0x5c: {  	_ =	shalt  }
0x5d: {  	_ =	shalt  }
0x5e: {  	_ =	shalt  }
0x5f: {  	_ =	shalt  }
0x60: {  	_ =	shalt  }
0x61: {  	_ =	shalt  }
0x62: {  	_ =	shalt  }
0x63: {  	_ =	shalt  }
0x64: {  	_ =	shalt  }
0x65: {  	_ =	shalt  }
0x66: {  	_ =	shalt  }
0x67: {  	_ =	shalt  }
0x68: {  	_ =	shalt  }
0x69: {  	_ =	shalt  }
0x6a: {  	_ =	shalt  }
0x6b: {  	_ =	shalt  }
0x6c: {  	_ =	shalt  }
0x6d: {  	_ =	shalt  }
0x6e: {  	_ =	shalt  }
0x6f: {  	_ =	shalt  }
0x70: {  	_ =	shalt  }
0x71: {  	_ =	shalt  }
0x72: {  	_ =	shalt  }
0x73: {  	_ =	shalt  }
0x74: {  	_ =	shalt  }
0x75: {  	_ =	shalt  }
0x76: {  	_ =	shalt  }
0x77: {  	_ =	shalt  }
0x78: {  	_ =	shalt  }
0x79: {  	_ =	shalt  }
0x7a: {  	_ =	shalt  }
0x7b: {  	_ =	shalt  }
0x7c: {  	_ =	shalt  }
0x7d: {  	_ =	shalt  }
0x7e: {  	_ =	shalt  }
0x7f: {  	_ =	shalt  }
0x80: {  	_ =	shalt  }
0x81: {  	_ =	shalt  }
0x82: {  	_ =	shalt  }
0x83: {  	_ =	shalt  }
0x84: {  	_ =	shalt  }
0x85: {  	_ =	shalt  }
0x86: {  	_ =	shalt  }
0x87: {  	_ =	shalt  }
.Lfunc_end0:
.L_simem_size_0:
called_computation.3_lowered:
.L_overlay_start_0:
0x88: {  	s2 =	sld [smem:$0x3FD9]  }
0x89: {  	s3 =	sld [smem:$0x3FFE];
	_ =	sdelay $0x1  }
0x8a: {  	s1 =	srdreg.scid  }
0x8b: {  	s0 =	sand.u32 $0x1, s1  }
0x8c: {  	s17 =	sshll.u32 s0, $0xA;
	s2 =	sadd.s32 s3, s2  }
0x8d: {  	s2 =	sadd.s32 s2, s17  }
0x8e: {  	[smem:$0x3FB4] =	sst s2  }
0x8f: {  	_ = 	snop  }
0x90: {  	(tm) =	ssettm $0x1  }
0x91: {  	s18 =	sld [smem:$0x3FFB];
	_ =	sdelay $0x3  }
0x92: {  	_ =	strace s18  }
0x93: {  	s2 =	sld [smem:$0x3FFC];
	_ =	sdelay $0x3  }
0x94: {  	_ =	strace s2  }
0x95: {  	s2 =	sld [smem:$0x3FFD];
	_ =	sdelay $0x3  }
0x96: {  	_ =	strace s2  }
0x97: {  	_ =	strace $0x8FFFFFFF  }
0x98: {  	s19 =	sld [smem:$0x3FDB];
	_ =	sdelay $0x1  }
0x99: {  	s20 =	simm.s32 $_scs_section_size  }
0x9a: {  	s4 =	simm.s32 $_size__tile_overlayer_lowered;
	s5 =	simm.s32 $_tile_overlayer_lowered  }
0x9b: {  	s6 =	simm.s32 $0x1BFF;
	s21 =	sshll.u32 s5, $0x1;
	s3 =	sadd.s32 s20, s19  }
0x9c: {  	s22 =	simm.s32 $0x0;
	s4 =	sshll.u32 s4, $0x1;
	s5 =	sadd.s32 s21, s3  }
0x9d: {  	[timem:s22], [sflag:s6] =	dma.local [hbm:s5], s4  }
0x9e: {  	_ =	swait.ge [sflag:s6], s4  }
0x9f: {  	s4 =	ssub.s32 $0x0, s4;
	[sflag:s6] =	ssyncset.done $0x0  }
0xa0: {  	[sflag:s6] =	ssyncadd.s32 s4;
	_ =	sdelay $0x1  }
0xa1: {  	s23 =	simm.s32 $0x1B8B  }
0xa2: {  	_ =	swait.ge [sflag:s23], $0x1  }
0xa3: {  	[sflag:s23] =	ssyncset.done $0x0  }
0xa4: {  	[sflag:s23] =	ssyncadd.s32 $0xFFFFFFFF  }
0xa5: {  	s4 =	sld [smem:$0x0]  }
0xa6: {  	s5 =	sand.u32 $0xFFFFFFFE, s1  }
0xa7: {  	p0 =	sne.s32 s1, s5  }
0xa8: {  	s5 =	sshll.u32 @p0 s5, $0xE  }
0xa9: {  	s5 =	sadd.s32 @p0 $0x11B8D, s5;
	s6 =	sshll.u32 @p0 s4, $0x11  }
0xaa: {  	s5 =	sor.u32 @p0 s6, s5  }
0xab: {  	[sflag:s5] =	ssyncadd.remote.s32 @p0 $0x1;
	_ =	sdelay $0x1  }
0xac: {  	s5 =	simm.s32 @p0 $0x1B8D  }
0xad: {  	_ =	swait.eq @p0 [sflag:s5], $0x1  }
0xae: {  	[sflag:s5] =	ssyncadd.s32 @p0 $0xFFFFFFFF  }
0xaf: {  	s6 =	sshll.u32 @!p0 s1, $0xE  }
0xb0: {  	s6 =	sor.u32 @!p0 $0x4000, s6;
	s5 =	simm.s32 @!p0 $0x1B8D  }
0xb1: {  	s4 =	sshll.u32 @!p0 s4, $0x11;
	s6 =	sadd.s32 @!p0 $0x11B8D, s6;
	_ =	swait.eq @!p0 [sflag:s5], $0x1  }
0xb2: {  	s4 =	sor.u32 @!p0 s4, s6;
	[sflag:s5] =	ssyncadd.s32 @!p0 $0xFFFFFFFF  }
0xb3: {  	s25 =	simm.s32 $0x1B8E;
	s24 =	sld [smem:$0x3FFE];
	[sflag:s4] =	ssyncadd.remote.s32 @!p0 $0x1  }
0xb4: {  	s26 =	simm.s32 $execute0_lowered;
	[smem:$0x3FD2] =	sst s25  }
0xb5: {  	s5 =	sshll.u32 s26, $0x1;
	_ =	strace $0x8000004C;
	[dreg:$0x1] =	wrdreg $0xFFFFFFFF  }
0xb6: {  	s28 =	simm.s32 $_size_execute0_lowered;
	s3 =	sadd.s32 s3, s5;
	[dreg:$0x0] =	wrdreg $0x0  }
0xb7: {  	s5 =	sshll.u32 s28, $0x1;
	[dreg:$0x2] =	wrdreg s3  }
0xb8: {  	[dreg:$0x3] =	wrdreg s5  }
0xb9: {  	[dreg:$0x4] =	wrdreg $0xC0  }
0xba: {  	_ =	task [dreg:s22], $0x5FFFF  }
0xbb: {  	[dreg:$0x1] =	wrdreg $0xFFFFFFFF  }
0xbc: {  	[dreg:$0x0] =	wrdreg $0x60  }
0xbd: {  	[dreg:$0x2] =	wrdreg s24  }
0xbe: {  	[dreg:$0x3] =	wrdreg $0x89800  }
0xbf: {  	[dreg:$0x4] =	wrdreg $0xA  }
0xc0: {  	_ =	task.clear_ibuf [dreg:s22], $0x5FFFF;
	_ =	strace $0x9000004C  }
0xc1: {  	s29 =	simm.s32 $0xA;
	_ =	strace $0x8000004E  }
0xc2: {  	_ =	swait.ge [sflag:s29], $0x1  }
0xc3: {  	[sflag:s29] =	ssyncadd.s32 $0xFFFFFFFF  }
0xc4: {  	_ =	strace $0x9000004E  }
0xc5: {  	_ =	sfence  }
0xc6: {  	s30 =	sld [smem:$0x0];
	_ =	sdelay $0x2  }
0xc7: {  	s31 =	sshll.u32 s1, $0xD;
	s1 =	sshrl.u32 s1, $0x2  }
0xc8: {  	s4 =	sand.u32 $0x4000, s31;
	s1 =	sadd.s32 s1, s30  }
0xc9: {  	s0 =	sor.u32 s4, s0;
	s1 =	sshll.u32 s1, $0x11  }
0xca: {  	s0 =	sor.u32 s1, s0  }
0xcb: {  	s0 =	sadd.s32 $0x8F2B, s0  }
0xcc: {  	[sflag:s0] =	ssyncadd.remote.s32 $0x1  }
0xcd: {  	_ =	sfence.sel $0xFFFF  }
0xce: {  	[dreg:$0x0] =	wrdreg $0xFFFFFFFF;
	(pc) =	sbr.abs _section_cstart, $3  }
0xcf: {  	[dreg:$0x1] =	wrdreg $0xFFFFFFFF  }
0xd0: {  	_ =	task.clear_ibuf [dreg:s22], $0x2FFFF;
	_ =	strace $0x9FFFFFFF  }
0xd1: {  	(tm) =	ssettm $0x7FFFFFFF  }
tec
execute0_lowered:
.L_overlay_start_1:
0x0: {  	(tag) =	ssettag $0x1  }
0x1: {  	s7 =	rddreg [dreg:$0x0]  }
0x2: {  	s1 =	rddreg [dreg:$0x1]  }
0x3: {  	s0 =	rddreg [dreg:$0x2]  }
0x4: {  	s2 =	simm.s32 $0x0;
	s6 =	srdreg.scid;
	s15 =	stileid.u32  }
0x5: {  	s18 =	simm.s32 $0x2;
	s19 =	simm.s32 $0x100;
	s20 =	simm.s32 $0x1  }
0x6: {  	s21 =	simm.s32 $0x80;
	s22 =	simm.s32 $0x4100;
	s23 =	simm.s32 $0x8100  }
0x7: {  	s24 =	simm.s32 $0x8180;
	s25 =	simm.s32 $0x10;
	s26 =	simm.s32 $0x0  }
0x8: {  	[smem:$0x7FF] =	sst s2;
	s3 =	sadd.s32 $0xF32200, s7;
	s14 =	smul.u32 $0x2710, s15  }
0x9: {  	s4 =	sadd.s32 $0x11A3200, s7;
	s5 =	sadd.s32 $0x2C00, s7;
	s28 =	smul.u32 $0x27100, s15  }
0xa: {  	s8 =	sand.u32 $0x1, s6;
	s6 =	sadd.s32 $0x82200, s7;
	s16 =	smul.u32 $0x4E2, s15  }
0xb: {  	p1 =	sne.s32 s15, $0x0;
	_ =	strace $0x8000004D;
	s9 =	smul.u32 $0x27100, s8  }
0xc: {  	s10 =	ssub.s32 $0x2, s8;
	p0 =	seq.s32 s8, $0x1;
	s17 =	sshrl.u32 @!p1 s1, $0x3  }
0xd: {  	s11 =	sshrl.u32 s10, $0x1;
	s29 =	sshrl.u32 s14, $0x3;
	s30 =	sadd.s32 $0x2700, s14  }
.Ltmp0:
0xe: {  	s8 =	sadd.s32 s3, s28;
	s14 =	sadd.s32 $0x2680, s14;
	(pc) =	sbr.rel .LBB2_1-.Ltmp0, $4  }
0xf: {  	s16 =	sadd.s32 s16, s5;
	s12 =	sadd.s32 s9, s7;
	s13 =	ssub.s32 s10, s11  }
0x10: {  	s7 =	sadd.s32 s5, s29;
	s31 =	sshrl.u32 s30, $0x3;
	s10 =	sshll.u32 s30, $0x4  }
0x11: {  	s11 =	sadd.s32 s4, s28;
	s15 =	sshll.u32 s14, $0x4;
	s16 =	sadd.s32 $0x20, s16  }
0x12: {  	s9 =	sadd.s32 s5, s31;
	s12 =	sadd.s32 $0xA9400, s12;
	s13 =	smax.u32 s13, $0x1  }
.LBB2_7:
0x13: {  	[sflag:s18] =	ssyncadd.s32 $0xFFFFC000;
	s28 =	smov.u32 s4  }
.LBB2_8:
0x14: {  	_ =	swait.ge [sflag:s20], $0x4000  }
0x15: {  	s29 =	sshrl.u32 s14, $0x3;
	[sflag:s20] =	ssyncset.done $0x0  }
0x16: {  	s29 =	sadd.s32 s5, s29;
	[sflag:s20] =	ssyncadd.s32 $0xFFFFC000  }
0x17: {  	[tilespmem:s21], [sflag:$0x2] =	stream.linear.gather [hbm4b:s29+s2], $0x80, $0x38;
	[tilespmem:$0x1C200] =	vst v63  }
0x18: {  	_ =	swait.ge [sflag:s18], $0x80  }
0x19: {  	[sflag:s18] =	ssyncset.done $0x0  }
0x1a: {  	s30 =	sadd.s32 s28, s15;
	[sflag:s18] =	ssyncadd.s32 $0xFFFFFF80  }
0x1b: {  	[tilespmem:s22], [sflag:$0x1] =	stream.linear.gather [hbm4b:s30+s2], $0x4000, $0x38;
	[tilespmem:$0x1C200] =	vst v63  }
0x1c: {  	_ = 	snop  }
0x1d: {  	[spmem:s1] =	stream.indirect.scatter.add.f32 [tilespmem:s19], [sflag:$0x2], $0x80, s2, s21, $0xb8;
	[tilespmem:$0x1C200] =	vst v63  }
0x1e: {  	_ =	swait.ge [sflag:s18], $0x4000  }
0x1f: {  	[sflag:s18] =	ssyncset.done $0x0  }
0x20: {  	[sflag:s18] =	ssyncadd.s32 $0xFFFFC000  }
0x21: {  	_ =	swait.ge [sflag:s20], $0x4000  }
0x22: {  	[sflag:s20] =	ssyncset.done $0x0  }
0x23: {  	[sflag:s20] =	ssyncadd.s32 $0xFFFFC000  }
0x24: {  	[spmem:s1] =	stream.indirect.scatter.add.f32 [tilespmem:s22], [sflag:$0x2], $0x80, s21, s21, $0xb8;
	[tilespmem:$0x1C200] =	vst v63  }
0x25: {  	_ =	swait.ge [sflag:s18], $0x4000  }
0x26: {  	[sflag:s18] =	ssyncset.done $0x0  }
0x27: {  	[sflag:s18] =	ssyncadd.s32 $0xFFFFC000  }
0x28: {  	[tilespmem:s23], [sflag:$0x2] =	stream.linear.gather [hbm4b:s9+s2], $0x10, $0x38;
	[tilespmem:$0x1C200] =	vst v63  }
0x29: {  	_ =	swait.ge [sflag:s18], $0x10  }
0x2a: {  	[sflag:s18] =	ssyncset.done $0x0  }
0x2b: {  	s31 =	sadd.s32 s28, s10;
	[sflag:s18] =	ssyncadd.s32 $0xFFFFFFF0  }
0x2c: {  	[tilespmem:s24], [sflag:$0x2] =	stream.linear.gather [hbm4b:s31+s2], $0x800, $0x38;
	[tilespmem:$0x1C200] =	vst v63  }
0x2d: {  	_ =	swait.ge [sflag:s18], $0x800  }
0x2e: {  	[sflag:s18] =	ssyncset.done $0x0  }
0x2f: {  	[sflag:s18] =	ssyncadd.s32 $0xFFFFF800  }
0x30: {  	[spmem:s1] =	stream.indirect.scatter.add.f32 [tilespmem:s24], [sflag:$0x2], $0x80, s23, s25, $0xb8;
	[tilespmem:$0x1C200] =	vst v63  }
0x31: {  	_ =	swait.ge [sflag:s18], $0x800  }
0x32: {  	[sflag:s18] =	ssyncset.done $0x0  }
0x33: {  	s26 =	sadd.s32 $0x1, s26;
	[sflag:s18] =	ssyncadd.s32 $0xFFFFF800  }
0x34: {  	s28 =	simm.s32 @!p1 $0x1C02;
	p2 =	sne.s32 s26, s13;
	[bflag:$0x0] =	sbarrier.arrive $0xFFFF  }
0x35: {  	[hbm:s12], [sflag:s28] =	dma.local @!p1 [spmem:s17], $0x27100  }
.Ltmp1:
0x36: {  	_ = 	snop;
	(pc) =	sbr.rel @!p2 .LBB2_9-.Ltmp1, $4  }
0x37: {  	s28 =	simm.s32 @!p1 $0x2  }
0x38: {  	_ =	swait.ge @!p1 [sflag:s28], $0x27100  }
0x39: {  	[sflag:s28] =	ssyncset.done @!p1 $0x0  }
0x3a: {  	[sflag:s28] =	ssyncadd.s32 @!p1 $0xFFFD8F00  }
.LBB2_1:
0x3b: {  	s28 =	simm.s32 @!p1 $0x1C02  }
0x3c: {  	[spmem:s17], [sflag:s28] =	dma.local @!p1 [hbm:s6], $0x27100  }
0x3d: {  	s28 =	simm.s32 @!p1 $0x2  }
0x3e: {  	_ =	swait.ge @!p1 [sflag:s28], $0x27100  }
0x3f: {  	[sflag:s28] =	ssyncset.done @!p1 $0x0  }
0x40: {  	[sflag:s28] =	ssyncadd.s32 @!p1 $0xFFFD8F00  }
.Ltmp2:
0x41: {  	[bflag:$0x0] =	sbarrier.arrive $0xFFFF;
	(pc) =	sbr.rel @!p0 .LBB2_2-.Ltmp2, $4  }
0x42: {  	[tilespmem:s2], [sflag:$0x2] =	stream.linear.gather [hbm4b:s7+s2], $0x80, $0x38;
	[tilespmem:$0x1C200] =	vst v63  }
0x43: {  	_ =	swait.ge [sflag:s18], $0x80  }
0x44: {  	[sflag:s18] =	ssyncset.done $0x0  }
0x45: {  	s28 =	simm.s32 $0x0;
	[sflag:s18] =	ssyncadd.s32 $0xFFFFFF80  }
0x46: {  	[tilespmem:s19], [sflag:$0x1] =	stream.linear.gather [hbm4b:s11+s28], $0x4000, $0x38;
	[tilespmem:$0x1C200] =	vst v63  }
0x47: {  	_ =	swait.ge [sflag:s20], $0x4000  }
0x48: {  	[sflag:s20] =	ssyncset.done $0x0  }
0x49: {  	s28 =	sadd.s32 $0xFFFFFFF0, s16;
	[sflag:s20] =	ssyncadd.s32 $0xFFFFC000  }
0x4a: {  	[tilespmem:s21], [sflag:$0x2] =	stream.linear.gather [hbm4b:s28+s2], $0x80, $0x38;
	[tilespmem:$0x1C200] =	vst v63  }
0x4b: {  	_ =	swait.ge [sflag:s18], $0x80  }
0x4c: {  	s28 =	sadd.s32 $0x0, s11;
	[sflag:s18] =	ssyncset.done $0x0  }
0x4d: {  	s29 =	sadd.s32 $0x800, s28;
	[sflag:s18] =	ssyncadd.s32 $0xFFFFFF80  }
0x4e: {  	[tilespmem:s22], [sflag:$0x1] =	stream.linear.gather [hbm4b:s29+s2], $0x4000, $0x38;
	[tilespmem:$0x1C200] =	vst v63  }
0x4f: {  	_ = 	snop  }
0x50: {  	[spmem:s1] =	stream.indirect.scatter.add.f32 [tilespmem:s19], [sflag:$0x2], $0x80, s2, s21, $0xb8;
	[tilespmem:$0x1C200] =	vst v63  }
0x51: {  	_ =	swait.ge [sflag:s18], $0x4000  }
0x52: {  	[sflag:s18] =	ssyncset.done $0x0  }
0x53: {  	[sflag:s18] =	ssyncadd.s32 $0xFFFFC000  }
0x54: {  	_ =	swait.ge [sflag:s20], $0x4000  }
0x55: {  	[sflag:s20] =	ssyncset.done $0x0  }
0x56: {  	[sflag:s20] =	ssyncadd.s32 $0xFFFFC000  }
0x57: {  	[tilespmem:s2], [sflag:$0x2] =	stream.linear.gather [hbm4b:s16+s2], $0x80, $0x38;
	[tilespmem:$0x1C200] =	vst v63  }
0x58: {  	_ =	swait.ge [sflag:s18], $0x80  }
0x59: {  	[sflag:s18] =	ssyncset.done $0x0  }
0x5a: {  	s28 =	sadd.s32 $0x1000, s28;
	[sflag:s18] =	ssyncadd.s32 $0xFFFFFF80  }
0x5b: {  	[tilespmem:s19], [sflag:$0x1] =	stream.linear.gather [hbm4b:s28+s2], $0x4000, $0x38;
	[tilespmem:$0x1C200] =	vst v63  }
0x5c: {  	_ = 	snop  }
0x5d: {  	[spmem:s1] =	stream.indirect.scatter.add.f32 [tilespmem:s22], [sflag:$0x2], $0x80, s21, s21, $0xb8;
	[tilespmem:$0x1C200] =	vst v63  }
0x5e: {  	_ =	swait.ge [sflag:s18], $0x4000  }
0x5f: {  	s29 =	smov.u32 s16;
	s28 =	simm.s32 $0x1000;
	[sflag:s18] =	ssyncset.done $0x0  }
.LBB2_6:
0x60: {  	p2 =	sne.s32 s28, $0x25000;
	[sflag:s18] =	ssyncadd.s32 $0xFFFFC000;
	s29 =	sadd.s32 $0x20, s29  }
0x61: {  	s30 =	smov.u32 s28;
	s28 =	sadd.s32 $0x1000, s28  }
0x62: {  	_ =	swait.ge [sflag:s20], $0x4000  }
0x63: {  	[sflag:s20] =	ssyncset.done $0x0  }
0x64: {  	s31 =	sadd.s32 $0xFFFFFFF0, s29;
	[sflag:s20] =	ssyncadd.s32 $0xFFFFC000  }
0x65: {  	[tilespmem:s21], [sflag:$0x2] =	stream.linear.gather [hbm4b:s31+s2], $0x80, $0x38;
	[tilespmem:$0x1C200] =	vst v63  }
0x66: {  	_ =	swait.ge [sflag:s18], $0x80  }
0x67: {  	s30 =	sadd.s32 s30, s11;
	[sflag:s18] =	ssyncset.done $0x0  }
0x68: {  	s31 =	sadd.s32 $0x800, s30;
	[sflag:s18] =	ssyncadd.s32 $0xFFFFFF80  }
0x69: {  	[tilespmem:s22], [sflag:$0x1] =	stream.linear.gather [hbm4b:s31+s2], $0x4000, $0x38;
	[tilespmem:$0x1C200] =	vst v63  }
0x6a: {  	_ = 	snop  }
0x6b: {  	[spmem:s1] =	stream.indirect.scatter.add.f32 [tilespmem:s19], [sflag:$0x2], $0x80, s2, s21, $0xb8;
	[tilespmem:$0x1C200] =	vst v63  }
0x6c: {  	_ =	swait.ge [sflag:s18], $0x4000  }
0x6d: {  	[sflag:s18] =	ssyncset.done $0x0  }
0x6e: {  	[sflag:s18] =	ssyncadd.s32 $0xFFFFC000  }
0x6f: {  	_ =	swait.ge [sflag:s20], $0x4000  }
0x70: {  	[sflag:s20] =	ssyncset.done $0x0  }
0x71: {  	[sflag:s20] =	ssyncadd.s32 $0xFFFFC000  }
0x72: {  	[tilespmem:s2], [sflag:$0x2] =	stream.linear.gather [hbm4b:s29+s2], $0x80, $0x38;
	[tilespmem:$0x1C200] =	vst v63  }
0x73: {  	_ =	swait.ge [sflag:s18], $0x80  }
0x74: {  	[sflag:s18] =	ssyncset.done $0x0  }
0x75: {  	s30 =	sadd.s32 $0x1000, s30;
	[sflag:s18] =	ssyncadd.s32 $0xFFFFFF80  }
0x76: {  	[tilespmem:s19], [sflag:$0x1] =	stream.linear.gather [hbm4b:s30+s2], $0x4000, $0x38;
	[tilespmem:$0x1C200] =	vst v63  }
.Ltmp3:
0x77: {  	_ = 	snop;
	(pc) =	sbr.rel @p2 .LBB2_6-.Ltmp3, $4  }
0x78: {  	_ = 	snop  }
0x79: {  	[spmem:s1] =	stream.indirect.scatter.add.f32 [tilespmem:s22], [sflag:$0x2], $0x80, s21, s21, $0xb8;
	[tilespmem:$0x1C200] =	vst v63  }
0x7a: {  	_ =	swait.ge [sflag:s18], $0x4000  }
0x7b: {  	[sflag:s18] =	ssyncset.done $0x0  }
.Ltmp4:
0x7c: {  	_ = 	snop;
	(pc) =	sbr.rel .LBB2_7-.Ltmp4, $1  }
0x7d: {  	_ =	sdelay $0x3  }
.LBB2_2:
0x7e: {  	[tilespmem:s19], [sflag:$0x1] =	stream.linear.gather [hbm4b:s8+s28], $0x4000, $0x38;
	[tilespmem:$0x1C200] =	vst v63  }
0x7f: {  	_ =	swait.ge [sflag:s20], $0x4000  }
0x80: {  	[sflag:s20] =	ssyncset.done $0x0  }
0x81: {  	s28 =	sadd.s32 $0xFFFFFFF0, s16;
	[sflag:s20] =	ssyncadd.s32 $0xFFFFC000  }
0x82: {  	[tilespmem:s21], [sflag:$0x2] =	stream.linear.gather [hbm4b:s28+s2], $0x80, $0x38;
	[tilespmem:$0x1C200] =	vst v63  }
0x83: {  	_ =	swait.ge [sflag:s18], $0x80  }
0x84: {  	s28 =	sadd.s32 $0x0, s8;
	[sflag:s18] =	ssyncset.done $0x0  }
0x85: {  	s29 =	sadd.s32 $0x800, s28;
	[sflag:s18] =	ssyncadd.s32 $0xFFFFFF80  }
0x86: {  	[tilespmem:s22], [sflag:$0x1] =	stream.linear.gather [hbm4b:s29+s2], $0x4000, $0x38;
	[tilespmem:$0x1C200] =	vst v63  }
0x87: {  	_ = 	snop  }
0x88: {  	[spmem:s1] =	stream.indirect.scatter.add.f32 [tilespmem:s19], [sflag:$0x2], $0x80, s2, s21, $0xb8;
	[tilespmem:$0x1C200] =	vst v63  }
0x89: {  	_ =	swait.ge [sflag:s18], $0x4000  }
0x8a: {  	[sflag:s18] =	ssyncset.done $0x0  }
0x8b: {  	[sflag:s18] =	ssyncadd.s32 $0xFFFFC000  }
0x8c: {  	_ =	swait.ge [sflag:s20], $0x4000  }
0x8d: {  	[sflag:s20] =	ssyncset.done $0x0  }
0x8e: {  	[sflag:s20] =	ssyncadd.s32 $0xFFFFC000  }
0x8f: {  	[tilespmem:s2], [sflag:$0x2] =	stream.linear.gather [hbm4b:s16+s2], $0x80, $0x38;
	[tilespmem:$0x1C200] =	vst v63  }
0x90: {  	_ =	swait.ge [sflag:s18], $0x80  }
0x91: {  	[sflag:s18] =	ssyncset.done $0x0  }
0x92: {  	s28 =	sadd.s32 $0x1000, s28;
	[sflag:s18] =	ssyncadd.s32 $0xFFFFFF80  }
0x93: {  	[tilespmem:s19], [sflag:$0x1] =	stream.linear.gather [hbm4b:s28+s2], $0x4000, $0x38;
	[tilespmem:$0x1C200] =	vst v63  }
0x94: {  	_ = 	snop  }
0x95: {  	[spmem:s1] =	stream.indirect.scatter.add.f32 [tilespmem:s22], [sflag:$0x2], $0x80, s21, s21, $0xb8;
	[tilespmem:$0x1C200] =	vst v63  }
0x96: {  	_ =	swait.ge [sflag:s18], $0x4000  }
0x97: {  	s29 =	smov.u32 s16;
	s28 =	simm.s32 $0x1000;
	[sflag:s18] =	ssyncset.done $0x0  }
.LBB2_3:
0x98: {  	p2 =	seq.s32 s28, $0x25000;
	[sflag:s18] =	ssyncadd.s32 $0xFFFFC000;
	s29 =	sadd.s32 $0x20, s29  }
0x99: {  	s30 =	smov.u32 s28;
	s28 =	sadd.s32 $0x1000, s28  }
0x9a: {  	_ =	swait.ge [sflag:s20], $0x4000  }
0x9b: {  	[sflag:s20] =	ssyncset.done $0x0  }
0x9c: {  	s31 =	sadd.s32 $0xFFFFFFF0, s29;
	[sflag:s20] =	ssyncadd.s32 $0xFFFFC000  }
0x9d: {  	[tilespmem:s21], [sflag:$0x2] =	stream.linear.gather [hbm4b:s31+s2], $0x80, $0x38;
	[tilespmem:$0x1C200] =	vst v63  }
0x9e: {  	_ =	swait.ge [sflag:s18], $0x80  }
0x9f: {  	s30 =	sadd.s32 s30, s8;
	[sflag:s18] =	ssyncset.done $0x0  }
0xa0: {  	s31 =	sadd.s32 $0x800, s30;
	[sflag:s18] =	ssyncadd.s32 $0xFFFFFF80  }
0xa1: {  	[tilespmem:s22], [sflag:$0x1] =	stream.linear.gather [hbm4b:s31+s2], $0x4000, $0x38;
	[tilespmem:$0x1C200] =	vst v63  }
0xa2: {  	_ = 	snop  }
0xa3: {  	[spmem:s1] =	stream.indirect.scatter.add.f32 [tilespmem:s19], [sflag:$0x2], $0x80, s2, s21, $0xb8;
	[tilespmem:$0x1C200] =	vst v63  }
0xa4: {  	_ =	swait.ge [sflag:s18], $0x4000  }
0xa5: {  	[sflag:s18] =	ssyncset.done $0x0  }
0xa6: {  	[sflag:s18] =	ssyncadd.s32 $0xFFFFC000  }
0xa7: {  	_ =	swait.ge [sflag:s20], $0x4000  }
0xa8: {  	[sflag:s20] =	ssyncset.done $0x0  }
0xa9: {  	[sflag:s20] =	ssyncadd.s32 $0xFFFFC000  }
0xaa: {  	[tilespmem:s2], [sflag:$0x2] =	stream.linear.gather [hbm4b:s29+s2], $0x80, $0x38;
	[tilespmem:$0x1C200] =	vst v63  }
0xab: {  	_ =	swait.ge [sflag:s18], $0x80  }
0xac: {  	[sflag:s18] =	ssyncset.done $0x0  }
0xad: {  	s30 =	sadd.s32 $0x1000, s30;
	[sflag:s18] =	ssyncadd.s32 $0xFFFFFF80  }
0xae: {  	[tilespmem:s19], [sflag:$0x1] =	stream.linear.gather [hbm4b:s30+s2], $0x4000, $0x38;
	[tilespmem:$0x1C200] =	vst v63  }
.Ltmp5:
0xaf: {  	_ = 	snop;
	(pc) =	sbr.rel @!p2 .LBB2_3-.Ltmp5, $4  }
0xb0: {  	_ = 	snop  }
0xb1: {  	[spmem:s1] =	stream.indirect.scatter.add.f32 [tilespmem:s22], [sflag:$0x2], $0x80, s21, s21, $0xb8;
	[tilespmem:$0x1C200] =	vst v63  }
0xb2: {  	_ =	swait.ge [sflag:s18], $0x4000  }
0xb3: {  	[sflag:s18] =	ssyncset.done $0x0  }
.Ltmp6:
0xb4: {  	(pc) =	sbr.rel .LBB2_8-.Ltmp6, $2  }
0xb5: {  	_ =	sdelay $0x2  }
0xb6: {  	[sflag:s18] =	ssyncadd.s32 $0xFFFFC000;
	s28 =	smov.u32 s3  }
.LBB2_9:
0xb7: {  	_ =	sfence.sel $0x180000  }
0xb8: {  	[bflag:$0x0] =	sbarrier.arrive $0xFFFF  }
0xb9: {  	_ =	strace $0x9000004D  }
0xba: {  	s0 =	sadd.s32 @!p1 $0x100000, s0;
	[bflag:$0x2] =	sbarrier.arrive $0xFFFF  }
0xbb: {  	[sflag:s0] =	ssyncadd.tile.s32 @!p1 $0x1;
	_ =	shalt  }
.Lfunc_end2:
_tile_overlayer_lowered:
.L_overlay_start_2:
0xbc: {  	(tag) =	ssettag $0x2  }
0xbd: {  	s0 =	rddreg [dreg:$0x0];
	s2 =	stileid.u32  }
0xbe: {  	s1 =	rddreg [dreg:$0x1];
	p0 =	sne.s32 s2, $0x0  }
0xbf: {  	s3 =	rddreg [dreg:$0x2];
	[bflag:$0x3] =	sbarrier.arrive $0xFFFF;
	s2 =	simm.s32 @!p0 $0x1C02  }
0xc0: {  	[timem:s3], [sflag:s2] =	dma.local @!p0 [hbm:s0], s1  }
0xc1: {  	s0 =	simm.s32 @!p0 $0x2  }
0xc2: {  	_ =	swait.ge @!p0 [sflag:s0], s1  }
0xc3: {  	s1 =	ssub.s32 @!p0 $0x0, s1;
	[sflag:s0] =	ssyncset.done @!p0 $0x0  }
0xc4: {  	[sflag:s0] =	ssyncadd.s32 @!p0 s1  }
0xc5: {  	[bflag:$0x3] =	sbarrier.arrive $0xFFFF  }
0xc6: {  	_ =	shalt  }

</sc_bundles>
